<compile_context>
chip_gen: v7x
topology: tpu7x:2x2x1
jax: 0.10.2.dev20260603
libtpu: 0.0.44.dev20260713+nightly
codegen_flags: <defaults>
</compile_context>

<pallas_src>
import functools

import jax
import jax.numpy as jnp
from jax import lax
from jax.experimental import pallas as pl
from jax.experimental.pallas import tpu as pltpu
from jax.experimental.pallas import tpu_sc as plsc

_K = 16


def _proj_body(f_ref, cp_ref, w1_ref, b1_ref, wq_ref, wk_ref, wv_ref,
               q_ref, kv_ref):
    f32 = jnp.float32
    bf16 = jnp.bfloat16
    do = wq_ref.shape[1]
    fb = f_ref[...].astype(bf16)
    x = jnp.dot(fb, w1_ref[...], preferred_element_type=f32) + b1_ref[...]
    xb = x.astype(bf16)
    q_ref[...] = jnp.dot(xb, wq_ref[...], preferred_element_type=f32)
    xkb = jnp.dot(xb, wk_ref[...],
                  preferred_element_type=f32).astype(bf16).astype(f32)
    xvb = jnp.dot(xb, wv_ref[...],
                  preferred_element_type=f32).astype(bf16).astype(f32)
    kb = lax.bitcast_convert_type(xkb, jnp.int32)
    vb = lax.bitcast_convert_type(xvb, jnp.int32)
    word = lax.shift_right_logical(kb, 16) | (vb & jnp.int32(-65536))
    kv_ref[:, :do] = lax.bitcast_convert_type(word, f32)
    kv_ref[:, do:] = cp_ref[...]


def _knn_body(c_ref, ct_ref, idx_ref, *, n, k, base):
    tm = c_ref.shape[1]
    c = c_ref[0]
    ct = ct_ref[0]
    d0 = c[:, 0:1] - ct[0:1, :]
    d1 = c[:, 1:2] - ct[1:2, :]
    d2 = c[:, 2:3] - ct[2:3, :]
    dist = d0 * d0 + d1 * d1 + d2 * d2
    iota = lax.broadcasted_iota(jnp.int32, (tm, n), 1).astype(jnp.float32)
    big = jnp.float32(3e38)
    work = dist
    cols = []
    for _ in range(k):
        m = jnp.min(work, axis=1, keepdims=True)
        cand = jnp.where(work <= m, iota, big)
        ij = jnp.min(cand, axis=1, keepdims=True)
        cols.append(ij)
        work = jnp.where(iota == ij, jnp.float32(jnp.inf), work)
    knn = jnp.concatenate(cols, axis=1)
    idx_ref[...] = knn.astype(jnp.int32) + base


def _attn_chain_body(*refs, k):
    _attn_body(*(refs[:14] + refs[16:]), k=k)


def _attn_body(q_ref, kvg_ref, cs_ref, f_ref,
               wp1_ref, bp1_ref, wp2_ref, bp2_ref,
               wm1_ref, bm1_ref, wm2_ref, bm2_ref,
               w2_ref, b2_ref, attn_ref, out_ref, *, k):
    f32 = jnp.float32
    bf16 = jnp.bfloat16
    tm, d = q_ref.shape
    cmb = jnp.dot(cs_ref[...], wp1_ref[...],
                  preferred_element_type=f32) + bp1_ref[...]
    gw = jnp.dot(kvg_ref[:, d:d + 16], wp1_ref[...],
                 preferred_element_type=f32)
    p1 = jnp.maximum(cmb[:, None, :] - gw.reshape(tm, k, d), 0.0)
    pos = jnp.dot(p1.reshape(tm * k, d).astype(bf16), wp2_ref[...],
                  preferred_element_type=f32) + bp2_ref[...]
    w = lax.bitcast_convert_type(kvg_ref[:, :d], jnp.int32)
    kg = lax.bitcast_convert_type(lax.shift_left(w, 16), f32)
    vg = lax.bitcast_convert_type(w & jnp.int32(-65536), f32)
    qm = jnp.dot(q_ref[...].astype(bf16), wm1_ref[...],
                 preferred_element_type=f32) + bm1_ref[...]
    t = (pos - kg).astype(bf16)
    a1 = jnp.maximum(
        jnp.dot(t, wm1_ref[...],
                preferred_element_type=f32).reshape(tm, k, d)
        + qm[:, None, :], 0.0).reshape(tm * k, d)
    logits = jnp.dot(a1.astype(bf16), wm2_ref[...],
                     preferred_element_type=f32) + bm2_ref[...]
    e = jnp.exp(logits.reshape(tm, k, d) * (1.0 / 16.0))
    s = jnp.sum(e, axis=1, keepdims=True)
    attn = e * (1.0 / s)
    vp = (vg + pos).reshape(tm, k, d)
    o = jnp.sum(attn * vp, axis=1)
    attn_ref[...] = attn.reshape(tm * k, d)
    out_ref[...] = (jnp.dot(o.astype(bf16), w2_ref[...],
                            preferred_element_type=f32)
                    + b2_ref[...] + f_ref[...])


def _sc_gather(kvc2, idx):
    r = idx.shape[0]
    dkv = kvc2.shape[1]
    info = plsc.get_sparse_core_info()
    nc, ns = info.num_cores, info.num_subcores
    nw = nc * ns
    rpw = r // nw
    ch = 128
    nch = rpw // ch
    mesh = plsc.VectorSubcoreMesh(core_axis_name="c", subcore_axis_name="s")

    @functools.partial(
        pl.kernel,
        out_type=jax.ShapeDtypeStruct((r, dkv), jnp.float32),
        mesh=mesh,
        scratch_types=[
            pltpu.VMEM((rpw,), jnp.int32),
            pltpu.VMEM((ch, dkv), jnp.float32),
            pltpu.SemaphoreType.DMA,
        ],
    )
    def gather_kernel(kvc_hbm, idx_hbm, kvg_hbm, idx_v, buf, sem):
        wid = lax.axis_index("s") * nc + lax.axis_index("c")
        base = pl.multiple_of(wid * rpw, rpw)
        pltpu.sync_copy(idx_hbm.at[pl.ds(base, rpw)], idx_v)

        def body(i, carry):
            off = pl.multiple_of(i * ch, ch)
            iv = idx_v.at[pl.ds(off, ch)]
            pltpu.async_copy(kvc_hbm.at[iv], buf, sem).wait()
            dst = pl.multiple_of(base + off, ch)
            pltpu.sync_copy(buf, kvg_hbm.at[pl.ds(dst, ch)])
            return carry

        lax.fori_loop(0, nch, body, 0)

    return gather_kernel(kvc2, idx)


def kernel(coordinates, features, W1, b1, Wm1, bm1, Wm2, bm2,
           Wp1, bp1, Wp2, bp2, Wk, Wq, Wv, W2, b2):
    f32 = jnp.float32
    b, n, _ = coordinates.shape
    din = features.shape[-1]
    do = W1.shape[1]
    k = _K
    bn = b * n

    f2 = features.reshape(bn, din)
    cpad = jnp.pad(coordinates.reshape(bn, 3), ((0, 0), (0, 125)))
    bf16 = jnp.bfloat16

    tma = 512
    q, kv = pl.pallas_call(
        _proj_body,
        grid=(bn // tma,),
        in_specs=[
            pl.BlockSpec((tma, din), lambda i: (i, 0)),
            pl.BlockSpec((tma, 128), lambda i: (i, 0)),
            pl.BlockSpec((din, do), lambda i: (0, 0)),
            pl.BlockSpec((1, do), lambda i: (0, 0)),
            pl.BlockSpec((do, do), lambda i: (0, 0)),
            pl.BlockSpec((do, do), lambda i: (0, 0)),
            pl.BlockSpec((do, do), lambda i: (0, 0)),
        ],
        out_specs=[
            pl.BlockSpec((tma, do), lambda i: (i, 0)),
            pl.BlockSpec((tma, do + 128), lambda i: (i, 0)),
        ],
        out_shape=[
            jax.ShapeDtypeStruct((bn, do), f32),
            jax.ShapeDtypeStruct((bn, do + 128), f32),
        ],
    )(f2, cpad, W1.astype(bf16), b1.reshape(1, do), Wq.astype(bf16),
      Wk.astype(bf16), Wv.astype(bf16))

    tmb = 256
    tmd = 256
    gd = n // tmd
    ct = coordinates.transpose(0, 2, 1)
    c16 = cpad[:, :16]
    wp1p = jnp.zeros((16, do), f32).at[:3].set(Wp1)
    weights = (wp1p, bp1.reshape(1, do), Wp2.astype(bf16),
               bp2.reshape(1, do), Wm1.astype(bf16), bm1.reshape(1, do),
               Wm2.astype(bf16), bm2.reshape(1, do), W2.astype(bf16),
               b2.reshape(1, din))
    wspecs = [
        pl.BlockSpec((16, do), lambda i: (0, 0)),
        pl.BlockSpec((1, do), lambda i: (0, 0)),
        pl.BlockSpec((do, do), lambda i: (0, 0)),
        pl.BlockSpec((1, do), lambda i: (0, 0)),
        pl.BlockSpec((do, do), lambda i: (0, 0)),
        pl.BlockSpec((1, do), lambda i: (0, 0)),
        pl.BlockSpec((do, do), lambda i: (0, 0)),
        pl.BlockSpec((1, do), lambda i: (0, 0)),
        pl.BlockSpec((do, din), lambda i: (0, 0)),
        pl.BlockSpec((1, din), lambda i: (0, 0)),
    ]

    gathered = []
    for cb in range(b):
        idx_cb = pl.pallas_call(
            functools.partial(_knn_body, n=n, k=k, base=cb * n),
            grid=(n // tmb,),
            in_specs=[
                pl.BlockSpec((1, tmb, 3), lambda i, cb=cb: (cb, i, 0)),
                pl.BlockSpec((1, 3, n), lambda i, cb=cb: (cb, 0, 0)),
            ],
            out_specs=pl.BlockSpec((tmb, k), lambda i: (i, 0)),
            out_shape=jax.ShapeDtypeStruct((n, k), jnp.int32),
        )(coordinates, ct)
        gathered.append(_sc_gather(kv, idx_cb.reshape(n * k)))

    attn2 = None
    out2 = None
    for cb in range(b):
        kvg = gathered[cb]
        row0 = cb * gd
        data_specs = [
            pl.BlockSpec((tmd, do), lambda i, r=row0: (r + i, 0)),
            pl.BlockSpec((tmd * k, do + 128), lambda i: (i, 0)),
            pl.BlockSpec((tmd, 16), lambda i, r=row0: (r + i, 0)),
            pl.BlockSpec((tmd, din), lambda i, r=row0: (r + i, 0)),
        ]
        out_specs = [
            pl.BlockSpec((tmd * k, do), lambda i, r=row0: (r + i, 0)),
            pl.BlockSpec((tmd, din), lambda i, r=row0: (r + i, 0)),
        ]
        out_shape = [
            jax.ShapeDtypeStruct((bn * k, do), f32),
            jax.ShapeDtypeStruct((bn, din), f32),
        ]
        if cb == 0:
            attn2, out2 = pl.pallas_call(
                functools.partial(_attn_body, k=k),
                grid=(gd,),
                in_specs=data_specs + wspecs,
                out_specs=out_specs,
                out_shape=out_shape,
            )(q, kvg, c16, f2, *weights)
        else:
            attn2, out2 = pl.pallas_call(
                functools.partial(_attn_chain_body, k=k),
                grid=(gd,),
                in_specs=data_specs + wspecs + [
                    pl.BlockSpec((8, 128), lambda i: (0, 0)),
                    pl.BlockSpec((8, 128), lambda i: (0, 0)),
                ],
                out_specs=out_specs,
                out_shape=out_shape,
                input_output_aliases={14: 0, 15: 1},
            )(q, kvg, c16, f2, *weights, attn2, out2)

    return out2.reshape(b, n, din), attn2.reshape(b, n, k, do)

# --- scband reference (transcript-rebuilt; emitter-appended) ---
"""Pipeline reference for scband-point-transformer-layer-56427280335318 (READ-ONLY COPY).

The authoritative reference and input builder live on the scoring server;
editing this copy changes nothing except your own understanding.
"""

import jax, jax.numpy as jnp
import numpy as np

B, N, DIM_IN, DIM_OUT, K = 4, 2048, 256, 256, 16


def points_from_idx(points, idx):
    b, m, kk = idx.shape
    idx2 = idx.reshape(b, m * kk)
    res = jnp.take_along_axis(points, idx2[:, :, None], axis=1)
    return res.reshape(b, m, kk, points.shape[-1])


def setup_inputs(seed: int = 0) -> dict:
    key = jax.random.key(seed)
    ks = jax.random.split(key, 20)
    s = 0.05
    inp = {}
    inp['coordinates'] = jax.random.uniform(ks[0], (B, N, 3), dtype=jnp.float32)
    inp['features'] = jax.random.normal(ks[1], (B, N, DIM_IN), dtype=jnp.float32)
    inp['W1'] = jax.random.normal(ks[2], (DIM_IN, DIM_OUT), dtype=jnp.float32) * s
    inp['b1'] = jnp.zeros((DIM_OUT,), dtype=jnp.float32)
    inp['Wm1'] = jax.random.normal(ks[3], (DIM_OUT, DIM_OUT), dtype=jnp.float32) * s
    inp['bm1'] = jnp.zeros((DIM_OUT,), dtype=jnp.float32)
    inp['Wm2'] = jax.random.normal(ks[4], (DIM_OUT, DIM_OUT), dtype=jnp.float32) * s
    inp['bm2'] = jnp.zeros((DIM_OUT,), dtype=jnp.float32)
    inp['Wp1'] = jax.random.normal(ks[5], (3, DIM_OUT), dtype=jnp.float32) * s
    inp['bp1'] = jnp.zeros((DIM_OUT,), dtype=jnp.float32)
    inp['Wp2'] = jax.random.normal(ks[6], (DIM_OUT, DIM_OUT), dtype=jnp.float32) * s
    inp['bp2'] = jnp.zeros((DIM_OUT,), dtype=jnp.float32)
    inp['Wk'] = jax.random.normal(ks[7], (DIM_OUT, DIM_OUT), dtype=jnp.float32) * s
    inp['Wq'] = jax.random.normal(ks[8], (DIM_OUT, DIM_OUT), dtype=jnp.float32) * s
    inp['Wv'] = jax.random.normal(ks[9], (DIM_OUT, DIM_OUT), dtype=jnp.float32) * s
    inp['W2'] = jax.random.normal(ks[10], (DIM_OUT, DIM_IN), dtype=jnp.float32) * s
    inp['b2'] = jnp.zeros((DIM_IN,), dtype=jnp.float32)
    return inp


def reference(coordinates, features, W1, b1, Wm1, bm1, Wm2, bm2, Wp1, bp1, Wp2, bp2, Wk, Wq, Wv, W2, b2):
    diff = coordinates[:, :, None, :] - coordinates[:, None, :, :]
    dists = jnp.sum(diff * diff, axis=-1)
    knn_idx = jnp.argsort(dists, axis=-1)[:, :, :K]
    knn_coords = points_from_idx(coordinates, knn_idx)
    x = features @ W1 + b1
    q = x @ Wq
    kg = points_from_idx(x @ Wk, knn_idx)
    v = points_from_idx(x @ Wv, knn_idx)
    rel = coordinates[:, :, None, :] - knn_coords
    pos_enc = jax.nn.relu(rel @ Wp1 + bp1) @ Wp2 + bp2
    h = q[:, :, None, :] - kg + pos_enc
    attention = jax.nn.relu(h @ Wm1 + bm1) @ Wm2 + bm2
    attention = jax.nn.softmax(attention / np.sqrt(kg.shape[-1]), axis=-2)
    out = jnp.einsum('bmnf,bmnf->bmf', attention, v + pos_enc)
    out = out @ W2 + b2
    out = out + features
    return (out, attention)

if __name__ == "__main__":
    import jax
    _d = setup_inputs()
    print(jax.jit(kernel)(*tuple(_d.values())))

</pallas_src>

<mosaic_0001>
#map = affine_map<(d0, d1) -> (0, 0)>
#map1 = affine_map<(d0, d1) -> (0)>
module attributes {stable_mosaic.version = 14 : i64} {
  func.func @gather_kernel(%arg0: i32, %arg1: i32, %arg2: memref<8192x384xf32, #tpu.memory_space<hbm>>, %arg3: memref<32768xi32, #tpu.memory_space<hbm>>, %arg4: memref<32768x384xf32, #tpu.memory_space<hbm>>, %arg5: memref<1024xi32, #tpu.memory_space<vmem>>, %arg6: memref<128x384xf32, #tpu.memory_space<vmem>>, %arg7: memref<!tpu.dma_semaphore, #tpu.memory_space<semaphore_mem>>) attributes {dimension_semantics = [#tpu.dimension_semantics<core_parallel>, #tpu.dimension_semantics<subcore_parallel>], iteration_bounds = array<i64: 2, 16>, scalar_prefetch = 0 : i64, scratch_operands = 3 : i64, tpu.core_type = #tpu.core_type<sc_vector_subcore>, window_params = [{transform_indices = #map}, {transform_indices = #map1}, {transform_indices = #map}]} {
    %mul3A = arith.constant 2 : i32
    %mul3A_0 = arith.muli %arg1, %mul3A : i32
    %add3A = arith.addi %mul3A_0, %arg0 : i32
    %mul3A_1 = arith.constant 1024 : i32
    %mul3A_2 = arith.muli %add3A, %mul3A_1 : i32
    %multiple_of3A = tpu.assume_multiple %mul3A_2, 1024 : i32
    "tpu.region"() ({
      %run_scoped3A = tpu.sem_alloc : memref<!tpu.dma_semaphore, #tpu.memory_space<semaphore_mem>>
      %dma_start3A = tpu.memref_slice %arg3[%multiple_of3A] : memref<32768xi32, #tpu.memory_space<hbm>> -> memref<1024xi32, #tpu.memory_space<hbm>>
      %dma_start3A_8 = tpu.memref_slice %arg3[%multiple_of3A] : memref<32768xi32, #tpu.memory_space<hbm>> -> memref<1024xi32, #tpu.memory_space<hbm>>
      tpu.enqueue_dma source(%dma_start3A_8 : memref<1024xi32, #tpu.memory_space<hbm>>) target(%arg5 : memref<1024xi32, #tpu.memory_space<vmem>>) target_semaphore(%run_scoped3A : memref<!tpu.dma_semaphore, #tpu.memory_space<semaphore_mem>>)
      %dma_wait3A = tpu.memref_slice %arg3[%multiple_of3A] : memref<32768xi32, #tpu.memory_space<hbm>> -> memref<1024xi32, #tpu.memory_space<hbm>>
      %dma_wait3A_9 = tpu.memref_slice %arg3[%multiple_of3A] : memref<32768xi32, #tpu.memory_space<hbm>> -> memref<1024xi32, #tpu.memory_space<hbm>>
      tpu.wait_dma2 semaphore(%run_scoped3A : memref<!tpu.dma_semaphore, #tpu.memory_space<semaphore_mem>>) src(%dma_wait3A_9 : memref<1024xi32, #tpu.memory_space<hbm>>) dst(%arg5 : memref<1024xi32, #tpu.memory_space<vmem>>)
      tpu.yield
    }) : () -> ()
    %scan3A = arith.constant 0 : i32
    %scan3A_3 = arith.constant 0 : i32
    %scan3A_4 = arith.constant 8 : i32
    %scan3A_5 = arith.addi %scan3A_3, %scan3A_4 : i32
    %scan3A_6 = arith.constant 1 : i32
    scf.for %scan3A_8 = %scan3A_3 to %scan3A_5 step %scan3A_6  : i32 {
      %mul3A_9 = arith.constant 128 : i32
      %mul3A_10 = arith.muli %scan3A_8, %mul3A_9 : i32
      %multiple_of3A_11 = tpu.assume_multiple %mul3A_10, 128 : i32
      %dma_start3A = tpu.memref_slice %arg5[%multiple_of3A_11] : memref<1024xi32, #tpu.memory_space<vmem>> -> memref<128xi32, #tpu.memory_space<vmem>>
      %dma_start3A_12 = arith.constant 0 : i32
      %dma_start3A_13 = arith.constant 0 : i32
      %dma_start3A_14 = tpu.memref_slice %arg2[%dma_start3A_12, %dma_start3A_13] : memref<8192x384xf32, #tpu.memory_space<hbm>> -> memref<8192x384xf32, #tpu.memory_space<hbm>>
      tpu.enqueue_indirect_dma source(%dma_start3A_14 : memref<8192x384xf32, #tpu.memory_space<hbm>>) target(%arg6 : memref<128x384xf32, #tpu.memory_space<vmem>>) offsets(%dma_start3A : memref<128xi32, #tpu.memory_space<vmem>>) semaphore(%arg7 : memref<!tpu.dma_semaphore, #tpu.memory_space<semaphore_mem>>)
      %dma_wait3A = tpu.memref_slice %arg5[%multiple_of3A_11] : memref<1024xi32, #tpu.memory_space<vmem>> -> memref<128xi32, #tpu.memory_space<vmem>>
      %dma_wait3A_15 = arith.constant 0 : i32
      %dma_wait3A_16 = arith.constant 0 : i32
      %dma_wait3A_17 = tpu.memref_slice %arg2[%dma_wait3A_15, %dma_wait3A_16] : memref<8192x384xf32, #tpu.memory_space<hbm>> -> memref<8192x384xf32, #tpu.memory_space<hbm>>
      tpu.wait_indirect_dma semaphore(%arg7 : memref<!tpu.dma_semaphore, #tpu.memory_space<semaphore_mem>>) src(%dma_wait3A_17 : memref<8192x384xf32, #tpu.memory_space<hbm>>) dst(%arg6 : memref<128x384xf32, #tpu.memory_space<vmem>>)
      %add3A_18 = arith.addi %multiple_of3A, %multiple_of3A_11 : i32
      %multiple_of3A_19 = tpu.assume_multiple %add3A_18, 128 : i32
      "tpu.region"() ({
        %run_scoped3A = tpu.sem_alloc : memref<!tpu.dma_semaphore, #tpu.memory_space<semaphore_mem>>
        %dma_start3A_20 = arith.constant 0 : i32
        %dma_start3A_21 = tpu.memref_slice %arg4[%multiple_of3A_19, %dma_start3A_20] : memref<32768x384xf32, #tpu.memory_space<hbm>> -> memref<128x384xf32, #tpu.memory_space<hbm>>
        %dma_start3A_22 = arith.constant 0 : i32
        %dma_start3A_23 = tpu.memref_slice %arg4[%multiple_of3A_19, %dma_start3A_22] : memref<32768x384xf32, #tpu.memory_space<hbm>> -> memref<128x384xf32, #tpu.memory_space<hbm>>
        tpu.enqueue_dma source(%arg6 : memref<128x384xf32, #tpu.memory_space<vmem>>) target(%dma_start3A_23 : memref<128x384xf32, #tpu.memory_space<hbm>>) target_semaphore(%run_scoped3A : memref<!tpu.dma_semaphore, #tpu.memory_space<semaphore_mem>>)
        %dma_wait3A_24 = arith.constant 0 : i32
        %dma_wait3A_25 = tpu.memref_slice %arg4[%multiple_of3A_19, %dma_wait3A_24] : memref<32768x384xf32, #tpu.memory_space<hbm>> -> memref<128x384xf32, #tpu.memory_space<hbm>>
        %dma_wait3A_26 = arith.constant 0 : i32
        %dma_wait3A_27 = tpu.memref_slice %arg4[%multiple_of3A_19, %dma_wait3A_26] : memref<32768x384xf32, #tpu.memory_space<hbm>> -> memref<128x384xf32, #tpu.memory_space<hbm>>
        tpu.wait_dma2 semaphore(%run_scoped3A : memref<!tpu.dma_semaphore, #tpu.memory_space<semaphore_mem>>) src(%arg6 : memref<128x384xf32, #tpu.memory_space<vmem>>) dst(%dma_wait3A_27 : memref<128x384xf32, #tpu.memory_space<hbm>>)
        tpu.yield
      }) : () -> ()
    }
    %scan3A_7 = arith.constant 8 : i32
    return
  }
}

#map = affine_map<(d0, d1) -> (0, 0)>
#map1 = affine_map<(d0, d1) -> (0)>
module attributes {stable_mosaic.version = 14 : i64} {
  func.func @gather_kernel(%arg0: i32, %arg1: i32, %arg2: memref<8192x384xf32, #tpu.memory_space<hbm>>, %arg3: memref<32768xi32, #tpu.memory_space<hbm>>, %arg4: memref<32768x384xf32, #tpu.memory_space<hbm>>, %arg5: memref<1024xi32, #tpu.memory_space<vmem>>, %arg6: memref<128x384xf32, #tpu.memory_space<vmem>>, %arg7: memref<!tpu.dma_semaphore, #tpu.memory_space<semaphore_mem>>) attributes {dimension_semantics = [#tpu.dimension_semantics<core_parallel>, #tpu.dimension_semantics<subcore_parallel>], iteration_bounds = array<i64: 2, 16>, scalar_prefetch = 0 : i64, scratch_operands = 3 : i64, tpu.core_type = #tpu.core_type<sc_vector_subcore>, window_params = [{transform_indices = #map}, {transform_indices = #map1}, {transform_indices = #map}]} {
    %mul3A = arith.constant 2 : i32
    %mul3A_0 = arith.muli %arg1, %mul3A : i32
    %add3A = arith.addi %mul3A_0, %arg0 : i32
    %mul3A_1 = arith.constant 1024 : i32
    %mul3A_2 = arith.muli %add3A, %mul3A_1 : i32
    %multiple_of3A = tpu.assume_multiple %mul3A_2, 1024 : i32
    "tpu.region"() ({
      %run_scoped3A = tpu.sem_alloc : memref<!tpu.dma_semaphore, #tpu.memory_space<semaphore_mem>>
      %dma_start3A = tpu.memref_slice %arg3[%multiple_of3A] : memref<32768xi32, #tpu.memory_space<hbm>> -> memref<1024xi32, #tpu.memory_space<hbm>>
      %dma_start3A_8 = tpu.memref_slice %arg3[%multiple_of3A] : memref<32768xi32, #tpu.memory_space<hbm>> -> memref<1024xi32, #tpu.memory_space<hbm>>
      tpu.enqueue_dma source(%dma_start3A_8 : memref<1024xi32, #tpu.memory_space<hbm>>) target(%arg5 : memref<1024xi32, #tpu.memory_space<vmem>>) target_semaphore(%run_scoped3A : memref<!tpu.dma_semaphore, #tpu.memory_space<semaphore_mem>>)
      %dma_wait3A = tpu.memref_slice %arg3[%multiple_of3A] : memref<32768xi32, #tpu.memory_space<hbm>> -> memref<1024xi32, #tpu.memory_space<hbm>>
      %dma_wait3A_9 = tpu.memref_slice %arg3[%multiple_of3A] : memref<32768xi32, #tpu.memory_space<hbm>> -> memref<1024xi32, #tpu.memory_space<hbm>>
      tpu.wait_dma2 semaphore(%run_scoped3A : memref<!tpu.dma_semaphore, #tpu.memory_space<semaphore_mem>>) src(%dma_wait3A_9 : memref<1024xi32, #tpu.memory_space<hbm>>) dst(%arg5 : memref<1024xi32, #tpu.memory_space<vmem>>)
      tpu.yield
    }) : () -> ()
    %scan3A = arith.constant 0 : i32
    %scan3A_3 = arith.constant 0 : i32
    %scan3A_4 = arith.constant 8 : i32
    %scan3A_5 = arith.addi %scan3A_3, %scan3A_4 : i32
    %scan3A_6 = arith.constant 1 : i32
    scf.for %scan3A_8 = %scan3A_3 to %scan3A_5 step %scan3A_6  : i32 {
      %mul3A_9 = arith.constant 128 : i32
      %mul3A_10 = arith.muli %scan3A_8, %mul3A_9 : i32
      %multiple_of3A_11 = tpu.assume_multiple %mul3A_10, 128 : i32
      %dma_start3A = tpu.memref_slice %arg5[%multiple_of3A_11] : memref<1024xi32, #tpu.memory_space<vmem>> -> memref<128xi32, #tpu.memory_space<vmem>>
      %dma_start3A_12 = arith.constant 0 : i32
      %dma_start3A_13 = arith.constant 0 : i32
      %dma_start3A_14 = tpu.memref_slice %arg2[%dma_start3A_12, %dma_start3A_13] : memref<8192x384xf32, #tpu.memory_space<hbm>> -> memref<8192x384xf32, #tpu.memory_space<hbm>>
      tpu.enqueue_indirect_dma source(%dma_start3A_14 : memref<8192x384xf32, #tpu.memory_space<hbm>>) target(%arg6 : memref<128x384xf32, #tpu.memory_space<vmem>>) offsets(%dma_start3A : memref<128xi32, #tpu.memory_space<vmem>>) semaphore(%arg7 : memref<!tpu.dma_semaphore, #tpu.memory_space<semaphore_mem>>)
      %dma_wait3A = tpu.memref_slice %arg5[%multiple_of3A_11] : memref<1024xi32, #tpu.memory_space<vmem>> -> memref<128xi32, #tpu.memory_space<vmem>>
      %dma_wait3A_15 = arith.constant 0 : i32
      %dma_wait3A_16 = arith.constant 0 : i32
      %dma_wait3A_17 = tpu.memref_slice %arg2[%dma_wait3A_15, %dma_wait3A_16] : memref<8192x384xf32, #tpu.memory_space<hbm>> -> memref<8192x384xf32, #tpu.memory_space<hbm>>
      tpu.wait_indirect_dma semaphore(%arg7 : memref<!tpu.dma_semaphore, #tpu.memory_space<semaphore_mem>>) src(%dma_wait3A_17 : memref<8192x384xf32, #tpu.memory_space<hbm>>) dst(%arg6 : memref<128x384xf32, #tpu.memory_space<vmem>>)
      %add3A_18 = arith.addi %multiple_of3A, %multiple_of3A_11 : i32
      %multiple_of3A_19 = tpu.assume_multiple %add3A_18, 128 : i32
      "tpu.region"() ({
        %run_scoped3A = tpu.sem_alloc : memref<!tpu.dma_semaphore, #tpu.memory_space<semaphore_mem>>
        %dma_start3A_20 = arith.constant 0 : i32
        %dma_start3A_21 = tpu.memref_slice %arg4[%multiple_of3A_19, %dma_start3A_20] : memref<32768x384xf32, #tpu.memory_space<hbm>> -> memref<128x384xf32, #tpu.memory_space<hbm>>
        %dma_start3A_22 = arith.constant 0 : i32
        %dma_start3A_23 = tpu.memref_slice %arg4[%multiple_of3A_19, %dma_start3A_22] : memref<32768x384xf32, #tpu.memory_space<hbm>> -> memref<128x384xf32, #tpu.memory_space<hbm>>
        tpu.enqueue_dma source(%arg6 : memref<128x384xf32, #tpu.memory_space<vmem>>) target(%dma_start3A_23 : memref<128x384xf32, #tpu.memory_space<hbm>>) target_semaphore(%run_scoped3A : memref<!tpu.dma_semaphore, #tpu.memory_space<semaphore_mem>>)
        %dma_wait3A_24 = arith.constant 0 : i32
        %dma_wait3A_25 = tpu.memref_slice %arg4[%multiple_of3A_19, %dma_wait3A_24] : memref<32768x384xf32, #tpu.memory_space<hbm>> -> memref<128x384xf32, #tpu.memory_space<hbm>>
        %dma_wait3A_26 = arith.constant 0 : i32
        %dma_wait3A_27 = tpu.memref_slice %arg4[%multiple_of3A_19, %dma_wait3A_26] : memref<32768x384xf32, #tpu.memory_space<hbm>> -> memref<128x384xf32, #tpu.memory_space<hbm>>
        tpu.wait_dma2 semaphore(%run_scoped3A : memref<!tpu.dma_semaphore, #tpu.memory_space<semaphore_mem>>) src(%arg6 : memref<128x384xf32, #tpu.memory_space<vmem>>) dst(%dma_wait3A_27 : memref<128x384xf32, #tpu.memory_space<hbm>>)
        tpu.yield
      }) : () -> ()
    }
    %scan3A_7 = arith.constant 8 : i32
    return
  }
}

#map = affine_map<(d0, d1) -> (0, 0)>
#map1 = affine_map<(d0, d1) -> (0)>
module attributes {stable_mosaic.version = 14 : i64} {
  func.func @gather_kernel(%arg0: i32, %arg1: i32, %arg2: memref<8192x384xf32, #tpu.memory_space<hbm>>, %arg3: memref<32768xi32, #tpu.memory_space<hbm>>, %arg4: memref<32768x384xf32, #tpu.memory_space<hbm>>, %arg5: memref<1024xi32, #tpu.memory_space<vmem>>, %arg6: memref<128x384xf32, #tpu.memory_space<vmem>>, %arg7: memref<!tpu.dma_semaphore, #tpu.memory_space<semaphore_mem>>) attributes {dimension_semantics = [#tpu.dimension_semantics<core_parallel>, #tpu.dimension_semantics<subcore_parallel>], iteration_bounds = array<i64: 2, 16>, scalar_prefetch = 0 : i64, scratch_operands = 3 : i64, tpu.core_type = #tpu.core_type<sc_vector_subcore>, window_params = [{transform_indices = #map}, {transform_indices = #map1}, {transform_indices = #map}]} {
    %mul3A = arith.constant 2 : i32
    %mul3A_0 = arith.muli %arg1, %mul3A : i32
    %add3A = arith.addi %mul3A_0, %arg0 : i32
    %mul3A_1 = arith.constant 1024 : i32
    %mul3A_2 = arith.muli %add3A, %mul3A_1 : i32
    %multiple_of3A = tpu.assume_multiple %mul3A_2, 1024 : i32
    "tpu.region"() ({
      %run_scoped3A = tpu.sem_alloc : memref<!tpu.dma_semaphore, #tpu.memory_space<semaphore_mem>>
      %dma_start3A = tpu.memref_slice %arg3[%multiple_of3A] : memref<32768xi32, #tpu.memory_space<hbm>> -> memref<1024xi32, #tpu.memory_space<hbm>>
      %dma_start3A_8 = tpu.memref_slice %arg3[%multiple_of3A] : memref<32768xi32, #tpu.memory_space<hbm>> -> memref<1024xi32, #tpu.memory_space<hbm>>
      tpu.enqueue_dma source(%dma_start3A_8 : memref<1024xi32, #tpu.memory_space<hbm>>) target(%arg5 : memref<1024xi32, #tpu.memory_space<vmem>>) target_semaphore(%run_scoped3A : memref<!tpu.dma_semaphore, #tpu.memory_space<semaphore_mem>>)
      %dma_wait3A = tpu.memref_slice %arg3[%multiple_of3A] : memref<32768xi32, #tpu.memory_space<hbm>> -> memref<1024xi32, #tpu.memory_space<hbm>>
      %dma_wait3A_9 = tpu.memref_slice %arg3[%multiple_of3A] : memref<32768xi32, #tpu.memory_space<hbm>> -> memref<1024xi32, #tpu.memory_space<hbm>>
      tpu.wait_dma2 semaphore(%run_scoped3A : memref<!tpu.dma_semaphore, #tpu.memory_space<semaphore_mem>>) src(%dma_wait3A_9 : memref<1024xi32, #tpu.memory_space<hbm>>) dst(%arg5 : memref<1024xi32, #tpu.memory_space<vmem>>)
      tpu.yield
    }) : () -> ()
    %scan3A = arith.constant 0 : i32
    %scan3A_3 = arith.constant 0 : i32
    %scan3A_4 = arith.constant 8 : i32
    %scan3A_5 = arith.addi %scan3A_3, %scan3A_4 : i32
    %scan3A_6 = arith.constant 1 : i32
    scf.for %scan3A_8 = %scan3A_3 to %scan3A_5 step %scan3A_6  : i32 {
      %mul3A_9 = arith.constant 128 : i32
      %mul3A_10 = arith.muli %scan3A_8, %mul3A_9 : i32
      %multiple_of3A_11 = tpu.assume_multiple %mul3A_10, 128 : i32
      %dma_start3A = tpu.memref_slice %arg5[%multiple_of3A_11] : memref<1024xi32, #tpu.memory_space<vmem>> -> memref<128xi32, #tpu.memory_space<vmem>>
      %dma_start3A_12 = arith.constant 0 : i32
      %dma_start3A_13 = arith.constant 0 : i32
      %dma_start3A_14 = tpu.memref_slice %arg2[%dma_start3A_12, %dma_start3A_13] : memref<8192x384xf32, #tpu.memory_space<hbm>> -> memref<8192x384xf32, #tpu.memory_space<hbm>>
      tpu.enqueue_indirect_dma source(%dma_start3A_14 : memref<8192x384xf32, #tpu.memory_space<hbm>>) target(%arg6 : memref<128x384xf32, #tpu.memory_space<vmem>>) offsets(%dma_start3A : memref<128xi32, #tpu.memory_space<vmem>>) semaphore(%arg7 : memref<!tpu.dma_semaphore, #tpu.memory_space<semaphore_mem>>)
      %dma_wait3A = tpu.memref_slice %arg5[%multiple_of3A_11] : memref<1024xi32, #tpu.memory_space<vmem>> -> memref<128xi32, #tpu.memory_space<vmem>>
      %dma_wait3A_15 = arith.constant 0 : i32
      %dma_wait3A_16 = arith.constant 0 : i32
      %dma_wait3A_17 = tpu.memref_slice %arg2[%dma_wait3A_15, %dma_wait3A_16] : memref<8192x384xf32, #tpu.memory_space<hbm>> -> memref<8192x384xf32, #tpu.memory_space<hbm>>
      tpu.wait_indirect_dma semaphore(%arg7 : memref<!tpu.dma_semaphore, #tpu.memory_space<semaphore_mem>>) src(%dma_wait3A_17 : memref<8192x384xf32, #tpu.memory_space<hbm>>) dst(%arg6 : memref<128x384xf32, #tpu.memory_space<vmem>>)
      %add3A_18 = arith.addi %multiple_of3A, %multiple_of3A_11 : i32
      %multiple_of3A_19 = tpu.assume_multiple %add3A_18, 128 : i32
      "tpu.region"() ({
        %run_scoped3A = tpu.sem_alloc : memref<!tpu.dma_semaphore, #tpu.memory_space<semaphore_mem>>
        %dma_start3A_20 = arith.constant 0 : i32
        %dma_start3A_21 = tpu.memref_slice %arg4[%multiple_of3A_19, %dma_start3A_20] : memref<32768x384xf32, #tpu.memory_space<hbm>> -> memref<128x384xf32, #tpu.memory_space<hbm>>
        %dma_start3A_22 = arith.constant 0 : i32
        %dma_start3A_23 = tpu.memref_slice %arg4[%multiple_of3A_19, %dma_start3A_22] : memref<32768x384xf32, #tpu.memory_space<hbm>> -> memref<128x384xf32, #tpu.memory_space<hbm>>
        tpu.enqueue_dma source(%arg6 : memref<128x384xf32, #tpu.memory_space<vmem>>) target(%dma_start3A_23 : memref<128x384xf32, #tpu.memory_space<hbm>>) target_semaphore(%run_scoped3A : memref<!tpu.dma_semaphore, #tpu.memory_space<semaphore_mem>>)
        %dma_wait3A_24 = arith.constant 0 : i32
        %dma_wait3A_25 = tpu.memref_slice %arg4[%multiple_of3A_19, %dma_wait3A_24] : memref<32768x384xf32, #tpu.memory_space<hbm>> -> memref<128x384xf32, #tpu.memory_space<hbm>>
        %dma_wait3A_26 = arith.constant 0 : i32
        %dma_wait3A_27 = tpu.memref_slice %arg4[%multiple_of3A_19, %dma_wait3A_26] : memref<32768x384xf32, #tpu.memory_space<hbm>> -> memref<128x384xf32, #tpu.memory_space<hbm>>
        tpu.wait_dma2 semaphore(%run_scoped3A : memref<!tpu.dma_semaphore, #tpu.memory_space<semaphore_mem>>) src(%arg6 : memref<128x384xf32, #tpu.memory_space<vmem>>) dst(%dma_wait3A_27 : memref<128x384xf32, #tpu.memory_space<hbm>>)
        tpu.yield
      }) : () -> ()
    }
    %scan3A_7 = arith.constant 8 : i32
    return
  }
}

#map = affine_map<(d0, d1) -> (0, 0)>
#map1 = affine_map<(d0, d1) -> (0)>
module attributes {stable_mosaic.version = 14 : i64} {
  func.func @gather_kernel(%arg0: i32, %arg1: i32, %arg2: memref<8192x384xf32, #tpu.memory_space<hbm>>, %arg3: memref<32768xi32, #tpu.memory_space<hbm>>, %arg4: memref<32768x384xf32, #tpu.memory_space<hbm>>, %arg5: memref<1024xi32, #tpu.memory_space<vmem>>, %arg6: memref<128x384xf32, #tpu.memory_space<vmem>>, %arg7: memref<!tpu.dma_semaphore, #tpu.memory_space<semaphore_mem>>) attributes {dimension_semantics = [#tpu.dimension_semantics<core_parallel>, #tpu.dimension_semantics<subcore_parallel>], iteration_bounds = array<i64: 2, 16>, scalar_prefetch = 0 : i64, scratch_operands = 3 : i64, tpu.core_type = #tpu.core_type<sc_vector_subcore>, window_params = [{transform_indices = #map}, {transform_indices = #map1}, {transform_indices = #map}]} {
    %mul3A = arith.constant 2 : i32
    %mul3A_0 = arith.muli %arg1, %mul3A : i32
    %add3A = arith.addi %mul3A_0, %arg0 : i32
    %mul3A_1 = arith.constant 1024 : i32
    %mul3A_2 = arith.muli %add3A, %mul3A_1 : i32
    %multiple_of3A = tpu.assume_multiple %mul3A_2, 1024 : i32
    "tpu.region"() ({
      %run_scoped3A = tpu.sem_alloc : memref<!tpu.dma_semaphore, #tpu.memory_space<semaphore_mem>>
      %dma_start3A = tpu.memref_slice %arg3[%multiple_of3A] : memref<32768xi32, #tpu.memory_space<hbm>> -> memref<1024xi32, #tpu.memory_space<hbm>>
      %dma_start3A_8 = tpu.memref_slice %arg3[%multiple_of3A] : memref<32768xi32, #tpu.memory_space<hbm>> -> memref<1024xi32, #tpu.memory_space<hbm>>
      tpu.enqueue_dma source(%dma_start3A_8 : memref<1024xi32, #tpu.memory_space<hbm>>) target(%arg5 : memref<1024xi32, #tpu.memory_space<vmem>>) target_semaphore(%run_scoped3A : memref<!tpu.dma_semaphore, #tpu.memory_space<semaphore_mem>>)
      %dma_wait3A = tpu.memref_slice %arg3[%multiple_of3A] : memref<32768xi32, #tpu.memory_space<hbm>> -> memref<1024xi32, #tpu.memory_space<hbm>>
      %dma_wait3A_9 = tpu.memref_slice %arg3[%multiple_of3A] : memref<32768xi32, #tpu.memory_space<hbm>> -> memref<1024xi32, #tpu.memory_space<hbm>>
      tpu.wait_dma2 semaphore(%run_scoped3A : memref<!tpu.dma_semaphore, #tpu.memory_space<semaphore_mem>>) src(%dma_wait3A_9 : memref<1024xi32, #tpu.memory_space<hbm>>) dst(%arg5 : memref<1024xi32, #tpu.memory_space<vmem>>)
      tpu.yield
    }) : () -> ()
    %scan3A = arith.constant 0 : i32
    %scan3A_3 = arith.constant 0 : i32
    %scan3A_4 = arith.constant 8 : i32
    %scan3A_5 = arith.addi %scan3A_3, %scan3A_4 : i32
    %scan3A_6 = arith.constant 1 : i32
    scf.for %scan3A_8 = %scan3A_3 to %scan3A_5 step %scan3A_6  : i32 {
      %mul3A_9 = arith.constant 128 : i32
      %mul3A_10 = arith.muli %scan3A_8, %mul3A_9 : i32
      %multiple_of3A_11 = tpu.assume_multiple %mul3A_10, 128 : i32
      %dma_start3A = tpu.memref_slice %arg5[%multiple_of3A_11] : memref<1024xi32, #tpu.memory_space<vmem>> -> memref<128xi32, #tpu.memory_space<vmem>>
      %dma_start3A_12 = arith.constant 0 : i32
      %dma_start3A_13 = arith.constant 0 : i32
      %dma_start3A_14 = tpu.memref_slice %arg2[%dma_start3A_12, %dma_start3A_13] : memref<8192x384xf32, #tpu.memory_space<hbm>> -> memref<8192x384xf32, #tpu.memory_space<hbm>>
      tpu.enqueue_indirect_dma source(%dma_start3A_14 : memref<8192x384xf32, #tpu.memory_space<hbm>>) target(%arg6 : memref<128x384xf32, #tpu.memory_space<vmem>>) offsets(%dma_start3A : memref<128xi32, #tpu.memory_space<vmem>>) semaphore(%arg7 : memref<!tpu.dma_semaphore, #tpu.memory_space<semaphore_mem>>)
      %dma_wait3A = tpu.memref_slice %arg5[%multiple_of3A_11] : memref<1024xi32, #tpu.memory_space<vmem>> -> memref<128xi32, #tpu.memory_space<vmem>>
      %dma_wait3A_15 = arith.constant 0 : i32
      %dma_wait3A_16 = arith.constant 0 : i32
      %dma_wait3A_17 = tpu.memref_slice %arg2[%dma_wait3A_15, %dma_wait3A_16] : memref<8192x384xf32, #tpu.memory_space<hbm>> -> memref<8192x384xf32, #tpu.memory_space<hbm>>
      tpu.wait_indirect_dma semaphore(%arg7 : memref<!tpu.dma_semaphore, #tpu.memory_space<semaphore_mem>>) src(%dma_wait3A_17 : memref<8192x384xf32, #tpu.memory_space<hbm>>) dst(%arg6 : memref<128x384xf32, #tpu.memory_space<vmem>>)
      %add3A_18 = arith.addi %multiple_of3A, %multiple_of3A_11 : i32
      %multiple_of3A_19 = tpu.assume_multiple %add3A_18, 128 : i32
      "tpu.region"() ({
        %run_scoped3A = tpu.sem_alloc : memref<!tpu.dma_semaphore, #tpu.memory_space<semaphore_mem>>
        %dma_start3A_20 = arith.constant 0 : i32
        %dma_start3A_21 = tpu.memref_slice %arg4[%multiple_of3A_19, %dma_start3A_20] : memref<32768x384xf32, #tpu.memory_space<hbm>> -> memref<128x384xf32, #tpu.memory_space<hbm>>
        %dma_start3A_22 = arith.constant 0 : i32
        %dma_start3A_23 = tpu.memref_slice %arg4[%multiple_of3A_19, %dma_start3A_22] : memref<32768x384xf32, #tpu.memory_space<hbm>> -> memref<128x384xf32, #tpu.memory_space<hbm>>
        tpu.enqueue_dma source(%arg6 : memref<128x384xf32, #tpu.memory_space<vmem>>) target(%dma_start3A_23 : memref<128x384xf32, #tpu.memory_space<hbm>>) target_semaphore(%run_scoped3A : memref<!tpu.dma_semaphore, #tpu.memory_space<semaphore_mem>>)
        %dma_wait3A_24 = arith.constant 0 : i32
        %dma_wait3A_25 = tpu.memref_slice %arg4[%multiple_of3A_19, %dma_wait3A_24] : memref<32768x384xf32, #tpu.memory_space<hbm>> -> memref<128x384xf32, #tpu.memory_space<hbm>>
        %dma_wait3A_26 = arith.constant 0 : i32
        %dma_wait3A_27 = tpu.memref_slice %arg4[%multiple_of3A_19, %dma_wait3A_26] : memref<32768x384xf32, #tpu.memory_space<hbm>> -> memref<128x384xf32, #tpu.memory_space<hbm>>
        tpu.wait_dma2 semaphore(%run_scoped3A : memref<!tpu.dma_semaphore, #tpu.memory_space<semaphore_mem>>) src(%arg6 : memref<128x384xf32, #tpu.memory_space<vmem>>) dst(%dma_wait3A_27 : memref<128x384xf32, #tpu.memory_space<hbm>>)
        tpu.yield
      }) : () -> ()
    }
    %scan3A_7 = arith.constant 8 : i32
    return
  }
}

module attributes {stable_mosaic.version = 14 : i64} {
  func.func @_knn_body(%arg0: i32, %arg1: memref<1x256x3xf32, #tpu.memory_space<vmem>>, %arg2: memref<1x3x2048xf32, #tpu.memory_space<vmem>>, %arg3: memref<256x16xi32, #tpu.memory_space<vmem>>) attributes {dimension_semantics = [#tpu.dimension_semantics<arbitrary>], iteration_bounds = array<i64: 8>, scalar_prefetch = 0 : i64, scratch_operands = 0 : i64, tpu.core_type = #tpu.core_type<tc>, window_params = [{transform_indices = @transform_0, window_bounds = array<i64: 1, 256, 3>}, {transform_indices = @transform_1, window_bounds = array<i64: 1, 3, 2048>}, {transform_indices = @transform_2, window_bounds = array<i64: 256, 16>}]} {
    %get3A = arith.constant 0 : index
    %get3A_0 = arith.constant 0 : index
    %get3A_1 = arith.constant 0 : index
    %get3A_2 = vector.load %arg1[%get3A, %get3A_0, %get3A_1] : memref<1x256x3xf32, #tpu.memory_space<vmem>>, vector<1x256x3xf32>
    %get3A_3 = vector.shape_cast %get3A_2 : vector<1x256x3xf32> to vector<256x3xf32>
    %get3A_4 = arith.constant 0 : index
    %get3A_5 = arith.constant 0 : index
    %get3A_6 = arith.constant 0 : index
    %get3A_7 = vector.load %arg2[%get3A_4, %get3A_5, %get3A_6] : memref<1x3x2048xf32, #tpu.memory_space<vmem>>, vector<1x3x2048xf32>
    %get3A_8 = vector.shape_cast %get3A_7 : vector<1x3x2048xf32> to vector<3x2048xf32>
    %slice3A = vector.extract_strided_slice %get3A_3 {offsets = [0, 0], sizes = [256, 1], strides = [1, 1]} : vector<256x3xf32> to vector<256x1xf32>
    %slice3A_9 = vector.extract_strided_slice %get3A_8 {offsets = [0, 0], sizes = [1, 2048], strides = [1, 1]} : vector<3x2048xf32> to vector<1x2048xf32>
    %sub3A = vector.broadcast %slice3A : vector<256x1xf32> to vector<256x2048xf32>
    %sub3A_10 = vector.broadcast %slice3A_9 : vector<1x2048xf32> to vector<256x2048xf32>
    %sub3A_11 = arith.subf %sub3A, %sub3A_10 : vector<256x2048xf32>
    %slice3A_12 = vector.extract_strided_slice %get3A_3 {offsets = [0, 1], sizes = [256, 1], strides = [1, 1]} : vector<256x3xf32> to vector<256x1xf32>
    %slice3A_13 = vector.extract_strided_slice %get3A_8 {offsets = [1, 0], sizes = [1, 2048], strides = [1, 1]} : vector<3x2048xf32> to vector<1x2048xf32>
    %sub3A_14 = vector.broadcast %slice3A_12 : vector<256x1xf32> to vector<256x2048xf32>
    %sub3A_15 = vector.broadcast %slice3A_13 : vector<1x2048xf32> to vector<256x2048xf32>
    %sub3A_16 = arith.subf %sub3A_14, %sub3A_15 : vector<256x2048xf32>
    %slice3A_17 = vector.extract_strided_slice %get3A_3 {offsets = [0, 2], sizes = [256, 1], strides = [1, 1]} : vector<256x3xf32> to vector<256x1xf32>
    %slice3A_18 = vector.extract_strided_slice %get3A_8 {offsets = [2, 0], sizes = [1, 2048], strides = [1, 1]} : vector<3x2048xf32> to vector<1x2048xf32>
    %sub3A_19 = vector.broadcast %slice3A_17 : vector<256x1xf32> to vector<256x2048xf32>
    %sub3A_20 = vector.broadcast %slice3A_18 : vector<1x2048xf32> to vector<256x2048xf32>
    %sub3A_21 = arith.subf %sub3A_19, %sub3A_20 : vector<256x2048xf32>
    %mul3A = arith.mulf %sub3A_11, %sub3A_11 : vector<256x2048xf32>
    %mul3A_22 = arith.mulf %sub3A_16, %sub3A_16 : vector<256x2048xf32>
    %add3A = arith.addf %mul3A, %mul3A_22 : vector<256x2048xf32>
    %mul3A_23 = arith.mulf %sub3A_21, %sub3A_21 : vector<256x2048xf32>
    %add3A_24 = arith.addf %add3A, %mul3A_23 : vector<256x2048xf32>
    %iota3A = tpu.iota {dimensions = array<i32: 1>} : vector<256x2048xi32>
    %convert_element_type3A = arith.sitofp %iota3A : vector<256x2048xi32> to vector<256x2048xf32>
    %reduce_min3A = arith.constant dense<0x7F800000> : vector<256xf32>
    %reduce_min3A_25 = vector.multi_reduction <minimumf>, %add3A_24, %reduce_min3A [1] : vector<256x2048xf32> to vector<256xf32>
    %broadcast_in_dim3A = vector.shape_cast %reduce_min3A_25 : vector<256xf32> to vector<256x1xf32>
    %le3A = vector.broadcast %broadcast_in_dim3A : vector<256x1xf32> to vector<256x2048xf32>
    %le3A_26 = arith.cmpf ole, %add3A_24, %le3A : vector<256x2048xf32>
    %jit3A = arith.constant 3.000000e+38 : f32
    %broadcast_in_dim3A_27 = vector.broadcast %jit3A : f32 to vector<256x2048xf32>
    %select_n3A = arith.select %le3A_26, %convert_element_type3A, %broadcast_in_dim3A_27 : vector<256x2048xi1>, vector<256x2048xf32>
    %reduce_min3A_28 = arith.constant dense<0x7F800000> : vector<256xf32>
    %reduce_min3A_29 = vector.multi_reduction <minimumf>, %select_n3A, %reduce_min3A_28 [1] : vector<256x2048xf32> to vector<256xf32>
    %broadcast_in_dim3A_30 = vector.shape_cast %reduce_min3A_29 : vector<256xf32> to vector<256x1xf32>
    %eq3A = vector.broadcast %broadcast_in_dim3A_30 : vector<256x1xf32> to vector<256x2048xf32>
    %eq3A_31 = arith.cmpf oeq, %convert_element_type3A, %eq3A : vector<256x2048xf32>
    %jit3A_32 = arith.constant 0x7F800000 : f32
    %broadcast_in_dim3A_33 = vector.broadcast %jit3A_32 : f32 to vector<256x2048xf32>
    %select_n3A_34 = arith.select %eq3A_31, %broadcast_in_dim3A_33, %add3A_24 : vector<256x2048xi1>, vector<256x2048xf32>
    %reduce_min3A_35 = arith.constant dense<0x7F800000> : vector<256xf32>
    %reduce_min3A_36 = vector.multi_reduction <minimumf>, %select_n3A_34, %reduce_min3A_35 [1] : vector<256x2048xf32> to vector<256xf32>
    %broadcast_in_dim3A_37 = vector.shape_cast %reduce_min3A_36 : vector<256xf32> to vector<256x1xf32>
    %le3A_38 = vector.broadcast %broadcast_in_dim3A_37 : vector<256x1xf32> to vector<256x2048xf32>
    %le3A_39 = arith.cmpf ole, %select_n3A_34, %le3A_38 : vector<256x2048xf32>
    %jit3A_40 = arith.constant 3.000000e+38 : f32
    %broadcast_in_dim3A_41 = vector.broadcast %jit3A_40 : f32 to vector<256x2048xf32>
    %select_n3A_42 = arith.select %le3A_39, %convert_element_type3A, %broadcast_in_dim3A_41 : vector<256x2048xi1>, vector<256x2048xf32>
    %reduce_min3A_43 = arith.constant dense<0x7F800000> : vector<256xf32>
    %reduce_min3A_44 = vector.multi_reduction <minimumf>, %select_n3A_42, %reduce_min3A_43 [1] : vector<256x2048xf32> to vector<256xf32>
    %broadcast_in_dim3A_45 = vector.shape_cast %reduce_min3A_44 : vector<256xf32> to vector<256x1xf32>
    %eq3A_46 = vector.broadcast %broadcast_in_dim3A_45 : vector<256x1xf32> to vector<256x2048xf32>
    %eq3A_47 = arith.cmpf oeq, %convert_element_type3A, %eq3A_46 : vector<256x2048xf32>
    %jit3A_48 = arith.constant 0x7F800000 : f32
    %broadcast_in_dim3A_49 = vector.broadcast %jit3A_48 : f32 to vector<256x2048xf32>
    %select_n3A_50 = arith.select %eq3A_47, %broadcast_in_dim3A_49, %select_n3A_34 : vector<256x2048xi1>, vector<256x2048xf32>
    %reduce_min3A_51 = arith.constant dense<0x7F800000> : vector<256xf32>
    %reduce_min3A_52 = vector.multi_reduction <minimumf>, %select_n3A_50, %reduce_min3A_51 [1] : vector<256x2048xf32> to vector<256xf32>
    %broadcast_in_dim3A_53 = vector.shape_cast %reduce_min3A_52 : vector<256xf32> to vector<256x1xf32>
    %le3A_54 = vector.broadcast %broadcast_in_dim3A_53 : vector<256x1xf32> to vector<256x2048xf32>
    %le3A_55 = arith.cmpf ole, %select_n3A_50, %le3A_54 : vector<256x2048xf32>
    %jit3A_56 = arith.constant 3.000000e+38 : f32
    %broadcast_in_dim3A_57 = vector.broadcast %jit3A_56 : f32 to vector<256x2048xf32>
    %select_n3A_58 = arith.select %le3A_55, %convert_element_type3A, %broadcast_in_dim3A_57 : vector<256x2048xi1>, vector<256x2048xf32>
    %reduce_min3A_59 = arith.constant dense<0x7F800000> : vector<256xf32>
    %reduce_min3A_60 = vector.multi_reduction <minimumf>, %select_n3A_58, %reduce_min3A_59 [1] : vector<256x2048xf32> to vector<256xf32>
    %broadcast_in_dim3A_61 = vector.shape_cast %reduce_min3A_60 : vector<256xf32> to vector<256x1xf32>
    %eq3A_62 = vector.broadcast %broadcast_in_dim3A_61 : vector<256x1xf32> to vector<256x2048xf32>
    %eq3A_63 = arith.cmpf oeq, %convert_element_type3A, %eq3A_62 : vector<256x2048xf32>
    %jit3A_64 = arith.constant 0x7F800000 : f32
    %broadcast_in_dim3A_65 = vector.broadcast %jit3A_64 : f32 to vector<256x2048xf32>
    %select_n3A_66 = arith.select %eq3A_63, %broadcast_in_dim3A_65, %select_n3A_50 : vector<256x2048xi1>, vector<256x2048xf32>
    %reduce_min3A_67 = arith.constant dense<0x7F800000> : vector<256xf32>
    %reduce_min3A_68 = vector.multi_reduction <minimumf>, %select_n3A_66, %reduce_min3A_67 [1] : vector<256x2048xf32> to vector<256xf32>
    %broadcast_in_dim3A_69 = vector.shape_cast %reduce_min3A_68 : vector<256xf32> to vector<256x1xf32>
    %le3A_70 = vector.broadcast %broadcast_in_dim3A_69 : vector<256x1xf32> to vector<256x2048xf32>
    %le3A_71 = arith.cmpf ole, %select_n3A_66, %le3A_70 : vector<256x2048xf32>
    %jit3A_72 = arith.constant 3.000000e+38 : f32
    %broadcast_in_dim3A_73 = vector.broadcast %jit3A_72 : f32 to vector<256x2048xf32>
    %select_n3A_74 = arith.select %le3A_71, %convert_element_type3A, %broadcast_in_dim3A_73 : vector<256x2048xi1>, vector<256x2048xf32>
    %reduce_min3A_75 = arith.constant dense<0x7F800000> : vector<256xf32>
    %reduce_min3A_76 = vector.multi_reduction <minimumf>, %select_n3A_74, %reduce_min3A_75 [1] : vector<256x2048xf32> to vector<256xf32>
    %broadcast_in_dim3A_77 = vector.shape_cast %reduce_min3A_76 : vector<256xf32> to vector<256x1xf32>
    %eq3A_78 = vector.broadcast %broadcast_in_dim3A_77 : vector<256x1xf32> to vector<256x2048xf32>
    %eq3A_79 = arith.cmpf oeq, %convert_element_type3A, %eq3A_78 : vector<256x2048xf32>
    %jit3A_80 = arith.constant 0x7F800000 : f32
    %broadcast_in_dim3A_81 = vector.broadcast %jit3A_80 : f32 to vector<256x2048xf32>
    %select_n3A_82 = arith.select %eq3A_79, %broadcast_in_dim3A_81, %select_n3A_66 : vector<256x2048xi1>, vector<256x2048xf32>
    %reduce_min3A_83 = arith.constant dense<0x7F800000> : vector<256xf32>
    %reduce_min3A_84 = vector.multi_reduction <minimumf>, %select_n3A_82, %reduce_min3A_83 [1] : vector<256x2048xf32> to vector<256xf32>
    %broadcast_in_dim3A_85 = vector.shape_cast %reduce_min3A_84 : vector<256xf32> to vector<256x1xf32>
    %le3A_86 = vector.broadcast %broadcast_in_dim3A_85 : vector<256x1xf32> to vector<256x2048xf32>
    %le3A_87 = arith.cmpf ole, %select_n3A_82, %le3A_86 : vector<256x2048xf32>
    %jit3A_88 = arith.constant 3.000000e+38 : f32
    %broadcast_in_dim3A_89 = vector.broadcast %jit3A_88 : f32 to vector<256x2048xf32>
    %select_n3A_90 = arith.select %le3A_87, %convert_element_type3A, %broadcast_in_dim3A_89 : vector<256x2048xi1>, vector<256x2048xf32>
    %reduce_min3A_91 = arith.constant dense<0x7F800000> : vector<256xf32>
    %reduce_min3A_92 = vector.multi_reduction <minimumf>, %select_n3A_90, %reduce_min3A_91 [1] : vector<256x2048xf32> to vector<256xf32>
    %broadcast_in_dim3A_93 = vector.shape_cast %reduce_min3A_92 : vector<256xf32> to vector<256x1xf32>
    %eq3A_94 = vector.broadcast %broadcast_in_dim3A_93 : vector<256x1xf32> to vector<256x2048xf32>
    %eq3A_95 = arith.cmpf oeq, %convert_element_type3A, %eq3A_94 : vector<256x2048xf32>
    %jit3A_96 = arith.constant 0x7F800000 : f32
    %broadcast_in_dim3A_97 = vector.broadcast %jit3A_96 : f32 to vector<256x2048xf32>
    %select_n3A_98 = arith.select %eq3A_95, %broadcast_in_dim3A_97, %select_n3A_82 : vector<256x2048xi1>, vector<256x2048xf32>
    %reduce_min3A_99 = arith.constant dense<0x7F800000> : vector<256xf32>
    %reduce_min3A_100 = vector.multi_reduction <minimumf>, %select_n3A_98, %reduce_min3A_99 [1] : vector<256x2048xf32> to vector<256xf32>
    %broadcast_in_dim3A_101 = vector.shape_cast %reduce_min3A_100 : vector<256xf32> to vector<256x1xf32>
    %le3A_102 = vector.broadcast %broadcast_in_dim3A_101 : vector<256x1xf32> to vector<256x2048xf32>
    %le3A_103 = arith.cmpf ole, %select_n3A_98, %le3A_102 : vector<256x2048xf32>
    %jit3A_104 = arith.constant 3.000000e+38 : f32
    %broadcast_in_dim3A_105 = vector.broadcast %jit3A_104 : f32 to vector<256x2048xf32>
    %select_n3A_106 = arith.select %le3A_103, %convert_element_type3A, %broadcast_in_dim3A_105 : vector<256x2048xi1>, vector<256x2048xf32>
    %reduce_min3A_107 = arith.constant dense<0x7F800000> : vector<256xf32>
    %reduce_min3A_108 = vector.multi_reduction <minimumf>, %select_n3A_106, %reduce_min3A_107 [1] : vector<256x2048xf32> to vector<256xf32>
    %broadcast_in_dim3A_109 = vector.shape_cast %reduce_min3A_108 : vector<256xf32> to vector<256x1xf32>
    %eq3A_110 = vector.broadcast %broadcast_in_dim3A_109 : vector<256x1xf32> to vector<256x2048xf32>
    %eq3A_111 = arith.cmpf oeq, %convert_element_type3A, %eq3A_110 : vector<256x2048xf32>
    %jit3A_112 = arith.constant 0x7F800000 : f32
    %broadcast_in_dim3A_113 = vector.broadcast %jit3A_112 : f32 to vector<256x2048xf32>
    %select_n3A_114 = arith.select %eq3A_111, %broadcast_in_dim3A_113, %select_n3A_98 : vector<256x2048xi1>, vector<256x2048xf32>
    %reduce_min3A_115 = arith.constant dense<0x7F800000> : vector<256xf32>
    %reduce_min3A_116 = vector.multi_reduction <minimumf>, %select_n3A_114, %reduce_min3A_115 [1] : vector<256x2048xf32> to vector<256xf32>
    %broadcast_in_dim3A_117 = vector.shape_cast %reduce_min3A_116 : vector<256xf32> to vector<256x1xf32>
    %le3A_118 = vector.broadcast %broadcast_in_dim3A_117 : vector<256x1xf32> to vector<256x2048xf32>
    %le3A_119 = arith.cmpf ole, %select_n3A_114, %le3A_118 : vector<256x2048xf32>
    %jit3A_120 = arith.constant 3.000000e+38 : f32
    %broadcast_in_dim3A_121 = vector.broadcast %jit3A_120 : f32 to vector<256x2048xf32>
    %select_n3A_122 = arith.select %le3A_119, %convert_element_type3A, %broadcast_in_dim3A_121 : vector<256x2048xi1>, vector<256x2048xf32>
    %reduce_min3A_123 = arith.constant dense<0x7F800000> : vector<256xf32>
    %reduce_min3A_124 = vector.multi_reduction <minimumf>, %select_n3A_122, %reduce_min3A_123 [1] : vector<256x2048xf32> to vector<256xf32>
    %broadcast_in_dim3A_125 = vector.shape_cast %reduce_min3A_124 : vector<256xf32> to vector<256x1xf32>
    %eq3A_126 = vector.broadcast %broadcast_in_dim3A_125 : vector<256x1xf32> to vector<256x2048xf32>
    %eq3A_127 = arith.cmpf oeq, %convert_element_type3A, %eq3A_126 : vector<256x2048xf32>
    %jit3A_128 = arith.constant 0x7F800000 : f32
    %broadcast_in_dim3A_129 = vector.broadcast %jit3A_128 : f32 to vector<256x2048xf32>
    %select_n3A_130 = arith.select %eq3A_127, %broadcast_in_dim3A_129, %select_n3A_114 : vector<256x2048xi1>, vector<256x2048xf32>
    %reduce_min3A_131 = arith.constant dense<0x7F800000> : vector<256xf32>
    %reduce_min3A_132 = vector.multi_reduction <minimumf>, %select_n3A_130, %reduce_min3A_131 [1] : vector<256x2048xf32> to vector<256xf32>
    %broadcast_in_dim3A_133 = vector.shape_cast %reduce_min3A_132 : vector<256xf32> to vector<256x1xf32>
    %le3A_134 = vector.broadcast %broadcast_in_dim3A_133 : vector<256x1xf32> to vector<256x2048xf32>
    %le3A_135 = arith.cmpf ole, %select_n3A_130, %le3A_134 : vector<256x2048xf32>
    %jit3A_136 = arith.constant 3.000000e+38 : f32
    %broadcast_in_dim3A_137 = vector.broadcast %jit3A_136 : f32 to vector<256x2048xf32>
    %select_n3A_138 = arith.select %le3A_135, %convert_element_type3A, %broadcast_in_dim3A_137 : vector<256x2048xi1>, vector<256x2048xf32>
    %reduce_min3A_139 = arith.constant dense<0x7F800000> : vector<256xf32>
    %reduce_min3A_140 = vector.multi_reduction <minimumf>, %select_n3A_138, %reduce_min3A_139 [1] : vector<256x2048xf32> to vector<256xf32>
    %broadcast_in_dim3A_141 = vector.shape_cast %reduce_min3A_140 : vector<256xf32> to vector<256x1xf32>
    %eq3A_142 = vector.broadcast %broadcast_in_dim3A_141 : vector<256x1xf32> to vector<256x2048xf32>
    %eq3A_143 = arith.cmpf oeq, %convert_element_type3A, %eq3A_142 : vector<256x2048xf32>
    %jit3A_144 = arith.constant 0x7F800000 : f32
    %broadcast_in_dim3A_145 = vector.broadcast %jit3A_144 : f32 to vector<256x2048xf32>
    %select_n3A_146 = arith.select %eq3A_143, %broadcast_in_dim3A_145, %select_n3A_130 : vector<256x2048xi1>, vector<256x2048xf32>
    %reduce_min3A_147 = arith.constant dense<0x7F800000> : vector<256xf32>
    %reduce_min3A_148 = vector.multi_reduction <minimumf>, %select_n3A_146, %reduce_min3A_147 [1] : vector<256x2048xf32> to vector<256xf32>
    %broadcast_in_dim3A_149 = vector.shape_cast %reduce_min3A_148 : vector<256xf32> to vector<256x1xf32>
    %le3A_150 = vector.broadcast %broadcast_in_dim3A_149 : vector<256x1xf32> to vector<256x2048xf32>
    %le3A_151 = arith.cmpf ole, %select_n3A_146, %le3A_150 : vector<256x2048xf32>
    %jit3A_152 = arith.constant 3.000000e+38 : f32
    %broadcast_in_dim3A_153 = vector.broadcast %jit3A_152 : f32 to vector<256x2048xf32>
    %select_n3A_154 = arith.select %le3A_151, %convert_element_type3A, %broadcast_in_dim3A_153 : vector<256x2048xi1>, vector<256x2048xf32>
    %reduce_min3A_155 = arith.constant dense<0x7F800000> : vector<256xf32>
    %reduce_min3A_156 = vector.multi_reduction <minimumf>, %select_n3A_154, %reduce_min3A_155 [1] : vector<256x2048xf32> to vector<256xf32>
    %broadcast_in_dim3A_157 = vector.shape_cast %reduce_min3A_156 : vector<256xf32> to vector<256x1xf32>
    %eq3A_158 = vector.broadcast %broadcast_in_dim3A_157 : vector<256x1xf32> to vector<256x2048xf32>
    %eq3A_159 = arith.cmpf oeq, %convert_element_type3A, %eq3A_158 : vector<256x2048xf32>
    %jit3A_160 = arith.constant 0x7F800000 : f32
    %broadcast_in_dim3A_161 = vector.broadcast %jit3A_160 : f32 to vector<256x2048xf32>
    %select_n3A_162 = arith.select %eq3A_159, %broadcast_in_dim3A_161, %select_n3A_146 : vector<256x2048xi1>, vector<256x2048xf32>
    %reduce_min3A_163 = arith.constant dense<0x7F800000> : vector<256xf32>
    %reduce_min3A_164 = vector.multi_reduction <minimumf>, %select_n3A_162, %reduce_min3A_163 [1] : vector<256x2048xf32> to vector<256xf32>
    %broadcast_in_dim3A_165 = vector.shape_cast %reduce_min3A_164 : vector<256xf32> to vector<256x1xf32>
    %le3A_166 = vector.broadcast %broadcast_in_dim3A_165 : vector<256x1xf32> to vector<256x2048xf32>
    %le3A_167 = arith.cmpf ole, %select_n3A_162, %le3A_166 : vector<256x2048xf32>
    %jit3A_168 = arith.constant 3.000000e+38 : f32
    %broadcast_in_dim3A_169 = vector.broadcast %jit3A_168 : f32 to vector<256x2048xf32>
    %select_n3A_170 = arith.select %le3A_167, %convert_element_type3A, %broadcast_in_dim3A_169 : vector<256x2048xi1>, vector<256x2048xf32>
    %reduce_min3A_171 = arith.constant dense<0x7F800000> : vector<256xf32>
    %reduce_min3A_172 = vector.multi_reduction <minimumf>, %select_n3A_170, %reduce_min3A_171 [1] : vector<256x2048xf32> to vector<256xf32>
    %broadcast_in_dim3A_173 = vector.shape_cast %reduce_min3A_172 : vector<256xf32> to vector<256x1xf32>
    %eq3A_174 = vector.broadcast %broadcast_in_dim3A_173 : vector<256x1xf32> to vector<256x2048xf32>
    %eq3A_175 = arith.cmpf oeq, %convert_element_type3A, %eq3A_174 : vector<256x2048xf32>
    %jit3A_176 = arith.constant 0x7F800000 : f32
    %broadcast_in_dim3A_177 = vector.broadcast %jit3A_176 : f32 to vector<256x2048xf32>
    %select_n3A_178 = arith.select %eq3A_175, %broadcast_in_dim3A_177, %select_n3A_162 : vector<256x2048xi1>, vector<256x2048xf32>
    %reduce_min3A_179 = arith.constant dense<0x7F800000> : vector<256xf32>
    %reduce_min3A_180 = vector.multi_reduction <minimumf>, %select_n3A_178, %reduce_min3A_179 [1] : vector<256x2048xf32> to vector<256xf32>
    %broadcast_in_dim3A_181 = vector.shape_cast %reduce_min3A_180 : vector<256xf32> to vector<256x1xf32>
    %le3A_182 = vector.broadcast %broadcast_in_dim3A_181 : vector<256x1xf32> to vector<256x2048xf32>
    %le3A_183 = arith.cmpf ole, %select_n3A_178, %le3A_182 : vector<256x2048xf32>
    %jit3A_184 = arith.constant 3.000000e+38 : f32
    %broadcast_in_dim3A_185 = vector.broadcast %jit3A_184 : f32 to vector<256x2048xf32>
    %select_n3A_186 = arith.select %le3A_183, %convert_element_type3A, %broadcast_in_dim3A_185 : vector<256x2048xi1>, vector<256x2048xf32>
    %reduce_min3A_187 = arith.constant dense<0x7F800000> : vector<256xf32>
    %reduce_min3A_188 = vector.multi_reduction <minimumf>, %select_n3A_186, %reduce_min3A_187 [1] : vector<256x2048xf32> to vector<256xf32>
    %broadcast_in_dim3A_189 = vector.shape_cast %reduce_min3A_188 : vector<256xf32> to vector<256x1xf32>
    %eq3A_190 = vector.broadcast %broadcast_in_dim3A_189 : vector<256x1xf32> to vector<256x2048xf32>
    %eq3A_191 = arith.cmpf oeq, %convert_element_type3A, %eq3A_190 : vector<256x2048xf32>
    %jit3A_192 = arith.constant 0x7F800000 : f32
    %broadcast_in_dim3A_193 = vector.broadcast %jit3A_192 : f32 to vector<256x2048xf32>
    %select_n3A_194 = arith.select %eq3A_191, %broadcast_in_dim3A_193, %select_n3A_178 : vector<256x2048xi1>, vector<256x2048xf32>
    %reduce_min3A_195 = arith.constant dense<0x7F800000> : vector<256xf32>
    %reduce_min3A_196 = vector.multi_reduction <minimumf>, %select_n3A_194, %reduce_min3A_195 [1] : vector<256x2048xf32> to vector<256xf32>
    %broadcast_in_dim3A_197 = vector.shape_cast %reduce_min3A_196 : vector<256xf32> to vector<256x1xf32>
    %le3A_198 = vector.broadcast %broadcast_in_dim3A_197 : vector<256x1xf32> to vector<256x2048xf32>
    %le3A_199 = arith.cmpf ole, %select_n3A_194, %le3A_198 : vector<256x2048xf32>
    %jit3A_200 = arith.constant 3.000000e+38 : f32
    %broadcast_in_dim3A_201 = vector.broadcast %jit3A_200 : f32 to vector<256x2048xf32>
    %select_n3A_202 = arith.select %le3A_199, %convert_element_type3A, %broadcast_in_dim3A_201 : vector<256x2048xi1>, vector<256x2048xf32>
    %reduce_min3A_203 = arith.constant dense<0x7F800000> : vector<256xf32>
    %reduce_min3A_204 = vector.multi_reduction <minimumf>, %select_n3A_202, %reduce_min3A_203 [1] : vector<256x2048xf32> to vector<256xf32>
    %broadcast_in_dim3A_205 = vector.shape_cast %reduce_min3A_204 : vector<256xf32> to vector<256x1xf32>
    %eq3A_206 = vector.broadcast %broadcast_in_dim3A_205 : vector<256x1xf32> to vector<256x2048xf32>
    %eq3A_207 = arith.cmpf oeq, %convert_element_type3A, %eq3A_206 : vector<256x2048xf32>
    %jit3A_208 = arith.constant 0x7F800000 : f32
    %broadcast_in_dim3A_209 = vector.broadcast %jit3A_208 : f32 to vector<256x2048xf32>
    %select_n3A_210 = arith.select %eq3A_207, %broadcast_in_dim3A_209, %select_n3A_194 : vector<256x2048xi1>, vector<256x2048xf32>
    %reduce_min3A_211 = arith.constant dense<0x7F800000> : vector<256xf32>
    %reduce_min3A_212 = vector.multi_reduction <minimumf>, %select_n3A_210, %reduce_min3A_211 [1] : vector<256x2048xf32> to vector<256xf32>
    %broadcast_in_dim3A_213 = vector.shape_cast %reduce_min3A_212 : vector<256xf32> to vector<256x1xf32>
    %le3A_214 = vector.broadcast %broadcast_in_dim3A_213 : vector<256x1xf32> to vector<256x2048xf32>
    %le3A_215 = arith.cmpf ole, %select_n3A_210, %le3A_214 : vector<256x2048xf32>
    %jit3A_216 = arith.constant 3.000000e+38 : f32
    %broadcast_in_dim3A_217 = vector.broadcast %jit3A_216 : f32 to vector<256x2048xf32>
    %select_n3A_218 = arith.select %le3A_215, %convert_element_type3A, %broadcast_in_dim3A_217 : vector<256x2048xi1>, vector<256x2048xf32>
    %reduce_min3A_219 = arith.constant dense<0x7F800000> : vector<256xf32>
    %reduce_min3A_220 = vector.multi_reduction <minimumf>, %select_n3A_218, %reduce_min3A_219 [1] : vector<256x2048xf32> to vector<256xf32>
    %broadcast_in_dim3A_221 = vector.shape_cast %reduce_min3A_220 : vector<256xf32> to vector<256x1xf32>
    %eq3A_222 = vector.broadcast %broadcast_in_dim3A_221 : vector<256x1xf32> to vector<256x2048xf32>
    %eq3A_223 = arith.cmpf oeq, %convert_element_type3A, %eq3A_222 : vector<256x2048xf32>
    %jit3A_224 = arith.constant 0x7F800000 : f32
    %broadcast_in_dim3A_225 = vector.broadcast %jit3A_224 : f32 to vector<256x2048xf32>
    %select_n3A_226 = arith.select %eq3A_223, %broadcast_in_dim3A_225, %select_n3A_210 : vector<256x2048xi1>, vector<256x2048xf32>
    %reduce_min3A_227 = arith.constant dense<0x7F800000> : vector<256xf32>
    %reduce_min3A_228 = vector.multi_reduction <minimumf>, %select_n3A_226, %reduce_min3A_227 [1] : vector<256x2048xf32> to vector<256xf32>
    %broadcast_in_dim3A_229 = vector.shape_cast %reduce_min3A_228 : vector<256xf32> to vector<256x1xf32>
    %le3A_230 = vector.broadcast %broadcast_in_dim3A_229 : vector<256x1xf32> to vector<256x2048xf32>
    %le3A_231 = arith.cmpf ole, %select_n3A_226, %le3A_230 : vector<256x2048xf32>
    %jit3A_232 = arith.constant 3.000000e+38 : f32
    %broadcast_in_dim3A_233 = vector.broadcast %jit3A_232 : f32 to vector<256x2048xf32>
    %select_n3A_234 = arith.select %le3A_231, %convert_element_type3A, %broadcast_in_dim3A_233 : vector<256x2048xi1>, vector<256x2048xf32>
    %reduce_min3A_235 = arith.constant dense<0x7F800000> : vector<256xf32>
    %reduce_min3A_236 = vector.multi_reduction <minimumf>, %select_n3A_234, %reduce_min3A_235 [1] : vector<256x2048xf32> to vector<256xf32>
    %broadcast_in_dim3A_237 = vector.shape_cast %reduce_min3A_236 : vector<256xf32> to vector<256x1xf32>
    %eq3A_238 = vector.broadcast %broadcast_in_dim3A_237 : vector<256x1xf32> to vector<256x2048xf32>
    %eq3A_239 = arith.cmpf oeq, %convert_element_type3A, %eq3A_238 : vector<256x2048xf32>
    %jit3A_240 = arith.constant 0x7F800000 : f32
    %broadcast_in_dim3A_241 = vector.broadcast %jit3A_240 : f32 to vector<256x2048xf32>
    %select_n3A_242 = arith.select %eq3A_239, %broadcast_in_dim3A_241, %select_n3A_226 : vector<256x2048xi1>, vector<256x2048xf32>
    %reduce_min3A_243 = arith.constant dense<0x7F800000> : vector<256xf32>
    %reduce_min3A_244 = vector.multi_reduction <minimumf>, %select_n3A_242, %reduce_min3A_243 [1] : vector<256x2048xf32> to vector<256xf32>
    %broadcast_in_dim3A_245 = vector.shape_cast %reduce_min3A_244 : vector<256xf32> to vector<256x1xf32>
    %le3A_246 = vector.broadcast %broadcast_in_dim3A_245 : vector<256x1xf32> to vector<256x2048xf32>
    %le3A_247 = arith.cmpf ole, %select_n3A_242, %le3A_246 : vector<256x2048xf32>
    %jit3A_248 = arith.constant 3.000000e+38 : f32
    %broadcast_in_dim3A_249 = vector.broadcast %jit3A_248 : f32 to vector<256x2048xf32>
    %select_n3A_250 = arith.select %le3A_247, %convert_element_type3A, %broadcast_in_dim3A_249 : vector<256x2048xi1>, vector<256x2048xf32>
    %reduce_min3A_251 = arith.constant dense<0x7F800000> : vector<256xf32>
    %reduce_min3A_252 = vector.multi_reduction <minimumf>, %select_n3A_250, %reduce_min3A_251 [1] : vector<256x2048xf32> to vector<256xf32>
    %broadcast_in_dim3A_253 = vector.shape_cast %reduce_min3A_252 : vector<256xf32> to vector<256x1xf32>
    %eq3A_254 = vector.broadcast %broadcast_in_dim3A_253 : vector<256x1xf32> to vector<256x2048xf32>
    %eq3A_255 = arith.cmpf oeq, %convert_element_type3A, %eq3A_254 : vector<256x2048xf32>
    %jit3A_256 = arith.constant 0x7F800000 : f32
    %broadcast_in_dim3A_257 = vector.broadcast %jit3A_256 : f32 to vector<256x2048xf32>
    %select_n3A_258 = arith.select %eq3A_255, %broadcast_in_dim3A_257, %select_n3A_242 : vector<256x2048xi1>, vector<256x2048xf32>
    %reduce_min3A_259 = arith.constant dense<0x7F800000> : vector<256xf32>
    %reduce_min3A_260 = vector.multi_reduction <minimumf>, %select_n3A_258, %reduce_min3A_259 [1] : vector<256x2048xf32> to vector<256xf32>
    %broadcast_in_dim3A_261 = vector.shape_cast %reduce_min3A_260 : vector<256xf32> to vector<256x1xf32>
    %le3A_262 = vector.broadcast %broadcast_in_dim3A_261 : vector<256x1xf32> to vector<256x2048xf32>
    %le3A_263 = arith.cmpf ole, %select_n3A_258, %le3A_262 : vector<256x2048xf32>
    %jit3A_264 = arith.constant 3.000000e+38 : f32
    %broadcast_in_dim3A_265 = vector.broadcast %jit3A_264 : f32 to vector<256x2048xf32>
    %select_n3A_266 = arith.select %le3A_263, %convert_element_type3A, %broadcast_in_dim3A_265 : vector<256x2048xi1>, vector<256x2048xf32>
    %reduce_min3A_267 = arith.constant dense<0x7F800000> : vector<256xf32>
    %reduce_min3A_268 = vector.multi_reduction <minimumf>, %select_n3A_266, %reduce_min3A_267 [1] : vector<256x2048xf32> to vector<256xf32>
    %broadcast_in_dim3A_269 = vector.shape_cast %reduce_min3A_268 : vector<256xf32> to vector<256x1xf32>
    %concatenate3A = tpu.concatenate %broadcast_in_dim3A_30, %broadcast_in_dim3A_45, %broadcast_in_dim3A_61, %broadcast_in_dim3A_77, %broadcast_in_dim3A_93, %broadcast_in_dim3A_109, %broadcast_in_dim3A_125, %broadcast_in_dim3A_141, %broadcast_in_dim3A_157, %broadcast_in_dim3A_173, %broadcast_in_dim3A_189, %broadcast_in_dim3A_205, %broadcast_in_dim3A_221, %broadcast_in_dim3A_237, %broadcast_in_dim3A_253, %broadcast_in_dim3A_269 in 1 : vector<256x1xf32>, vector<256x1xf32>, vector<256x1xf32>, vector<256x1xf32>, vector<256x1xf32>, vector<256x1xf32>, vector<256x1xf32>, vector<256x1xf32>, vector<256x1xf32>, vector<256x1xf32>, vector<256x1xf32>, vector<256x1xf32>, vector<256x1xf32>, vector<256x1xf32>, vector<256x1xf32>, vector<256x1xf32> -> vector<256x16xf32>
    %convert_element_type3A_270 = arith.fptosi %concatenate3A : vector<256x16xf32> to vector<256x16xi32>
    %add3A_271 = arith.constant 0 : i32
    %add3A_272 = vector.broadcast %add3A_271 : i32 to vector<256x16xi32>
    %add3A_273 = arith.addi %convert_element_type3A_270, %add3A_272 : vector<256x16xi32>
    %swap3A = arith.constant 0 : index
    %swap3A_274 = arith.constant 0 : index
    %swap3A_275 = vector.load %arg3[%swap3A, %swap3A_274] : memref<256x16xi32, #tpu.memory_space<vmem>>, vector<256x16xi32>
    tpu.vector_store %arg3[%swap3A, %swap3A_274], %add3A_273 {strides = array<i32>} : memref<256x16xi32, #tpu.memory_space<vmem>>, vector<256x16xi32>,
    return
  }
  func.func @transform_0(%arg0: i32) -> (i32, i32, i32) {
    %c0_i32 = arith.constant 0 : i32
    %c0_i32_0 = arith.constant 0 : i32
    %c0_i32_1 = arith.constant 0 : i32
    return %c0_i32, %arg0, %c0_i32_0 : i32, i32, i32
  }
  func.func @transform_1(%arg0: i32) -> (i32, i32, i32) {
    %c0_i32 = arith.constant 0 : i32
    %c0_i32_0 = arith.constant 0 : i32
    %c0_i32_1 = arith.constant 0 : i32
    %c0_i32_2 = arith.constant 0 : i32
    return %c0_i32, %c0_i32_0, %c0_i32_1 : i32, i32, i32
  }
  func.func @transform_2(%arg0: i32) -> (i32, i32) {
    %c0_i32 = arith.constant 0 : i32
    %c0_i32_0 = arith.constant 0 : i32
    return %arg0, %c0_i32 : i32, i32
  }
}

module attributes {stable_mosaic.version = 14 : i64} {
  func.func @_proj_body(%arg0: i32, %arg1: memref<512x256xf32, #tpu.memory_space<vmem>>, %arg2: memref<512x128xf32, #tpu.memory_space<vmem>>, %arg3: memref<256x256xbf16, #tpu.memory_space<vmem>>, %arg4: memref<1x256xf32, #tpu.memory_space<vmem>>, %arg5: memref<256x256xbf16, #tpu.memory_space<vmem>>, %arg6: memref<256x256xbf16, #tpu.memory_space<vmem>>, %arg7: memref<256x256xbf16, #tpu.memory_space<vmem>>, %arg8: memref<512x256xf32, #tpu.memory_space<vmem>>, %arg9: memref<512x384xf32, #tpu.memory_space<vmem>>) attributes {dimension_semantics = [#tpu.dimension_semantics<arbitrary>], iteration_bounds = array<i64: 16>, scalar_prefetch = 0 : i64, scratch_operands = 0 : i64, tpu.core_type = #tpu.core_type<tc>, window_params = [{transform_indices = @transform_0, window_bounds = array<i64: 512, 256>}, {transform_indices = @transform_1, window_bounds = array<i64: 512, 128>}, {pipeline_mode = #tpu.pipeline_mode<synchronous>, transform_indices = @transform_2, window_bounds = array<i64: 256, 256>}, {pipeline_mode = #tpu.pipeline_mode<synchronous>, transform_indices = @transform_3, window_bounds = array<i64: 1, 256>}, {pipeline_mode = #tpu.pipeline_mode<synchronous>, transform_indices = @transform_4, window_bounds = array<i64: 256, 256>}, {pipeline_mode = #tpu.pipeline_mode<synchronous>, transform_indices = @transform_5, window_bounds = array<i64: 256, 256>}, {pipeline_mode = #tpu.pipeline_mode<synchronous>, transform_indices = @transform_6, window_bounds = array<i64: 256, 256>}, {transform_indices = @transform_7, window_bounds = array<i64: 512, 256>}, {transform_indices = @transform_8, window_bounds = array<i64: 512, 384>}]} {
    %get3A = arith.constant 0 : index
    %get3A_0 = arith.constant 0 : index
    %get3A_1 = vector.load %arg1[%get3A, %get3A_0] : memref<512x256xf32, #tpu.memory_space<vmem>>, vector<512x256xf32>
    %convert_element_type3A = arith.truncf %get3A_1 : vector<512x256xf32> to vector<512x256xbf16>
    %get3A_2 = arith.constant 0 : index
    %get3A_3 = arith.constant 0 : index
    %get3A_4 = vector.load %arg3[%get3A_2, %get3A_3] : memref<256x256xbf16, #tpu.memory_space<vmem>>, vector<256x256xbf16>
    %dot_general3A = arith.constant dense<0.000000e+00> : vector<512x256xf32>
    %dot_general3A_5 = tpu.matmul %convert_element_type3A, %get3A_4, %dot_general3A {dimension_numbers = #tpu.dot_dimension_numbers<[1], [0], [0], [1], [0, 0, 1, 1], [], []>, transpose_lhs_hint = false} : vector<512x256xbf16>, vector<256x256xbf16>, vector<512x256xf32> -> vector<512x256xf32>
    %get3A_6 = arith.constant 0 : index
    %get3A_7 = arith.constant 0 : index
    %get3A_8 = vector.load %arg4[%get3A_6, %get3A_7] : memref<1x256xf32, #tpu.memory_space<vmem>>, vector<1x256xf32>
    %add3A = vector.broadcast %get3A_8 : vector<1x256xf32> to vector<512x256xf32>
    %add3A_9 = arith.addf %dot_general3A_5, %add3A : vector<512x256xf32>
    %convert_element_type3A_10 = arith.truncf %add3A_9 : vector<512x256xf32> to vector<512x256xbf16>
    %get3A_11 = arith.constant 0 : index
    %get3A_12 = arith.constant 0 : index
    %get3A_13 = vector.load %arg5[%get3A_11, %get3A_12] : memref<256x256xbf16, #tpu.memory_space<vmem>>, vector<256x256xbf16>
    %dot_general3A_14 = arith.constant dense<0.000000e+00> : vector<512x256xf32>
    %dot_general3A_15 = tpu.matmul %convert_element_type3A_10, %get3A_13, %dot_general3A_14 {dimension_numbers = #tpu.dot_dimension_numbers<[1], [0], [0], [1], [0, 0, 1, 1], [], []>, transpose_lhs_hint = false} : vector<512x256xbf16>, vector<256x256xbf16>, vector<512x256xf32> -> vector<512x256xf32>
    %swap3A = arith.constant 0 : index
    %swap3A_16 = arith.constant 0 : index
    %swap3A_17 = vector.load %arg8[%swap3A, %swap3A_16] : memref<512x256xf32, #tpu.memory_space<vmem>>, vector<512x256xf32>
    tpu.vector_store %arg8[%swap3A, %swap3A_16], %dot_general3A_15 {strides = array<i32>} : memref<512x256xf32, #tpu.memory_space<vmem>>, vector<512x256xf32>,
    %get3A_18 = arith.constant 0 : index
    %get3A_19 = arith.constant 0 : index
    %get3A_20 = vector.load %arg6[%get3A_18, %get3A_19] : memref<256x256xbf16, #tpu.memory_space<vmem>>, vector<256x256xbf16>
    %dot_general3A_21 = arith.constant dense<0.000000e+00> : vector<512x256xf32>
    %dot_general3A_22 = tpu.matmul %convert_element_type3A_10, %get3A_20, %dot_general3A_21 {dimension_numbers = #tpu.dot_dimension_numbers<[1], [0], [0], [1], [0, 0, 1, 1], [], []>, transpose_lhs_hint = false} : vector<512x256xbf16>, vector<256x256xbf16>, vector<512x256xf32> -> vector<512x256xf32>
    %convert_element_type3A_23 = arith.truncf %dot_general3A_22 : vector<512x256xf32> to vector<512x256xbf16>
    %convert_element_type3A_24 = arith.extf %convert_element_type3A_23 : vector<512x256xbf16> to vector<512x256xf32>
    %get3A_25 = arith.constant 0 : index
    %get3A_26 = arith.constant 0 : index
    %get3A_27 = vector.load %arg7[%get3A_25, %get3A_26] : memref<256x256xbf16, #tpu.memory_space<vmem>>, vector<256x256xbf16>
    %dot_general3A_28 = arith.constant dense<0.000000e+00> : vector<512x256xf32>
    %dot_general3A_29 = tpu.matmul %convert_element_type3A_10, %get3A_27, %dot_general3A_28 {dimension_numbers = #tpu.dot_dimension_numbers<[1], [0], [0], [1], [0, 0, 1, 1], [], []>, transpose_lhs_hint = false} : vector<512x256xbf16>, vector<256x256xbf16>, vector<512x256xf32> -> vector<512x256xf32>
    %convert_element_type3A_30 = arith.truncf %dot_general3A_29 : vector<512x256xf32> to vector<512x256xbf16>
    %convert_element_type3A_31 = arith.extf %convert_element_type3A_30 : vector<512x256xbf16> to vector<512x256xf32>
    %bitcast_convert_type3A = tpu.bitcast %convert_element_type3A_24 : vector<512x256xf32> -> vector<512x256xi32>
    %bitcast_convert_type3A_32 = tpu.bitcast %convert_element_type3A_31 : vector<512x256xf32> -> vector<512x256xi32>
    %shift_right_logical3A = arith.constant 16 : i32
    %shift_right_logical3A_33 = vector.broadcast %shift_right_logical3A : i32 to vector<512x256xi32>
    %shift_right_logical3A_34 = arith.shrui %bitcast_convert_type3A, %shift_right_logical3A_33 : vector<512x256xi32>
    %and3A = arith.constant -65536 : i32
    %and3A_35 = vector.broadcast %and3A : i32 to vector<512x256xi32>
    %and3A_36 = arith.andi %bitcast_convert_type3A_32, %and3A_35 : vector<512x256xi32>
    %or3A = arith.ori %shift_right_logical3A_34, %and3A_36 : vector<512x256xi32>
    %bitcast_convert_type3A_37 = tpu.bitcast %or3A : vector<512x256xi32> -> vector<512x256xf32>
    %swap3A_38 = arith.constant 0 : index
    %swap3A_39 = arith.constant 0 : index
    %swap3A_40 = vector.load %arg9[%swap3A_38, %swap3A_39] : memref<512x384xf32, #tpu.memory_space<vmem>>, vector<512x256xf32>
    tpu.vector_store %arg9[%swap3A_38, %swap3A_39], %bitcast_convert_type3A_37 {strides = array<i32>} : memref<512x384xf32, #tpu.memory_space<vmem>>, vector<512x256xf32>,
    %get3A_41 = arith.constant 0 : index
    %get3A_42 = arith.constant 0 : index
    %get3A_43 = vector.load %arg2[%get3A_41, %get3A_42] : memref<512x128xf32, #tpu.memory_space<vmem>>, vector<512x128xf32>
    %swap3A_44 = arith.constant 0 : index
    %swap3A_45 = arith.constant 256 : index
    %swap3A_46 = vector.load %arg9[%swap3A_44, %swap3A_45] : memref<512x384xf32, #tpu.memory_space<vmem>>, vector<512x128xf32>
    tpu.vector_store %arg9[%swap3A_44, %swap3A_45], %get3A_43 {strides = array<i32>} : memref<512x384xf32, #tpu.memory_space<vmem>>, vector<512x128xf32>,
    return
  }
  func.func @transform_0(%arg0: i32) -> (i32, i32) {
    %c0_i32 = arith.constant 0 : i32
    %c0_i32_0 = arith.constant 0 : i32
    return %arg0, %c0_i32 : i32, i32
  }
  func.func @transform_1(%arg0: i32) -> (i32, i32) {
    %c0_i32 = arith.constant 0 : i32
    %c0_i32_0 = arith.constant 0 : i32
    return %arg0, %c0_i32 : i32, i32
  }
  func.func @transform_2(%arg0: i32) -> (i32, i32) {
    %c0_i32 = arith.constant 0 : i32
    %c0_i32_0 = arith.constant 0 : i32
    %c0_i32_1 = arith.constant 0 : i32
    return %c0_i32, %c0_i32_0 : i32, i32
  }
  func.func @transform_3(%arg0: i32) -> (i32, i32) {
    %c0_i32 = arith.constant 0 : i32
    %c0_i32_0 = arith.constant 0 : i32
    %c0_i32_1 = arith.constant 0 : i32
    return %c0_i32, %c0_i32_0 : i32, i32
  }
  func.func @transform_4(%arg0: i32) -> (i32, i32) {
    %c0_i32 = arith.constant 0 : i32
    %c0_i32_0 = arith.constant 0 : i32
    %c0_i32_1 = arith.constant 0 : i32
    return %c0_i32, %c0_i32_0 : i32, i32
  }
  func.func @transform_5(%arg0: i32) -> (i32, i32) {
    %c0_i32 = arith.constant 0 : i32
    %c0_i32_0 = arith.constant 0 : i32
    %c0_i32_1 = arith.constant 0 : i32
    return %c0_i32, %c0_i32_0 : i32, i32
  }
  func.func @transform_6(%arg0: i32) -> (i32, i32) {
    %c0_i32 = arith.constant 0 : i32
    %c0_i32_0 = arith.constant 0 : i32
    %c0_i32_1 = arith.constant 0 : i32
    return %c0_i32, %c0_i32_0 : i32, i32
  }
  func.func @transform_7(%arg0: i32) -> (i32, i32) {
    %c0_i32 = arith.constant 0 : i32
    %c0_i32_0 = arith.constant 0 : i32
    return %arg0, %c0_i32 : i32, i32
  }
  func.func @transform_8(%arg0: i32) -> (i32, i32) {
    %c0_i32 = arith.constant 0 : i32
    %c0_i32_0 = arith.constant 0 : i32
    return %arg0, %c0_i32 : i32, i32
  }
}

module attributes {stable_mosaic.version = 14 : i64} {
  func.func @_knn_body(%arg0: i32, %arg1: memref<1x256x3xf32, #tpu.memory_space<vmem>>, %arg2: memref<1x3x2048xf32, #tpu.memory_space<vmem>>, %arg3: memref<256x16xi32, #tpu.memory_space<vmem>>) attributes {dimension_semantics = [#tpu.dimension_semantics<arbitrary>], iteration_bounds = array<i64: 8>, scalar_prefetch = 0 : i64, scratch_operands = 0 : i64, tpu.core_type = #tpu.core_type<tc>, window_params = [{transform_indices = @transform_0, window_bounds = array<i64: 1, 256, 3>}, {transform_indices = @transform_1, window_bounds = array<i64: 1, 3, 2048>}, {transform_indices = @transform_2, window_bounds = array<i64: 256, 16>}]} {
    %get3A = arith.constant 0 : index
    %get3A_0 = arith.constant 0 : index
    %get3A_1 = arith.constant 0 : index
    %get3A_2 = vector.load %arg1[%get3A, %get3A_0, %get3A_1] : memref<1x256x3xf32, #tpu.memory_space<vmem>>, vector<1x256x3xf32>
    %get3A_3 = vector.shape_cast %get3A_2 : vector<1x256x3xf32> to vector<256x3xf32>
    %get3A_4 = arith.constant 0 : index
    %get3A_5 = arith.constant 0 : index
    %get3A_6 = arith.constant 0 : index
    %get3A_7 = vector.load %arg2[%get3A_4, %get3A_5, %get3A_6] : memref<1x3x2048xf32, #tpu.memory_space<vmem>>, vector<1x3x2048xf32>
    %get3A_8 = vector.shape_cast %get3A_7 : vector<1x3x2048xf32> to vector<3x2048xf32>
    %slice3A = vector.extract_strided_slice %get3A_3 {offsets = [0, 0], sizes = [256, 1], strides = [1, 1]} : vector<256x3xf32> to vector<256x1xf32>
    %slice3A_9 = vector.extract_strided_slice %get3A_8 {offsets = [0, 0], sizes = [1, 2048], strides = [1, 1]} : vector<3x2048xf32> to vector<1x2048xf32>
    %sub3A = vector.broadcast %slice3A : vector<256x1xf32> to vector<256x2048xf32>
    %sub3A_10 = vector.broadcast %slice3A_9 : vector<1x2048xf32> to vector<256x2048xf32>
    %sub3A_11 = arith.subf %sub3A, %sub3A_10 : vector<256x2048xf32>
    %slice3A_12 = vector.extract_strided_slice %get3A_3 {offsets = [0, 1], sizes = [256, 1], strides = [1, 1]} : vector<256x3xf32> to vector<256x1xf32>
    %slice3A_13 = vector.extract_strided_slice %get3A_8 {offsets = [1, 0], sizes = [1, 2048], strides = [1, 1]} : vector<3x2048xf32> to vector<1x2048xf32>
    %sub3A_14 = vector.broadcast %slice3A_12 : vector<256x1xf32> to vector<256x2048xf32>
    %sub3A_15 = vector.broadcast %slice3A_13 : vector<1x2048xf32> to vector<256x2048xf32>
    %sub3A_16 = arith.subf %sub3A_14, %sub3A_15 : vector<256x2048xf32>
    %slice3A_17 = vector.extract_strided_slice %get3A_3 {offsets = [0, 2], sizes = [256, 1], strides = [1, 1]} : vector<256x3xf32> to vector<256x1xf32>
    %slice3A_18 = vector.extract_strided_slice %get3A_8 {offsets = [2, 0], sizes = [1, 2048], strides = [1, 1]} : vector<3x2048xf32> to vector<1x2048xf32>
    %sub3A_19 = vector.broadcast %slice3A_17 : vector<256x1xf32> to vector<256x2048xf32>
    %sub3A_20 = vector.broadcast %slice3A_18 : vector<1x2048xf32> to vector<256x2048xf32>
    %sub3A_21 = arith.subf %sub3A_19, %sub3A_20 : vector<256x2048xf32>
    %mul3A = arith.mulf %sub3A_11, %sub3A_11 : vector<256x2048xf32>
    %mul3A_22 = arith.mulf %sub3A_16, %sub3A_16 : vector<256x2048xf32>
    %add3A = arith.addf %mul3A, %mul3A_22 : vector<256x2048xf32>
    %mul3A_23 = arith.mulf %sub3A_21, %sub3A_21 : vector<256x2048xf32>
    %add3A_24 = arith.addf %add3A, %mul3A_23 : vector<256x2048xf32>
    %iota3A = tpu.iota {dimensions = array<i32: 1>} : vector<256x2048xi32>
    %convert_element_type3A = arith.sitofp %iota3A : vector<256x2048xi32> to vector<256x2048xf32>
    %reduce_min3A = arith.constant dense<0x7F800000> : vector<256xf32>
    %reduce_min3A_25 = vector.multi_reduction <minimumf>, %add3A_24, %reduce_min3A [1] : vector<256x2048xf32> to vector<256xf32>
    %broadcast_in_dim3A = vector.shape_cast %reduce_min3A_25 : vector<256xf32> to vector<256x1xf32>
    %le3A = vector.broadcast %broadcast_in_dim3A : vector<256x1xf32> to vector<256x2048xf32>
    %le3A_26 = arith.cmpf ole, %add3A_24, %le3A : vector<256x2048xf32>
    %jit3A = arith.constant 3.000000e+38 : f32
    %broadcast_in_dim3A_27 = vector.broadcast %jit3A : f32 to vector<256x2048xf32>
    %select_n3A = arith.select %le3A_26, %convert_element_type3A, %broadcast_in_dim3A_27 : vector<256x2048xi1>, vector<256x2048xf32>
    %reduce_min3A_28 = arith.constant dense<0x7F800000> : vector<256xf32>
    %reduce_min3A_29 = vector.multi_reduction <minimumf>, %select_n3A, %reduce_min3A_28 [1] : vector<256x2048xf32> to vector<256xf32>
    %broadcast_in_dim3A_30 = vector.shape_cast %reduce_min3A_29 : vector<256xf32> to vector<256x1xf32>
    %eq3A = vector.broadcast %broadcast_in_dim3A_30 : vector<256x1xf32> to vector<256x2048xf32>
    %eq3A_31 = arith.cmpf oeq, %convert_element_type3A, %eq3A : vector<256x2048xf32>
    %jit3A_32 = arith.constant 0x7F800000 : f32
    %broadcast_in_dim3A_33 = vector.broadcast %jit3A_32 : f32 to vector<256x2048xf32>
    %select_n3A_34 = arith.select %eq3A_31, %broadcast_in_dim3A_33, %add3A_24 : vector<256x2048xi1>, vector<256x2048xf32>
    %reduce_min3A_35 = arith.constant dense<0x7F800000> : vector<256xf32>
    %reduce_min3A_36 = vector.multi_reduction <minimumf>, %select_n3A_34, %reduce_min3A_35 [1] : vector<256x2048xf32> to vector<256xf32>
    %broadcast_in_dim3A_37 = vector.shape_cast %reduce_min3A_36 : vector<256xf32> to vector<256x1xf32>
    %le3A_38 = vector.broadcast %broadcast_in_dim3A_37 : vector<256x1xf32> to vector<256x2048xf32>
    %le3A_39 = arith.cmpf ole, %select_n3A_34, %le3A_38 : vector<256x2048xf32>
    %jit3A_40 = arith.constant 3.000000e+38 : f32
    %broadcast_in_dim3A_41 = vector.broadcast %jit3A_40 : f32 to vector<256x2048xf32>
    %select_n3A_42 = arith.select %le3A_39, %convert_element_type3A, %broadcast_in_dim3A_41 : vector<256x2048xi1>, vector<256x2048xf32>
    %reduce_min3A_43 = arith.constant dense<0x7F800000> : vector<256xf32>
    %reduce_min3A_44 = vector.multi_reduction <minimumf>, %select_n3A_42, %reduce_min3A_43 [1] : vector<256x2048xf32> to vector<256xf32>
    %broadcast_in_dim3A_45 = vector.shape_cast %reduce_min3A_44 : vector<256xf32> to vector<256x1xf32>
    %eq3A_46 = vector.broadcast %broadcast_in_dim3A_45 : vector<256x1xf32> to vector<256x2048xf32>
    %eq3A_47 = arith.cmpf oeq, %convert_element_type3A, %eq3A_46 : vector<256x2048xf32>
    %jit3A_48 = arith.constant 0x7F800000 : f32
    %broadcast_in_dim3A_49 = vector.broadcast %jit3A_48 : f32 to vector<256x2048xf32>
    %select_n3A_50 = arith.select %eq3A_47, %broadcast_in_dim3A_49, %select_n3A_34 : vector<256x2048xi1>, vector<256x2048xf32>
    %reduce_min3A_51 = arith.constant dense<0x7F800000> : vector<256xf32>
    %reduce_min3A_52 = vector.multi_reduction <minimumf>, %select_n3A_50, %reduce_min3A_51 [1] : vector<256x2048xf32> to vector<256xf32>
    %broadcast_in_dim3A_53 = vector.shape_cast %reduce_min3A_52 : vector<256xf32> to vector<256x1xf32>
    %le3A_54 = vector.broadcast %broadcast_in_dim3A_53 : vector<256x1xf32> to vector<256x2048xf32>
    %le3A_55 = arith.cmpf ole, %select_n3A_50, %le3A_54 : vector<256x2048xf32>
    %jit3A_56 = arith.constant 3.000000e+38 : f32
    %broadcast_in_dim3A_57 = vector.broadcast %jit3A_56 : f32 to vector<256x2048xf32>
    %select_n3A_58 = arith.select %le3A_55, %convert_element_type3A, %broadcast_in_dim3A_57 : vector<256x2048xi1>, vector<256x2048xf32>
    %reduce_min3A_59 = arith.constant dense<0x7F800000> : vector<256xf32>
    %reduce_min3A_60 = vector.multi_reduction <minimumf>, %select_n3A_58, %reduce_min3A_59 [1] : vector<256x2048xf32> to vector<256xf32>
    %broadcast_in_dim3A_61 = vector.shape_cast %reduce_min3A_60 : vector<256xf32> to vector<256x1xf32>
    %eq3A_62 = vector.broadcast %broadcast_in_dim3A_61 : vector<256x1xf32> to vector<256x2048xf32>
    %eq3A_63 = arith.cmpf oeq, %convert_element_type3A, %eq3A_62 : vector<256x2048xf32>
    %jit3A_64 = arith.constant 0x7F800000 : f32
    %broadcast_in_dim3A_65 = vector.broadcast %jit3A_64 : f32 to vector<256x2048xf32>
    %select_n3A_66 = arith.select %eq3A_63, %broadcast_in_dim3A_65, %select_n3A_50 : vector<256x2048xi1>, vector<256x2048xf32>
    %reduce_min3A_67 = arith.constant dense<0x7F800000> : vector<256xf32>
    %reduce_min3A_68 = vector.multi_reduction <minimumf>, %select_n3A_66, %reduce_min3A_67 [1] : vector<256x2048xf32> to vector<256xf32>
    %broadcast_in_dim3A_69 = vector.shape_cast %reduce_min3A_68 : vector<256xf32> to vector<256x1xf32>
    %le3A_70 = vector.broadcast %broadcast_in_dim3A_69 : vector<256x1xf32> to vector<256x2048xf32>
    %le3A_71 = arith.cmpf ole, %select_n3A_66, %le3A_70 : vector<256x2048xf32>
    %jit3A_72 = arith.constant 3.000000e+38 : f32
    %broadcast_in_dim3A_73 = vector.broadcast %jit3A_72 : f32 to vector<256x2048xf32>
    %select_n3A_74 = arith.select %le3A_71, %convert_element_type3A, %broadcast_in_dim3A_73 : vector<256x2048xi1>, vector<256x2048xf32>
    %reduce_min3A_75 = arith.constant dense<0x7F800000> : vector<256xf32>
    %reduce_min3A_76 = vector.multi_reduction <minimumf>, %select_n3A_74, %reduce_min3A_75 [1] : vector<256x2048xf32> to vector<256xf32>
    %broadcast_in_dim3A_77 = vector.shape_cast %reduce_min3A_76 : vector<256xf32> to vector<256x1xf32>
    %eq3A_78 = vector.broadcast %broadcast_in_dim3A_77 : vector<256x1xf32> to vector<256x2048xf32>
    %eq3A_79 = arith.cmpf oeq, %convert_element_type3A, %eq3A_78 : vector<256x2048xf32>
    %jit3A_80 = arith.constant 0x7F800000 : f32
    %broadcast_in_dim3A_81 = vector.broadcast %jit3A_80 : f32 to vector<256x2048xf32>
    %select_n3A_82 = arith.select %eq3A_79, %broadcast_in_dim3A_81, %select_n3A_66 : vector<256x2048xi1>, vector<256x2048xf32>
    %reduce_min3A_83 = arith.constant dense<0x7F800000> : vector<256xf32>
    %reduce_min3A_84 = vector.multi_reduction <minimumf>, %select_n3A_82, %reduce_min3A_83 [1] : vector<256x2048xf32> to vector<256xf32>
    %broadcast_in_dim3A_85 = vector.shape_cast %reduce_min3A_84 : vector<256xf32> to vector<256x1xf32>
    %le3A_86 = vector.broadcast %broadcast_in_dim3A_85 : vector<256x1xf32> to vector<256x2048xf32>
    %le3A_87 = arith.cmpf ole, %select_n3A_82, %le3A_86 : vector<256x2048xf32>
    %jit3A_88 = arith.constant 3.000000e+38 : f32
    %broadcast_in_dim3A_89 = vector.broadcast %jit3A_88 : f32 to vector<256x2048xf32>
    %select_n3A_90 = arith.select %le3A_87, %convert_element_type3A, %broadcast_in_dim3A_89 : vector<256x2048xi1>, vector<256x2048xf32>
    %reduce_min3A_91 = arith.constant dense<0x7F800000> : vector<256xf32>
    %reduce_min3A_92 = vector.multi_reduction <minimumf>, %select_n3A_90, %reduce_min3A_91 [1] : vector<256x2048xf32> to vector<256xf32>
    %broadcast_in_dim3A_93 = vector.shape_cast %reduce_min3A_92 : vector<256xf32> to vector<256x1xf32>
    %eq3A_94 = vector.broadcast %broadcast_in_dim3A_93 : vector<256x1xf32> to vector<256x2048xf32>
    %eq3A_95 = arith.cmpf oeq, %convert_element_type3A, %eq3A_94 : vector<256x2048xf32>
    %jit3A_96 = arith.constant 0x7F800000 : f32
    %broadcast_in_dim3A_97 = vector.broadcast %jit3A_96 : f32 to vector<256x2048xf32>
    %select_n3A_98 = arith.select %eq3A_95, %broadcast_in_dim3A_97, %select_n3A_82 : vector<256x2048xi1>, vector<256x2048xf32>
    %reduce_min3A_99 = arith.constant dense<0x7F800000> : vector<256xf32>
    %reduce_min3A_100 = vector.multi_reduction <minimumf>, %select_n3A_98, %reduce_min3A_99 [1] : vector<256x2048xf32> to vector<256xf32>
    %broadcast_in_dim3A_101 = vector.shape_cast %reduce_min3A_100 : vector<256xf32> to vector<256x1xf32>
    %le3A_102 = vector.broadcast %broadcast_in_dim3A_101 : vector<256x1xf32> to vector<256x2048xf32>
    %le3A_103 = arith.cmpf ole, %select_n3A_98, %le3A_102 : vector<256x2048xf32>
    %jit3A_104 = arith.constant 3.000000e+38 : f32
    %broadcast_in_dim3A_105 = vector.broadcast %jit3A_104 : f32 to vector<256x2048xf32>
    %select_n3A_106 = arith.select %le3A_103, %convert_element_type3A, %broadcast_in_dim3A_105 : vector<256x2048xi1>, vector<256x2048xf32>
    %reduce_min3A_107 = arith.constant dense<0x7F800000> : vector<256xf32>
    %reduce_min3A_108 = vector.multi_reduction <minimumf>, %select_n3A_106, %reduce_min3A_107 [1] : vector<256x2048xf32> to vector<256xf32>
    %broadcast_in_dim3A_109 = vector.shape_cast %reduce_min3A_108 : vector<256xf32> to vector<256x1xf32>
    %eq3A_110 = vector.broadcast %broadcast_in_dim3A_109 : vector<256x1xf32> to vector<256x2048xf32>
    %eq3A_111 = arith.cmpf oeq, %convert_element_type3A, %eq3A_110 : vector<256x2048xf32>
    %jit3A_112 = arith.constant 0x7F800000 : f32
    %broadcast_in_dim3A_113 = vector.broadcast %jit3A_112 : f32 to vector<256x2048xf32>
    %select_n3A_114 = arith.select %eq3A_111, %broadcast_in_dim3A_113, %select_n3A_98 : vector<256x2048xi1>, vector<256x2048xf32>
    %reduce_min3A_115 = arith.constant dense<0x7F800000> : vector<256xf32>
    %reduce_min3A_116 = vector.multi_reduction <minimumf>, %select_n3A_114, %reduce_min3A_115 [1] : vector<256x2048xf32> to vector<256xf32>
    %broadcast_in_dim3A_117 = vector.shape_cast %reduce_min3A_116 : vector<256xf32> to vector<256x1xf32>
    %le3A_118 = vector.broadcast %broadcast_in_dim3A_117 : vector<256x1xf32> to vector<256x2048xf32>
    %le3A_119 = arith.cmpf ole, %select_n3A_114, %le3A_118 : vector<256x2048xf32>
    %jit3A_120 = arith.constant 3.000000e+38 : f32
    %broadcast_in_dim3A_121 = vector.broadcast %jit3A_120 : f32 to vector<256x2048xf32>
    %select_n3A_122 = arith.select %le3A_119, %convert_element_type3A, %broadcast_in_dim3A_121 : vector<256x2048xi1>, vector<256x2048xf32>
    %reduce_min3A_123 = arith.constant dense<0x7F800000> : vector<256xf32>
    %reduce_min3A_124 = vector.multi_reduction <minimumf>, %select_n3A_122, %reduce_min3A_123 [1] : vector<256x2048xf32> to vector<256xf32>
    %broadcast_in_dim3A_125 = vector.shape_cast %reduce_min3A_124 : vector<256xf32> to vector<256x1xf32>
    %eq3A_126 = vector.broadcast %broadcast_in_dim3A_125 : vector<256x1xf32> to vector<256x2048xf32>
    %eq3A_127 = arith.cmpf oeq, %convert_element_type3A, %eq3A_126 : vector<256x2048xf32>
    %jit3A_128 = arith.constant 0x7F800000 : f32
    %broadcast_in_dim3A_129 = vector.broadcast %jit3A_128 : f32 to vector<256x2048xf32>
    %select_n3A_130 = arith.select %eq3A_127, %broadcast_in_dim3A_129, %select_n3A_114 : vector<256x2048xi1>, vector<256x2048xf32>
    %reduce_min3A_131 = arith.constant dense<0x7F800000> : vector<256xf32>
    %reduce_min3A_132 = vector.multi_reduction <minimumf>, %select_n3A_130, %reduce_min3A_131 [1] : vector<256x2048xf32> to vector<256xf32>
    %broadcast_in_dim3A_133 = vector.shape_cast %reduce_min3A_132 : vector<256xf32> to vector<256x1xf32>
    %le3A_134 = vector.broadcast %broadcast_in_dim3A_133 : vector<256x1xf32> to vector<256x2048xf32>
    %le3A_135 = arith.cmpf ole, %select_n3A_130, %le3A_134 : vector<256x2048xf32>
    %jit3A_136 = arith.constant 3.000000e+38 : f32
    %broadcast_in_dim3A_137 = vector.broadcast %jit3A_136 : f32 to vector<256x2048xf32>
    %select_n3A_138 = arith.select %le3A_135, %convert_element_type3A, %broadcast_in_dim3A_137 : vector<256x2048xi1>, vector<256x2048xf32>
    %reduce_min3A_139 = arith.constant dense<0x7F800000> : vector<256xf32>
    %reduce_min3A_140 = vector.multi_reduction <minimumf>, %select_n3A_138, %reduce_min3A_139 [1] : vector<256x2048xf32> to vector<256xf32>
    %broadcast_in_dim3A_141 = vector.shape_cast %reduce_min3A_140 : vector<256xf32> to vector<256x1xf32>
    %eq3A_142 = vector.broadcast %broadcast_in_dim3A_141 : vector<256x1xf32> to vector<256x2048xf32>
    %eq3A_143 = arith.cmpf oeq, %convert_element_type3A, %eq3A_142 : vector<256x2048xf32>
    %jit3A_144 = arith.constant 0x7F800000 : f32
    %broadcast_in_dim3A_145 = vector.broadcast %jit3A_144 : f32 to vector<256x2048xf32>
    %select_n3A_146 = arith.select %eq3A_143, %broadcast_in_dim3A_145, %select_n3A_130 : vector<256x2048xi1>, vector<256x2048xf32>
    %reduce_min3A_147 = arith.constant dense<0x7F800000> : vector<256xf32>
    %reduce_min3A_148 = vector.multi_reduction <minimumf>, %select_n3A_146, %reduce_min3A_147 [1] : vector<256x2048xf32> to vector<256xf32>
    %broadcast_in_dim3A_149 = vector.shape_cast %reduce_min3A_148 : vector<256xf32> to vector<256x1xf32>
    %le3A_150 = vector.broadcast %broadcast_in_dim3A_149 : vector<256x1xf32> to vector<256x2048xf32>
    %le3A_151 = arith.cmpf ole, %select_n3A_146, %le3A_150 : vector<256x2048xf32>
    %jit3A_152 = arith.constant 3.000000e+38 : f32
    %broadcast_in_dim3A_153 = vector.broadcast %jit3A_152 : f32 to vector<256x2048xf32>
    %select_n3A_154 = arith.select %le3A_151, %convert_element_type3A, %broadcast_in_dim3A_153 : vector<256x2048xi1>, vector<256x2048xf32>
    %reduce_min3A_155 = arith.constant dense<0x7F800000> : vector<256xf32>
    %reduce_min3A_156 = vector.multi_reduction <minimumf>, %select_n3A_154, %reduce_min3A_155 [1] : vector<256x2048xf32> to vector<256xf32>
    %broadcast_in_dim3A_157 = vector.shape_cast %reduce_min3A_156 : vector<256xf32> to vector<256x1xf32>
    %eq3A_158 = vector.broadcast %broadcast_in_dim3A_157 : vector<256x1xf32> to vector<256x2048xf32>
    %eq3A_159 = arith.cmpf oeq, %convert_element_type3A, %eq3A_158 : vector<256x2048xf32>
    %jit3A_160 = arith.constant 0x7F800000 : f32
    %broadcast_in_dim3A_161 = vector.broadcast %jit3A_160 : f32 to vector<256x2048xf32>
    %select_n3A_162 = arith.select %eq3A_159, %broadcast_in_dim3A_161, %select_n3A_146 : vector<256x2048xi1>, vector<256x2048xf32>
    %reduce_min3A_163 = arith.constant dense<0x7F800000> : vector<256xf32>
    %reduce_min3A_164 = vector.multi_reduction <minimumf>, %select_n3A_162, %reduce_min3A_163 [1] : vector<256x2048xf32> to vector<256xf32>
    %broadcast_in_dim3A_165 = vector.shape_cast %reduce_min3A_164 : vector<256xf32> to vector<256x1xf32>
    %le3A_166 = vector.broadcast %broadcast_in_dim3A_165 : vector<256x1xf32> to vector<256x2048xf32>
    %le3A_167 = arith.cmpf ole, %select_n3A_162, %le3A_166 : vector<256x2048xf32>
    %jit3A_168 = arith.constant 3.000000e+38 : f32
    %broadcast_in_dim3A_169 = vector.broadcast %jit3A_168 : f32 to vector<256x2048xf32>
    %select_n3A_170 = arith.select %le3A_167, %convert_element_type3A, %broadcast_in_dim3A_169 : vector<256x2048xi1>, vector<256x2048xf32>
    %reduce_min3A_171 = arith.constant dense<0x7F800000> : vector<256xf32>
    %reduce_min3A_172 = vector.multi_reduction <minimumf>, %select_n3A_170, %reduce_min3A_171 [1] : vector<256x2048xf32> to vector<256xf32>
    %broadcast_in_dim3A_173 = vector.shape_cast %reduce_min3A_172 : vector<256xf32> to vector<256x1xf32>
    %eq3A_174 = vector.broadcast %broadcast_in_dim3A_173 : vector<256x1xf32> to vector<256x2048xf32>
    %eq3A_175 = arith.cmpf oeq, %convert_element_type3A, %eq3A_174 : vector<256x2048xf32>
    %jit3A_176 = arith.constant 0x7F800000 : f32
    %broadcast_in_dim3A_177 = vector.broadcast %jit3A_176 : f32 to vector<256x2048xf32>
    %select_n3A_178 = arith.select %eq3A_175, %broadcast_in_dim3A_177, %select_n3A_162 : vector<256x2048xi1>, vector<256x2048xf32>
    %reduce_min3A_179 = arith.constant dense<0x7F800000> : vector<256xf32>
    %reduce_min3A_180 = vector.multi_reduction <minimumf>, %select_n3A_178, %reduce_min3A_179 [1] : vector<256x2048xf32> to vector<256xf32>
    %broadcast_in_dim3A_181 = vector.shape_cast %reduce_min3A_180 : vector<256xf32> to vector<256x1xf32>
    %le3A_182 = vector.broadcast %broadcast_in_dim3A_181 : vector<256x1xf32> to vector<256x2048xf32>
    %le3A_183 = arith.cmpf ole, %select_n3A_178, %le3A_182 : vector<256x2048xf32>
    %jit3A_184 = arith.constant 3.000000e+38 : f32
    %broadcast_in_dim3A_185 = vector.broadcast %jit3A_184 : f32 to vector<256x2048xf32>
    %select_n3A_186 = arith.select %le3A_183, %convert_element_type3A, %broadcast_in_dim3A_185 : vector<256x2048xi1>, vector<256x2048xf32>
    %reduce_min3A_187 = arith.constant dense<0x7F800000> : vector<256xf32>
    %reduce_min3A_188 = vector.multi_reduction <minimumf>, %select_n3A_186, %reduce_min3A_187 [1] : vector<256x2048xf32> to vector<256xf32>
    %broadcast_in_dim3A_189 = vector.shape_cast %reduce_min3A_188 : vector<256xf32> to vector<256x1xf32>
    %eq3A_190 = vector.broadcast %broadcast_in_dim3A_189 : vector<256x1xf32> to vector<256x2048xf32>
    %eq3A_191 = arith.cmpf oeq, %convert_element_type3A, %eq3A_190 : vector<256x2048xf32>
    %jit3A_192 = arith.constant 0x7F800000 : f32
    %broadcast_in_dim3A_193 = vector.broadcast %jit3A_192 : f32 to vector<256x2048xf32>
    %select_n3A_194 = arith.select %eq3A_191, %broadcast_in_dim3A_193, %select_n3A_178 : vector<256x2048xi1>, vector<256x2048xf32>
    %reduce_min3A_195 = arith.constant dense<0x7F800000> : vector<256xf32>
    %reduce_min3A_196 = vector.multi_reduction <minimumf>, %select_n3A_194, %reduce_min3A_195 [1] : vector<256x2048xf32> to vector<256xf32>
    %broadcast_in_dim3A_197 = vector.shape_cast %reduce_min3A_196 : vector<256xf32> to vector<256x1xf32>
    %le3A_198 = vector.broadcast %broadcast_in_dim3A_197 : vector<256x1xf32> to vector<256x2048xf32>
    %le3A_199 = arith.cmpf ole, %select_n3A_194, %le3A_198 : vector<256x2048xf32>
    %jit3A_200 = arith.constant 3.000000e+38 : f32
    %broadcast_in_dim3A_201 = vector.broadcast %jit3A_200 : f32 to vector<256x2048xf32>
    %select_n3A_202 = arith.select %le3A_199, %convert_element_type3A, %broadcast_in_dim3A_201 : vector<256x2048xi1>, vector<256x2048xf32>
    %reduce_min3A_203 = arith.constant dense<0x7F800000> : vector<256xf32>
    %reduce_min3A_204 = vector.multi_reduction <minimumf>, %select_n3A_202, %reduce_min3A_203 [1] : vector<256x2048xf32> to vector<256xf32>
    %broadcast_in_dim3A_205 = vector.shape_cast %reduce_min3A_204 : vector<256xf32> to vector<256x1xf32>
    %eq3A_206 = vector.broadcast %broadcast_in_dim3A_205 : vector<256x1xf32> to vector<256x2048xf32>
    %eq3A_207 = arith.cmpf oeq, %convert_element_type3A, %eq3A_206 : vector<256x2048xf32>
    %jit3A_208 = arith.constant 0x7F800000 : f32
    %broadcast_in_dim3A_209 = vector.broadcast %jit3A_208 : f32 to vector<256x2048xf32>
    %select_n3A_210 = arith.select %eq3A_207, %broadcast_in_dim3A_209, %select_n3A_194 : vector<256x2048xi1>, vector<256x2048xf32>
    %reduce_min3A_211 = arith.constant dense<0x7F800000> : vector<256xf32>
    %reduce_min3A_212 = vector.multi_reduction <minimumf>, %select_n3A_210, %reduce_min3A_211 [1] : vector<256x2048xf32> to vector<256xf32>
    %broadcast_in_dim3A_213 = vector.shape_cast %reduce_min3A_212 : vector<256xf32> to vector<256x1xf32>
    %le3A_214 = vector.broadcast %broadcast_in_dim3A_213 : vector<256x1xf32> to vector<256x2048xf32>
    %le3A_215 = arith.cmpf ole, %select_n3A_210, %le3A_214 : vector<256x2048xf32>
    %jit3A_216 = arith.constant 3.000000e+38 : f32
    %broadcast_in_dim3A_217 = vector.broadcast %jit3A_216 : f32 to vector<256x2048xf32>
    %select_n3A_218 = arith.select %le3A_215, %convert_element_type3A, %broadcast_in_dim3A_217 : vector<256x2048xi1>, vector<256x2048xf32>
    %reduce_min3A_219 = arith.constant dense<0x7F800000> : vector<256xf32>
    %reduce_min3A_220 = vector.multi_reduction <minimumf>, %select_n3A_218, %reduce_min3A_219 [1] : vector<256x2048xf32> to vector<256xf32>
    %broadcast_in_dim3A_221 = vector.shape_cast %reduce_min3A_220 : vector<256xf32> to vector<256x1xf32>
    %eq3A_222 = vector.broadcast %broadcast_in_dim3A_221 : vector<256x1xf32> to vector<256x2048xf32>
    %eq3A_223 = arith.cmpf oeq, %convert_element_type3A, %eq3A_222 : vector<256x2048xf32>
    %jit3A_224 = arith.constant 0x7F800000 : f32
    %broadcast_in_dim3A_225 = vector.broadcast %jit3A_224 : f32 to vector<256x2048xf32>
    %select_n3A_226 = arith.select %eq3A_223, %broadcast_in_dim3A_225, %select_n3A_210 : vector<256x2048xi1>, vector<256x2048xf32>
    %reduce_min3A_227 = arith.constant dense<0x7F800000> : vector<256xf32>
    %reduce_min3A_228 = vector.multi_reduction <minimumf>, %select_n3A_226, %reduce_min3A_227 [1] : vector<256x2048xf32> to vector<256xf32>
    %broadcast_in_dim3A_229 = vector.shape_cast %reduce_min3A_228 : vector<256xf32> to vector<256x1xf32>
    %le3A_230 = vector.broadcast %broadcast_in_dim3A_229 : vector<256x1xf32> to vector<256x2048xf32>
    %le3A_231 = arith.cmpf ole, %select_n3A_226, %le3A_230 : vector<256x2048xf32>
    %jit3A_232 = arith.constant 3.000000e+38 : f32
    %broadcast_in_dim3A_233 = vector.broadcast %jit3A_232 : f32 to vector<256x2048xf32>
    %select_n3A_234 = arith.select %le3A_231, %convert_element_type3A, %broadcast_in_dim3A_233 : vector<256x2048xi1>, vector<256x2048xf32>
    %reduce_min3A_235 = arith.constant dense<0x7F800000> : vector<256xf32>
    %reduce_min3A_236 = vector.multi_reduction <minimumf>, %select_n3A_234, %reduce_min3A_235 [1] : vector<256x2048xf32> to vector<256xf32>
    %broadcast_in_dim3A_237 = vector.shape_cast %reduce_min3A_236 : vector<256xf32> to vector<256x1xf32>
    %eq3A_238 = vector.broadcast %broadcast_in_dim3A_237 : vector<256x1xf32> to vector<256x2048xf32>
    %eq3A_239 = arith.cmpf oeq, %convert_element_type3A, %eq3A_238 : vector<256x2048xf32>
    %jit3A_240 = arith.constant 0x7F800000 : f32
    %broadcast_in_dim3A_241 = vector.broadcast %jit3A_240 : f32 to vector<256x2048xf32>
    %select_n3A_242 = arith.select %eq3A_239, %broadcast_in_dim3A_241, %select_n3A_226 : vector<256x2048xi1>, vector<256x2048xf32>
    %reduce_min3A_243 = arith.constant dense<0x7F800000> : vector<256xf32>
    %reduce_min3A_244 = vector.multi_reduction <minimumf>, %select_n3A_242, %reduce_min3A_243 [1] : vector<256x2048xf32> to vector<256xf32>
    %broadcast_in_dim3A_245 = vector.shape_cast %reduce_min3A_244 : vector<256xf32> to vector<256x1xf32>
    %le3A_246 = vector.broadcast %broadcast_in_dim3A_245 : vector<256x1xf32> to vector<256x2048xf32>
    %le3A_247 = arith.cmpf ole, %select_n3A_242, %le3A_246 : vector<256x2048xf32>
    %jit3A_248 = arith.constant 3.000000e+38 : f32
    %broadcast_in_dim3A_249 = vector.broadcast %jit3A_248 : f32 to vector<256x2048xf32>
    %select_n3A_250 = arith.select %le3A_247, %convert_element_type3A, %broadcast_in_dim3A_249 : vector<256x2048xi1>, vector<256x2048xf32>
    %reduce_min3A_251 = arith.constant dense<0x7F800000> : vector<256xf32>
    %reduce_min3A_252 = vector.multi_reduction <minimumf>, %select_n3A_250, %reduce_min3A_251 [1] : vector<256x2048xf32> to vector<256xf32>
    %broadcast_in_dim3A_253 = vector.shape_cast %reduce_min3A_252 : vector<256xf32> to vector<256x1xf32>
    %eq3A_254 = vector.broadcast %broadcast_in_dim3A_253 : vector<256x1xf32> to vector<256x2048xf32>
    %eq3A_255 = arith.cmpf oeq, %convert_element_type3A, %eq3A_254 : vector<256x2048xf32>
    %jit3A_256 = arith.constant 0x7F800000 : f32
    %broadcast_in_dim3A_257 = vector.broadcast %jit3A_256 : f32 to vector<256x2048xf32>
    %select_n3A_258 = arith.select %eq3A_255, %broadcast_in_dim3A_257, %select_n3A_242 : vector<256x2048xi1>, vector<256x2048xf32>
    %reduce_min3A_259 = arith.constant dense<0x7F800000> : vector<256xf32>
    %reduce_min3A_260 = vector.multi_reduction <minimumf>, %select_n3A_258, %reduce_min3A_259 [1] : vector<256x2048xf32> to vector<256xf32>
    %broadcast_in_dim3A_261 = vector.shape_cast %reduce_min3A_260 : vector<256xf32> to vector<256x1xf32>
    %le3A_262 = vector.broadcast %broadcast_in_dim3A_261 : vector<256x1xf32> to vector<256x2048xf32>
    %le3A_263 = arith.cmpf ole, %select_n3A_258, %le3A_262 : vector<256x2048xf32>
    %jit3A_264 = arith.constant 3.000000e+38 : f32
    %broadcast_in_dim3A_265 = vector.broadcast %jit3A_264 : f32 to vector<256x2048xf32>
    %select_n3A_266 = arith.select %le3A_263, %convert_element_type3A, %broadcast_in_dim3A_265 : vector<256x2048xi1>, vector<256x2048xf32>
    %reduce_min3A_267 = arith.constant dense<0x7F800000> : vector<256xf32>
    %reduce_min3A_268 = vector.multi_reduction <minimumf>, %select_n3A_266, %reduce_min3A_267 [1] : vector<256x2048xf32> to vector<256xf32>
    %broadcast_in_dim3A_269 = vector.shape_cast %reduce_min3A_268 : vector<256xf32> to vector<256x1xf32>
    %concatenate3A = tpu.concatenate %broadcast_in_dim3A_30, %broadcast_in_dim3A_45, %broadcast_in_dim3A_61, %broadcast_in_dim3A_77, %broadcast_in_dim3A_93, %broadcast_in_dim3A_109, %broadcast_in_dim3A_125, %broadcast_in_dim3A_141, %broadcast_in_dim3A_157, %broadcast_in_dim3A_173, %broadcast_in_dim3A_189, %broadcast_in_dim3A_205, %broadcast_in_dim3A_221, %broadcast_in_dim3A_237, %broadcast_in_dim3A_253, %broadcast_in_dim3A_269 in 1 : vector<256x1xf32>, vector<256x1xf32>, vector<256x1xf32>, vector<256x1xf32>, vector<256x1xf32>, vector<256x1xf32>, vector<256x1xf32>, vector<256x1xf32>, vector<256x1xf32>, vector<256x1xf32>, vector<256x1xf32>, vector<256x1xf32>, vector<256x1xf32>, vector<256x1xf32>, vector<256x1xf32>, vector<256x1xf32> -> vector<256x16xf32>
    %convert_element_type3A_270 = arith.fptosi %concatenate3A : vector<256x16xf32> to vector<256x16xi32>
    %add3A_271 = arith.constant 2048 : i32
    %add3A_272 = vector.broadcast %add3A_271 : i32 to vector<256x16xi32>
    %add3A_273 = arith.addi %convert_element_type3A_270, %add3A_272 : vector<256x16xi32>
    %swap3A = arith.constant 0 : index
    %swap3A_274 = arith.constant 0 : index
    %swap3A_275 = vector.load %arg3[%swap3A, %swap3A_274] : memref<256x16xi32, #tpu.memory_space<vmem>>, vector<256x16xi32>
    tpu.vector_store %arg3[%swap3A, %swap3A_274], %add3A_273 {strides = array<i32>} : memref<256x16xi32, #tpu.memory_space<vmem>>, vector<256x16xi32>,
    return
  }
  func.func @transform_0(%arg0: i32) -> (i32, i32, i32) {
    %c1_i32 = arith.constant 1 : i32
    %c0_i32 = arith.constant 0 : i32
    %c0_i32_0 = arith.constant 0 : i32
    return %c1_i32, %arg0, %c0_i32 : i32, i32, i32
  }
  func.func @transform_1(%arg0: i32) -> (i32, i32, i32) {
    %c1_i32 = arith.constant 1 : i32
    %c0_i32 = arith.constant 0 : i32
    %c0_i32_0 = arith.constant 0 : i32
    %c0_i32_1 = arith.constant 0 : i32
    return %c1_i32, %c0_i32, %c0_i32_0 : i32, i32, i32
  }
  func.func @transform_2(%arg0: i32) -> (i32, i32) {
    %c0_i32 = arith.constant 0 : i32
    %c0_i32_0 = arith.constant 0 : i32
    return %arg0, %c0_i32 : i32, i32
  }
}

module attributes {stable_mosaic.version = 14 : i64} {
  func.func @_knn_body(%arg0: i32, %arg1: memref<1x256x3xf32, #tpu.memory_space<vmem>>, %arg2: memref<1x3x2048xf32, #tpu.memory_space<vmem>>, %arg3: memref<256x16xi32, #tpu.memory_space<vmem>>) attributes {dimension_semantics = [#tpu.dimension_semantics<arbitrary>], iteration_bounds = array<i64: 8>, scalar_prefetch = 0 : i64, scratch_operands = 0 : i64, tpu.core_type = #tpu.core_type<tc>, window_params = [{transform_indices = @transform_0, window_bounds = array<i64: 1, 256, 3>}, {transform_indices = @transform_1, window_bounds = array<i64: 1, 3, 2048>}, {transform_indices = @transform_2, window_bounds = array<i64: 256, 16>}]} {
    %get3A = arith.constant 0 : index
    %get3A_0 = arith.constant 0 : index
    %get3A_1 = arith.constant 0 : index
    %get3A_2 = vector.load %arg1[%get3A, %get3A_0, %get3A_1] : memref<1x256x3xf32, #tpu.memory_space<vmem>>, vector<1x256x3xf32>
    %get3A_3 = vector.shape_cast %get3A_2 : vector<1x256x3xf32> to vector<256x3xf32>
    %get3A_4 = arith.constant 0 : index
    %get3A_5 = arith.constant 0 : index
    %get3A_6 = arith.constant 0 : index
    %get3A_7 = vector.load %arg2[%get3A_4, %get3A_5, %get3A_6] : memref<1x3x2048xf32, #tpu.memory_space<vmem>>, vector<1x3x2048xf32>
    %get3A_8 = vector.shape_cast %get3A_7 : vector<1x3x2048xf32> to vector<3x2048xf32>
    %slice3A = vector.extract_strided_slice %get3A_3 {offsets = [0, 0], sizes = [256, 1], strides = [1, 1]} : vector<256x3xf32> to vector<256x1xf32>
    %slice3A_9 = vector.extract_strided_slice %get3A_8 {offsets = [0, 0], sizes = [1, 2048], strides = [1, 1]} : vector<3x2048xf32> to vector<1x2048xf32>
    %sub3A = vector.broadcast %slice3A : vector<256x1xf32> to vector<256x2048xf32>
    %sub3A_10 = vector.broadcast %slice3A_9 : vector<1x2048xf32> to vector<256x2048xf32>
    %sub3A_11 = arith.subf %sub3A, %sub3A_10 : vector<256x2048xf32>
    %slice3A_12 = vector.extract_strided_slice %get3A_3 {offsets = [0, 1], sizes = [256, 1], strides = [1, 1]} : vector<256x3xf32> to vector<256x1xf32>
    %slice3A_13 = vector.extract_strided_slice %get3A_8 {offsets = [1, 0], sizes = [1, 2048], strides = [1, 1]} : vector<3x2048xf32> to vector<1x2048xf32>
    %sub3A_14 = vector.broadcast %slice3A_12 : vector<256x1xf32> to vector<256x2048xf32>
    %sub3A_15 = vector.broadcast %slice3A_13 : vector<1x2048xf32> to vector<256x2048xf32>
    %sub3A_16 = arith.subf %sub3A_14, %sub3A_15 : vector<256x2048xf32>
    %slice3A_17 = vector.extract_strided_slice %get3A_3 {offsets = [0, 2], sizes = [256, 1], strides = [1, 1]} : vector<256x3xf32> to vector<256x1xf32>
    %slice3A_18 = vector.extract_strided_slice %get3A_8 {offsets = [2, 0], sizes = [1, 2048], strides = [1, 1]} : vector<3x2048xf32> to vector<1x2048xf32>
    %sub3A_19 = vector.broadcast %slice3A_17 : vector<256x1xf32> to vector<256x2048xf32>
    %sub3A_20 = vector.broadcast %slice3A_18 : vector<1x2048xf32> to vector<256x2048xf32>
    %sub3A_21 = arith.subf %sub3A_19, %sub3A_20 : vector<256x2048xf32>
    %mul3A = arith.mulf %sub3A_11, %sub3A_11 : vector<256x2048xf32>
    %mul3A_22 = arith.mulf %sub3A_16, %sub3A_16 : vector<256x2048xf32>
    %add3A = arith.addf %mul3A, %mul3A_22 : vector<256x2048xf32>
    %mul3A_23 = arith.mulf %sub3A_21, %sub3A_21 : vector<256x2048xf32>
    %add3A_24 = arith.addf %add3A, %mul3A_23 : vector<256x2048xf32>
    %iota3A = tpu.iota {dimensions = array<i32: 1>} : vector<256x2048xi32>
    %convert_element_type3A = arith.sitofp %iota3A : vector<256x2048xi32> to vector<256x2048xf32>
    %reduce_min3A = arith.constant dense<0x7F800000> : vector<256xf32>
    %reduce_min3A_25 = vector.multi_reduction <minimumf>, %add3A_24, %reduce_min3A [1] : vector<256x2048xf32> to vector<256xf32>
    %broadcast_in_dim3A = vector.shape_cast %reduce_min3A_25 : vector<256xf32> to vector<256x1xf32>
    %le3A = vector.broadcast %broadcast_in_dim3A : vector<256x1xf32> to vector<256x2048xf32>
    %le3A_26 = arith.cmpf ole, %add3A_24, %le3A : vector<256x2048xf32>
    %jit3A = arith.constant 3.000000e+38 : f32
    %broadcast_in_dim3A_27 = vector.broadcast %jit3A : f32 to vector<256x2048xf32>
    %select_n3A = arith.select %le3A_26, %convert_element_type3A, %broadcast_in_dim3A_27 : vector<256x2048xi1>, vector<256x2048xf32>
    %reduce_min3A_28 = arith.constant dense<0x7F800000> : vector<256xf32>
    %reduce_min3A_29 = vector.multi_reduction <minimumf>, %select_n3A, %reduce_min3A_28 [1] : vector<256x2048xf32> to vector<256xf32>
    %broadcast_in_dim3A_30 = vector.shape_cast %reduce_min3A_29 : vector<256xf32> to vector<256x1xf32>
    %eq3A = vector.broadcast %broadcast_in_dim3A_30 : vector<256x1xf32> to vector<256x2048xf32>
    %eq3A_31 = arith.cmpf oeq, %convert_element_type3A, %eq3A : vector<256x2048xf32>
    %jit3A_32 = arith.constant 0x7F800000 : f32
    %broadcast_in_dim3A_33 = vector.broadcast %jit3A_32 : f32 to vector<256x2048xf32>
    %select_n3A_34 = arith.select %eq3A_31, %broadcast_in_dim3A_33, %add3A_24 : vector<256x2048xi1>, vector<256x2048xf32>
    %reduce_min3A_35 = arith.constant dense<0x7F800000> : vector<256xf32>
    %reduce_min3A_36 = vector.multi_reduction <minimumf>, %select_n3A_34, %reduce_min3A_35 [1] : vector<256x2048xf32> to vector<256xf32>
    %broadcast_in_dim3A_37 = vector.shape_cast %reduce_min3A_36 : vector<256xf32> to vector<256x1xf32>
    %le3A_38 = vector.broadcast %broadcast_in_dim3A_37 : vector<256x1xf32> to vector<256x2048xf32>
    %le3A_39 = arith.cmpf ole, %select_n3A_34, %le3A_38 : vector<256x2048xf32>
    %jit3A_40 = arith.constant 3.000000e+38 : f32
    %broadcast_in_dim3A_41 = vector.broadcast %jit3A_40 : f32 to vector<256x2048xf32>
    %select_n3A_42 = arith.select %le3A_39, %convert_element_type3A, %broadcast_in_dim3A_41 : vector<256x2048xi1>, vector<256x2048xf32>
    %reduce_min3A_43 = arith.constant dense<0x7F800000> : vector<256xf32>
    %reduce_min3A_44 = vector.multi_reduction <minimumf>, %select_n3A_42, %reduce_min3A_43 [1] : vector<256x2048xf32> to vector<256xf32>
    %broadcast_in_dim3A_45 = vector.shape_cast %reduce_min3A_44 : vector<256xf32> to vector<256x1xf32>
    %eq3A_46 = vector.broadcast %broadcast_in_dim3A_45 : vector<256x1xf32> to vector<256x2048xf32>
    %eq3A_47 = arith.cmpf oeq, %convert_element_type3A, %eq3A_46 : vector<256x2048xf32>
    %jit3A_48 = arith.constant 0x7F800000 : f32
    %broadcast_in_dim3A_49 = vector.broadcast %jit3A_48 : f32 to vector<256x2048xf32>
    %select_n3A_50 = arith.select %eq3A_47, %broadcast_in_dim3A_49, %select_n3A_34 : vector<256x2048xi1>, vector<256x2048xf32>
    %reduce_min3A_51 = arith.constant dense<0x7F800000> : vector<256xf32>
    %reduce_min3A_52 = vector.multi_reduction <minimumf>, %select_n3A_50, %reduce_min3A_51 [1] : vector<256x2048xf32> to vector<256xf32>
    %broadcast_in_dim3A_53 = vector.shape_cast %reduce_min3A_52 : vector<256xf32> to vector<256x1xf32>
    %le3A_54 = vector.broadcast %broadcast_in_dim3A_53 : vector<256x1xf32> to vector<256x2048xf32>
    %le3A_55 = arith.cmpf ole, %select_n3A_50, %le3A_54 : vector<256x2048xf32>
    %jit3A_56 = arith.constant 3.000000e+38 : f32
    %broadcast_in_dim3A_57 = vector.broadcast %jit3A_56 : f32 to vector<256x2048xf32>
    %select_n3A_58 = arith.select %le3A_55, %convert_element_type3A, %broadcast_in_dim3A_57 : vector<256x2048xi1>, vector<256x2048xf32>
    %reduce_min3A_59 = arith.constant dense<0x7F800000> : vector<256xf32>
    %reduce_min3A_60 = vector.multi_reduction <minimumf>, %select_n3A_58, %reduce_min3A_59 [1] : vector<256x2048xf32> to vector<256xf32>
    %broadcast_in_dim3A_61 = vector.shape_cast %reduce_min3A_60 : vector<256xf32> to vector<256x1xf32>
    %eq3A_62 = vector.broadcast %broadcast_in_dim3A_61 : vector<256x1xf32> to vector<256x2048xf32>
    %eq3A_63 = arith.cmpf oeq, %convert_element_type3A, %eq3A_62 : vector<256x2048xf32>
    %jit3A_64 = arith.constant 0x7F800000 : f32
    %broadcast_in_dim3A_65 = vector.broadcast %jit3A_64 : f32 to vector<256x2048xf32>
    %select_n3A_66 = arith.select %eq3A_63, %broadcast_in_dim3A_65, %select_n3A_50 : vector<256x2048xi1>, vector<256x2048xf32>
    %reduce_min3A_67 = arith.constant dense<0x7F800000> : vector<256xf32>
    %reduce_min3A_68 = vector.multi_reduction <minimumf>, %select_n3A_66, %reduce_min3A_67 [1] : vector<256x2048xf32> to vector<256xf32>
    %broadcast_in_dim3A_69 = vector.shape_cast %reduce_min3A_68 : vector<256xf32> to vector<256x1xf32>
    %le3A_70 = vector.broadcast %broadcast_in_dim3A_69 : vector<256x1xf32> to vector<256x2048xf32>
    %le3A_71 = arith.cmpf ole, %select_n3A_66, %le3A_70 : vector<256x2048xf32>
    %jit3A_72 = arith.constant 3.000000e+38 : f32
    %broadcast_in_dim3A_73 = vector.broadcast %jit3A_72 : f32 to vector<256x2048xf32>
    %select_n3A_74 = arith.select %le3A_71, %convert_element_type3A, %broadcast_in_dim3A_73 : vector<256x2048xi1>, vector<256x2048xf32>
    %reduce_min3A_75 = arith.constant dense<0x7F800000> : vector<256xf32>
    %reduce_min3A_76 = vector.multi_reduction <minimumf>, %select_n3A_74, %reduce_min3A_75 [1] : vector<256x2048xf32> to vector<256xf32>
    %broadcast_in_dim3A_77 = vector.shape_cast %reduce_min3A_76 : vector<256xf32> to vector<256x1xf32>
    %eq3A_78 = vector.broadcast %broadcast_in_dim3A_77 : vector<256x1xf32> to vector<256x2048xf32>
    %eq3A_79 = arith.cmpf oeq, %convert_element_type3A, %eq3A_78 : vector<256x2048xf32>
    %jit3A_80 = arith.constant 0x7F800000 : f32
    %broadcast_in_dim3A_81 = vector.broadcast %jit3A_80 : f32 to vector<256x2048xf32>
    %select_n3A_82 = arith.select %eq3A_79, %broadcast_in_dim3A_81, %select_n3A_66 : vector<256x2048xi1>, vector<256x2048xf32>
    %reduce_min3A_83 = arith.constant dense<0x7F800000> : vector<256xf32>
    %reduce_min3A_84 = vector.multi_reduction <minimumf>, %select_n3A_82, %reduce_min3A_83 [1] : vector<256x2048xf32> to vector<256xf32>
    %broadcast_in_dim3A_85 = vector.shape_cast %reduce_min3A_84 : vector<256xf32> to vector<256x1xf32>
    %le3A_86 = vector.broadcast %broadcast_in_dim3A_85 : vector<256x1xf32> to vector<256x2048xf32>
    %le3A_87 = arith.cmpf ole, %select_n3A_82, %le3A_86 : vector<256x2048xf32>
    %jit3A_88 = arith.constant 3.000000e+38 : f32
    %broadcast_in_dim3A_89 = vector.broadcast %jit3A_88 : f32 to vector<256x2048xf32>
    %select_n3A_90 = arith.select %le3A_87, %convert_element_type3A, %broadcast_in_dim3A_89 : vector<256x2048xi1>, vector<256x2048xf32>
    %reduce_min3A_91 = arith.constant dense<0x7F800000> : vector<256xf32>
    %reduce_min3A_92 = vector.multi_reduction <minimumf>, %select_n3A_90, %reduce_min3A_91 [1] : vector<256x2048xf32> to vector<256xf32>
    %broadcast_in_dim3A_93 = vector.shape_cast %reduce_min3A_92 : vector<256xf32> to vector<256x1xf32>
    %eq3A_94 = vector.broadcast %broadcast_in_dim3A_93 : vector<256x1xf32> to vector<256x2048xf32>
    %eq3A_95 = arith.cmpf oeq, %convert_element_type3A, %eq3A_94 : vector<256x2048xf32>
    %jit3A_96 = arith.constant 0x7F800000 : f32
    %broadcast_in_dim3A_97 = vector.broadcast %jit3A_96 : f32 to vector<256x2048xf32>
    %select_n3A_98 = arith.select %eq3A_95, %broadcast_in_dim3A_97, %select_n3A_82 : vector<256x2048xi1>, vector<256x2048xf32>
    %reduce_min3A_99 = arith.constant dense<0x7F800000> : vector<256xf32>
    %reduce_min3A_100 = vector.multi_reduction <minimumf>, %select_n3A_98, %reduce_min3A_99 [1] : vector<256x2048xf32> to vector<256xf32>
    %broadcast_in_dim3A_101 = vector.shape_cast %reduce_min3A_100 : vector<256xf32> to vector<256x1xf32>
    %le3A_102 = vector.broadcast %broadcast_in_dim3A_101 : vector<256x1xf32> to vector<256x2048xf32>
    %le3A_103 = arith.cmpf ole, %select_n3A_98, %le3A_102 : vector<256x2048xf32>
    %jit3A_104 = arith.constant 3.000000e+38 : f32
    %broadcast_in_dim3A_105 = vector.broadcast %jit3A_104 : f32 to vector<256x2048xf32>
    %select_n3A_106 = arith.select %le3A_103, %convert_element_type3A, %broadcast_in_dim3A_105 : vector<256x2048xi1>, vector<256x2048xf32>
    %reduce_min3A_107 = arith.constant dense<0x7F800000> : vector<256xf32>
    %reduce_min3A_108 = vector.multi_reduction <minimumf>, %select_n3A_106, %reduce_min3A_107 [1] : vector<256x2048xf32> to vector<256xf32>
    %broadcast_in_dim3A_109 = vector.shape_cast %reduce_min3A_108 : vector<256xf32> to vector<256x1xf32>
    %eq3A_110 = vector.broadcast %broadcast_in_dim3A_109 : vector<256x1xf32> to vector<256x2048xf32>
    %eq3A_111 = arith.cmpf oeq, %convert_element_type3A, %eq3A_110 : vector<256x2048xf32>
    %jit3A_112 = arith.constant 0x7F800000 : f32
    %broadcast_in_dim3A_113 = vector.broadcast %jit3A_112 : f32 to vector<256x2048xf32>
    %select_n3A_114 = arith.select %eq3A_111, %broadcast_in_dim3A_113, %select_n3A_98 : vector<256x2048xi1>, vector<256x2048xf32>
    %reduce_min3A_115 = arith.constant dense<0x7F800000> : vector<256xf32>
    %reduce_min3A_116 = vector.multi_reduction <minimumf>, %select_n3A_114, %reduce_min3A_115 [1] : vector<256x2048xf32> to vector<256xf32>
    %broadcast_in_dim3A_117 = vector.shape_cast %reduce_min3A_116 : vector<256xf32> to vector<256x1xf32>
    %le3A_118 = vector.broadcast %broadcast_in_dim3A_117 : vector<256x1xf32> to vector<256x2048xf32>
    %le3A_119 = arith.cmpf ole, %select_n3A_114, %le3A_118 : vector<256x2048xf32>
    %jit3A_120 = arith.constant 3.000000e+38 : f32
    %broadcast_in_dim3A_121 = vector.broadcast %jit3A_120 : f32 to vector<256x2048xf32>
    %select_n3A_122 = arith.select %le3A_119, %convert_element_type3A, %broadcast_in_dim3A_121 : vector<256x2048xi1>, vector<256x2048xf32>
    %reduce_min3A_123 = arith.constant dense<0x7F800000> : vector<256xf32>
    %reduce_min3A_124 = vector.multi_reduction <minimumf>, %select_n3A_122, %reduce_min3A_123 [1] : vector<256x2048xf32> to vector<256xf32>
    %broadcast_in_dim3A_125 = vector.shape_cast %reduce_min3A_124 : vector<256xf32> to vector<256x1xf32>
    %eq3A_126 = vector.broadcast %broadcast_in_dim3A_125 : vector<256x1xf32> to vector<256x2048xf32>
    %eq3A_127 = arith.cmpf oeq, %convert_element_type3A, %eq3A_126 : vector<256x2048xf32>
    %jit3A_128 = arith.constant 0x7F800000 : f32
    %broadcast_in_dim3A_129 = vector.broadcast %jit3A_128 : f32 to vector<256x2048xf32>
    %select_n3A_130 = arith.select %eq3A_127, %broadcast_in_dim3A_129, %select_n3A_114 : vector<256x2048xi1>, vector<256x2048xf32>
    %reduce_min3A_131 = arith.constant dense<0x7F800000> : vector<256xf32>
    %reduce_min3A_132 = vector.multi_reduction <minimumf>, %select_n3A_130, %reduce_min3A_131 [1] : vector<256x2048xf32> to vector<256xf32>
    %broadcast_in_dim3A_133 = vector.shape_cast %reduce_min3A_132 : vector<256xf32> to vector<256x1xf32>
    %le3A_134 = vector.broadcast %broadcast_in_dim3A_133 : vector<256x1xf32> to vector<256x2048xf32>
    %le3A_135 = arith.cmpf ole, %select_n3A_130, %le3A_134 : vector<256x2048xf32>
    %jit3A_136 = arith.constant 3.000000e+38 : f32
    %broadcast_in_dim3A_137 = vector.broadcast %jit3A_136 : f32 to vector<256x2048xf32>
    %select_n3A_138 = arith.select %le3A_135, %convert_element_type3A, %broadcast_in_dim3A_137 : vector<256x2048xi1>, vector<256x2048xf32>
    %reduce_min3A_139 = arith.constant dense<0x7F800000> : vector<256xf32>
    %reduce_min3A_140 = vector.multi_reduction <minimumf>, %select_n3A_138, %reduce_min3A_139 [1] : vector<256x2048xf32> to vector<256xf32>
    %broadcast_in_dim3A_141 = vector.shape_cast %reduce_min3A_140 : vector<256xf32> to vector<256x1xf32>
    %eq3A_142 = vector.broadcast %broadcast_in_dim3A_141 : vector<256x1xf32> to vector<256x2048xf32>
    %eq3A_143 = arith.cmpf oeq, %convert_element_type3A, %eq3A_142 : vector<256x2048xf32>
    %jit3A_144 = arith.constant 0x7F800000 : f32
    %broadcast_in_dim3A_145 = vector.broadcast %jit3A_144 : f32 to vector<256x2048xf32>
    %select_n3A_146 = arith.select %eq3A_143, %broadcast_in_dim3A_145, %select_n3A_130 : vector<256x2048xi1>, vector<256x2048xf32>
    %reduce_min3A_147 = arith.constant dense<0x7F800000> : vector<256xf32>
    %reduce_min3A_148 = vector.multi_reduction <minimumf>, %select_n3A_146, %reduce_min3A_147 [1] : vector<256x2048xf32> to vector<256xf32>
    %broadcast_in_dim3A_149 = vector.shape_cast %reduce_min3A_148 : vector<256xf32> to vector<256x1xf32>
    %le3A_150 = vector.broadcast %broadcast_in_dim3A_149 : vector<256x1xf32> to vector<256x2048xf32>
    %le3A_151 = arith.cmpf ole, %select_n3A_146, %le3A_150 : vector<256x2048xf32>
    %jit3A_152 = arith.constant 3.000000e+38 : f32
    %broadcast_in_dim3A_153 = vector.broadcast %jit3A_152 : f32 to vector<256x2048xf32>
    %select_n3A_154 = arith.select %le3A_151, %convert_element_type3A, %broadcast_in_dim3A_153 : vector<256x2048xi1>, vector<256x2048xf32>
    %reduce_min3A_155 = arith.constant dense<0x7F800000> : vector<256xf32>
    %reduce_min3A_156 = vector.multi_reduction <minimumf>, %select_n3A_154, %reduce_min3A_155 [1] : vector<256x2048xf32> to vector<256xf32>
    %broadcast_in_dim3A_157 = vector.shape_cast %reduce_min3A_156 : vector<256xf32> to vector<256x1xf32>
    %eq3A_158 = vector.broadcast %broadcast_in_dim3A_157 : vector<256x1xf32> to vector<256x2048xf32>
    %eq3A_159 = arith.cmpf oeq, %convert_element_type3A, %eq3A_158 : vector<256x2048xf32>
    %jit3A_160 = arith.constant 0x7F800000 : f32
    %broadcast_in_dim3A_161 = vector.broadcast %jit3A_160 : f32 to vector<256x2048xf32>
    %select_n3A_162 = arith.select %eq3A_159, %broadcast_in_dim3A_161, %select_n3A_146 : vector<256x2048xi1>, vector<256x2048xf32>
    %reduce_min3A_163 = arith.constant dense<0x7F800000> : vector<256xf32>
    %reduce_min3A_164 = vector.multi_reduction <minimumf>, %select_n3A_162, %reduce_min3A_163 [1] : vector<256x2048xf32> to vector<256xf32>
    %broadcast_in_dim3A_165 = vector.shape_cast %reduce_min3A_164 : vector<256xf32> to vector<256x1xf32>
    %le3A_166 = vector.broadcast %broadcast_in_dim3A_165 : vector<256x1xf32> to vector<256x2048xf32>
    %le3A_167 = arith.cmpf ole, %select_n3A_162, %le3A_166 : vector<256x2048xf32>
    %jit3A_168 = arith.constant 3.000000e+38 : f32
    %broadcast_in_dim3A_169 = vector.broadcast %jit3A_168 : f32 to vector<256x2048xf32>
    %select_n3A_170 = arith.select %le3A_167, %convert_element_type3A, %broadcast_in_dim3A_169 : vector<256x2048xi1>, vector<256x2048xf32>
    %reduce_min3A_171 = arith.constant dense<0x7F800000> : vector<256xf32>
    %reduce_min3A_172 = vector.multi_reduction <minimumf>, %select_n3A_170, %reduce_min3A_171 [1] : vector<256x2048xf32> to vector<256xf32>
    %broadcast_in_dim3A_173 = vector.shape_cast %reduce_min3A_172 : vector<256xf32> to vector<256x1xf32>
    %eq3A_174 = vector.broadcast %broadcast_in_dim3A_173 : vector<256x1xf32> to vector<256x2048xf32>
    %eq3A_175 = arith.cmpf oeq, %convert_element_type3A, %eq3A_174 : vector<256x2048xf32>
    %jit3A_176 = arith.constant 0x7F800000 : f32
    %broadcast_in_dim3A_177 = vector.broadcast %jit3A_176 : f32 to vector<256x2048xf32>
    %select_n3A_178 = arith.select %eq3A_175, %broadcast_in_dim3A_177, %select_n3A_162 : vector<256x2048xi1>, vector<256x2048xf32>
    %reduce_min3A_179 = arith.constant dense<0x7F800000> : vector<256xf32>
    %reduce_min3A_180 = vector.multi_reduction <minimumf>, %select_n3A_178, %reduce_min3A_179 [1] : vector<256x2048xf32> to vector<256xf32>
    %broadcast_in_dim3A_181 = vector.shape_cast %reduce_min3A_180 : vector<256xf32> to vector<256x1xf32>
    %le3A_182 = vector.broadcast %broadcast_in_dim3A_181 : vector<256x1xf32> to vector<256x2048xf32>
    %le3A_183 = arith.cmpf ole, %select_n3A_178, %le3A_182 : vector<256x2048xf32>
    %jit3A_184 = arith.constant 3.000000e+38 : f32
    %broadcast_in_dim3A_185 = vector.broadcast %jit3A_184 : f32 to vector<256x2048xf32>
    %select_n3A_186 = arith.select %le3A_183, %convert_element_type3A, %broadcast_in_dim3A_185 : vector<256x2048xi1>, vector<256x2048xf32>
    %reduce_min3A_187 = arith.constant dense<0x7F800000> : vector<256xf32>
    %reduce_min3A_188 = vector.multi_reduction <minimumf>, %select_n3A_186, %reduce_min3A_187 [1] : vector<256x2048xf32> to vector<256xf32>
    %broadcast_in_dim3A_189 = vector.shape_cast %reduce_min3A_188 : vector<256xf32> to vector<256x1xf32>
    %eq3A_190 = vector.broadcast %broadcast_in_dim3A_189 : vector<256x1xf32> to vector<256x2048xf32>
    %eq3A_191 = arith.cmpf oeq, %convert_element_type3A, %eq3A_190 : vector<256x2048xf32>
    %jit3A_192 = arith.constant 0x7F800000 : f32
    %broadcast_in_dim3A_193 = vector.broadcast %jit3A_192 : f32 to vector<256x2048xf32>
    %select_n3A_194 = arith.select %eq3A_191, %broadcast_in_dim3A_193, %select_n3A_178 : vector<256x2048xi1>, vector<256x2048xf32>
    %reduce_min3A_195 = arith.constant dense<0x7F800000> : vector<256xf32>
    %reduce_min3A_196 = vector.multi_reduction <minimumf>, %select_n3A_194, %reduce_min3A_195 [1] : vector<256x2048xf32> to vector<256xf32>
    %broadcast_in_dim3A_197 = vector.shape_cast %reduce_min3A_196 : vector<256xf32> to vector<256x1xf32>
    %le3A_198 = vector.broadcast %broadcast_in_dim3A_197 : vector<256x1xf32> to vector<256x2048xf32>
    %le3A_199 = arith.cmpf ole, %select_n3A_194, %le3A_198 : vector<256x2048xf32>
    %jit3A_200 = arith.constant 3.000000e+38 : f32
    %broadcast_in_dim3A_201 = vector.broadcast %jit3A_200 : f32 to vector<256x2048xf32>
    %select_n3A_202 = arith.select %le3A_199, %convert_element_type3A, %broadcast_in_dim3A_201 : vector<256x2048xi1>, vector<256x2048xf32>
    %reduce_min3A_203 = arith.constant dense<0x7F800000> : vector<256xf32>
    %reduce_min3A_204 = vector.multi_reduction <minimumf>, %select_n3A_202, %reduce_min3A_203 [1] : vector<256x2048xf32> to vector<256xf32>
    %broadcast_in_dim3A_205 = vector.shape_cast %reduce_min3A_204 : vector<256xf32> to vector<256x1xf32>
    %eq3A_206 = vector.broadcast %broadcast_in_dim3A_205 : vector<256x1xf32> to vector<256x2048xf32>
    %eq3A_207 = arith.cmpf oeq, %convert_element_type3A, %eq3A_206 : vector<256x2048xf32>
    %jit3A_208 = arith.constant 0x7F800000 : f32
    %broadcast_in_dim3A_209 = vector.broadcast %jit3A_208 : f32 to vector<256x2048xf32>
    %select_n3A_210 = arith.select %eq3A_207, %broadcast_in_dim3A_209, %select_n3A_194 : vector<256x2048xi1>, vector<256x2048xf32>
    %reduce_min3A_211 = arith.constant dense<0x7F800000> : vector<256xf32>
    %reduce_min3A_212 = vector.multi_reduction <minimumf>, %select_n3A_210, %reduce_min3A_211 [1] : vector<256x2048xf32> to vector<256xf32>
    %broadcast_in_dim3A_213 = vector.shape_cast %reduce_min3A_212 : vector<256xf32> to vector<256x1xf32>
    %le3A_214 = vector.broadcast %broadcast_in_dim3A_213 : vector<256x1xf32> to vector<256x2048xf32>
    %le3A_215 = arith.cmpf ole, %select_n3A_210, %le3A_214 : vector<256x2048xf32>
    %jit3A_216 = arith.constant 3.000000e+38 : f32
    %broadcast_in_dim3A_217 = vector.broadcast %jit3A_216 : f32 to vector<256x2048xf32>
    %select_n3A_218 = arith.select %le3A_215, %convert_element_type3A, %broadcast_in_dim3A_217 : vector<256x2048xi1>, vector<256x2048xf32>
    %reduce_min3A_219 = arith.constant dense<0x7F800000> : vector<256xf32>
    %reduce_min3A_220 = vector.multi_reduction <minimumf>, %select_n3A_218, %reduce_min3A_219 [1] : vector<256x2048xf32> to vector<256xf32>
    %broadcast_in_dim3A_221 = vector.shape_cast %reduce_min3A_220 : vector<256xf32> to vector<256x1xf32>
    %eq3A_222 = vector.broadcast %broadcast_in_dim3A_221 : vector<256x1xf32> to vector<256x2048xf32>
    %eq3A_223 = arith.cmpf oeq, %convert_element_type3A, %eq3A_222 : vector<256x2048xf32>
    %jit3A_224 = arith.constant 0x7F800000 : f32
    %broadcast_in_dim3A_225 = vector.broadcast %jit3A_224 : f32 to vector<256x2048xf32>
    %select_n3A_226 = arith.select %eq3A_223, %broadcast_in_dim3A_225, %select_n3A_210 : vector<256x2048xi1>, vector<256x2048xf32>
    %reduce_min3A_227 = arith.constant dense<0x7F800000> : vector<256xf32>
    %reduce_min3A_228 = vector.multi_reduction <minimumf>, %select_n3A_226, %reduce_min3A_227 [1] : vector<256x2048xf32> to vector<256xf32>
    %broadcast_in_dim3A_229 = vector.shape_cast %reduce_min3A_228 : vector<256xf32> to vector<256x1xf32>
    %le3A_230 = vector.broadcast %broadcast_in_dim3A_229 : vector<256x1xf32> to vector<256x2048xf32>
    %le3A_231 = arith.cmpf ole, %select_n3A_226, %le3A_230 : vector<256x2048xf32>
    %jit3A_232 = arith.constant 3.000000e+38 : f32
    %broadcast_in_dim3A_233 = vector.broadcast %jit3A_232 : f32 to vector<256x2048xf32>
    %select_n3A_234 = arith.select %le3A_231, %convert_element_type3A, %broadcast_in_dim3A_233 : vector<256x2048xi1>, vector<256x2048xf32>
    %reduce_min3A_235 = arith.constant dense<0x7F800000> : vector<256xf32>
    %reduce_min3A_236 = vector.multi_reduction <minimumf>, %select_n3A_234, %reduce_min3A_235 [1] : vector<256x2048xf32> to vector<256xf32>
    %broadcast_in_dim3A_237 = vector.shape_cast %reduce_min3A_236 : vector<256xf32> to vector<256x1xf32>
    %eq3A_238 = vector.broadcast %broadcast_in_dim3A_237 : vector<256x1xf32> to vector<256x2048xf32>
    %eq3A_239 = arith.cmpf oeq, %convert_element_type3A, %eq3A_238 : vector<256x2048xf32>
    %jit3A_240 = arith.constant 0x7F800000 : f32
    %broadcast_in_dim3A_241 = vector.broadcast %jit3A_240 : f32 to vector<256x2048xf32>
    %select_n3A_242 = arith.select %eq3A_239, %broadcast_in_dim3A_241, %select_n3A_226 : vector<256x2048xi1>, vector<256x2048xf32>
    %reduce_min3A_243 = arith.constant dense<0x7F800000> : vector<256xf32>
    %reduce_min3A_244 = vector.multi_reduction <minimumf>, %select_n3A_242, %reduce_min3A_243 [1] : vector<256x2048xf32> to vector<256xf32>
    %broadcast_in_dim3A_245 = vector.shape_cast %reduce_min3A_244 : vector<256xf32> to vector<256x1xf32>
    %le3A_246 = vector.broadcast %broadcast_in_dim3A_245 : vector<256x1xf32> to vector<256x2048xf32>
    %le3A_247 = arith.cmpf ole, %select_n3A_242, %le3A_246 : vector<256x2048xf32>
    %jit3A_248 = arith.constant 3.000000e+38 : f32
    %broadcast_in_dim3A_249 = vector.broadcast %jit3A_248 : f32 to vector<256x2048xf32>
    %select_n3A_250 = arith.select %le3A_247, %convert_element_type3A, %broadcast_in_dim3A_249 : vector<256x2048xi1>, vector<256x2048xf32>
    %reduce_min3A_251 = arith.constant dense<0x7F800000> : vector<256xf32>
    %reduce_min3A_252 = vector.multi_reduction <minimumf>, %select_n3A_250, %reduce_min3A_251 [1] : vector<256x2048xf32> to vector<256xf32>
    %broadcast_in_dim3A_253 = vector.shape_cast %reduce_min3A_252 : vector<256xf32> to vector<256x1xf32>
    %eq3A_254 = vector.broadcast %broadcast_in_dim3A_253 : vector<256x1xf32> to vector<256x2048xf32>
    %eq3A_255 = arith.cmpf oeq, %convert_element_type3A, %eq3A_254 : vector<256x2048xf32>
    %jit3A_256 = arith.constant 0x7F800000 : f32
    %broadcast_in_dim3A_257 = vector.broadcast %jit3A_256 : f32 to vector<256x2048xf32>
    %select_n3A_258 = arith.select %eq3A_255, %broadcast_in_dim3A_257, %select_n3A_242 : vector<256x2048xi1>, vector<256x2048xf32>
    %reduce_min3A_259 = arith.constant dense<0x7F800000> : vector<256xf32>
    %reduce_min3A_260 = vector.multi_reduction <minimumf>, %select_n3A_258, %reduce_min3A_259 [1] : vector<256x2048xf32> to vector<256xf32>
    %broadcast_in_dim3A_261 = vector.shape_cast %reduce_min3A_260 : vector<256xf32> to vector<256x1xf32>
    %le3A_262 = vector.broadcast %broadcast_in_dim3A_261 : vector<256x1xf32> to vector<256x2048xf32>
    %le3A_263 = arith.cmpf ole, %select_n3A_258, %le3A_262 : vector<256x2048xf32>
    %jit3A_264 = arith.constant 3.000000e+38 : f32
    %broadcast_in_dim3A_265 = vector.broadcast %jit3A_264 : f32 to vector<256x2048xf32>
    %select_n3A_266 = arith.select %le3A_263, %convert_element_type3A, %broadcast_in_dim3A_265 : vector<256x2048xi1>, vector<256x2048xf32>
    %reduce_min3A_267 = arith.constant dense<0x7F800000> : vector<256xf32>
    %reduce_min3A_268 = vector.multi_reduction <minimumf>, %select_n3A_266, %reduce_min3A_267 [1] : vector<256x2048xf32> to vector<256xf32>
    %broadcast_in_dim3A_269 = vector.shape_cast %reduce_min3A_268 : vector<256xf32> to vector<256x1xf32>
    %concatenate3A = tpu.concatenate %broadcast_in_dim3A_30, %broadcast_in_dim3A_45, %broadcast_in_dim3A_61, %broadcast_in_dim3A_77, %broadcast_in_dim3A_93, %broadcast_in_dim3A_109, %broadcast_in_dim3A_125, %broadcast_in_dim3A_141, %broadcast_in_dim3A_157, %broadcast_in_dim3A_173, %broadcast_in_dim3A_189, %broadcast_in_dim3A_205, %broadcast_in_dim3A_221, %broadcast_in_dim3A_237, %broadcast_in_dim3A_253, %broadcast_in_dim3A_269 in 1 : vector<256x1xf32>, vector<256x1xf32>, vector<256x1xf32>, vector<256x1xf32>, vector<256x1xf32>, vector<256x1xf32>, vector<256x1xf32>, vector<256x1xf32>, vector<256x1xf32>, vector<256x1xf32>, vector<256x1xf32>, vector<256x1xf32>, vector<256x1xf32>, vector<256x1xf32>, vector<256x1xf32>, vector<256x1xf32> -> vector<256x16xf32>
    %convert_element_type3A_270 = arith.fptosi %concatenate3A : vector<256x16xf32> to vector<256x16xi32>
    %add3A_271 = arith.constant 4096 : i32
    %add3A_272 = vector.broadcast %add3A_271 : i32 to vector<256x16xi32>
    %add3A_273 = arith.addi %convert_element_type3A_270, %add3A_272 : vector<256x16xi32>
    %swap3A = arith.constant 0 : index
    %swap3A_274 = arith.constant 0 : index
    %swap3A_275 = vector.load %arg3[%swap3A, %swap3A_274] : memref<256x16xi32, #tpu.memory_space<vmem>>, vector<256x16xi32>
    tpu.vector_store %arg3[%swap3A, %swap3A_274], %add3A_273 {strides = array<i32>} : memref<256x16xi32, #tpu.memory_space<vmem>>, vector<256x16xi32>,
    return
  }
  func.func @transform_0(%arg0: i32) -> (i32, i32, i32) {
    %c2_i32 = arith.constant 2 : i32
    %c0_i32 = arith.constant 0 : i32
    %c0_i32_0 = arith.constant 0 : i32
    return %c2_i32, %arg0, %c0_i32 : i32, i32, i32
  }
  func.func @transform_1(%arg0: i32) -> (i32, i32, i32) {
    %c2_i32 = arith.constant 2 : i32
    %c0_i32 = arith.constant 0 : i32
    %c0_i32_0 = arith.constant 0 : i32
    %c0_i32_1 = arith.constant 0 : i32
    return %c2_i32, %c0_i32, %c0_i32_0 : i32, i32, i32
  }
  func.func @transform_2(%arg0: i32) -> (i32, i32) {
    %c0_i32 = arith.constant 0 : i32
    %c0_i32_0 = arith.constant 0 : i32
    return %arg0, %c0_i32 : i32, i32
  }
}

module attributes {stable_mosaic.version = 14 : i64} {
  func.func @_knn_body(%arg0: i32, %arg1: memref<1x256x3xf32, #tpu.memory_space<vmem>>, %arg2: memref<1x3x2048xf32, #tpu.memory_space<vmem>>, %arg3: memref<256x16xi32, #tpu.memory_space<vmem>>) attributes {dimension_semantics = [#tpu.dimension_semantics<arbitrary>], iteration_bounds = array<i64: 8>, scalar_prefetch = 0 : i64, scratch_operands = 0 : i64, tpu.core_type = #tpu.core_type<tc>, window_params = [{transform_indices = @transform_0, window_bounds = array<i64: 1, 256, 3>}, {transform_indices = @transform_1, window_bounds = array<i64: 1, 3, 2048>}, {transform_indices = @transform_2, window_bounds = array<i64: 256, 16>}]} {
    %get3A = arith.constant 0 : index
    %get3A_0 = arith.constant 0 : index
    %get3A_1 = arith.constant 0 : index
    %get3A_2 = vector.load %arg1[%get3A, %get3A_0, %get3A_1] : memref<1x256x3xf32, #tpu.memory_space<vmem>>, vector<1x256x3xf32>
    %get3A_3 = vector.shape_cast %get3A_2 : vector<1x256x3xf32> to vector<256x3xf32>
    %get3A_4 = arith.constant 0 : index
    %get3A_5 = arith.constant 0 : index
    %get3A_6 = arith.constant 0 : index
    %get3A_7 = vector.load %arg2[%get3A_4, %get3A_5, %get3A_6] : memref<1x3x2048xf32, #tpu.memory_space<vmem>>, vector<1x3x2048xf32>
    %get3A_8 = vector.shape_cast %get3A_7 : vector<1x3x2048xf32> to vector<3x2048xf32>
    %slice3A = vector.extract_strided_slice %get3A_3 {offsets = [0, 0], sizes = [256, 1], strides = [1, 1]} : vector<256x3xf32> to vector<256x1xf32>
    %slice3A_9 = vector.extract_strided_slice %get3A_8 {offsets = [0, 0], sizes = [1, 2048], strides = [1, 1]} : vector<3x2048xf32> to vector<1x2048xf32>
    %sub3A = vector.broadcast %slice3A : vector<256x1xf32> to vector<256x2048xf32>
    %sub3A_10 = vector.broadcast %slice3A_9 : vector<1x2048xf32> to vector<256x2048xf32>
    %sub3A_11 = arith.subf %sub3A, %sub3A_10 : vector<256x2048xf32>
    %slice3A_12 = vector.extract_strided_slice %get3A_3 {offsets = [0, 1], sizes = [256, 1], strides = [1, 1]} : vector<256x3xf32> to vector<256x1xf32>
    %slice3A_13 = vector.extract_strided_slice %get3A_8 {offsets = [1, 0], sizes = [1, 2048], strides = [1, 1]} : vector<3x2048xf32> to vector<1x2048xf32>
    %sub3A_14 = vector.broadcast %slice3A_12 : vector<256x1xf32> to vector<256x2048xf32>
    %sub3A_15 = vector.broadcast %slice3A_13 : vector<1x2048xf32> to vector<256x2048xf32>
    %sub3A_16 = arith.subf %sub3A_14, %sub3A_15 : vector<256x2048xf32>
    %slice3A_17 = vector.extract_strided_slice %get3A_3 {offsets = [0, 2], sizes = [256, 1], strides = [1, 1]} : vector<256x3xf32> to vector<256x1xf32>
    %slice3A_18 = vector.extract_strided_slice %get3A_8 {offsets = [2, 0], sizes = [1, 2048], strides = [1, 1]} : vector<3x2048xf32> to vector<1x2048xf32>
    %sub3A_19 = vector.broadcast %slice3A_17 : vector<256x1xf32> to vector<256x2048xf32>
    %sub3A_20 = vector.broadcast %slice3A_18 : vector<1x2048xf32> to vector<256x2048xf32>
    %sub3A_21 = arith.subf %sub3A_19, %sub3A_20 : vector<256x2048xf32>
    %mul3A = arith.mulf %sub3A_11, %sub3A_11 : vector<256x2048xf32>
    %mul3A_22 = arith.mulf %sub3A_16, %sub3A_16 : vector<256x2048xf32>
    %add3A = arith.addf %mul3A, %mul3A_22 : vector<256x2048xf32>
    %mul3A_23 = arith.mulf %sub3A_21, %sub3A_21 : vector<256x2048xf32>
    %add3A_24 = arith.addf %add3A, %mul3A_23 : vector<256x2048xf32>
    %iota3A = tpu.iota {dimensions = array<i32: 1>} : vector<256x2048xi32>
    %convert_element_type3A = arith.sitofp %iota3A : vector<256x2048xi32> to vector<256x2048xf32>
    %reduce_min3A = arith.constant dense<0x7F800000> : vector<256xf32>
    %reduce_min3A_25 = vector.multi_reduction <minimumf>, %add3A_24, %reduce_min3A [1] : vector<256x2048xf32> to vector<256xf32>
    %broadcast_in_dim3A = vector.shape_cast %reduce_min3A_25 : vector<256xf32> to vector<256x1xf32>
    %le3A = vector.broadcast %broadcast_in_dim3A : vector<256x1xf32> to vector<256x2048xf32>
    %le3A_26 = arith.cmpf ole, %add3A_24, %le3A : vector<256x2048xf32>
    %jit3A = arith.constant 3.000000e+38 : f32
    %broadcast_in_dim3A_27 = vector.broadcast %jit3A : f32 to vector<256x2048xf32>
    %select_n3A = arith.select %le3A_26, %convert_element_type3A, %broadcast_in_dim3A_27 : vector<256x2048xi1>, vector<256x2048xf32>
    %reduce_min3A_28 = arith.constant dense<0x7F800000> : vector<256xf32>
    %reduce_min3A_29 = vector.multi_reduction <minimumf>, %select_n3A, %reduce_min3A_28 [1] : vector<256x2048xf32> to vector<256xf32>
    %broadcast_in_dim3A_30 = vector.shape_cast %reduce_min3A_29 : vector<256xf32> to vector<256x1xf32>
    %eq3A = vector.broadcast %broadcast_in_dim3A_30 : vector<256x1xf32> to vector<256x2048xf32>
    %eq3A_31 = arith.cmpf oeq, %convert_element_type3A, %eq3A : vector<256x2048xf32>
    %jit3A_32 = arith.constant 0x7F800000 : f32
    %broadcast_in_dim3A_33 = vector.broadcast %jit3A_32 : f32 to vector<256x2048xf32>
    %select_n3A_34 = arith.select %eq3A_31, %broadcast_in_dim3A_33, %add3A_24 : vector<256x2048xi1>, vector<256x2048xf32>
    %reduce_min3A_35 = arith.constant dense<0x7F800000> : vector<256xf32>
    %reduce_min3A_36 = vector.multi_reduction <minimumf>, %select_n3A_34, %reduce_min3A_35 [1] : vector<256x2048xf32> to vector<256xf32>
    %broadcast_in_dim3A_37 = vector.shape_cast %reduce_min3A_36 : vector<256xf32> to vector<256x1xf32>
    %le3A_38 = vector.broadcast %broadcast_in_dim3A_37 : vector<256x1xf32> to vector<256x2048xf32>
    %le3A_39 = arith.cmpf ole, %select_n3A_34, %le3A_38 : vector<256x2048xf32>
    %jit3A_40 = arith.constant 3.000000e+38 : f32
    %broadcast_in_dim3A_41 = vector.broadcast %jit3A_40 : f32 to vector<256x2048xf32>
    %select_n3A_42 = arith.select %le3A_39, %convert_element_type3A, %broadcast_in_dim3A_41 : vector<256x2048xi1>, vector<256x2048xf32>
    %reduce_min3A_43 = arith.constant dense<0x7F800000> : vector<256xf32>
    %reduce_min3A_44 = vector.multi_reduction <minimumf>, %select_n3A_42, %reduce_min3A_43 [1] : vector<256x2048xf32> to vector<256xf32>
    %broadcast_in_dim3A_45 = vector.shape_cast %reduce_min3A_44 : vector<256xf32> to vector<256x1xf32>
    %eq3A_46 = vector.broadcast %broadcast_in_dim3A_45 : vector<256x1xf32> to vector<256x2048xf32>
    %eq3A_47 = arith.cmpf oeq, %convert_element_type3A, %eq3A_46 : vector<256x2048xf32>
    %jit3A_48 = arith.constant 0x7F800000 : f32
    %broadcast_in_dim3A_49 = vector.broadcast %jit3A_48 : f32 to vector<256x2048xf32>
    %select_n3A_50 = arith.select %eq3A_47, %broadcast_in_dim3A_49, %select_n3A_34 : vector<256x2048xi1>, vector<256x2048xf32>
    %reduce_min3A_51 = arith.constant dense<0x7F800000> : vector<256xf32>
    %reduce_min3A_52 = vector.multi_reduction <minimumf>, %select_n3A_50, %reduce_min3A_51 [1] : vector<256x2048xf32> to vector<256xf32>
    %broadcast_in_dim3A_53 = vector.shape_cast %reduce_min3A_52 : vector<256xf32> to vector<256x1xf32>
    %le3A_54 = vector.broadcast %broadcast_in_dim3A_53 : vector<256x1xf32> to vector<256x2048xf32>
    %le3A_55 = arith.cmpf ole, %select_n3A_50, %le3A_54 : vector<256x2048xf32>
    %jit3A_56 = arith.constant 3.000000e+38 : f32
    %broadcast_in_dim3A_57 = vector.broadcast %jit3A_56 : f32 to vector<256x2048xf32>
    %select_n3A_58 = arith.select %le3A_55, %convert_element_type3A, %broadcast_in_dim3A_57 : vector<256x2048xi1>, vector<256x2048xf32>
    %reduce_min3A_59 = arith.constant dense<0x7F800000> : vector<256xf32>
    %reduce_min3A_60 = vector.multi_reduction <minimumf>, %select_n3A_58, %reduce_min3A_59 [1] : vector<256x2048xf32> to vector<256xf32>
    %broadcast_in_dim3A_61 = vector.shape_cast %reduce_min3A_60 : vector<256xf32> to vector<256x1xf32>
    %eq3A_62 = vector.broadcast %broadcast_in_dim3A_61 : vector<256x1xf32> to vector<256x2048xf32>
    %eq3A_63 = arith.cmpf oeq, %convert_element_type3A, %eq3A_62 : vector<256x2048xf32>
    %jit3A_64 = arith.constant 0x7F800000 : f32
    %broadcast_in_dim3A_65 = vector.broadcast %jit3A_64 : f32 to vector<256x2048xf32>
    %select_n3A_66 = arith.select %eq3A_63, %broadcast_in_dim3A_65, %select_n3A_50 : vector<256x2048xi1>, vector<256x2048xf32>
    %reduce_min3A_67 = arith.constant dense<0x7F800000> : vector<256xf32>
    %reduce_min3A_68 = vector.multi_reduction <minimumf>, %select_n3A_66, %reduce_min3A_67 [1] : vector<256x2048xf32> to vector<256xf32>
    %broadcast_in_dim3A_69 = vector.shape_cast %reduce_min3A_68 : vector<256xf32> to vector<256x1xf32>
    %le3A_70 = vector.broadcast %broadcast_in_dim3A_69 : vector<256x1xf32> to vector<256x2048xf32>
    %le3A_71 = arith.cmpf ole, %select_n3A_66, %le3A_70 : vector<256x2048xf32>
    %jit3A_72 = arith.constant 3.000000e+38 : f32
    %broadcast_in_dim3A_73 = vector.broadcast %jit3A_72 : f32 to vector<256x2048xf32>
    %select_n3A_74 = arith.select %le3A_71, %convert_element_type3A, %broadcast_in_dim3A_73 : vector<256x2048xi1>, vector<256x2048xf32>
    %reduce_min3A_75 = arith.constant dense<0x7F800000> : vector<256xf32>
    %reduce_min3A_76 = vector.multi_reduction <minimumf>, %select_n3A_74, %reduce_min3A_75 [1] : vector<256x2048xf32> to vector<256xf32>
    %broadcast_in_dim3A_77 = vector.shape_cast %reduce_min3A_76 : vector<256xf32> to vector<256x1xf32>
    %eq3A_78 = vector.broadcast %broadcast_in_dim3A_77 : vector<256x1xf32> to vector<256x2048xf32>
    %eq3A_79 = arith.cmpf oeq, %convert_element_type3A, %eq3A_78 : vector<256x2048xf32>
    %jit3A_80 = arith.constant 0x7F800000 : f32
    %broadcast_in_dim3A_81 = vector.broadcast %jit3A_80 : f32 to vector<256x2048xf32>
    %select_n3A_82 = arith.select %eq3A_79, %broadcast_in_dim3A_81, %select_n3A_66 : vector<256x2048xi1>, vector<256x2048xf32>
    %reduce_min3A_83 = arith.constant dense<0x7F800000> : vector<256xf32>
    %reduce_min3A_84 = vector.multi_reduction <minimumf>, %select_n3A_82, %reduce_min3A_83 [1] : vector<256x2048xf32> to vector<256xf32>
    %broadcast_in_dim3A_85 = vector.shape_cast %reduce_min3A_84 : vector<256xf32> to vector<256x1xf32>
    %le3A_86 = vector.broadcast %broadcast_in_dim3A_85 : vector<256x1xf32> to vector<256x2048xf32>
    %le3A_87 = arith.cmpf ole, %select_n3A_82, %le3A_86 : vector<256x2048xf32>
    %jit3A_88 = arith.constant 3.000000e+38 : f32
    %broadcast_in_dim3A_89 = vector.broadcast %jit3A_88 : f32 to vector<256x2048xf32>
    %select_n3A_90 = arith.select %le3A_87, %convert_element_type3A, %broadcast_in_dim3A_89 : vector<256x2048xi1>, vector<256x2048xf32>
    %reduce_min3A_91 = arith.constant dense<0x7F800000> : vector<256xf32>
    %reduce_min3A_92 = vector.multi_reduction <minimumf>, %select_n3A_90, %reduce_min3A_91 [1] : vector<256x2048xf32> to vector<256xf32>
    %broadcast_in_dim3A_93 = vector.shape_cast %reduce_min3A_92 : vector<256xf32> to vector<256x1xf32>
    %eq3A_94 = vector.broadcast %broadcast_in_dim3A_93 : vector<256x1xf32> to vector<256x2048xf32>
    %eq3A_95 = arith.cmpf oeq, %convert_element_type3A, %eq3A_94 : vector<256x2048xf32>
    %jit3A_96 = arith.constant 0x7F800000 : f32
    %broadcast_in_dim3A_97 = vector.broadcast %jit3A_96 : f32 to vector<256x2048xf32>
    %select_n3A_98 = arith.select %eq3A_95, %broadcast_in_dim3A_97, %select_n3A_82 : vector<256x2048xi1>, vector<256x2048xf32>
    %reduce_min3A_99 = arith.constant dense<0x7F800000> : vector<256xf32>
    %reduce_min3A_100 = vector.multi_reduction <minimumf>, %select_n3A_98, %reduce_min3A_99 [1] : vector<256x2048xf32> to vector<256xf32>
    %broadcast_in_dim3A_101 = vector.shape_cast %reduce_min3A_100 : vector<256xf32> to vector<256x1xf32>
    %le3A_102 = vector.broadcast %broadcast_in_dim3A_101 : vector<256x1xf32> to vector<256x2048xf32>
    %le3A_103 = arith.cmpf ole, %select_n3A_98, %le3A_102 : vector<256x2048xf32>
    %jit3A_104 = arith.constant 3.000000e+38 : f32
    %broadcast_in_dim3A_105 = vector.broadcast %jit3A_104 : f32 to vector<256x2048xf32>
    %select_n3A_106 = arith.select %le3A_103, %convert_element_type3A, %broadcast_in_dim3A_105 : vector<256x2048xi1>, vector<256x2048xf32>
    %reduce_min3A_107 = arith.constant dense<0x7F800000> : vector<256xf32>
    %reduce_min3A_108 = vector.multi_reduction <minimumf>, %select_n3A_106, %reduce_min3A_107 [1] : vector<256x2048xf32> to vector<256xf32>
    %broadcast_in_dim3A_109 = vector.shape_cast %reduce_min3A_108 : vector<256xf32> to vector<256x1xf32>
    %eq3A_110 = vector.broadcast %broadcast_in_dim3A_109 : vector<256x1xf32> to vector<256x2048xf32>
    %eq3A_111 = arith.cmpf oeq, %convert_element_type3A, %eq3A_110 : vector<256x2048xf32>
    %jit3A_112 = arith.constant 0x7F800000 : f32
    %broadcast_in_dim3A_113 = vector.broadcast %jit3A_112 : f32 to vector<256x2048xf32>
    %select_n3A_114 = arith.select %eq3A_111, %broadcast_in_dim3A_113, %select_n3A_98 : vector<256x2048xi1>, vector<256x2048xf32>
    %reduce_min3A_115 = arith.constant dense<0x7F800000> : vector<256xf32>
    %reduce_min3A_116 = vector.multi_reduction <minimumf>, %select_n3A_114, %reduce_min3A_115 [1] : vector<256x2048xf32> to vector<256xf32>
    %broadcast_in_dim3A_117 = vector.shape_cast %reduce_min3A_116 : vector<256xf32> to vector<256x1xf32>
    %le3A_118 = vector.broadcast %broadcast_in_dim3A_117 : vector<256x1xf32> to vector<256x2048xf32>
    %le3A_119 = arith.cmpf ole, %select_n3A_114, %le3A_118 : vector<256x2048xf32>
    %jit3A_120 = arith.constant 3.000000e+38 : f32
    %broadcast_in_dim3A_121 = vector.broadcast %jit3A_120 : f32 to vector<256x2048xf32>
    %select_n3A_122 = arith.select %le3A_119, %convert_element_type3A, %broadcast_in_dim3A_121 : vector<256x2048xi1>, vector<256x2048xf32>
    %reduce_min3A_123 = arith.constant dense<0x7F800000> : vector<256xf32>
    %reduce_min3A_124 = vector.multi_reduction <minimumf>, %select_n3A_122, %reduce_min3A_123 [1] : vector<256x2048xf32> to vector<256xf32>
    %broadcast_in_dim3A_125 = vector.shape_cast %reduce_min3A_124 : vector<256xf32> to vector<256x1xf32>
    %eq3A_126 = vector.broadcast %broadcast_in_dim3A_125 : vector<256x1xf32> to vector<256x2048xf32>
    %eq3A_127 = arith.cmpf oeq, %convert_element_type3A, %eq3A_126 : vector<256x2048xf32>
    %jit3A_128 = arith.constant 0x7F800000 : f32
    %broadcast_in_dim3A_129 = vector.broadcast %jit3A_128 : f32 to vector<256x2048xf32>
    %select_n3A_130 = arith.select %eq3A_127, %broadcast_in_dim3A_129, %select_n3A_114 : vector<256x2048xi1>, vector<256x2048xf32>
    %reduce_min3A_131 = arith.constant dense<0x7F800000> : vector<256xf32>
    %reduce_min3A_132 = vector.multi_reduction <minimumf>, %select_n3A_130, %reduce_min3A_131 [1] : vector<256x2048xf32> to vector<256xf32>
    %broadcast_in_dim3A_133 = vector.shape_cast %reduce_min3A_132 : vector<256xf32> to vector<256x1xf32>
    %le3A_134 = vector.broadcast %broadcast_in_dim3A_133 : vector<256x1xf32> to vector<256x2048xf32>
    %le3A_135 = arith.cmpf ole, %select_n3A_130, %le3A_134 : vector<256x2048xf32>
    %jit3A_136 = arith.constant 3.000000e+38 : f32
    %broadcast_in_dim3A_137 = vector.broadcast %jit3A_136 : f32 to vector<256x2048xf32>
    %select_n3A_138 = arith.select %le3A_135, %convert_element_type3A, %broadcast_in_dim3A_137 : vector<256x2048xi1>, vector<256x2048xf32>
    %reduce_min3A_139 = arith.constant dense<0x7F800000> : vector<256xf32>
    %reduce_min3A_140 = vector.multi_reduction <minimumf>, %select_n3A_138, %reduce_min3A_139 [1] : vector<256x2048xf32> to vector<256xf32>
    %broadcast_in_dim3A_141 = vector.shape_cast %reduce_min3A_140 : vector<256xf32> to vector<256x1xf32>
    %eq3A_142 = vector.broadcast %broadcast_in_dim3A_141 : vector<256x1xf32> to vector<256x2048xf32>
    %eq3A_143 = arith.cmpf oeq, %convert_element_type3A, %eq3A_142 : vector<256x2048xf32>
    %jit3A_144 = arith.constant 0x7F800000 : f32
    %broadcast_in_dim3A_145 = vector.broadcast %jit3A_144 : f32 to vector<256x2048xf32>
    %select_n3A_146 = arith.select %eq3A_143, %broadcast_in_dim3A_145, %select_n3A_130 : vector<256x2048xi1>, vector<256x2048xf32>
    %reduce_min3A_147 = arith.constant dense<0x7F800000> : vector<256xf32>
    %reduce_min3A_148 = vector.multi_reduction <minimumf>, %select_n3A_146, %reduce_min3A_147 [1] : vector<256x2048xf32> to vector<256xf32>
    %broadcast_in_dim3A_149 = vector.shape_cast %reduce_min3A_148 : vector<256xf32> to vector<256x1xf32>
    %le3A_150 = vector.broadcast %broadcast_in_dim3A_149 : vector<256x1xf32> to vector<256x2048xf32>
    %le3A_151 = arith.cmpf ole, %select_n3A_146, %le3A_150 : vector<256x2048xf32>
    %jit3A_152 = arith.constant 3.000000e+38 : f32
    %broadcast_in_dim3A_153 = vector.broadcast %jit3A_152 : f32 to vector<256x2048xf32>
    %select_n3A_154 = arith.select %le3A_151, %convert_element_type3A, %broadcast_in_dim3A_153 : vector<256x2048xi1>, vector<256x2048xf32>
    %reduce_min3A_155 = arith.constant dense<0x7F800000> : vector<256xf32>
    %reduce_min3A_156 = vector.multi_reduction <minimumf>, %select_n3A_154, %reduce_min3A_155 [1] : vector<256x2048xf32> to vector<256xf32>
    %broadcast_in_dim3A_157 = vector.shape_cast %reduce_min3A_156 : vector<256xf32> to vector<256x1xf32>
    %eq3A_158 = vector.broadcast %broadcast_in_dim3A_157 : vector<256x1xf32> to vector<256x2048xf32>
    %eq3A_159 = arith.cmpf oeq, %convert_element_type3A, %eq3A_158 : vector<256x2048xf32>
    %jit3A_160 = arith.constant 0x7F800000 : f32
    %broadcast_in_dim3A_161 = vector.broadcast %jit3A_160 : f32 to vector<256x2048xf32>
    %select_n3A_162 = arith.select %eq3A_159, %broadcast_in_dim3A_161, %select_n3A_146 : vector<256x2048xi1>, vector<256x2048xf32>
    %reduce_min3A_163 = arith.constant dense<0x7F800000> : vector<256xf32>
    %reduce_min3A_164 = vector.multi_reduction <minimumf>, %select_n3A_162, %reduce_min3A_163 [1] : vector<256x2048xf32> to vector<256xf32>
    %broadcast_in_dim3A_165 = vector.shape_cast %reduce_min3A_164 : vector<256xf32> to vector<256x1xf32>
    %le3A_166 = vector.broadcast %broadcast_in_dim3A_165 : vector<256x1xf32> to vector<256x2048xf32>
    %le3A_167 = arith.cmpf ole, %select_n3A_162, %le3A_166 : vector<256x2048xf32>
    %jit3A_168 = arith.constant 3.000000e+38 : f32
    %broadcast_in_dim3A_169 = vector.broadcast %jit3A_168 : f32 to vector<256x2048xf32>
    %select_n3A_170 = arith.select %le3A_167, %convert_element_type3A, %broadcast_in_dim3A_169 : vector<256x2048xi1>, vector<256x2048xf32>
    %reduce_min3A_171 = arith.constant dense<0x7F800000> : vector<256xf32>
    %reduce_min3A_172 = vector.multi_reduction <minimumf>, %select_n3A_170, %reduce_min3A_171 [1] : vector<256x2048xf32> to vector<256xf32>
    %broadcast_in_dim3A_173 = vector.shape_cast %reduce_min3A_172 : vector<256xf32> to vector<256x1xf32>
    %eq3A_174 = vector.broadcast %broadcast_in_dim3A_173 : vector<256x1xf32> to vector<256x2048xf32>
    %eq3A_175 = arith.cmpf oeq, %convert_element_type3A, %eq3A_174 : vector<256x2048xf32>
    %jit3A_176 = arith.constant 0x7F800000 : f32
    %broadcast_in_dim3A_177 = vector.broadcast %jit3A_176 : f32 to vector<256x2048xf32>
    %select_n3A_178 = arith.select %eq3A_175, %broadcast_in_dim3A_177, %select_n3A_162 : vector<256x2048xi1>, vector<256x2048xf32>
    %reduce_min3A_179 = arith.constant dense<0x7F800000> : vector<256xf32>
    %reduce_min3A_180 = vector.multi_reduction <minimumf>, %select_n3A_178, %reduce_min3A_179 [1] : vector<256x2048xf32> to vector<256xf32>
    %broadcast_in_dim3A_181 = vector.shape_cast %reduce_min3A_180 : vector<256xf32> to vector<256x1xf32>
    %le3A_182 = vector.broadcast %broadcast_in_dim3A_181 : vector<256x1xf32> to vector<256x2048xf32>
    %le3A_183 = arith.cmpf ole, %select_n3A_178, %le3A_182 : vector<256x2048xf32>
    %jit3A_184 = arith.constant 3.000000e+38 : f32
    %broadcast_in_dim3A_185 = vector.broadcast %jit3A_184 : f32 to vector<256x2048xf32>
    %select_n3A_186 = arith.select %le3A_183, %convert_element_type3A, %broadcast_in_dim3A_185 : vector<256x2048xi1>, vector<256x2048xf32>
    %reduce_min3A_187 = arith.constant dense<0x7F800000> : vector<256xf32>
    %reduce_min3A_188 = vector.multi_reduction <minimumf>, %select_n3A_186, %reduce_min3A_187 [1] : vector<256x2048xf32> to vector<256xf32>
    %broadcast_in_dim3A_189 = vector.shape_cast %reduce_min3A_188 : vector<256xf32> to vector<256x1xf32>
    %eq3A_190 = vector.broadcast %broadcast_in_dim3A_189 : vector<256x1xf32> to vector<256x2048xf32>
    %eq3A_191 = arith.cmpf oeq, %convert_element_type3A, %eq3A_190 : vector<256x2048xf32>
    %jit3A_192 = arith.constant 0x7F800000 : f32
    %broadcast_in_dim3A_193 = vector.broadcast %jit3A_192 : f32 to vector<256x2048xf32>
    %select_n3A_194 = arith.select %eq3A_191, %broadcast_in_dim3A_193, %select_n3A_178 : vector<256x2048xi1>, vector<256x2048xf32>
    %reduce_min3A_195 = arith.constant dense<0x7F800000> : vector<256xf32>
    %reduce_min3A_196 = vector.multi_reduction <minimumf>, %select_n3A_194, %reduce_min3A_195 [1] : vector<256x2048xf32> to vector<256xf32>
    %broadcast_in_dim3A_197 = vector.shape_cast %reduce_min3A_196 : vector<256xf32> to vector<256x1xf32>
    %le3A_198 = vector.broadcast %broadcast_in_dim3A_197 : vector<256x1xf32> to vector<256x2048xf32>
    %le3A_199 = arith.cmpf ole, %select_n3A_194, %le3A_198 : vector<256x2048xf32>
    %jit3A_200 = arith.constant 3.000000e+38 : f32
    %broadcast_in_dim3A_201 = vector.broadcast %jit3A_200 : f32 to vector<256x2048xf32>
    %select_n3A_202 = arith.select %le3A_199, %convert_element_type3A, %broadcast_in_dim3A_201 : vector<256x2048xi1>, vector<256x2048xf32>
    %reduce_min3A_203 = arith.constant dense<0x7F800000> : vector<256xf32>
    %reduce_min3A_204 = vector.multi_reduction <minimumf>, %select_n3A_202, %reduce_min3A_203 [1] : vector<256x2048xf32> to vector<256xf32>
    %broadcast_in_dim3A_205 = vector.shape_cast %reduce_min3A_204 : vector<256xf32> to vector<256x1xf32>
    %eq3A_206 = vector.broadcast %broadcast_in_dim3A_205 : vector<256x1xf32> to vector<256x2048xf32>
    %eq3A_207 = arith.cmpf oeq, %convert_element_type3A, %eq3A_206 : vector<256x2048xf32>
    %jit3A_208 = arith.constant 0x7F800000 : f32
    %broadcast_in_dim3A_209 = vector.broadcast %jit3A_208 : f32 to vector<256x2048xf32>
    %select_n3A_210 = arith.select %eq3A_207, %broadcast_in_dim3A_209, %select_n3A_194 : vector<256x2048xi1>, vector<256x2048xf32>
    %reduce_min3A_211 = arith.constant dense<0x7F800000> : vector<256xf32>
    %reduce_min3A_212 = vector.multi_reduction <minimumf>, %select_n3A_210, %reduce_min3A_211 [1] : vector<256x2048xf32> to vector<256xf32>
    %broadcast_in_dim3A_213 = vector.shape_cast %reduce_min3A_212 : vector<256xf32> to vector<256x1xf32>
    %le3A_214 = vector.broadcast %broadcast_in_dim3A_213 : vector<256x1xf32> to vector<256x2048xf32>
    %le3A_215 = arith.cmpf ole, %select_n3A_210, %le3A_214 : vector<256x2048xf32>
    %jit3A_216 = arith.constant 3.000000e+38 : f32
    %broadcast_in_dim3A_217 = vector.broadcast %jit3A_216 : f32 to vector<256x2048xf32>
    %select_n3A_218 = arith.select %le3A_215, %convert_element_type3A, %broadcast_in_dim3A_217 : vector<256x2048xi1>, vector<256x2048xf32>
    %reduce_min3A_219 = arith.constant dense<0x7F800000> : vector<256xf32>
    %reduce_min3A_220 = vector.multi_reduction <minimumf>, %select_n3A_218, %reduce_min3A_219 [1] : vector<256x2048xf32> to vector<256xf32>
    %broadcast_in_dim3A_221 = vector.shape_cast %reduce_min3A_220 : vector<256xf32> to vector<256x1xf32>
    %eq3A_222 = vector.broadcast %broadcast_in_dim3A_221 : vector<256x1xf32> to vector<256x2048xf32>
    %eq3A_223 = arith.cmpf oeq, %convert_element_type3A, %eq3A_222 : vector<256x2048xf32>
    %jit3A_224 = arith.constant 0x7F800000 : f32
    %broadcast_in_dim3A_225 = vector.broadcast %jit3A_224 : f32 to vector<256x2048xf32>
    %select_n3A_226 = arith.select %eq3A_223, %broadcast_in_dim3A_225, %select_n3A_210 : vector<256x2048xi1>, vector<256x2048xf32>
    %reduce_min3A_227 = arith.constant dense<0x7F800000> : vector<256xf32>
    %reduce_min3A_228 = vector.multi_reduction <minimumf>, %select_n3A_226, %reduce_min3A_227 [1] : vector<256x2048xf32> to vector<256xf32>
    %broadcast_in_dim3A_229 = vector.shape_cast %reduce_min3A_228 : vector<256xf32> to vector<256x1xf32>
    %le3A_230 = vector.broadcast %broadcast_in_dim3A_229 : vector<256x1xf32> to vector<256x2048xf32>
    %le3A_231 = arith.cmpf ole, %select_n3A_226, %le3A_230 : vector<256x2048xf32>
    %jit3A_232 = arith.constant 3.000000e+38 : f32
    %broadcast_in_dim3A_233 = vector.broadcast %jit3A_232 : f32 to vector<256x2048xf32>
    %select_n3A_234 = arith.select %le3A_231, %convert_element_type3A, %broadcast_in_dim3A_233 : vector<256x2048xi1>, vector<256x2048xf32>
    %reduce_min3A_235 = arith.constant dense<0x7F800000> : vector<256xf32>
    %reduce_min3A_236 = vector.multi_reduction <minimumf>, %select_n3A_234, %reduce_min3A_235 [1] : vector<256x2048xf32> to vector<256xf32>
    %broadcast_in_dim3A_237 = vector.shape_cast %reduce_min3A_236 : vector<256xf32> to vector<256x1xf32>
    %eq3A_238 = vector.broadcast %broadcast_in_dim3A_237 : vector<256x1xf32> to vector<256x2048xf32>
    %eq3A_239 = arith.cmpf oeq, %convert_element_type3A, %eq3A_238 : vector<256x2048xf32>
    %jit3A_240 = arith.constant 0x7F800000 : f32
    %broadcast_in_dim3A_241 = vector.broadcast %jit3A_240 : f32 to vector<256x2048xf32>
    %select_n3A_242 = arith.select %eq3A_239, %broadcast_in_dim3A_241, %select_n3A_226 : vector<256x2048xi1>, vector<256x2048xf32>
    %reduce_min3A_243 = arith.constant dense<0x7F800000> : vector<256xf32>
    %reduce_min3A_244 = vector.multi_reduction <minimumf>, %select_n3A_242, %reduce_min3A_243 [1] : vector<256x2048xf32> to vector<256xf32>
    %broadcast_in_dim3A_245 = vector.shape_cast %reduce_min3A_244 : vector<256xf32> to vector<256x1xf32>
    %le3A_246 = vector.broadcast %broadcast_in_dim3A_245 : vector<256x1xf32> to vector<256x2048xf32>
    %le3A_247 = arith.cmpf ole, %select_n3A_242, %le3A_246 : vector<256x2048xf32>
    %jit3A_248 = arith.constant 3.000000e+38 : f32
    %broadcast_in_dim3A_249 = vector.broadcast %jit3A_248 : f32 to vector<256x2048xf32>
    %select_n3A_250 = arith.select %le3A_247, %convert_element_type3A, %broadcast_in_dim3A_249 : vector<256x2048xi1>, vector<256x2048xf32>
    %reduce_min3A_251 = arith.constant dense<0x7F800000> : vector<256xf32>
    %reduce_min3A_252 = vector.multi_reduction <minimumf>, %select_n3A_250, %reduce_min3A_251 [1] : vector<256x2048xf32> to vector<256xf32>
    %broadcast_in_dim3A_253 = vector.shape_cast %reduce_min3A_252 : vector<256xf32> to vector<256x1xf32>
    %eq3A_254 = vector.broadcast %broadcast_in_dim3A_253 : vector<256x1xf32> to vector<256x2048xf32>
    %eq3A_255 = arith.cmpf oeq, %convert_element_type3A, %eq3A_254 : vector<256x2048xf32>
    %jit3A_256 = arith.constant 0x7F800000 : f32
    %broadcast_in_dim3A_257 = vector.broadcast %jit3A_256 : f32 to vector<256x2048xf32>
    %select_n3A_258 = arith.select %eq3A_255, %broadcast_in_dim3A_257, %select_n3A_242 : vector<256x2048xi1>, vector<256x2048xf32>
    %reduce_min3A_259 = arith.constant dense<0x7F800000> : vector<256xf32>
    %reduce_min3A_260 = vector.multi_reduction <minimumf>, %select_n3A_258, %reduce_min3A_259 [1] : vector<256x2048xf32> to vector<256xf32>
    %broadcast_in_dim3A_261 = vector.shape_cast %reduce_min3A_260 : vector<256xf32> to vector<256x1xf32>
    %le3A_262 = vector.broadcast %broadcast_in_dim3A_261 : vector<256x1xf32> to vector<256x2048xf32>
    %le3A_263 = arith.cmpf ole, %select_n3A_258, %le3A_262 : vector<256x2048xf32>
    %jit3A_264 = arith.constant 3.000000e+38 : f32
    %broadcast_in_dim3A_265 = vector.broadcast %jit3A_264 : f32 to vector<256x2048xf32>
    %select_n3A_266 = arith.select %le3A_263, %convert_element_type3A, %broadcast_in_dim3A_265 : vector<256x2048xi1>, vector<256x2048xf32>
    %reduce_min3A_267 = arith.constant dense<0x7F800000> : vector<256xf32>
    %reduce_min3A_268 = vector.multi_reduction <minimumf>, %select_n3A_266, %reduce_min3A_267 [1] : vector<256x2048xf32> to vector<256xf32>
    %broadcast_in_dim3A_269 = vector.shape_cast %reduce_min3A_268 : vector<256xf32> to vector<256x1xf32>
    %concatenate3A = tpu.concatenate %broadcast_in_dim3A_30, %broadcast_in_dim3A_45, %broadcast_in_dim3A_61, %broadcast_in_dim3A_77, %broadcast_in_dim3A_93, %broadcast_in_dim3A_109, %broadcast_in_dim3A_125, %broadcast_in_dim3A_141, %broadcast_in_dim3A_157, %broadcast_in_dim3A_173, %broadcast_in_dim3A_189, %broadcast_in_dim3A_205, %broadcast_in_dim3A_221, %broadcast_in_dim3A_237, %broadcast_in_dim3A_253, %broadcast_in_dim3A_269 in 1 : vector<256x1xf32>, vector<256x1xf32>, vector<256x1xf32>, vector<256x1xf32>, vector<256x1xf32>, vector<256x1xf32>, vector<256x1xf32>, vector<256x1xf32>, vector<256x1xf32>, vector<256x1xf32>, vector<256x1xf32>, vector<256x1xf32>, vector<256x1xf32>, vector<256x1xf32>, vector<256x1xf32>, vector<256x1xf32> -> vector<256x16xf32>
    %convert_element_type3A_270 = arith.fptosi %concatenate3A : vector<256x16xf32> to vector<256x16xi32>
    %add3A_271 = arith.constant 6144 : i32
    %add3A_272 = vector.broadcast %add3A_271 : i32 to vector<256x16xi32>
    %add3A_273 = arith.addi %convert_element_type3A_270, %add3A_272 : vector<256x16xi32>
    %swap3A = arith.constant 0 : index
    %swap3A_274 = arith.constant 0 : index
    %swap3A_275 = vector.load %arg3[%swap3A, %swap3A_274] : memref<256x16xi32, #tpu.memory_space<vmem>>, vector<256x16xi32>
    tpu.vector_store %arg3[%swap3A, %swap3A_274], %add3A_273 {strides = array<i32>} : memref<256x16xi32, #tpu.memory_space<vmem>>, vector<256x16xi32>,
    return
  }
  func.func @transform_0(%arg0: i32) -> (i32, i32, i32) {
    %c3_i32 = arith.constant 3 : i32
    %c0_i32 = arith.constant 0 : i32
    %c0_i32_0 = arith.constant 0 : i32
    return %c3_i32, %arg0, %c0_i32 : i32, i32, i32
  }
  func.func @transform_1(%arg0: i32) -> (i32, i32, i32) {
    %c3_i32 = arith.constant 3 : i32
    %c0_i32 = arith.constant 0 : i32
    %c0_i32_0 = arith.constant 0 : i32
    %c0_i32_1 = arith.constant 0 : i32
    return %c3_i32, %c0_i32, %c0_i32_0 : i32, i32, i32
  }
  func.func @transform_2(%arg0: i32) -> (i32, i32) {
    %c0_i32 = arith.constant 0 : i32
    %c0_i32_0 = arith.constant 0 : i32
    return %arg0, %c0_i32 : i32, i32
  }
}

module attributes {stable_mosaic.version = 14 : i64} {
  func.func @_attn_body(%arg0: i32, %arg1: memref<256x256xf32, #tpu.memory_space<vmem>>, %arg2: memref<4096x384xf32, #tpu.memory_space<vmem>>, %arg3: memref<256x16xf32, #tpu.memory_space<vmem>>, %arg4: memref<256x256xf32, #tpu.memory_space<vmem>>, %arg5: memref<16x256xf32, #tpu.memory_space<vmem>>, %arg6: memref<1x256xf32, #tpu.memory_space<vmem>>, %arg7: memref<256x256xbf16, #tpu.memory_space<vmem>>, %arg8: memref<1x256xf32, #tpu.memory_space<vmem>>, %arg9: memref<256x256xbf16, #tpu.memory_space<vmem>>, %arg10: memref<1x256xf32, #tpu.memory_space<vmem>>, %arg11: memref<256x256xbf16, #tpu.memory_space<vmem>>, %arg12: memref<1x256xf32, #tpu.memory_space<vmem>>, %arg13: memref<256x256xbf16, #tpu.memory_space<vmem>>, %arg14: memref<1x256xf32, #tpu.memory_space<vmem>>, %arg15: memref<4096x256xf32, #tpu.memory_space<vmem>>, %arg16: memref<256x256xf32, #tpu.memory_space<vmem>>) attributes {dimension_semantics = [#tpu.dimension_semantics<arbitrary>], iteration_bounds = array<i64: 8>, scalar_prefetch = 0 : i64, scratch_operands = 0 : i64, tpu.core_type = #tpu.core_type<tc>, window_params = [{transform_indices = @transform_0, window_bounds = array<i64: 256, 256>}, {transform_indices = @transform_1, window_bounds = array<i64: 4096, 384>}, {transform_indices = @transform_2, window_bounds = array<i64: 256, 16>}, {transform_indices = @transform_3, window_bounds = array<i64: 256, 256>}, {pipeline_mode = #tpu.pipeline_mode<synchronous>, transform_indices = @transform_4, window_bounds = array<i64: 16, 256>}, {pipeline_mode = #tpu.pipeline_mode<synchronous>, transform_indices = @transform_5, window_bounds = array<i64: 1, 256>}, {pipeline_mode = #tpu.pipeline_mode<synchronous>, transform_indices = @transform_6, window_bounds = array<i64: 256, 256>}, {pipeline_mode = #tpu.pipeline_mode<synchronous>, transform_indices = @transform_7, window_bounds = array<i64: 1, 256>}, {pipeline_mode = #tpu.pipeline_mode<synchronous>, transform_indices = @transform_8, window_bounds = array<i64: 256, 256>}, {pipeline_mode = #tpu.pipeline_mode<synchronous>, transform_indices = @transform_9, window_bounds = array<i64: 1, 256>}, {pipeline_mode = #tpu.pipeline_mode<synchronous>, transform_indices = @transform_10, window_bounds = array<i64: 256, 256>}, {pipeline_mode = #tpu.pipeline_mode<synchronous>, transform_indices = @transform_11, window_bounds = array<i64: 1, 256>}, {pipeline_mode = #tpu.pipeline_mode<synchronous>, transform_indices = @transform_12, window_bounds = array<i64: 256, 256>}, {pipeline_mode = #tpu.pipeline_mode<synchronous>, transform_indices = @transform_13, window_bounds = array<i64: 1, 256>}, {transform_indices = @transform_14, window_bounds = array<i64: 4096, 256>}, {transform_indices = @transform_15, window_bounds = array<i64: 256, 256>}]} {
    %get3A = arith.constant 0 : index
    %get3A_0 = arith.constant 0 : index
    %get3A_1 = vector.load %arg3[%get3A, %get3A_0] : memref<256x16xf32, #tpu.memory_space<vmem>>, vector<256x16xf32>
    %get3A_2 = arith.constant 0 : index
    %get3A_3 = arith.constant 0 : index
    %get3A_4 = vector.load %arg5[%get3A_2, %get3A_3] : memref<16x256xf32, #tpu.memory_space<vmem>>, vector<16x256xf32>
    %dot_general3A = arith.constant dense<0.000000e+00> : vector<256x256xf32>
    %dot_general3A_5 = tpu.matmul %get3A_1, %get3A_4, %dot_general3A {dimension_numbers = #tpu.dot_dimension_numbers<[1], [0], [0], [1], [0, 0, 1, 1], [], []>, transpose_lhs_hint = false} : vector<256x16xf32>, vector<16x256xf32>, vector<256x256xf32> -> vector<256x256xf32>
    %get3A_6 = arith.constant 0 : index
    %get3A_7 = arith.constant 0 : index
    %get3A_8 = vector.load %arg6[%get3A_6, %get3A_7] : memref<1x256xf32, #tpu.memory_space<vmem>>, vector<1x256xf32>
    %add3A = vector.broadcast %get3A_8 : vector<1x256xf32> to vector<256x256xf32>
    %add3A_9 = arith.addf %dot_general3A_5, %add3A : vector<256x256xf32>
    %get3A_10 = arith.constant 0 : index
    %get3A_11 = arith.constant 256 : index
    %get3A_12 = vector.load %arg2[%get3A_10, %get3A_11] : memref<4096x384xf32, #tpu.memory_space<vmem>>, vector<4096x16xf32>
    %get3A_13 = arith.constant 0 : index
    %get3A_14 = arith.constant 0 : index
    %get3A_15 = vector.load %arg5[%get3A_13, %get3A_14] : memref<16x256xf32, #tpu.memory_space<vmem>>, vector<16x256xf32>
    %dot_general3A_16 = arith.constant dense<0.000000e+00> : vector<4096x256xf32>
    %dot_general3A_17 = tpu.matmul %get3A_12, %get3A_15, %dot_general3A_16 {dimension_numbers = #tpu.dot_dimension_numbers<[1], [0], [0], [1], [0, 0, 1, 1], [], []>, transpose_lhs_hint = false} : vector<4096x16xf32>, vector<16x256xf32>, vector<4096x256xf32> -> vector<4096x256xf32>
    %broadcast_in_dim3A = vector.shape_cast %add3A_9 : vector<256x256xf32> to vector<256x1x256xf32>
    %reshape3A = vector.shape_cast %dot_general3A_17 : vector<4096x256xf32> to vector<256x16x256xf32>
    %sub3A = vector.broadcast %broadcast_in_dim3A : vector<256x1x256xf32> to vector<256x16x256xf32>
    %sub3A_18 = arith.subf %sub3A, %reshape3A : vector<256x16x256xf32>
    %max3A = arith.constant 0.000000e+00 : f32
    %max3A_19 = vector.broadcast %max3A : f32 to vector<256x16x256xf32>
    %max3A_20 = arith.maximumf %sub3A_18, %max3A_19 : vector<256x16x256xf32>
    %reshape3A_21 = vector.shape_cast %max3A_20 : vector<256x16x256xf32> to vector<4096x256xf32>
    %convert_element_type3A = arith.truncf %reshape3A_21 : vector<4096x256xf32> to vector<4096x256xbf16>
    %get3A_22 = arith.constant 0 : index
    %get3A_23 = arith.constant 0 : index
    %get3A_24 = vector.load %arg7[%get3A_22, %get3A_23] : memref<256x256xbf16, #tpu.memory_space<vmem>>, vector<256x256xbf16>
    %dot_general3A_25 = arith.constant dense<0.000000e+00> : vector<4096x256xf32>
    %dot_general3A_26 = tpu.matmul %convert_element_type3A, %get3A_24, %dot_general3A_25 {dimension_numbers = #tpu.dot_dimension_numbers<[1], [0], [0], [1], [0, 0, 1, 1], [], []>, transpose_lhs_hint = false} : vector<4096x256xbf16>, vector<256x256xbf16>, vector<4096x256xf32> -> vector<4096x256xf32>
    %get3A_27 = arith.constant 0 : index
    %get3A_28 = arith.constant 0 : index
    %get3A_29 = vector.load %arg8[%get3A_27, %get3A_28] : memref<1x256xf32, #tpu.memory_space<vmem>>, vector<1x256xf32>
    %add3A_30 = vector.broadcast %get3A_29 : vector<1x256xf32> to vector<4096x256xf32>
    %add3A_31 = arith.addf %dot_general3A_26, %add3A_30 : vector<4096x256xf32>
    %get3A_32 = arith.constant 0 : index
    %get3A_33 = arith.constant 0 : index
    %get3A_34 = vector.load %arg2[%get3A_32, %get3A_33] : memref<4096x384xf32, #tpu.memory_space<vmem>>, vector<4096x256xf32>
    %bitcast_convert_type3A = tpu.bitcast %get3A_34 : vector<4096x256xf32> -> vector<4096x256xi32>
    %shift_left3A = arith.constant 16 : i32
    %shift_left3A_35 = vector.broadcast %shift_left3A : i32 to vector<4096x256xi32>
    %shift_left3A_36 = arith.shli %bitcast_convert_type3A, %shift_left3A_35 : vector<4096x256xi32>
    %bitcast_convert_type3A_37 = tpu.bitcast %shift_left3A_36 : vector<4096x256xi32> -> vector<4096x256xf32>
    %and3A = arith.constant -65536 : i32
    %and3A_38 = vector.broadcast %and3A : i32 to vector<4096x256xi32>
    %and3A_39 = arith.andi %bitcast_convert_type3A, %and3A_38 : vector<4096x256xi32>
    %bitcast_convert_type3A_40 = tpu.bitcast %and3A_39 : vector<4096x256xi32> -> vector<4096x256xf32>
    %get3A_41 = arith.constant 0 : index
    %get3A_42 = arith.constant 0 : index
    %get3A_43 = vector.load %arg1[%get3A_41, %get3A_42] : memref<256x256xf32, #tpu.memory_space<vmem>>, vector<256x256xf32>
    %convert_element_type3A_44 = arith.truncf %get3A_43 : vector<256x256xf32> to vector<256x256xbf16>
    %get3A_45 = arith.constant 0 : index
    %get3A_46 = arith.constant 0 : index
    %get3A_47 = vector.load %arg9[%get3A_45, %get3A_46] : memref<256x256xbf16, #tpu.memory_space<vmem>>, vector<256x256xbf16>
    %dot_general3A_48 = arith.constant dense<0.000000e+00> : vector<256x256xf32>
    %dot_general3A_49 = tpu.matmul %convert_element_type3A_44, %get3A_47, %dot_general3A_48 {dimension_numbers = #tpu.dot_dimension_numbers<[1], [0], [0], [1], [0, 0, 1, 1], [], []>, transpose_lhs_hint = false} : vector<256x256xbf16>, vector<256x256xbf16>, vector<256x256xf32> -> vector<256x256xf32>
    %get3A_50 = arith.constant 0 : index
    %get3A_51 = arith.constant 0 : index
    %get3A_52 = vector.load %arg10[%get3A_50, %get3A_51] : memref<1x256xf32, #tpu.memory_space<vmem>>, vector<1x256xf32>
    %add3A_53 = vector.broadcast %get3A_52 : vector<1x256xf32> to vector<256x256xf32>
    %add3A_54 = arith.addf %dot_general3A_49, %add3A_53 : vector<256x256xf32>
    %sub3A_55 = arith.subf %add3A_31, %bitcast_convert_type3A_37 : vector<4096x256xf32>
    %convert_element_type3A_56 = arith.truncf %sub3A_55 : vector<4096x256xf32> to vector<4096x256xbf16>
    %get3A_57 = arith.constant 0 : index
    %get3A_58 = arith.constant 0 : index
    %get3A_59 = vector.load %arg9[%get3A_57, %get3A_58] : memref<256x256xbf16, #tpu.memory_space<vmem>>, vector<256x256xbf16>
    %dot_general3A_60 = arith.constant dense<0.000000e+00> : vector<4096x256xf32>
    %dot_general3A_61 = tpu.matmul %convert_element_type3A_56, %get3A_59, %dot_general3A_60 {dimension_numbers = #tpu.dot_dimension_numbers<[1], [0], [0], [1], [0, 0, 1, 1], [], []>, transpose_lhs_hint = false} : vector<4096x256xbf16>, vector<256x256xbf16>, vector<4096x256xf32> -> vector<4096x256xf32>
    %reshape3A_62 = vector.shape_cast %dot_general3A_61 : vector<4096x256xf32> to vector<256x16x256xf32>
    %broadcast_in_dim3A_63 = vector.shape_cast %add3A_54 : vector<256x256xf32> to vector<256x1x256xf32>
    %add3A_64 = vector.broadcast %broadcast_in_dim3A_63 : vector<256x1x256xf32> to vector<256x16x256xf32>
    %add3A_65 = arith.addf %reshape3A_62, %add3A_64 : vector<256x16x256xf32>
    %max3A_66 = arith.constant 0.000000e+00 : f32
    %max3A_67 = vector.broadcast %max3A_66 : f32 to vector<256x16x256xf32>
    %max3A_68 = arith.maximumf %add3A_65, %max3A_67 : vector<256x16x256xf32>
    %reshape3A_69 = vector.shape_cast %max3A_68 : vector<256x16x256xf32> to vector<4096x256xf32>
    %convert_element_type3A_70 = arith.truncf %reshape3A_69 : vector<4096x256xf32> to vector<4096x256xbf16>
    %get3A_71 = arith.constant 0 : index
    %get3A_72 = arith.constant 0 : index
    %get3A_73 = vector.load %arg11[%get3A_71, %get3A_72] : memref<256x256xbf16, #tpu.memory_space<vmem>>, vector<256x256xbf16>
    %dot_general3A_74 = arith.constant dense<0.000000e+00> : vector<4096x256xf32>
    %dot_general3A_75 = tpu.matmul %convert_element_type3A_70, %get3A_73, %dot_general3A_74 {dimension_numbers = #tpu.dot_dimension_numbers<[1], [0], [0], [1], [0, 0, 1, 1], [], []>, transpose_lhs_hint = false} : vector<4096x256xbf16>, vector<256x256xbf16>, vector<4096x256xf32> -> vector<4096x256xf32>
    %get3A_76 = arith.constant 0 : index
    %get3A_77 = arith.constant 0 : index
    %get3A_78 = vector.load %arg12[%get3A_76, %get3A_77] : memref<1x256xf32, #tpu.memory_space<vmem>>, vector<1x256xf32>
    %add3A_79 = vector.broadcast %get3A_78 : vector<1x256xf32> to vector<4096x256xf32>
    %add3A_80 = arith.addf %dot_general3A_75, %add3A_79 : vector<4096x256xf32>
    %reshape3A_81 = vector.shape_cast %add3A_80 : vector<4096x256xf32> to vector<256x16x256xf32>
    %mul3A = arith.constant 6.250000e-02 : f32
    %mul3A_82 = vector.broadcast %mul3A : f32 to vector<256x16x256xf32>
    %mul3A_83 = arith.mulf %reshape3A_81, %mul3A_82 : vector<256x16x256xf32>
    %exp3A = math.exp %mul3A_83 : vector<256x16x256xf32>
    %reduce_sum3A = arith.constant dense<0.000000e+00> : vector<256x256xf32>
    %reduce_sum3A_84 = vector.multi_reduction <add>, %exp3A, %reduce_sum3A [1] : vector<256x16x256xf32> to vector<256x256xf32>
    %broadcast_in_dim3A_85 = vector.shape_cast %reduce_sum3A_84 : vector<256x256xf32> to vector<256x1x256xf32>
    %div3A = arith.constant 1.000000e+00 : f32
    %div3A_86 = vector.broadcast %div3A : f32 to vector<256x1x256xf32>
    %div3A_87 = arith.divf %div3A_86, %broadcast_in_dim3A_85 : vector<256x1x256xf32>
    %mul3A_88 = vector.broadcast %div3A_87 : vector<256x1x256xf32> to vector<256x16x256xf32>
    %mul3A_89 = arith.mulf %exp3A, %mul3A_88 : vector<256x16x256xf32>
    %add3A_90 = arith.addf %bitcast_convert_type3A_40, %add3A_31 : vector<4096x256xf32>
    %reshape3A_91 = vector.shape_cast %add3A_90 : vector<4096x256xf32> to vector<256x16x256xf32>
    %mul3A_92 = arith.mulf %mul3A_89, %reshape3A_91 : vector<256x16x256xf32>
    %reduce_sum3A_93 = arith.constant dense<0.000000e+00> : vector<256x256xf32>
    %reduce_sum3A_94 = vector.multi_reduction <add>, %mul3A_92, %reduce_sum3A_93 [1] : vector<256x16x256xf32> to vector<256x256xf32>
    %reshape3A_95 = vector.shape_cast %mul3A_89 : vector<256x16x256xf32> to vector<4096x256xf32>
    %swap3A = arith.constant 0 : index
    %swap3A_96 = arith.constant 0 : index
    %swap3A_97 = vector.load %arg15[%swap3A, %swap3A_96] : memref<4096x256xf32, #tpu.memory_space<vmem>>, vector<4096x256xf32>
    tpu.vector_store %arg15[%swap3A, %swap3A_96], %reshape3A_95 {strides = array<i32>} : memref<4096x256xf32, #tpu.memory_space<vmem>>, vector<4096x256xf32>,
    %convert_element_type3A_98 = arith.truncf %reduce_sum3A_94 : vector<256x256xf32> to vector<256x256xbf16>
    %get3A_99 = arith.constant 0 : index
    %get3A_100 = arith.constant 0 : index
    %get3A_101 = vector.load %arg13[%get3A_99, %get3A_100] : memref<256x256xbf16, #tpu.memory_space<vmem>>, vector<256x256xbf16>
    %dot_general3A_102 = arith.constant dense<0.000000e+00> : vector<256x256xf32>
    %dot_general3A_103 = tpu.matmul %convert_element_type3A_98, %get3A_101, %dot_general3A_102 {dimension_numbers = #tpu.dot_dimension_numbers<[1], [0], [0], [1], [0, 0, 1, 1], [], []>, transpose_lhs_hint = false} : vector<256x256xbf16>, vector<256x256xbf16>, vector<256x256xf32> -> vector<256x256xf32>
    %get3A_104 = arith.constant 0 : index
    %get3A_105 = arith.constant 0 : index
    %get3A_106 = vector.load %arg14[%get3A_104, %get3A_105] : memref<1x256xf32, #tpu.memory_space<vmem>>, vector<1x256xf32>
    %add3A_107 = vector.broadcast %get3A_106 : vector<1x256xf32> to vector<256x256xf32>
    %add3A_108 = arith.addf %dot_general3A_103, %add3A_107 : vector<256x256xf32>
    %get3A_109 = arith.constant 0 : index
    %get3A_110 = arith.constant 0 : index
    %get3A_111 = vector.load %arg4[%get3A_109, %get3A_110] : memref<256x256xf32, #tpu.memory_space<vmem>>, vector<256x256xf32>
    %add3A_112 = arith.addf %add3A_108, %get3A_111 : vector<256x256xf32>
    %swap3A_113 = arith.constant 0 : index
    %swap3A_114 = arith.constant 0 : index
    %swap3A_115 = vector.load %arg16[%swap3A_113, %swap3A_114] : memref<256x256xf32, #tpu.memory_space<vmem>>, vector<256x256xf32>
    tpu.vector_store %arg16[%swap3A_113, %swap3A_114], %add3A_112 {strides = array<i32>} : memref<256x256xf32, #tpu.memory_space<vmem>>, vector<256x256xf32>,
    return
  }
  func.func @transform_0(%arg0: i32) -> (i32, i32) {
    %add3A = arith.constant 0 : i32
    %add3A_0 = arith.addi %add3A, %arg0 : i32
    %c0_i32 = arith.constant 0 : i32
    %c0_i32_1 = arith.constant 0 : i32
    return %add3A_0, %c0_i32 : i32, i32
  }
  func.func @transform_1(%arg0: i32) -> (i32, i32) {
    %c0_i32 = arith.constant 0 : i32
    %c0_i32_0 = arith.constant 0 : i32
    return %arg0, %c0_i32 : i32, i32
  }
  func.func @transform_2(%arg0: i32) -> (i32, i32) {
    %add3A = arith.constant 0 : i32
    %add3A_0 = arith.addi %add3A, %arg0 : i32
    %c0_i32 = arith.constant 0 : i32
    %c0_i32_1 = arith.constant 0 : i32
    return %add3A_0, %c0_i32 : i32, i32
  }
  func.func @transform_3(%arg0: i32) -> (i32, i32) {
    %add3A = arith.constant 0 : i32
    %add3A_0 = arith.addi %add3A, %arg0 : i32
    %c0_i32 = arith.constant 0 : i32
    %c0_i32_1 = arith.constant 0 : i32
    return %add3A_0, %c0_i32 : i32, i32
  }
  func.func @transform_4(%arg0: i32) -> (i32, i32) {
    %c0_i32 = arith.constant 0 : i32
    %c0_i32_0 = arith.constant 0 : i32
    %c0_i32_1 = arith.constant 0 : i32
    return %c0_i32, %c0_i32_0 : i32, i32
  }
  func.func @transform_5(%arg0: i32) -> (i32, i32) {
    %c0_i32 = arith.constant 0 : i32
    %c0_i32_0 = arith.constant 0 : i32
    %c0_i32_1 = arith.constant 0 : i32
    return %c0_i32, %c0_i32_0 : i32, i32
  }
  func.func @transform_6(%arg0: i32) -> (i32, i32) {
    %c0_i32 = arith.constant 0 : i32
    %c0_i32_0 = arith.constant 0 : i32
    %c0_i32_1 = arith.constant 0 : i32
    return %c0_i32, %c0_i32_0 : i32, i32
  }
  func.func @transform_7(%arg0: i32) -> (i32, i32) {
    %c0_i32 = arith.constant 0 : i32
    %c0_i32_0 = arith.constant 0 : i32
    %c0_i32_1 = arith.constant 0 : i32
    return %c0_i32, %c0_i32_0 : i32, i32
  }
  func.func @transform_8(%arg0: i32) -> (i32, i32) {
    %c0_i32 = arith.constant 0 : i32
    %c0_i32_0 = arith.constant 0 : i32
    %c0_i32_1 = arith.constant 0 : i32
    return %c0_i32, %c0_i32_0 : i32, i32
  }
  func.func @transform_9(%arg0: i32) -> (i32, i32) {
    %c0_i32 = arith.constant 0 : i32
    %c0_i32_0 = arith.constant 0 : i32
    %c0_i32_1 = arith.constant 0 : i32
    return %c0_i32, %c0_i32_0 : i32, i32
  }
  func.func @transform_10(%arg0: i32) -> (i32, i32) {
    %c0_i32 = arith.constant 0 : i32
    %c0_i32_0 = arith.constant 0 : i32
    %c0_i32_1 = arith.constant 0 : i32
    return %c0_i32, %c0_i32_0 : i32, i32
  }
  func.func @transform_11(%arg0: i32) -> (i32, i32) {
    %c0_i32 = arith.constant 0 : i32
    %c0_i32_0 = arith.constant 0 : i32
    %c0_i32_1 = arith.constant 0 : i32
    return %c0_i32, %c0_i32_0 : i32, i32
  }
  func.func @transform_12(%arg0: i32) -> (i32, i32) {
    %c0_i32 = arith.constant 0 : i32
    %c0_i32_0 = arith.constant 0 : i32
    %c0_i32_1 = arith.constant 0 : i32
    return %c0_i32, %c0_i32_0 : i32, i32
  }
  func.func @transform_13(%arg0: i32) -> (i32, i32) {
    %c0_i32 = arith.constant 0 : i32
    %c0_i32_0 = arith.constant 0 : i32
    %c0_i32_1 = arith.constant 0 : i32
    return %c0_i32, %c0_i32_0 : i32, i32
  }
  func.func @transform_14(%arg0: i32) -> (i32, i32) {
    %add3A = arith.constant 0 : i32
    %add3A_0 = arith.addi %add3A, %arg0 : i32
    %c0_i32 = arith.constant 0 : i32
    %c0_i32_1 = arith.constant 0 : i32
    return %add3A_0, %c0_i32 : i32, i32
  }
  func.func @transform_15(%arg0: i32) -> (i32, i32) {
    %add3A = arith.constant 0 : i32
    %add3A_0 = arith.addi %add3A, %arg0 : i32
    %c0_i32 = arith.constant 0 : i32
    %c0_i32_1 = arith.constant 0 : i32
    return %add3A_0, %c0_i32 : i32, i32
  }
}

module attributes {stable_mosaic.version = 14 : i64} {
  func.func @_attn_chain_body(%arg0: i32, %arg1: memref<256x256xf32, #tpu.memory_space<vmem>>, %arg2: memref<4096x384xf32, #tpu.memory_space<vmem>>, %arg3: memref<256x16xf32, #tpu.memory_space<vmem>>, %arg4: memref<256x256xf32, #tpu.memory_space<vmem>>, %arg5: memref<16x256xf32, #tpu.memory_space<vmem>>, %arg6: memref<1x256xf32, #tpu.memory_space<vmem>>, %arg7: memref<256x256xbf16, #tpu.memory_space<vmem>>, %arg8: memref<1x256xf32, #tpu.memory_space<vmem>>, %arg9: memref<256x256xbf16, #tpu.memory_space<vmem>>, %arg10: memref<1x256xf32, #tpu.memory_space<vmem>>, %arg11: memref<256x256xbf16, #tpu.memory_space<vmem>>, %arg12: memref<1x256xf32, #tpu.memory_space<vmem>>, %arg13: memref<256x256xbf16, #tpu.memory_space<vmem>>, %arg14: memref<1x256xf32, #tpu.memory_space<vmem>>, %arg15: memref<8x128xf32, #tpu.memory_space<vmem>>, %arg16: memref<8x128xf32, #tpu.memory_space<vmem>>, %arg17: memref<4096x256xf32, #tpu.memory_space<vmem>>, %arg18: memref<256x256xf32, #tpu.memory_space<vmem>>) attributes {dimension_semantics = [#tpu.dimension_semantics<arbitrary>], iteration_bounds = array<i64: 8>, scalar_prefetch = 0 : i64, scratch_operands = 0 : i64, tpu.core_type = #tpu.core_type<tc>, window_params = [{transform_indices = @transform_0, window_bounds = array<i64: 256, 256>}, {transform_indices = @transform_1, window_bounds = array<i64: 4096, 384>}, {transform_indices = @transform_2, window_bounds = array<i64: 256, 16>}, {transform_indices = @transform_3, window_bounds = array<i64: 256, 256>}, {pipeline_mode = #tpu.pipeline_mode<synchronous>, transform_indices = @transform_4, window_bounds = array<i64: 16, 256>}, {pipeline_mode = #tpu.pipeline_mode<synchronous>, transform_indices = @transform_5, window_bounds = array<i64: 1, 256>}, {pipeline_mode = #tpu.pipeline_mode<synchronous>, transform_indices = @transform_6, window_bounds = array<i64: 256, 256>}, {pipeline_mode = #tpu.pipeline_mode<synchronous>, transform_indices = @transform_7, window_bounds = array<i64: 1, 256>}, {pipeline_mode = #tpu.pipeline_mode<synchronous>, transform_indices = @transform_8, window_bounds = array<i64: 256, 256>}, {pipeline_mode = #tpu.pipeline_mode<synchronous>, transform_indices = @transform_9, window_bounds = array<i64: 1, 256>}, {pipeline_mode = #tpu.pipeline_mode<synchronous>, transform_indices = @transform_10, window_bounds = array<i64: 256, 256>}, {pipeline_mode = #tpu.pipeline_mode<synchronous>, transform_indices = @transform_11, window_bounds = array<i64: 1, 256>}, {pipeline_mode = #tpu.pipeline_mode<synchronous>, transform_indices = @transform_12, window_bounds = array<i64: 256, 256>}, {pipeline_mode = #tpu.pipeline_mode<synchronous>, transform_indices = @transform_13, window_bounds = array<i64: 1, 256>}, {transform_indices = @transform_14, window_bounds = array<i64: 8, 128>}, {transform_indices = @transform_15, window_bounds = array<i64: 8, 128>}, {transform_indices = @transform_16, window_bounds = array<i64: 4096, 256>}, {transform_indices = @transform_17, window_bounds = array<i64: 256, 256>}]} {
    %get3A = arith.constant 0 : index
    %get3A_0 = arith.constant 0 : index
    %get3A_1 = vector.load %arg3[%get3A, %get3A_0] : memref<256x16xf32, #tpu.memory_space<vmem>>, vector<256x16xf32>
    %get3A_2 = arith.constant 0 : index
    %get3A_3 = arith.constant 0 : index
    %get3A_4 = vector.load %arg5[%get3A_2, %get3A_3] : memref<16x256xf32, #tpu.memory_space<vmem>>, vector<16x256xf32>
    %dot_general3A = arith.constant dense<0.000000e+00> : vector<256x256xf32>
    %dot_general3A_5 = tpu.matmul %get3A_1, %get3A_4, %dot_general3A {dimension_numbers = #tpu.dot_dimension_numbers<[1], [0], [0], [1], [0, 0, 1, 1], [], []>, transpose_lhs_hint = false} : vector<256x16xf32>, vector<16x256xf32>, vector<256x256xf32> -> vector<256x256xf32>
    %get3A_6 = arith.constant 0 : index
    %get3A_7 = arith.constant 0 : index
    %get3A_8 = vector.load %arg6[%get3A_6, %get3A_7] : memref<1x256xf32, #tpu.memory_space<vmem>>, vector<1x256xf32>
    %add3A = vector.broadcast %get3A_8 : vector<1x256xf32> to vector<256x256xf32>
    %add3A_9 = arith.addf %dot_general3A_5, %add3A : vector<256x256xf32>
    %get3A_10 = arith.constant 0 : index
    %get3A_11 = arith.constant 256 : index
    %get3A_12 = vector.load %arg2[%get3A_10, %get3A_11] : memref<4096x384xf32, #tpu.memory_space<vmem>>, vector<4096x16xf32>
    %get3A_13 = arith.constant 0 : index
    %get3A_14 = arith.constant 0 : index
    %get3A_15 = vector.load %arg5[%get3A_13, %get3A_14] : memref<16x256xf32, #tpu.memory_space<vmem>>, vector<16x256xf32>
    %dot_general3A_16 = arith.constant dense<0.000000e+00> : vector<4096x256xf32>
    %dot_general3A_17 = tpu.matmul %get3A_12, %get3A_15, %dot_general3A_16 {dimension_numbers = #tpu.dot_dimension_numbers<[1], [0], [0], [1], [0, 0, 1, 1], [], []>, transpose_lhs_hint = false} : vector<4096x16xf32>, vector<16x256xf32>, vector<4096x256xf32> -> vector<4096x256xf32>
    %broadcast_in_dim3A = vector.shape_cast %add3A_9 : vector<256x256xf32> to vector<256x1x256xf32>
    %reshape3A = vector.shape_cast %dot_general3A_17 : vector<4096x256xf32> to vector<256x16x256xf32>
    %sub3A = vector.broadcast %broadcast_in_dim3A : vector<256x1x256xf32> to vector<256x16x256xf32>
    %sub3A_18 = arith.subf %sub3A, %reshape3A : vector<256x16x256xf32>
    %max3A = arith.constant 0.000000e+00 : f32
    %max3A_19 = vector.broadcast %max3A : f32 to vector<256x16x256xf32>
    %max3A_20 = arith.maximumf %sub3A_18, %max3A_19 : vector<256x16x256xf32>
    %reshape3A_21 = vector.shape_cast %max3A_20 : vector<256x16x256xf32> to vector<4096x256xf32>
    %convert_element_type3A = arith.truncf %reshape3A_21 : vector<4096x256xf32> to vector<4096x256xbf16>
    %get3A_22 = arith.constant 0 : index
    %get3A_23 = arith.constant 0 : index
    %get3A_24 = vector.load %arg7[%get3A_22, %get3A_23] : memref<256x256xbf16, #tpu.memory_space<vmem>>, vector<256x256xbf16>
    %dot_general3A_25 = arith.constant dense<0.000000e+00> : vector<4096x256xf32>
    %dot_general3A_26 = tpu.matmul %convert_element_type3A, %get3A_24, %dot_general3A_25 {dimension_numbers = #tpu.dot_dimension_numbers<[1], [0], [0], [1], [0, 0, 1, 1], [], []>, transpose_lhs_hint = false} : vector<4096x256xbf16>, vector<256x256xbf16>, vector<4096x256xf32> -> vector<4096x256xf32>
    %get3A_27 = arith.constant 0 : index
    %get3A_28 = arith.constant 0 : index
    %get3A_29 = vector.load %arg8[%get3A_27, %get3A_28] : memref<1x256xf32, #tpu.memory_space<vmem>>, vector<1x256xf32>
    %add3A_30 = vector.broadcast %get3A_29 : vector<1x256xf32> to vector<4096x256xf32>
    %add3A_31 = arith.addf %dot_general3A_26, %add3A_30 : vector<4096x256xf32>
    %get3A_32 = arith.constant 0 : index
    %get3A_33 = arith.constant 0 : index
    %get3A_34 = vector.load %arg2[%get3A_32, %get3A_33] : memref<4096x384xf32, #tpu.memory_space<vmem>>, vector<4096x256xf32>
    %bitcast_convert_type3A = tpu.bitcast %get3A_34 : vector<4096x256xf32> -> vector<4096x256xi32>
    %shift_left3A = arith.constant 16 : i32
    %shift_left3A_35 = vector.broadcast %shift_left3A : i32 to vector<4096x256xi32>
    %shift_left3A_36 = arith.shli %bitcast_convert_type3A, %shift_left3A_35 : vector<4096x256xi32>
    %bitcast_convert_type3A_37 = tpu.bitcast %shift_left3A_36 : vector<4096x256xi32> -> vector<4096x256xf32>
    %and3A = arith.constant -65536 : i32
    %and3A_38 = vector.broadcast %and3A : i32 to vector<4096x256xi32>
    %and3A_39 = arith.andi %bitcast_convert_type3A, %and3A_38 : vector<4096x256xi32>
    %bitcast_convert_type3A_40 = tpu.bitcast %and3A_39 : vector<4096x256xi32> -> vector<4096x256xf32>
    %get3A_41 = arith.constant 0 : index
    %get3A_42 = arith.constant 0 : index
    %get3A_43 = vector.load %arg1[%get3A_41, %get3A_42] : memref<256x256xf32, #tpu.memory_space<vmem>>, vector<256x256xf32>
    %convert_element_type3A_44 = arith.truncf %get3A_43 : vector<256x256xf32> to vector<256x256xbf16>
    %get3A_45 = arith.constant 0 : index
    %get3A_46 = arith.constant 0 : index
    %get3A_47 = vector.load %arg9[%get3A_45, %get3A_46] : memref<256x256xbf16, #tpu.memory_space<vmem>>, vector<256x256xbf16>
    %dot_general3A_48 = arith.constant dense<0.000000e+00> : vector<256x256xf32>
    %dot_general3A_49 = tpu.matmul %convert_element_type3A_44, %get3A_47, %dot_general3A_48 {dimension_numbers = #tpu.dot_dimension_numbers<[1], [0], [0], [1], [0, 0, 1, 1], [], []>, transpose_lhs_hint = false} : vector<256x256xbf16>, vector<256x256xbf16>, vector<256x256xf32> -> vector<256x256xf32>
    %get3A_50 = arith.constant 0 : index
    %get3A_51 = arith.constant 0 : index
    %get3A_52 = vector.load %arg10[%get3A_50, %get3A_51] : memref<1x256xf32, #tpu.memory_space<vmem>>, vector<1x256xf32>
    %add3A_53 = vector.broadcast %get3A_52 : vector<1x256xf32> to vector<256x256xf32>
    %add3A_54 = arith.addf %dot_general3A_49, %add3A_53 : vector<256x256xf32>
    %sub3A_55 = arith.subf %add3A_31, %bitcast_convert_type3A_37 : vector<4096x256xf32>
    %convert_element_type3A_56 = arith.truncf %sub3A_55 : vector<4096x256xf32> to vector<4096x256xbf16>
    %get3A_57 = arith.constant 0 : index
    %get3A_58 = arith.constant 0 : index
    %get3A_59 = vector.load %arg9[%get3A_57, %get3A_58] : memref<256x256xbf16, #tpu.memory_space<vmem>>, vector<256x256xbf16>
    %dot_general3A_60 = arith.constant dense<0.000000e+00> : vector<4096x256xf32>
    %dot_general3A_61 = tpu.matmul %convert_element_type3A_56, %get3A_59, %dot_general3A_60 {dimension_numbers = #tpu.dot_dimension_numbers<[1], [0], [0], [1], [0, 0, 1, 1], [], []>, transpose_lhs_hint = false} : vector<4096x256xbf16>, vector<256x256xbf16>, vector<4096x256xf32> -> vector<4096x256xf32>
    %reshape3A_62 = vector.shape_cast %dot_general3A_61 : vector<4096x256xf32> to vector<256x16x256xf32>
    %broadcast_in_dim3A_63 = vector.shape_cast %add3A_54 : vector<256x256xf32> to vector<256x1x256xf32>
    %add3A_64 = vector.broadcast %broadcast_in_dim3A_63 : vector<256x1x256xf32> to vector<256x16x256xf32>
    %add3A_65 = arith.addf %reshape3A_62, %add3A_64 : vector<256x16x256xf32>
    %max3A_66 = arith.constant 0.000000e+00 : f32
    %max3A_67 = vector.broadcast %max3A_66 : f32 to vector<256x16x256xf32>
    %max3A_68 = arith.maximumf %add3A_65, %max3A_67 : vector<256x16x256xf32>
    %reshape3A_69 = vector.shape_cast %max3A_68 : vector<256x16x256xf32> to vector<4096x256xf32>
    %convert_element_type3A_70 = arith.truncf %reshape3A_69 : vector<4096x256xf32> to vector<4096x256xbf16>
    %get3A_71 = arith.constant 0 : index
    %get3A_72 = arith.constant 0 : index
    %get3A_73 = vector.load %arg11[%get3A_71, %get3A_72] : memref<256x256xbf16, #tpu.memory_space<vmem>>, vector<256x256xbf16>
    %dot_general3A_74 = arith.constant dense<0.000000e+00> : vector<4096x256xf32>
    %dot_general3A_75 = tpu.matmul %convert_element_type3A_70, %get3A_73, %dot_general3A_74 {dimension_numbers = #tpu.dot_dimension_numbers<[1], [0], [0], [1], [0, 0, 1, 1], [], []>, transpose_lhs_hint = false} : vector<4096x256xbf16>, vector<256x256xbf16>, vector<4096x256xf32> -> vector<4096x256xf32>
    %get3A_76 = arith.constant 0 : index
    %get3A_77 = arith.constant 0 : index
    %get3A_78 = vector.load %arg12[%get3A_76, %get3A_77] : memref<1x256xf32, #tpu.memory_space<vmem>>, vector<1x256xf32>
    %add3A_79 = vector.broadcast %get3A_78 : vector<1x256xf32> to vector<4096x256xf32>
    %add3A_80 = arith.addf %dot_general3A_75, %add3A_79 : vector<4096x256xf32>
    %reshape3A_81 = vector.shape_cast %add3A_80 : vector<4096x256xf32> to vector<256x16x256xf32>
    %mul3A = arith.constant 6.250000e-02 : f32
    %mul3A_82 = vector.broadcast %mul3A : f32 to vector<256x16x256xf32>
    %mul3A_83 = arith.mulf %reshape3A_81, %mul3A_82 : vector<256x16x256xf32>
    %exp3A = math.exp %mul3A_83 : vector<256x16x256xf32>
    %reduce_sum3A = arith.constant dense<0.000000e+00> : vector<256x256xf32>
    %reduce_sum3A_84 = vector.multi_reduction <add>, %exp3A, %reduce_sum3A [1] : vector<256x16x256xf32> to vector<256x256xf32>
    %broadcast_in_dim3A_85 = vector.shape_cast %reduce_sum3A_84 : vector<256x256xf32> to vector<256x1x256xf32>
    %div3A = arith.constant 1.000000e+00 : f32
    %div3A_86 = vector.broadcast %div3A : f32 to vector<256x1x256xf32>
    %div3A_87 = arith.divf %div3A_86, %broadcast_in_dim3A_85 : vector<256x1x256xf32>
    %mul3A_88 = vector.broadcast %div3A_87 : vector<256x1x256xf32> to vector<256x16x256xf32>
    %mul3A_89 = arith.mulf %exp3A, %mul3A_88 : vector<256x16x256xf32>
    %add3A_90 = arith.addf %bitcast_convert_type3A_40, %add3A_31 : vector<4096x256xf32>
    %reshape3A_91 = vector.shape_cast %add3A_90 : vector<4096x256xf32> to vector<256x16x256xf32>
    %mul3A_92 = arith.mulf %mul3A_89, %reshape3A_91 : vector<256x16x256xf32>
    %reduce_sum3A_93 = arith.constant dense<0.000000e+00> : vector<256x256xf32>
    %reduce_sum3A_94 = vector.multi_reduction <add>, %mul3A_92, %reduce_sum3A_93 [1] : vector<256x16x256xf32> to vector<256x256xf32>
    %reshape3A_95 = vector.shape_cast %mul3A_89 : vector<256x16x256xf32> to vector<4096x256xf32>
    %swap3A = arith.constant 0 : index
    %swap3A_96 = arith.constant 0 : index
    %swap3A_97 = vector.load %arg17[%swap3A, %swap3A_96] : memref<4096x256xf32, #tpu.memory_space<vmem>>, vector<4096x256xf32>
    tpu.vector_store %arg17[%swap3A, %swap3A_96], %reshape3A_95 {strides = array<i32>} : memref<4096x256xf32, #tpu.memory_space<vmem>>, vector<4096x256xf32>,
    %convert_element_type3A_98 = arith.truncf %reduce_sum3A_94 : vector<256x256xf32> to vector<256x256xbf16>
    %get3A_99 = arith.constant 0 : index
    %get3A_100 = arith.constant 0 : index
    %get3A_101 = vector.load %arg13[%get3A_99, %get3A_100] : memref<256x256xbf16, #tpu.memory_space<vmem>>, vector<256x256xbf16>
    %dot_general3A_102 = arith.constant dense<0.000000e+00> : vector<256x256xf32>
    %dot_general3A_103 = tpu.matmul %convert_element_type3A_98, %get3A_101, %dot_general3A_102 {dimension_numbers = #tpu.dot_dimension_numbers<[1], [0], [0], [1], [0, 0, 1, 1], [], []>, transpose_lhs_hint = false} : vector<256x256xbf16>, vector<256x256xbf16>, vector<256x256xf32> -> vector<256x256xf32>
    %get3A_104 = arith.constant 0 : index
    %get3A_105 = arith.constant 0 : index
    %get3A_106 = vector.load %arg14[%get3A_104, %get3A_105] : memref<1x256xf32, #tpu.memory_space<vmem>>, vector<1x256xf32>
    %add3A_107 = vector.broadcast %get3A_106 : vector<1x256xf32> to vector<256x256xf32>
    %add3A_108 = arith.addf %dot_general3A_103, %add3A_107 : vector<256x256xf32>
    %get3A_109 = arith.constant 0 : index
    %get3A_110 = arith.constant 0 : index
    %get3A_111 = vector.load %arg4[%get3A_109, %get3A_110] : memref<256x256xf32, #tpu.memory_space<vmem>>, vector<256x256xf32>
    %add3A_112 = arith.addf %add3A_108, %get3A_111 : vector<256x256xf32>
    %swap3A_113 = arith.constant 0 : index
    %swap3A_114 = arith.constant 0 : index
    %swap3A_115 = vector.load %arg18[%swap3A_113, %swap3A_114] : memref<256x256xf32, #tpu.memory_space<vmem>>, vector<256x256xf32>
    tpu.vector_store %arg18[%swap3A_113, %swap3A_114], %add3A_112 {strides = array<i32>} : memref<256x256xf32, #tpu.memory_space<vmem>>, vector<256x256xf32>,
    return
  }
  func.func @transform_0(%arg0: i32) -> (i32, i32) {
    %add3A = arith.constant 8 : i32
    %add3A_0 = arith.addi %add3A, %arg0 : i32
    %c0_i32 = arith.constant 0 : i32
    %c0_i32_1 = arith.constant 0 : i32
    return %add3A_0, %c0_i32 : i32, i32
  }
  func.func @transform_1(%arg0: i32) -> (i32, i32) {
    %c0_i32 = arith.constant 0 : i32
    %c0_i32_0 = arith.constant 0 : i32
    return %arg0, %c0_i32 : i32, i32
  }
  func.func @transform_2(%arg0: i32) -> (i32, i32) {
    %add3A = arith.constant 8 : i32
    %add3A_0 = arith.addi %add3A, %arg0 : i32
    %c0_i32 = arith.constant 0 : i32
    %c0_i32_1 = arith.constant 0 : i32
    return %add3A_0, %c0_i32 : i32, i32
  }
  func.func @transform_3(%arg0: i32) -> (i32, i32) {
    %add3A = arith.constant 8 : i32
    %add3A_0 = arith.addi %add3A, %arg0 : i32
    %c0_i32 = arith.constant 0 : i32
    %c0_i32_1 = arith.constant 0 : i32
    return %add3A_0, %c0_i32 : i32, i32
  }
  func.func @transform_4(%arg0: i32) -> (i32, i32) {
    %c0_i32 = arith.constant 0 : i32
    %c0_i32_0 = arith.constant 0 : i32
    %c0_i32_1 = arith.constant 0 : i32
    return %c0_i32, %c0_i32_0 : i32, i32
  }
  func.func @transform_5(%arg0: i32) -> (i32, i32) {
    %c0_i32 = arith.constant 0 : i32
    %c0_i32_0 = arith.constant 0 : i32
    %c0_i32_1 = arith.constant 0 : i32
    return %c0_i32, %c0_i32_0 : i32, i32
  }
  func.func @transform_6(%arg0: i32) -> (i32, i32) {
    %c0_i32 = arith.constant 0 : i32
    %c0_i32_0 = arith.constant 0 : i32
    %c0_i32_1 = arith.constant 0 : i32
    return %c0_i32, %c0_i32_0 : i32, i32
  }
  func.func @transform_7(%arg0: i32) -> (i32, i32) {
    %c0_i32 = arith.constant 0 : i32
    %c0_i32_0 = arith.constant 0 : i32
    %c0_i32_1 = arith.constant 0 : i32
    return %c0_i32, %c0_i32_0 : i32, i32
  }
  func.func @transform_8(%arg0: i32) -> (i32, i32) {
    %c0_i32 = arith.constant 0 : i32
    %c0_i32_0 = arith.constant 0 : i32
    %c0_i32_1 = arith.constant 0 : i32
    return %c0_i32, %c0_i32_0 : i32, i32
  }
  func.func @transform_9(%arg0: i32) -> (i32, i32) {
    %c0_i32 = arith.constant 0 : i32
    %c0_i32_0 = arith.constant 0 : i32
    %c0_i32_1 = arith.constant 0 : i32
    return %c0_i32, %c0_i32_0 : i32, i32
  }
  func.func @transform_10(%arg0: i32) -> (i32, i32) {
    %c0_i32 = arith.constant 0 : i32
    %c0_i32_0 = arith.constant 0 : i32
    %c0_i32_1 = arith.constant 0 : i32
    return %c0_i32, %c0_i32_0 : i32, i32
  }
  func.func @transform_11(%arg0: i32) -> (i32, i32) {
    %c0_i32 = arith.constant 0 : i32
    %c0_i32_0 = arith.constant 0 : i32
    %c0_i32_1 = arith.constant 0 : i32
    return %c0_i32, %c0_i32_0 : i32, i32
  }
  func.func @transform_12(%arg0: i32) -> (i32, i32) {
    %c0_i32 = arith.constant 0 : i32
    %c0_i32_0 = arith.constant 0 : i32
    %c0_i32_1 = arith.constant 0 : i32
    return %c0_i32, %c0_i32_0 : i32, i32
  }
  func.func @transform_13(%arg0: i32) -> (i32, i32) {
    %c0_i32 = arith.constant 0 : i32
    %c0_i32_0 = arith.constant 0 : i32
    %c0_i32_1 = arith.constant 0 : i32
    return %c0_i32, %c0_i32_0 : i32, i32
  }
  func.func @transform_14(%arg0: i32) -> (i32, i32) {
    %c0_i32 = arith.constant 0 : i32
    %c0_i32_0 = arith.constant 0 : i32
    %c0_i32_1 = arith.constant 0 : i32
    return %c0_i32, %c0_i32_0 : i32, i32
  }
  func.func @transform_15(%arg0: i32) -> (i32, i32) {
    %c0_i32 = arith.constant 0 : i32
    %c0_i32_0 = arith.constant 0 : i32
    %c0_i32_1 = arith.constant 0 : i32
    return %c0_i32, %c0_i32_0 : i32, i32
  }
  func.func @transform_16(%arg0: i32) -> (i32, i32) {
    %add3A = arith.constant 8 : i32
    %add3A_0 = arith.addi %add3A, %arg0 : i32
    %c0_i32 = arith.constant 0 : i32
    %c0_i32_1 = arith.constant 0 : i32
    return %add3A_0, %c0_i32 : i32, i32
  }
  func.func @transform_17(%arg0: i32) -> (i32, i32) {
    %add3A = arith.constant 8 : i32
    %add3A_0 = arith.addi %add3A, %arg0 : i32
    %c0_i32 = arith.constant 0 : i32
    %c0_i32_1 = arith.constant 0 : i32
    return %add3A_0, %c0_i32 : i32, i32
  }
}

module attributes {stable_mosaic.version = 14 : i64} {
  func.func @_attn_chain_body(%arg0: i32, %arg1: memref<256x256xf32, #tpu.memory_space<vmem>>, %arg2: memref<4096x384xf32, #tpu.memory_space<vmem>>, %arg3: memref<256x16xf32, #tpu.memory_space<vmem>>, %arg4: memref<256x256xf32, #tpu.memory_space<vmem>>, %arg5: memref<16x256xf32, #tpu.memory_space<vmem>>, %arg6: memref<1x256xf32, #tpu.memory_space<vmem>>, %arg7: memref<256x256xbf16, #tpu.memory_space<vmem>>, %arg8: memref<1x256xf32, #tpu.memory_space<vmem>>, %arg9: memref<256x256xbf16, #tpu.memory_space<vmem>>, %arg10: memref<1x256xf32, #tpu.memory_space<vmem>>, %arg11: memref<256x256xbf16, #tpu.memory_space<vmem>>, %arg12: memref<1x256xf32, #tpu.memory_space<vmem>>, %arg13: memref<256x256xbf16, #tpu.memory_space<vmem>>, %arg14: memref<1x256xf32, #tpu.memory_space<vmem>>, %arg15: memref<8x128xf32, #tpu.memory_space<vmem>>, %arg16: memref<8x128xf32, #tpu.memory_space<vmem>>, %arg17: memref<4096x256xf32, #tpu.memory_space<vmem>>, %arg18: memref<256x256xf32, #tpu.memory_space<vmem>>) attributes {dimension_semantics = [#tpu.dimension_semantics<arbitrary>], iteration_bounds = array<i64: 8>, scalar_prefetch = 0 : i64, scratch_operands = 0 : i64, tpu.core_type = #tpu.core_type<tc>, window_params = [{transform_indices = @transform_0, window_bounds = array<i64: 256, 256>}, {transform_indices = @transform_1, window_bounds = array<i64: 4096, 384>}, {transform_indices = @transform_2, window_bounds = array<i64: 256, 16>}, {transform_indices = @transform_3, window_bounds = array<i64: 256, 256>}, {pipeline_mode = #tpu.pipeline_mode<synchronous>, transform_indices = @transform_4, window_bounds = array<i64: 16, 256>}, {pipeline_mode = #tpu.pipeline_mode<synchronous>, transform_indices = @transform_5, window_bounds = array<i64: 1, 256>}, {pipeline_mode = #tpu.pipeline_mode<synchronous>, transform_indices = @transform_6, window_bounds = array<i64: 256, 256>}, {pipeline_mode = #tpu.pipeline_mode<synchronous>, transform_indices = @transform_7, window_bounds = array<i64: 1, 256>}, {pipeline_mode = #tpu.pipeline_mode<synchronous>, transform_indices = @transform_8, window_bounds = array<i64: 256, 256>}, {pipeline_mode = #tpu.pipeline_mode<synchronous>, transform_indices = @transform_9, window_bounds = array<i64: 1, 256>}, {pipeline_mode = #tpu.pipeline_mode<synchronous>, transform_indices = @transform_10, window_bounds = array<i64: 256, 256>}, {pipeline_mode = #tpu.pipeline_mode<synchronous>, transform_indices = @transform_11, window_bounds = array<i64: 1, 256>}, {pipeline_mode = #tpu.pipeline_mode<synchronous>, transform_indices = @transform_12, window_bounds = array<i64: 256, 256>}, {pipeline_mode = #tpu.pipeline_mode<synchronous>, transform_indices = @transform_13, window_bounds = array<i64: 1, 256>}, {transform_indices = @transform_14, window_bounds = array<i64: 8, 128>}, {transform_indices = @transform_15, window_bounds = array<i64: 8, 128>}, {transform_indices = @transform_16, window_bounds = array<i64: 4096, 256>}, {transform_indices = @transform_17, window_bounds = array<i64: 256, 256>}]} {
    %get3A = arith.constant 0 : index
    %get3A_0 = arith.constant 0 : index
    %get3A_1 = vector.load %arg3[%get3A, %get3A_0] : memref<256x16xf32, #tpu.memory_space<vmem>>, vector<256x16xf32>
    %get3A_2 = arith.constant 0 : index
    %get3A_3 = arith.constant 0 : index
    %get3A_4 = vector.load %arg5[%get3A_2, %get3A_3] : memref<16x256xf32, #tpu.memory_space<vmem>>, vector<16x256xf32>
    %dot_general3A = arith.constant dense<0.000000e+00> : vector<256x256xf32>
    %dot_general3A_5 = tpu.matmul %get3A_1, %get3A_4, %dot_general3A {dimension_numbers = #tpu.dot_dimension_numbers<[1], [0], [0], [1], [0, 0, 1, 1], [], []>, transpose_lhs_hint = false} : vector<256x16xf32>, vector<16x256xf32>, vector<256x256xf32> -> vector<256x256xf32>
    %get3A_6 = arith.constant 0 : index
    %get3A_7 = arith.constant 0 : index
    %get3A_8 = vector.load %arg6[%get3A_6, %get3A_7] : memref<1x256xf32, #tpu.memory_space<vmem>>, vector<1x256xf32>
    %add3A = vector.broadcast %get3A_8 : vector<1x256xf32> to vector<256x256xf32>
    %add3A_9 = arith.addf %dot_general3A_5, %add3A : vector<256x256xf32>
    %get3A_10 = arith.constant 0 : index
    %get3A_11 = arith.constant 256 : index
    %get3A_12 = vector.load %arg2[%get3A_10, %get3A_11] : memref<4096x384xf32, #tpu.memory_space<vmem>>, vector<4096x16xf32>
    %get3A_13 = arith.constant 0 : index
    %get3A_14 = arith.constant 0 : index
    %get3A_15 = vector.load %arg5[%get3A_13, %get3A_14] : memref<16x256xf32, #tpu.memory_space<vmem>>, vector<16x256xf32>
    %dot_general3A_16 = arith.constant dense<0.000000e+00> : vector<4096x256xf32>
    %dot_general3A_17 = tpu.matmul %get3A_12, %get3A_15, %dot_general3A_16 {dimension_numbers = #tpu.dot_dimension_numbers<[1], [0], [0], [1], [0, 0, 1, 1], [], []>, transpose_lhs_hint = false} : vector<4096x16xf32>, vector<16x256xf32>, vector<4096x256xf32> -> vector<4096x256xf32>
    %broadcast_in_dim3A = vector.shape_cast %add3A_9 : vector<256x256xf32> to vector<256x1x256xf32>
    %reshape3A = vector.shape_cast %dot_general3A_17 : vector<4096x256xf32> to vector<256x16x256xf32>
    %sub3A = vector.broadcast %broadcast_in_dim3A : vector<256x1x256xf32> to vector<256x16x256xf32>
    %sub3A_18 = arith.subf %sub3A, %reshape3A : vector<256x16x256xf32>
    %max3A = arith.constant 0.000000e+00 : f32
    %max3A_19 = vector.broadcast %max3A : f32 to vector<256x16x256xf32>
    %max3A_20 = arith.maximumf %sub3A_18, %max3A_19 : vector<256x16x256xf32>
    %reshape3A_21 = vector.shape_cast %max3A_20 : vector<256x16x256xf32> to vector<4096x256xf32>
    %convert_element_type3A = arith.truncf %reshape3A_21 : vector<4096x256xf32> to vector<4096x256xbf16>
    %get3A_22 = arith.constant 0 : index
    %get3A_23 = arith.constant 0 : index
    %get3A_24 = vector.load %arg7[%get3A_22, %get3A_23] : memref<256x256xbf16, #tpu.memory_space<vmem>>, vector<256x256xbf16>
    %dot_general3A_25 = arith.constant dense<0.000000e+00> : vector<4096x256xf32>
    %dot_general3A_26 = tpu.matmul %convert_element_type3A, %get3A_24, %dot_general3A_25 {dimension_numbers = #tpu.dot_dimension_numbers<[1], [0], [0], [1], [0, 0, 1, 1], [], []>, transpose_lhs_hint = false} : vector<4096x256xbf16>, vector<256x256xbf16>, vector<4096x256xf32> -> vector<4096x256xf32>
    %get3A_27 = arith.constant 0 : index
    %get3A_28 = arith.constant 0 : index
    %get3A_29 = vector.load %arg8[%get3A_27, %get3A_28] : memref<1x256xf32, #tpu.memory_space<vmem>>, vector<1x256xf32>
    %add3A_30 = vector.broadcast %get3A_29 : vector<1x256xf32> to vector<4096x256xf32>
    %add3A_31 = arith.addf %dot_general3A_26, %add3A_30 : vector<4096x256xf32>
    %get3A_32 = arith.constant 0 : index
    %get3A_33 = arith.constant 0 : index
    %get3A_34 = vector.load %arg2[%get3A_32, %get3A_33] : memref<4096x384xf32, #tpu.memory_space<vmem>>, vector<4096x256xf32>
    %bitcast_convert_type3A = tpu.bitcast %get3A_34 : vector<4096x256xf32> -> vector<4096x256xi32>
    %shift_left3A = arith.constant 16 : i32
    %shift_left3A_35 = vector.broadcast %shift_left3A : i32 to vector<4096x256xi32>
    %shift_left3A_36 = arith.shli %bitcast_convert_type3A, %shift_left3A_35 : vector<4096x256xi32>
    %bitcast_convert_type3A_37 = tpu.bitcast %shift_left3A_36 : vector<4096x256xi32> -> vector<4096x256xf32>
    %and3A = arith.constant -65536 : i32
    %and3A_38 = vector.broadcast %and3A : i32 to vector<4096x256xi32>
    %and3A_39 = arith.andi %bitcast_convert_type3A, %and3A_38 : vector<4096x256xi32>
    %bitcast_convert_type3A_40 = tpu.bitcast %and3A_39 : vector<4096x256xi32> -> vector<4096x256xf32>
    %get3A_41 = arith.constant 0 : index
    %get3A_42 = arith.constant 0 : index
    %get3A_43 = vector.load %arg1[%get3A_41, %get3A_42] : memref<256x256xf32, #tpu.memory_space<vmem>>, vector<256x256xf32>
    %convert_element_type3A_44 = arith.truncf %get3A_43 : vector<256x256xf32> to vector<256x256xbf16>
    %get3A_45 = arith.constant 0 : index
    %get3A_46 = arith.constant 0 : index
    %get3A_47 = vector.load %arg9[%get3A_45, %get3A_46] : memref<256x256xbf16, #tpu.memory_space<vmem>>, vector<256x256xbf16>
    %dot_general3A_48 = arith.constant dense<0.000000e+00> : vector<256x256xf32>
    %dot_general3A_49 = tpu.matmul %convert_element_type3A_44, %get3A_47, %dot_general3A_48 {dimension_numbers = #tpu.dot_dimension_numbers<[1], [0], [0], [1], [0, 0, 1, 1], [], []>, transpose_lhs_hint = false} : vector<256x256xbf16>, vector<256x256xbf16>, vector<256x256xf32> -> vector<256x256xf32>
    %get3A_50 = arith.constant 0 : index
    %get3A_51 = arith.constant 0 : index
    %get3A_52 = vector.load %arg10[%get3A_50, %get3A_51] : memref<1x256xf32, #tpu.memory_space<vmem>>, vector<1x256xf32>
    %add3A_53 = vector.broadcast %get3A_52 : vector<1x256xf32> to vector<256x256xf32>
    %add3A_54 = arith.addf %dot_general3A_49, %add3A_53 : vector<256x256xf32>
    %sub3A_55 = arith.subf %add3A_31, %bitcast_convert_type3A_37 : vector<4096x256xf32>
    %convert_element_type3A_56 = arith.truncf %sub3A_55 : vector<4096x256xf32> to vector<4096x256xbf16>
    %get3A_57 = arith.constant 0 : index
    %get3A_58 = arith.constant 0 : index
    %get3A_59 = vector.load %arg9[%get3A_57, %get3A_58] : memref<256x256xbf16, #tpu.memory_space<vmem>>, vector<256x256xbf16>
    %dot_general3A_60 = arith.constant dense<0.000000e+00> : vector<4096x256xf32>
    %dot_general3A_61 = tpu.matmul %convert_element_type3A_56, %get3A_59, %dot_general3A_60 {dimension_numbers = #tpu.dot_dimension_numbers<[1], [0], [0], [1], [0, 0, 1, 1], [], []>, transpose_lhs_hint = false} : vector<4096x256xbf16>, vector<256x256xbf16>, vector<4096x256xf32> -> vector<4096x256xf32>
    %reshape3A_62 = vector.shape_cast %dot_general3A_61 : vector<4096x256xf32> to vector<256x16x256xf32>
    %broadcast_in_dim3A_63 = vector.shape_cast %add3A_54 : vector<256x256xf32> to vector<256x1x256xf32>
    %add3A_64 = vector.broadcast %broadcast_in_dim3A_63 : vector<256x1x256xf32> to vector<256x16x256xf32>
    %add3A_65 = arith.addf %reshape3A_62, %add3A_64 : vector<256x16x256xf32>
    %max3A_66 = arith.constant 0.000000e+00 : f32
    %max3A_67 = vector.broadcast %max3A_66 : f32 to vector<256x16x256xf32>
    %max3A_68 = arith.maximumf %add3A_65, %max3A_67 : vector<256x16x256xf32>
    %reshape3A_69 = vector.shape_cast %max3A_68 : vector<256x16x256xf32> to vector<4096x256xf32>
    %convert_element_type3A_70 = arith.truncf %reshape3A_69 : vector<4096x256xf32> to vector<4096x256xbf16>
    %get3A_71 = arith.constant 0 : index
    %get3A_72 = arith.constant 0 : index
    %get3A_73 = vector.load %arg11[%get3A_71, %get3A_72] : memref<256x256xbf16, #tpu.memory_space<vmem>>, vector<256x256xbf16>
    %dot_general3A_74 = arith.constant dense<0.000000e+00> : vector<4096x256xf32>
    %dot_general3A_75 = tpu.matmul %convert_element_type3A_70, %get3A_73, %dot_general3A_74 {dimension_numbers = #tpu.dot_dimension_numbers<[1], [0], [0], [1], [0, 0, 1, 1], [], []>, transpose_lhs_hint = false} : vector<4096x256xbf16>, vector<256x256xbf16>, vector<4096x256xf32> -> vector<4096x256xf32>
    %get3A_76 = arith.constant 0 : index
    %get3A_77 = arith.constant 0 : index
    %get3A_78 = vector.load %arg12[%get3A_76, %get3A_77] : memref<1x256xf32, #tpu.memory_space<vmem>>, vector<1x256xf32>
    %add3A_79 = vector.broadcast %get3A_78 : vector<1x256xf32> to vector<4096x256xf32>
    %add3A_80 = arith.addf %dot_general3A_75, %add3A_79 : vector<4096x256xf32>
    %reshape3A_81 = vector.shape_cast %add3A_80 : vector<4096x256xf32> to vector<256x16x256xf32>
    %mul3A = arith.constant 6.250000e-02 : f32
    %mul3A_82 = vector.broadcast %mul3A : f32 to vector<256x16x256xf32>
    %mul3A_83 = arith.mulf %reshape3A_81, %mul3A_82 : vector<256x16x256xf32>
    %exp3A = math.exp %mul3A_83 : vector<256x16x256xf32>
    %reduce_sum3A = arith.constant dense<0.000000e+00> : vector<256x256xf32>
    %reduce_sum3A_84 = vector.multi_reduction <add>, %exp3A, %reduce_sum3A [1] : vector<256x16x256xf32> to vector<256x256xf32>
    %broadcast_in_dim3A_85 = vector.shape_cast %reduce_sum3A_84 : vector<256x256xf32> to vector<256x1x256xf32>
    %div3A = arith.constant 1.000000e+00 : f32
    %div3A_86 = vector.broadcast %div3A : f32 to vector<256x1x256xf32>
    %div3A_87 = arith.divf %div3A_86, %broadcast_in_dim3A_85 : vector<256x1x256xf32>
    %mul3A_88 = vector.broadcast %div3A_87 : vector<256x1x256xf32> to vector<256x16x256xf32>
    %mul3A_89 = arith.mulf %exp3A, %mul3A_88 : vector<256x16x256xf32>
    %add3A_90 = arith.addf %bitcast_convert_type3A_40, %add3A_31 : vector<4096x256xf32>
    %reshape3A_91 = vector.shape_cast %add3A_90 : vector<4096x256xf32> to vector<256x16x256xf32>
    %mul3A_92 = arith.mulf %mul3A_89, %reshape3A_91 : vector<256x16x256xf32>
    %reduce_sum3A_93 = arith.constant dense<0.000000e+00> : vector<256x256xf32>
    %reduce_sum3A_94 = vector.multi_reduction <add>, %mul3A_92, %reduce_sum3A_93 [1] : vector<256x16x256xf32> to vector<256x256xf32>
    %reshape3A_95 = vector.shape_cast %mul3A_89 : vector<256x16x256xf32> to vector<4096x256xf32>
    %swap3A = arith.constant 0 : index
    %swap3A_96 = arith.constant 0 : index
    %swap3A_97 = vector.load %arg17[%swap3A, %swap3A_96] : memref<4096x256xf32, #tpu.memory_space<vmem>>, vector<4096x256xf32>
    tpu.vector_store %arg17[%swap3A, %swap3A_96], %reshape3A_95 {strides = array<i32>} : memref<4096x256xf32, #tpu.memory_space<vmem>>, vector<4096x256xf32>,
    %convert_element_type3A_98 = arith.truncf %reduce_sum3A_94 : vector<256x256xf32> to vector<256x256xbf16>
    %get3A_99 = arith.constant 0 : index
    %get3A_100 = arith.constant 0 : index
    %get3A_101 = vector.load %arg13[%get3A_99, %get3A_100] : memref<256x256xbf16, #tpu.memory_space<vmem>>, vector<256x256xbf16>
    %dot_general3A_102 = arith.constant dense<0.000000e+00> : vector<256x256xf32>
    %dot_general3A_103 = tpu.matmul %convert_element_type3A_98, %get3A_101, %dot_general3A_102 {dimension_numbers = #tpu.dot_dimension_numbers<[1], [0], [0], [1], [0, 0, 1, 1], [], []>, transpose_lhs_hint = false} : vector<256x256xbf16>, vector<256x256xbf16>, vector<256x256xf32> -> vector<256x256xf32>
    %get3A_104 = arith.constant 0 : index
    %get3A_105 = arith.constant 0 : index
    %get3A_106 = vector.load %arg14[%get3A_104, %get3A_105] : memref<1x256xf32, #tpu.memory_space<vmem>>, vector<1x256xf32>
    %add3A_107 = vector.broadcast %get3A_106 : vector<1x256xf32> to vector<256x256xf32>
    %add3A_108 = arith.addf %dot_general3A_103, %add3A_107 : vector<256x256xf32>
    %get3A_109 = arith.constant 0 : index
    %get3A_110 = arith.constant 0 : index
    %get3A_111 = vector.load %arg4[%get3A_109, %get3A_110] : memref<256x256xf32, #tpu.memory_space<vmem>>, vector<256x256xf32>
    %add3A_112 = arith.addf %add3A_108, %get3A_111 : vector<256x256xf32>
    %swap3A_113 = arith.constant 0 : index
    %swap3A_114 = arith.constant 0 : index
    %swap3A_115 = vector.load %arg18[%swap3A_113, %swap3A_114] : memref<256x256xf32, #tpu.memory_space<vmem>>, vector<256x256xf32>
    tpu.vector_store %arg18[%swap3A_113, %swap3A_114], %add3A_112 {strides = array<i32>} : memref<256x256xf32, #tpu.memory_space<vmem>>, vector<256x256xf32>,
    return
  }
  func.func @transform_0(%arg0: i32) -> (i32, i32) {
    %add3A = arith.constant 16 : i32
    %add3A_0 = arith.addi %add3A, %arg0 : i32
    %c0_i32 = arith.constant 0 : i32
    %c0_i32_1 = arith.constant 0 : i32
    return %add3A_0, %c0_i32 : i32, i32
  }
  func.func @transform_1(%arg0: i32) -> (i32, i32) {
    %c0_i32 = arith.constant 0 : i32
    %c0_i32_0 = arith.constant 0 : i32
    return %arg0, %c0_i32 : i32, i32
  }
  func.func @transform_2(%arg0: i32) -> (i32, i32) {
    %add3A = arith.constant 16 : i32
    %add3A_0 = arith.addi %add3A, %arg0 : i32
    %c0_i32 = arith.constant 0 : i32
    %c0_i32_1 = arith.constant 0 : i32
    return %add3A_0, %c0_i32 : i32, i32
  }
  func.func @transform_3(%arg0: i32) -> (i32, i32) {
    %add3A = arith.constant 16 : i32
    %add3A_0 = arith.addi %add3A, %arg0 : i32
    %c0_i32 = arith.constant 0 : i32
    %c0_i32_1 = arith.constant 0 : i32
    return %add3A_0, %c0_i32 : i32, i32
  }
  func.func @transform_4(%arg0: i32) -> (i32, i32) {
    %c0_i32 = arith.constant 0 : i32
    %c0_i32_0 = arith.constant 0 : i32
    %c0_i32_1 = arith.constant 0 : i32
    return %c0_i32, %c0_i32_0 : i32, i32
  }
  func.func @transform_5(%arg0: i32) -> (i32, i32) {
    %c0_i32 = arith.constant 0 : i32
    %c0_i32_0 = arith.constant 0 : i32
    %c0_i32_1 = arith.constant 0 : i32
    return %c0_i32, %c0_i32_0 : i32, i32
  }
  func.func @transform_6(%arg0: i32) -> (i32, i32) {
    %c0_i32 = arith.constant 0 : i32
    %c0_i32_0 = arith.constant 0 : i32
    %c0_i32_1 = arith.constant 0 : i32
    return %c0_i32, %c0_i32_0 : i32, i32
  }
  func.func @transform_7(%arg0: i32) -> (i32, i32) {
    %c0_i32 = arith.constant 0 : i32
    %c0_i32_0 = arith.constant 0 : i32
    %c0_i32_1 = arith.constant 0 : i32
    return %c0_i32, %c0_i32_0 : i32, i32
  }
  func.func @transform_8(%arg0: i32) -> (i32, i32) {
    %c0_i32 = arith.constant 0 : i32
    %c0_i32_0 = arith.constant 0 : i32
    %c0_i32_1 = arith.constant 0 : i32
    return %c0_i32, %c0_i32_0 : i32, i32
  }
  func.func @transform_9(%arg0: i32) -> (i32, i32) {
    %c0_i32 = arith.constant 0 : i32
    %c0_i32_0 = arith.constant 0 : i32
    %c0_i32_1 = arith.constant 0 : i32
    return %c0_i32, %c0_i32_0 : i32, i32
  }
  func.func @transform_10(%arg0: i32) -> (i32, i32) {
    %c0_i32 = arith.constant 0 : i32
    %c0_i32_0 = arith.constant 0 : i32
    %c0_i32_1 = arith.constant 0 : i32
    return %c0_i32, %c0_i32_0 : i32, i32
  }
  func.func @transform_11(%arg0: i32) -> (i32, i32) {
    %c0_i32 = arith.constant 0 : i32
    %c0_i32_0 = arith.constant 0 : i32
    %c0_i32_1 = arith.constant 0 : i32
    return %c0_i32, %c0_i32_0 : i32, i32
  }
  func.func @transform_12(%arg0: i32) -> (i32, i32) {
    %c0_i32 = arith.constant 0 : i32
    %c0_i32_0 = arith.constant 0 : i32
    %c0_i32_1 = arith.constant 0 : i32
    return %c0_i32, %c0_i32_0 : i32, i32
  }
  func.func @transform_13(%arg0: i32) -> (i32, i32) {
    %c0_i32 = arith.constant 0 : i32
    %c0_i32_0 = arith.constant 0 : i32
    %c0_i32_1 = arith.constant 0 : i32
    return %c0_i32, %c0_i32_0 : i32, i32
  }
  func.func @transform_14(%arg0: i32) -> (i32, i32) {
    %c0_i32 = arith.constant 0 : i32
    %c0_i32_0 = arith.constant 0 : i32
    %c0_i32_1 = arith.constant 0 : i32
    return %c0_i32, %c0_i32_0 : i32, i32
  }
  func.func @transform_15(%arg0: i32) -> (i32, i32) {
    %c0_i32 = arith.constant 0 : i32
    %c0_i32_0 = arith.constant 0 : i32
    %c0_i32_1 = arith.constant 0 : i32
    return %c0_i32, %c0_i32_0 : i32, i32
  }
  func.func @transform_16(%arg0: i32) -> (i32, i32) {
    %add3A = arith.constant 16 : i32
    %add3A_0 = arith.addi %add3A, %arg0 : i32
    %c0_i32 = arith.constant 0 : i32
    %c0_i32_1 = arith.constant 0 : i32
    return %add3A_0, %c0_i32 : i32, i32
  }
  func.func @transform_17(%arg0: i32) -> (i32, i32) {
    %add3A = arith.constant 16 : i32
    %add3A_0 = arith.addi %add3A, %arg0 : i32
    %c0_i32 = arith.constant 0 : i32
    %c0_i32_1 = arith.constant 0 : i32
    return %add3A_0, %c0_i32 : i32, i32
  }
}

module attributes {stable_mosaic.version = 14 : i64} {
  func.func @_attn_chain_body(%arg0: i32, %arg1: memref<256x256xf32, #tpu.memory_space<vmem>>, %arg2: memref<4096x384xf32, #tpu.memory_space<vmem>>, %arg3: memref<256x16xf32, #tpu.memory_space<vmem>>, %arg4: memref<256x256xf32, #tpu.memory_space<vmem>>, %arg5: memref<16x256xf32, #tpu.memory_space<vmem>>, %arg6: memref<1x256xf32, #tpu.memory_space<vmem>>, %arg7: memref<256x256xbf16, #tpu.memory_space<vmem>>, %arg8: memref<1x256xf32, #tpu.memory_space<vmem>>, %arg9: memref<256x256xbf16, #tpu.memory_space<vmem>>, %arg10: memref<1x256xf32, #tpu.memory_space<vmem>>, %arg11: memref<256x256xbf16, #tpu.memory_space<vmem>>, %arg12: memref<1x256xf32, #tpu.memory_space<vmem>>, %arg13: memref<256x256xbf16, #tpu.memory_space<vmem>>, %arg14: memref<1x256xf32, #tpu.memory_space<vmem>>, %arg15: memref<8x128xf32, #tpu.memory_space<vmem>>, %arg16: memref<8x128xf32, #tpu.memory_space<vmem>>, %arg17: memref<4096x256xf32, #tpu.memory_space<vmem>>, %arg18: memref<256x256xf32, #tpu.memory_space<vmem>>) attributes {dimension_semantics = [#tpu.dimension_semantics<arbitrary>], iteration_bounds = array<i64: 8>, scalar_prefetch = 0 : i64, scratch_operands = 0 : i64, tpu.core_type = #tpu.core_type<tc>, window_params = [{transform_indices = @transform_0, window_bounds = array<i64: 256, 256>}, {transform_indices = @transform_1, window_bounds = array<i64: 4096, 384>}, {transform_indices = @transform_2, window_bounds = array<i64: 256, 16>}, {transform_indices = @transform_3, window_bounds = array<i64: 256, 256>}, {pipeline_mode = #tpu.pipeline_mode<synchronous>, transform_indices = @transform_4, window_bounds = array<i64: 16, 256>}, {pipeline_mode = #tpu.pipeline_mode<synchronous>, transform_indices = @transform_5, window_bounds = array<i64: 1, 256>}, {pipeline_mode = #tpu.pipeline_mode<synchronous>, transform_indices = @transform_6, window_bounds = array<i64: 256, 256>}, {pipeline_mode = #tpu.pipeline_mode<synchronous>, transform_indices = @transform_7, window_bounds = array<i64: 1, 256>}, {pipeline_mode = #tpu.pipeline_mode<synchronous>, transform_indices = @transform_8, window_bounds = array<i64: 256, 256>}, {pipeline_mode = #tpu.pipeline_mode<synchronous>, transform_indices = @transform_9, window_bounds = array<i64: 1, 256>}, {pipeline_mode = #tpu.pipeline_mode<synchronous>, transform_indices = @transform_10, window_bounds = array<i64: 256, 256>}, {pipeline_mode = #tpu.pipeline_mode<synchronous>, transform_indices = @transform_11, window_bounds = array<i64: 1, 256>}, {pipeline_mode = #tpu.pipeline_mode<synchronous>, transform_indices = @transform_12, window_bounds = array<i64: 256, 256>}, {pipeline_mode = #tpu.pipeline_mode<synchronous>, transform_indices = @transform_13, window_bounds = array<i64: 1, 256>}, {transform_indices = @transform_14, window_bounds = array<i64: 8, 128>}, {transform_indices = @transform_15, window_bounds = array<i64: 8, 128>}, {transform_indices = @transform_16, window_bounds = array<i64: 4096, 256>}, {transform_indices = @transform_17, window_bounds = array<i64: 256, 256>}]} {
    %get3A = arith.constant 0 : index
    %get3A_0 = arith.constant 0 : index
    %get3A_1 = vector.load %arg3[%get3A, %get3A_0] : memref<256x16xf32, #tpu.memory_space<vmem>>, vector<256x16xf32>
    %get3A_2 = arith.constant 0 : index
    %get3A_3 = arith.constant 0 : index
    %get3A_4 = vector.load %arg5[%get3A_2, %get3A_3] : memref<16x256xf32, #tpu.memory_space<vmem>>, vector<16x256xf32>
    %dot_general3A = arith.constant dense<0.000000e+00> : vector<256x256xf32>
    %dot_general3A_5 = tpu.matmul %get3A_1, %get3A_4, %dot_general3A {dimension_numbers = #tpu.dot_dimension_numbers<[1], [0], [0], [1], [0, 0, 1, 1], [], []>, transpose_lhs_hint = false} : vector<256x16xf32>, vector<16x256xf32>, vector<256x256xf32> -> vector<256x256xf32>
    %get3A_6 = arith.constant 0 : index
    %get3A_7 = arith.constant 0 : index
    %get3A_8 = vector.load %arg6[%get3A_6, %get3A_7] : memref<1x256xf32, #tpu.memory_space<vmem>>, vector<1x256xf32>
    %add3A = vector.broadcast %get3A_8 : vector<1x256xf32> to vector<256x256xf32>
    %add3A_9 = arith.addf %dot_general3A_5, %add3A : vector<256x256xf32>
    %get3A_10 = arith.constant 0 : index
    %get3A_11 = arith.constant 256 : index
    %get3A_12 = vector.load %arg2[%get3A_10, %get3A_11] : memref<4096x384xf32, #tpu.memory_space<vmem>>, vector<4096x16xf32>
    %get3A_13 = arith.constant 0 : index
    %get3A_14 = arith.constant 0 : index
    %get3A_15 = vector.load %arg5[%get3A_13, %get3A_14] : memref<16x256xf32, #tpu.memory_space<vmem>>, vector<16x256xf32>
    %dot_general3A_16 = arith.constant dense<0.000000e+00> : vector<4096x256xf32>
    %dot_general3A_17 = tpu.matmul %get3A_12, %get3A_15, %dot_general3A_16 {dimension_numbers = #tpu.dot_dimension_numbers<[1], [0], [0], [1], [0, 0, 1, 1], [], []>, transpose_lhs_hint = false} : vector<4096x16xf32>, vector<16x256xf32>, vector<4096x256xf32> -> vector<4096x256xf32>
    %broadcast_in_dim3A = vector.shape_cast %add3A_9 : vector<256x256xf32> to vector<256x1x256xf32>
    %reshape3A = vector.shape_cast %dot_general3A_17 : vector<4096x256xf32> to vector<256x16x256xf32>
    %sub3A = vector.broadcast %broadcast_in_dim3A : vector<256x1x256xf32> to vector<256x16x256xf32>
    %sub3A_18 = arith.subf %sub3A, %reshape3A : vector<256x16x256xf32>
    %max3A = arith.constant 0.000000e+00 : f32
    %max3A_19 = vector.broadcast %max3A : f32 to vector<256x16x256xf32>
    %max3A_20 = arith.maximumf %sub3A_18, %max3A_19 : vector<256x16x256xf32>
    %reshape3A_21 = vector.shape_cast %max3A_20 : vector<256x16x256xf32> to vector<4096x256xf32>
    %convert_element_type3A = arith.truncf %reshape3A_21 : vector<4096x256xf32> to vector<4096x256xbf16>
    %get3A_22 = arith.constant 0 : index
    %get3A_23 = arith.constant 0 : index
    %get3A_24 = vector.load %arg7[%get3A_22, %get3A_23] : memref<256x256xbf16, #tpu.memory_space<vmem>>, vector<256x256xbf16>
    %dot_general3A_25 = arith.constant dense<0.000000e+00> : vector<4096x256xf32>
    %dot_general3A_26 = tpu.matmul %convert_element_type3A, %get3A_24, %dot_general3A_25 {dimension_numbers = #tpu.dot_dimension_numbers<[1], [0], [0], [1], [0, 0, 1, 1], [], []>, transpose_lhs_hint = false} : vector<4096x256xbf16>, vector<256x256xbf16>, vector<4096x256xf32> -> vector<4096x256xf32>
    %get3A_27 = arith.constant 0 : index
    %get3A_28 = arith.constant 0 : index
    %get3A_29 = vector.load %arg8[%get3A_27, %get3A_28] : memref<1x256xf32, #tpu.memory_space<vmem>>, vector<1x256xf32>
    %add3A_30 = vector.broadcast %get3A_29 : vector<1x256xf32> to vector<4096x256xf32>
    %add3A_31 = arith.addf %dot_general3A_26, %add3A_30 : vector<4096x256xf32>
    %get3A_32 = arith.constant 0 : index
    %get3A_33 = arith.constant 0 : index
    %get3A_34 = vector.load %arg2[%get3A_32, %get3A_33] : memref<4096x384xf32, #tpu.memory_space<vmem>>, vector<4096x256xf32>
    %bitcast_convert_type3A = tpu.bitcast %get3A_34 : vector<4096x256xf32> -> vector<4096x256xi32>
    %shift_left3A = arith.constant 16 : i32
    %shift_left3A_35 = vector.broadcast %shift_left3A : i32 to vector<4096x256xi32>
    %shift_left3A_36 = arith.shli %bitcast_convert_type3A, %shift_left3A_35 : vector<4096x256xi32>
    %bitcast_convert_type3A_37 = tpu.bitcast %shift_left3A_36 : vector<4096x256xi32> -> vector<4096x256xf32>
    %and3A = arith.constant -65536 : i32
    %and3A_38 = vector.broadcast %and3A : i32 to vector<4096x256xi32>
    %and3A_39 = arith.andi %bitcast_convert_type3A, %and3A_38 : vector<4096x256xi32>
    %bitcast_convert_type3A_40 = tpu.bitcast %and3A_39 : vector<4096x256xi32> -> vector<4096x256xf32>
    %get3A_41 = arith.constant 0 : index
    %get3A_42 = arith.constant 0 : index
    %get3A_43 = vector.load %arg1[%get3A_41, %get3A_42] : memref<256x256xf32, #tpu.memory_space<vmem>>, vector<256x256xf32>
    %convert_element_type3A_44 = arith.truncf %get3A_43 : vector<256x256xf32> to vector<256x256xbf16>
    %get3A_45 = arith.constant 0 : index
    %get3A_46 = arith.constant 0 : index
    %get3A_47 = vector.load %arg9[%get3A_45, %get3A_46] : memref<256x256xbf16, #tpu.memory_space<vmem>>, vector<256x256xbf16>
    %dot_general3A_48 = arith.constant dense<0.000000e+00> : vector<256x256xf32>
    %dot_general3A_49 = tpu.matmul %convert_element_type3A_44, %get3A_47, %dot_general3A_48 {dimension_numbers = #tpu.dot_dimension_numbers<[1], [0], [0], [1], [0, 0, 1, 1], [], []>, transpose_lhs_hint = false} : vector<256x256xbf16>, vector<256x256xbf16>, vector<256x256xf32> -> vector<256x256xf32>
    %get3A_50 = arith.constant 0 : index
    %get3A_51 = arith.constant 0 : index
    %get3A_52 = vector.load %arg10[%get3A_50, %get3A_51] : memref<1x256xf32, #tpu.memory_space<vmem>>, vector<1x256xf32>
    %add3A_53 = vector.broadcast %get3A_52 : vector<1x256xf32> to vector<256x256xf32>
    %add3A_54 = arith.addf %dot_general3A_49, %add3A_53 : vector<256x256xf32>
    %sub3A_55 = arith.subf %add3A_31, %bitcast_convert_type3A_37 : vector<4096x256xf32>
    %convert_element_type3A_56 = arith.truncf %sub3A_55 : vector<4096x256xf32> to vector<4096x256xbf16>
    %get3A_57 = arith.constant 0 : index
    %get3A_58 = arith.constant 0 : index
    %get3A_59 = vector.load %arg9[%get3A_57, %get3A_58] : memref<256x256xbf16, #tpu.memory_space<vmem>>, vector<256x256xbf16>
    %dot_general3A_60 = arith.constant dense<0.000000e+00> : vector<4096x256xf32>
    %dot_general3A_61 = tpu.matmul %convert_element_type3A_56, %get3A_59, %dot_general3A_60 {dimension_numbers = #tpu.dot_dimension_numbers<[1], [0], [0], [1], [0, 0, 1, 1], [], []>, transpose_lhs_hint = false} : vector<4096x256xbf16>, vector<256x256xbf16>, vector<4096x256xf32> -> vector<4096x256xf32>
    %reshape3A_62 = vector.shape_cast %dot_general3A_61 : vector<4096x256xf32> to vector<256x16x256xf32>
    %broadcast_in_dim3A_63 = vector.shape_cast %add3A_54 : vector<256x256xf32> to vector<256x1x256xf32>
    %add3A_64 = vector.broadcast %broadcast_in_dim3A_63 : vector<256x1x256xf32> to vector<256x16x256xf32>
    %add3A_65 = arith.addf %reshape3A_62, %add3A_64 : vector<256x16x256xf32>
    %max3A_66 = arith.constant 0.000000e+00 : f32
    %max3A_67 = vector.broadcast %max3A_66 : f32 to vector<256x16x256xf32>
    %max3A_68 = arith.maximumf %add3A_65, %max3A_67 : vector<256x16x256xf32>
    %reshape3A_69 = vector.shape_cast %max3A_68 : vector<256x16x256xf32> to vector<4096x256xf32>
    %convert_element_type3A_70 = arith.truncf %reshape3A_69 : vector<4096x256xf32> to vector<4096x256xbf16>
    %get3A_71 = arith.constant 0 : index
    %get3A_72 = arith.constant 0 : index
    %get3A_73 = vector.load %arg11[%get3A_71, %get3A_72] : memref<256x256xbf16, #tpu.memory_space<vmem>>, vector<256x256xbf16>
    %dot_general3A_74 = arith.constant dense<0.000000e+00> : vector<4096x256xf32>
    %dot_general3A_75 = tpu.matmul %convert_element_type3A_70, %get3A_73, %dot_general3A_74 {dimension_numbers = #tpu.dot_dimension_numbers<[1], [0], [0], [1], [0, 0, 1, 1], [], []>, transpose_lhs_hint = false} : vector<4096x256xbf16>, vector<256x256xbf16>, vector<4096x256xf32> -> vector<4096x256xf32>
    %get3A_76 = arith.constant 0 : index
    %get3A_77 = arith.constant 0 : index
    %get3A_78 = vector.load %arg12[%get3A_76, %get3A_77] : memref<1x256xf32, #tpu.memory_space<vmem>>, vector<1x256xf32>
    %add3A_79 = vector.broadcast %get3A_78 : vector<1x256xf32> to vector<4096x256xf32>
    %add3A_80 = arith.addf %dot_general3A_75, %add3A_79 : vector<4096x256xf32>
    %reshape3A_81 = vector.shape_cast %add3A_80 : vector<4096x256xf32> to vector<256x16x256xf32>
    %mul3A = arith.constant 6.250000e-02 : f32
    %mul3A_82 = vector.broadcast %mul3A : f32 to vector<256x16x256xf32>
    %mul3A_83 = arith.mulf %reshape3A_81, %mul3A_82 : vector<256x16x256xf32>
    %exp3A = math.exp %mul3A_83 : vector<256x16x256xf32>
    %reduce_sum3A = arith.constant dense<0.000000e+00> : vector<256x256xf32>
    %reduce_sum3A_84 = vector.multi_reduction <add>, %exp3A, %reduce_sum3A [1] : vector<256x16x256xf32> to vector<256x256xf32>
    %broadcast_in_dim3A_85 = vector.shape_cast %reduce_sum3A_84 : vector<256x256xf32> to vector<256x1x256xf32>
    %div3A = arith.constant 1.000000e+00 : f32
    %div3A_86 = vector.broadcast %div3A : f32 to vector<256x1x256xf32>
    %div3A_87 = arith.divf %div3A_86, %broadcast_in_dim3A_85 : vector<256x1x256xf32>
    %mul3A_88 = vector.broadcast %div3A_87 : vector<256x1x256xf32> to vector<256x16x256xf32>
    %mul3A_89 = arith.mulf %exp3A, %mul3A_88 : vector<256x16x256xf32>
    %add3A_90 = arith.addf %bitcast_convert_type3A_40, %add3A_31 : vector<4096x256xf32>
    %reshape3A_91 = vector.shape_cast %add3A_90 : vector<4096x256xf32> to vector<256x16x256xf32>
    %mul3A_92 = arith.mulf %mul3A_89, %reshape3A_91 : vector<256x16x256xf32>
    %reduce_sum3A_93 = arith.constant dense<0.000000e+00> : vector<256x256xf32>
    %reduce_sum3A_94 = vector.multi_reduction <add>, %mul3A_92, %reduce_sum3A_93 [1] : vector<256x16x256xf32> to vector<256x256xf32>
    %reshape3A_95 = vector.shape_cast %mul3A_89 : vector<256x16x256xf32> to vector<4096x256xf32>
    %swap3A = arith.constant 0 : index
    %swap3A_96 = arith.constant 0 : index
    %swap3A_97 = vector.load %arg17[%swap3A, %swap3A_96] : memref<4096x256xf32, #tpu.memory_space<vmem>>, vector<4096x256xf32>
    tpu.vector_store %arg17[%swap3A, %swap3A_96], %reshape3A_95 {strides = array<i32>} : memref<4096x256xf32, #tpu.memory_space<vmem>>, vector<4096x256xf32>,
    %convert_element_type3A_98 = arith.truncf %reduce_sum3A_94 : vector<256x256xf32> to vector<256x256xbf16>
    %get3A_99 = arith.constant 0 : index
    %get3A_100 = arith.constant 0 : index
    %get3A_101 = vector.load %arg13[%get3A_99, %get3A_100] : memref<256x256xbf16, #tpu.memory_space<vmem>>, vector<256x256xbf16>
    %dot_general3A_102 = arith.constant dense<0.000000e+00> : vector<256x256xf32>
    %dot_general3A_103 = tpu.matmul %convert_element_type3A_98, %get3A_101, %dot_general3A_102 {dimension_numbers = #tpu.dot_dimension_numbers<[1], [0], [0], [1], [0, 0, 1, 1], [], []>, transpose_lhs_hint = false} : vector<256x256xbf16>, vector<256x256xbf16>, vector<256x256xf32> -> vector<256x256xf32>
    %get3A_104 = arith.constant 0 : index
    %get3A_105 = arith.constant 0 : index
    %get3A_106 = vector.load %arg14[%get3A_104, %get3A_105] : memref<1x256xf32, #tpu.memory_space<vmem>>, vector<1x256xf32>
    %add3A_107 = vector.broadcast %get3A_106 : vector<1x256xf32> to vector<256x256xf32>
    %add3A_108 = arith.addf %dot_general3A_103, %add3A_107 : vector<256x256xf32>
    %get3A_109 = arith.constant 0 : index
    %get3A_110 = arith.constant 0 : index
    %get3A_111 = vector.load %arg4[%get3A_109, %get3A_110] : memref<256x256xf32, #tpu.memory_space<vmem>>, vector<256x256xf32>
    %add3A_112 = arith.addf %add3A_108, %get3A_111 : vector<256x256xf32>
    %swap3A_113 = arith.constant 0 : index
    %swap3A_114 = arith.constant 0 : index
    %swap3A_115 = vector.load %arg18[%swap3A_113, %swap3A_114] : memref<256x256xf32, #tpu.memory_space<vmem>>, vector<256x256xf32>
    tpu.vector_store %arg18[%swap3A_113, %swap3A_114], %add3A_112 {strides = array<i32>} : memref<256x256xf32, #tpu.memory_space<vmem>>, vector<256x256xf32>,
    return
  }
  func.func @transform_0(%arg0: i32) -> (i32, i32) {
    %add3A = arith.constant 24 : i32
    %add3A_0 = arith.addi %add3A, %arg0 : i32
    %c0_i32 = arith.constant 0 : i32
    %c0_i32_1 = arith.constant 0 : i32
    return %add3A_0, %c0_i32 : i32, i32
  }
  func.func @transform_1(%arg0: i32) -> (i32, i32) {
    %c0_i32 = arith.constant 0 : i32
    %c0_i32_0 = arith.constant 0 : i32
    return %arg0, %c0_i32 : i32, i32
  }
  func.func @transform_2(%arg0: i32) -> (i32, i32) {
    %add3A = arith.constant 24 : i32
    %add3A_0 = arith.addi %add3A, %arg0 : i32
    %c0_i32 = arith.constant 0 : i32
    %c0_i32_1 = arith.constant 0 : i32
    return %add3A_0, %c0_i32 : i32, i32
  }
  func.func @transform_3(%arg0: i32) -> (i32, i32) {
    %add3A = arith.constant 24 : i32
    %add3A_0 = arith.addi %add3A, %arg0 : i32
    %c0_i32 = arith.constant 0 : i32
    %c0_i32_1 = arith.constant 0 : i32
    return %add3A_0, %c0_i32 : i32, i32
  }
  func.func @transform_4(%arg0: i32) -> (i32, i32) {
    %c0_i32 = arith.constant 0 : i32
    %c0_i32_0 = arith.constant 0 : i32
    %c0_i32_1 = arith.constant 0 : i32
    return %c0_i32, %c0_i32_0 : i32, i32
  }
  func.func @transform_5(%arg0: i32) -> (i32, i32) {
    %c0_i32 = arith.constant 0 : i32
    %c0_i32_0 = arith.constant 0 : i32
    %c0_i32_1 = arith.constant 0 : i32
    return %c0_i32, %c0_i32_0 : i32, i32
  }
  func.func @transform_6(%arg0: i32) -> (i32, i32) {
    %c0_i32 = arith.constant 0 : i32
    %c0_i32_0 = arith.constant 0 : i32
    %c0_i32_1 = arith.constant 0 : i32
    return %c0_i32, %c0_i32_0 : i32, i32
  }
  func.func @transform_7(%arg0: i32) -> (i32, i32) {
    %c0_i32 = arith.constant 0 : i32
    %c0_i32_0 = arith.constant 0 : i32
    %c0_i32_1 = arith.constant 0 : i32
    return %c0_i32, %c0_i32_0 : i32, i32
  }
  func.func @transform_8(%arg0: i32) -> (i32, i32) {
    %c0_i32 = arith.constant 0 : i32
    %c0_i32_0 = arith.constant 0 : i32
    %c0_i32_1 = arith.constant 0 : i32
    return %c0_i32, %c0_i32_0 : i32, i32
  }
  func.func @transform_9(%arg0: i32) -> (i32, i32) {
    %c0_i32 = arith.constant 0 : i32
    %c0_i32_0 = arith.constant 0 : i32
    %c0_i32_1 = arith.constant 0 : i32
    return %c0_i32, %c0_i32_0 : i32, i32
  }
  func.func @transform_10(%arg0: i32) -> (i32, i32) {
    %c0_i32 = arith.constant 0 : i32
    %c0_i32_0 = arith.constant 0 : i32
    %c0_i32_1 = arith.constant 0 : i32
    return %c0_i32, %c0_i32_0 : i32, i32
  }
  func.func @transform_11(%arg0: i32) -> (i32, i32) {
    %c0_i32 = arith.constant 0 : i32
    %c0_i32_0 = arith.constant 0 : i32
    %c0_i32_1 = arith.constant 0 : i32
    return %c0_i32, %c0_i32_0 : i32, i32
  }
  func.func @transform_12(%arg0: i32) -> (i32, i32) {
    %c0_i32 = arith.constant 0 : i32
    %c0_i32_0 = arith.constant 0 : i32
    %c0_i32_1 = arith.constant 0 : i32
    return %c0_i32, %c0_i32_0 : i32, i32
  }
  func.func @transform_13(%arg0: i32) -> (i32, i32) {
    %c0_i32 = arith.constant 0 : i32
    %c0_i32_0 = arith.constant 0 : i32
    %c0_i32_1 = arith.constant 0 : i32
    return %c0_i32, %c0_i32_0 : i32, i32
  }
  func.func @transform_14(%arg0: i32) -> (i32, i32) {
    %c0_i32 = arith.constant 0 : i32
    %c0_i32_0 = arith.constant 0 : i32
    %c0_i32_1 = arith.constant 0 : i32
    return %c0_i32, %c0_i32_0 : i32, i32
  }
  func.func @transform_15(%arg0: i32) -> (i32, i32) {
    %c0_i32 = arith.constant 0 : i32
    %c0_i32_0 = arith.constant 0 : i32
    %c0_i32_1 = arith.constant 0 : i32
    return %c0_i32, %c0_i32_0 : i32, i32
  }
  func.func @transform_16(%arg0: i32) -> (i32, i32) {
    %add3A = arith.constant 24 : i32
    %add3A_0 = arith.addi %add3A, %arg0 : i32
    %c0_i32 = arith.constant 0 : i32
    %c0_i32_1 = arith.constant 0 : i32
    return %add3A_0, %c0_i32 : i32, i32
  }
  func.func @transform_17(%arg0: i32) -> (i32, i32) {
    %add3A = arith.constant 24 : i32
    %add3A_0 = arith.addi %add3A, %arg0 : i32
    %c0_i32 = arith.constant 0 : i32
    %c0_i32_1 = arith.constant 0 : i32
    return %add3A_0, %c0_i32 : i32, i32
  }
}

</mosaic_0001>

<sc_bundles>
// kernel: kernel.15.cloned.1.call-start
scs
__scs_entry_jumppad:
0x0: {  	(pc) =	sbr.rel $0x88, $3  }
0x1: {  	(tag) =	ssettag $0x0;
	lr =	simm.s32 $0x1  }
0x2: {  	[smem:$0x3F90] =	sst lr;
	_ =	strace $0xD0000000  }
0x3: {  	_ = 	snop  }
0x4: {  	_ = 	snop  }
0x5: {  	_ = 	snop  }
0x6: {  	_ = 	snop  }
0x7: {  	_ = 	snop  }
__scs_overlays_trampoline_lowered:
0x8: {  	[smem:$0x3F9F] =	sst s0  }
0x9: {  	[smem:$0x3FA0] =	sst s1  }
0xa: {  	[smem:$0x3FA1] =	sst s2  }
0xb: {  	[smem:$0x3FA2] =	sst s3  }
0xc: {  	[smem:$0x3FA3] =	sst s4  }
0xd: {  	[smem:$0x3FA4] =	sst s5  }
0xe: {  	[smem:$0x3FA5] =	sst s6  }
0xf: {  	[smem:$0x3FA6] =	sst s7  }
0x10: {  	[smem:$0x3FA7] =	sst s8  }
0x11: {  	[smem:$0x3FA8] =	sst s9;
	s0 =	simm.s32 @!p0 $0x0  }
0x12: {  	s1 =	sld [smem:$0x3F8E];
	s0 =	simm.s32 @p0 $0x1  }
0x13: {  	[smem:$0x3FA9] =	sst s0;
	s0 =	simm.s32 @!p1 $0x0  }
0x14: {  	s2 =	sld [smem:$0x3F8D];
	s0 =	simm.s32 @p1 $0x1  }
0x15: {  	[smem:$0x3FAA] =	sst s0;
	s0 =	simm.s32 @!p2 $0x0  }
0x16: {  	s3 =	sld [smem:$0x3FDB];
	s0 =	simm.s32 @p2 $0x1  }
0x17: {  	s4 =	simm.s32 $0x1BF5;
	[smem:$0x3FAC] =	sst s0  }
0x18: {  	s0 =	sld [smem:$0x3F8F];
	_ =	swait.ge [sflag:s4], $0x0  }
0x19: {  	s7 =	sld [smem:$0x3F90]  }
0x1a: {  	s8 =	sadd.s32 $0xFFFFE003, lr  }
0x1b: {  	s9 =	sadd.s32 $0xFFFFFEF7, lr;
	s5 =	simm.s32 $0xFFFFFFFF;
	p2 =	slt.u32 s8, $0xFFFFF086  }
0x1c: {  	p1 =	slt.u32 s9, $0xF7A;
	s5 =	simm.s32 @!p2 $0x0  }
0x1d: {  	s5 =	simm.s32 @p1 $0x1;
	p0 =	seq.s32 s7, s2  }
0x1e: {  	s7 =	smul.u32 @!p0 $0xF7A, s2;
	p2 =	seq.s32 @!p0 s5, $0x0  }
0x1f: {  	s9 =	smul.u32 $0xF7A, s1;
	s8 =	simm.s32 @!p0 $0x1BF5;
	p2 =	por !p2, p0  }
0x20: {  	[sflag:s8] =	ssyncset.s32 @!p0 $0xFFFFF086;
	s6 =	sadd.s32 @!p0 s3, s7;
	s7 =	simm.s32 @!p0 $0x108  }
0x21: {  	s3 =	sadd.s32 s3, s9;
	s6 =	sadd.s32 @!p0 $0x88, s6;
	s7 =	simm.s32 @p2 $0x1082  }
0x22: {  	[simem:s7], [sflag:s8] =	dma.local @!p0 [hbm:s6], $0xF7A  }
0x23: {  	s9 =	sor.u32 $0xD0000000, s2;
	s6 =	simm.s32 $0x108;
	_ =	swait.ge @!p0 [sflag:s8], $0x0  }
0x24: {  	s3 =	sadd.s32 $0x88, s3;
	s6 =	simm.s32 @!p1 $0x1082;
	[sflag:s4] =	ssyncset.s32 $0xFFFFF086  }
0x25: {  	[simem:s6], [sflag:s4] =	dma.local [hbm:s3], $0xF7A  }
0x26: {  	[smem:$0x3F90] =	sst s1;
	(tag) =	ssettag s2;
	_ =	strace s9  }
0x27: {  	s1 =	sld [smem:$0x3FA0]  }
0x28: {  	s2 =	sld [smem:$0x3FA1]  }
0x29: {  	s4 =	sld [smem:$0x3FA3]  }
0x2a: {  	p0 =	seq.s32 s5, $0x0;
	s5 =	sld [smem:$0x3FA4]  }
0x2b: {  	s6 =	sld [smem:$0x3FA5]  }
0x2c: {  	s7 =	sld [smem:$0x3FA6]  }
0x2d: {  	s3 =	simm.s32 $0x108;
	s8 =	sld [smem:$0x3FA7]  }
0x2e: {  	s3 =	simm.s32 @!p0 $0x1082;
	s9 =	sld [smem:$0x3FA8]  }
0x2f: {  	lr =	sadd.s32 s0, s3;
	s0 =	sld [smem:$0x3F9F]  }
0x30: {  	s3 =	sld [smem:$0x3FA2]  }
0x31: {  	[smem:$0x3FAB] =	sst s10  }
0x32: {  	s10 =	sld [smem:$0x3FA9];
	_ =	sdelay $0x3  }
0x33: {  	p0 =	seq.s32 s10, $0x1;
	s10 =	sld [smem:$0x3FAB];
	_ =	sdelay $0x3  }
0x34: {  	[smem:$0x3FAB] =	sst s10  }
0x35: {  	s10 =	sld [smem:$0x3FAA];
	_ =	sdelay $0x3  }
0x36: {  	p1 =	seq.s32 s10, $0x1;
	s10 =	sld [smem:$0x3FAB];
	_ =	sdelay $0x3  }
0x37: {  	[smem:$0x3FAB] =	sst s10  }
0x38: {  	s10 =	sld [smem:$0x3FAC]  }
0x39: {  	_ = 	snop;
	(pc) =	sbr.ind lr, $3  }
0x3a: {  	_ = 	snop  }
0x3b: {  	_ = 	snop  }
0x3c: {  	p2 =	seq.s32 s10, $0x1;
	s10 =	sld [smem:$0x3FAB]  }
0x3d: {  	_ =	shalt  }
0x3e: {  	_ =	shalt  }
0x3f: {  	_ =	shalt  }
0x40: {  	_ =	shalt  }
0x41: {  	_ =	shalt  }
0x42: {  	_ =	shalt  }
0x43: {  	_ =	shalt  }
0x44: {  	_ =	shalt  }
0x45: {  	_ =	shalt  }
0x46: {  	_ =	shalt  }
0x47: {  	_ =	shalt  }
0x48: {  	_ =	shalt  }
0x49: {  	_ =	shalt  }
0x4a: {  	_ =	shalt  }
0x4b: {  	_ =	shalt  }
0x4c: {  	_ =	shalt  }
0x4d: {  	_ =	shalt  }
0x4e: {  	_ =	shalt  }
0x4f: {  	_ =	shalt  }
0x50: {  	_ =	shalt  }
0x51: {  	_ =	shalt  }
0x52: {  	_ =	shalt  }
0x53: {  	_ =	shalt  }
0x54: {  	_ =	shalt  }
0x55: {  	_ =	shalt  }
0x56: {  	_ =	shalt  }
0x57: {  	_ =	shalt  }
0x58: {  	_ =	shalt  }
0x59: {  	_ =	shalt  }
0x5a: {  	_ =	shalt  }
0x5b: {  	_ =	shalt  }
0x5c: {  	_ =	shalt  }
0x5d: {  	_ =	shalt  }
0x5e: {  	_ =	shalt  }
0x5f: {  	_ =	shalt  }
0x60: {  	_ =	shalt  }
0x61: {  	_ =	shalt  }
0x62: {  	_ =	shalt  }
0x63: {  	_ =	shalt  }
0x64: {  	_ =	shalt  }
0x65: {  	_ =	shalt  }
0x66: {  	_ =	shalt  }
0x67: {  	_ =	shalt  }
0x68: {  	_ =	shalt  }
0x69: {  	_ =	shalt  }
0x6a: {  	_ =	shalt  }
0x6b: {  	_ =	shalt  }
0x6c: {  	_ =	shalt  }
0x6d: {  	_ =	shalt  }
0x6e: {  	_ =	shalt  }
0x6f: {  	_ =	shalt  }
0x70: {  	_ =	shalt  }
0x71: {  	_ =	shalt  }
0x72: {  	_ =	shalt  }
0x73: {  	_ =	shalt  }
0x74: {  	_ =	shalt  }
0x75: {  	_ =	shalt  }
0x76: {  	_ =	shalt  }
0x77: {  	_ =	shalt  }
0x78: {  	_ =	shalt  }
0x79: {  	_ =	shalt  }
0x7a: {  	_ =	shalt  }
0x7b: {  	_ =	shalt  }
0x7c: {  	_ =	shalt  }
0x7d: {  	_ =	shalt  }
0x7e: {  	_ =	shalt  }
0x7f: {  	_ =	shalt  }
0x80: {  	_ =	shalt  }
0x81: {  	_ =	shalt  }
0x82: {  	_ =	shalt  }
0x83: {  	_ =	shalt  }
0x84: {  	_ =	shalt  }
0x85: {  	_ =	shalt  }
0x86: {  	_ =	shalt  }
0x87: {  	_ =	shalt  }
.Lfunc_end0:
.L_simem_size_0:
called_computation_lowered:
.L_overlay_start_0:
0x88: {  	s2 =	sld [smem:$0x3FD9]  }
0x89: {  	s3 =	sld [smem:$0x3FFE];
	_ =	sdelay $0x1  }
0x8a: {  	s1 =	srdreg.scid  }
0x8b: {  	s0 =	sand.u32 $0x1, s1  }
0x8c: {  	s14 =	sshll.u32 s0, $0xA;
	s2 =	sadd.s32 s3, s2  }
0x8d: {  	s2 =	sadd.s32 s2, s14  }
0x8e: {  	[smem:$0x3FB7] =	sst s2  }
0x8f: {  	_ = 	snop  }
0x90: {  	s2 =	sld [smem:$0x3FD0];
	_ =	sdelay $0x2  }
0x91: {  	s15 =	simm.s32 $0xD;
	s4 =	simm.s32 $0x10  }
0x92: {  	[smem:s4], [sflag:s15] =	dma.local [hbm:s2], $0x1  }
0x93: {  	_ =	swait.eq [sflag:s15], $0x1  }
0x94: {  	[sflag:s15] =	ssyncset.done $0x0  }
0x95: {  	[sflag:s15] =	ssyncadd.s32 $0xFFFFFFFF  }
0x96: {  	s16 =	sld [smem:$0x11];
	(tm) =	ssettm $0x1  }
0x97: {  	s17 =	sld [smem:$0x3FFB];
	_ =	sdelay $0x3  }
0x98: {  	_ =	strace s17  }
0x99: {  	s3 =	sld [smem:$0x3FFC];
	_ =	sdelay $0x3  }
0x9a: {  	_ =	strace s3  }
0x9b: {  	s3 =	sld [smem:$0x3FFD];
	_ =	sdelay $0x3  }
0x9c: {  	_ =	strace s3  }
0x9d: {  	_ =	strace $0x8FFFFFFF  }
0x9e: {  	s18 =	sld [smem:$0x3FDB];
	_ =	sdelay $0x1  }
0x9f: {  	s19 =	simm.s32 $_scs_section_size  }
0xa0: {  	s5 =	simm.s32 $_size__tile_overlayer_lowered;
	s6 =	simm.s32 $_tile_overlayer_lowered  }
0xa1: {  	s22 =	simm.s32 $0x1BFF;
	s21 =	sshll.u32 s6, $0x1;
	s3 =	sadd.s32 s19, s18  }
0xa2: {  	s7 =	simm.s32 $0x0;
	s20 =	sshll.u32 s5, $0x1;
	s5 =	sadd.s32 s21, s3  }
0xa3: {  	[timem:s7], [sflag:s22] =	dma.local [hbm:s5], s20  }
0xa4: {  	_ =	swait.ge [sflag:s22], s20  }
0xa5: {  	s4 =	ssub.s32 $0x0, s20;
	[sflag:s22] =	ssyncset.done $0x0  }
0xa6: {  	[sflag:s22] =	ssyncadd.s32 s4;
	_ =	sdelay $0x1  }
0xa7: {  	s23 =	simm.s32 $0x1B8B  }
0xa8: {  	_ =	swait.ge [sflag:s23], $0x1  }
0xa9: {  	[sflag:s23] =	ssyncset.done $0x0  }
0xaa: {  	s25 =	simm.s32 $0x1B8E;
	s24 =	sld [smem:$0x3FFE];
	[sflag:s23] =	ssyncadd.s32 $0xFFFFFFFF  }
0xab: {  	s26 =	simm.s32 $execute0_lowered;
	[smem:$0x3FD2] =	sst s25  }
0xac: {  	s5 =	sshll.u32 s26, $0x1;
	_ =	strace $0x80000046;
	[dreg:$0x1] =	wrdreg $0xFFFFFFFF  }
0xad: {  	s28 =	simm.s32 $_size_execute0_lowered;
	s3 =	sadd.s32 s3, s5;
	[dreg:$0x0] =	wrdreg $0x0  }
0xae: {  	s5 =	sshll.u32 s28, $0x1;
	[dreg:$0x2] =	wrdreg s3  }
0xaf: {  	[dreg:$0x3] =	wrdreg s5  }
0xb0: {  	[dreg:$0x4] =	wrdreg $0xC0  }
0xb1: {  	_ =	task [dreg:s7], $0x5FFFF  }
0xb2: {  	[dreg:$0x1] =	wrdreg $0xFFFFFFFF  }
0xb3: {  	[dreg:$0x0] =	wrdreg $0x60  }
0xb4: {  	[dreg:$0x2] =	wrdreg s24  }
0xb5: {  	[dreg:$0x3] =	wrdreg s16  }
0xb6: {  	[dreg:$0x4] =	wrdreg $0x9  }
0xb7: {  	_ =	task.clear_ibuf [dreg:s7], $0x5FFFF;
	_ =	strace $0x90000046  }
0xb8: {  	s29 =	simm.s32 $0x9;
	_ =	strace $0x80000048  }
0xb9: {  	_ =	swait.ge [sflag:s29], $0x1  }
0xba: {  	[sflag:s29] =	ssyncadd.s32 $0xFFFFFFFF  }
0xbb: {  	_ =	strace $0x90000048  }
0xbc: {  	_ =	sfence  }
0xbd: {  	s30 =	sld [smem:$0x0];
	_ =	sdelay $0x2  }
0xbe: {  	s31 =	sshll.u32 s1, $0xD;
	s1 =	sshrl.u32 s1, $0x2  }
0xbf: {  	s3 =	sand.u32 $0x4000, s31;
	s1 =	sadd.s32 s1, s30  }
0xc0: {  	s0 =	sor.u32 s3, s0;
	s1 =	sshll.u32 s1, $0x11  }
0xc1: {  	s0 =	sor.u32 s1, s0  }
0xc2: {  	s0 =	sadd.s32 $0x8F2B, s0  }
0xc3: {  	[sflag:s0] =	ssyncadd.remote.s32 $0x1  }
0xc4: {  	_ =	sfence.sel $0xFFFF  }
0xc5: {  	[dreg:$0x0] =	wrdreg $0xFFFFFFFF;
	(pc) =	sbr.abs _section_cstart, $3  }
0xc6: {  	[dreg:$0x1] =	wrdreg $0xFFFFFFFF  }
0xc7: {  	_ =	task.clear_ibuf [dreg:s7], $0x2FFFF;
	_ =	strace $0x9FFFFFFF  }
0xc8: {  	(tm) =	ssettm $0x7FFFFFFF  }
0xc9: {  	_ =	shalt  }
tec
execute0_lowered:
.L_overlay_start_1:
0x0: {  	(tag) =	ssettag $0x1  }
0x1: {  	s0 =	srdreg.scid;
	s5 =	rddreg [dreg:$0x0]  }
0x2: {  	s1 =	stileid.u32;
	s4 =	rddreg [dreg:$0x1];
	s17 =	simm.s32 $0xC00  }
0x3: {  	s18 =	simm.s32 $0x1000;
	s6 =	simm.s32 $0x1800;
	s19 =	simm.s32 $0x1C00  }
0x4: {  	s20 =	simm.s32 $0x2400;
	s21 =	simm.s32 $0x2800;
	s22 =	simm.s32 $0x3000  }
0x5: {  	s23 =	simm.s32 $0x3400;
	s24 =	simm.s32 $0x3C00;
	s0 =	sand.u32 $0x1, s0  }
0x6: {  	s25 =	simm.s32 $0x4000;
	s1 =	sshll.u32 s1, $0xB;
	s2 =	sshll.u32 s0, $0xA  }
0x7: {  	s26 =	simm.s32 $0x4800;
	s1 =	sor.u32 s2, s1;
	s2 =	simm.s32 $0x0  }
0x8: {  	s8 =	simm.s32 $0x400;
	s9 =	simm.s32 $0x4C00;
	[smem:$0x7FF] =	sst s2  }
0x9: {  	s10 =	simm.s32 $0x5400;
	_ =	strace $0x80000047;
	[dreg:$0x4] =	wrdreg s17  }
0xa: {  	s11 =	simm.s32 $0x5800;
	s12 =	simm.s32 $0x6000;
	[dreg:$0x5] =	wrdreg s18  }
0xb: {  	s13 =	simm.s32 $0x6400;
	s14 =	simm.s32 $0x6C00;
	[dreg:$0x6] =	wrdreg s6  }
0xc: {  	s15 =	simm.s32 $0x7000;
	s16 =	simm.s32 $0x7800;
	[dreg:$0x7] =	wrdreg s19  }
0xd: {  	s28 =	simm.s32 $0xB800;
	s29 =	simm.s32 $0xC000;
	[dreg:$0x8] =	wrdreg s20  }
0xe: {  	s30 =	simm.s32 $0x1;
	s0 =	ssub.s32 $0x2, s0;
	[dreg:$0x9] =	wrdreg s21  }
0xf: {  	s31 =	simm.s32 $0x0;
	s7 =	sshrl.u32 s0, $0x1;
	[dreg:$0xa] =	wrdreg s22  }
0x10: {  	s1 =	sshrl.u32 s1, $0x3;
	s0 =	ssub.s32 s0, s7;
	[dreg:$0xb] =	wrdreg s23  }
0x11: {  	s7 =	simm.s32 $0x2;
	s3 =	smul.u32 $0x180, s1;
	[dreg:$0xc] =	wrdreg s24  }
0x12: {  	s1 =	sadd.s32 s4, s1;
	s0 =	smax.u32 s0, $0x1;
	[dreg:$0xd] =	wrdreg s25  }
0x13: {  	[dreg:$0xe] =	wrdreg s26;
	s17 =	simm.s32 $0x7C00;
	s18 =	simm.s32 $0x8400  }
0x14: {  	s19 =	simm.s32 $0x8800;
	s20 =	simm.s32 $0x9000;
	s21 =	simm.s32 $0x9400  }
0x15: {  	s22 =	simm.s32 $0x9C00;
	s23 =	simm.s32 $0xA000;
	s24 =	simm.s32 $0xA800  }
0x16: {  	v2 =	vlaneseq.u32;
	s25 =	simm.s32 $0xAC00;
	[dreg:$0xf] =	wrdreg s1;
	s3 =	sadd.s32 s3, s5  }
0x17: {  	vm0 =	vmmov $0xffff;
	vm1 =	vmmov $0xff;
	v1 =	vshrl.u32 v2, $0x3;
	s26 =	simm.s32 $0xB400;
	[dreg:$0x10] =	wrdreg s0;
	s3 =	sadd.s32 $0x64A00, s3  }
0x18: {  	v0 =	vand.u32 $0x7, v2;
	v2 =	vor.u32 $0x8, v2;
	v1 =	vmul.u32 $0x8, v1;
	[dreg:$0x3] =	wrdreg s3;
	s3 =	sadd.s32 $0x4A00, s5;
	s5 =	sadd.s32 $0x4B00, s5  }
.LBB2_1:
0x19: {  	s0 =	rddreg [dreg:$0xf]  }
0x1a: {  	[tilespmem:s2], [sflag:$0x2] =	stream.linear.gather [hbm4b:s0+s2], $0x400, $0x38;
	[tilespmem:$0xC400] =	vst v63  }
0x1b: {  	_ =	swait.ge [sflag:s7], $0x400  }
0x1c: {  	[sflag:s7] =	ssyncset.done $0x0  }
0x1d: {  	s1 =	simm.s32 $0x40;
	s0 =	simm.s32 $0x0;
	[sflag:s7] =	ssyncadd.s32 $0xFFFFFC00  }
.LBB2_2:
0x1e: {  	v3 =	vld [tilespmem:s1+$0xFFFFFFC0];
	_ =	sdelay $0x4  }
0x1f: {  	v4 =	vshrl.u32 v3, $0x3  }
0x20: {  	v4 =	vmul.u32 $0x18, v4  }
0x21: {  	v3 =	vand.u32 $0x7, v3  }
0x22: {  	v3 =	vor.u32 v3, v4  }
0x23: {  	v4 =	vperm.xlane v3, v0;
	_ =	sdelay $0x1  }
0x24: {  	v4 =	vadd.s32 v1, v4;
	_ =	sdelay $0x1  }
0x25: {  	v3 =	vperm.xlane v3, v2;
	_ =	sdelay $0x1  }
0x26: {  	v3 =	vadd.s32 v1, v3  }
0x27: {  	[tilespmem:s8], [sflag:$0x1] =	stream.indirect_vreg.gather [hbm4b:s3+s2], $0x80, v4, vm0, $0xb8;
	[tilespmem:$0xC400] =	vst v63  }
0x28: {  	s4 =	rddreg [dreg:$0x4]  }
0x29: {  	[tilespmem:s4], [sflag:$0x1] =	stream.indirect_vreg.gather [hbm4b:s5+s2], $0x80, v4, vm1, $0xb8;
	[tilespmem:$0xC400] =	vst v63  }
0x2a: {  	s6 =	rddreg [dreg:$0x5]  }
0x2b: {  	[tilespmem:s6], [sflag:$0x1] =	stream.indirect_vreg.gather [hbm4b:s3+s2], $0x80, v3, vm0, $0xb8;
	[tilespmem:$0xC400] =	vst v63  }
0x2c: {  	s4 =	rddreg [dreg:$0x6]  }
0x2d: {  	[tilespmem:s4], [sflag:$0x1] =	stream.indirect_vreg.gather [hbm4b:s5+s2], $0x80, v3, vm1, $0xb8;
	[tilespmem:$0xC400] =	vst v63  }
0x2e: {  	v3 =	vld [tilespmem:s1+$0xFFFFFFD0];
	_ =	sdelay $0x4  }
0x2f: {  	v57 =	vshrl.u32 v3, $0x3  }
0x30: {  	v4 =	vmul.u32 $0x18, v57  }
0x31: {  	v3 =	vand.u32 $0x7, v3  }
0x32: {  	v3 =	vor.u32 v3, v4  }
0x33: {  	v4 =	vperm.xlane v3, v0;
	_ =	sdelay $0x1  }
0x34: {  	v4 =	vadd.s32 v1, v4;
	_ =	sdelay $0x1  }
0x35: {  	v3 =	vperm.xlane v3, v2;
	_ =	sdelay $0x1  }
0x36: {  	s4 =	rddreg [dreg:$0x7];
	v3 =	vadd.s32 v1, v3  }
0x37: {  	[tilespmem:s4], [sflag:$0x1] =	stream.indirect_vreg.gather [hbm4b:s3+s2], $0x80, v4, vm0, $0xb8;
	[tilespmem:$0xC400] =	vst v63  }
0x38: {  	s6 =	rddreg [dreg:$0x8]  }
0x39: {  	[tilespmem:s6], [sflag:$0x1] =	stream.indirect_vreg.gather [hbm4b:s5+s2], $0x80, v4, vm1, $0xb8;
	[tilespmem:$0xC400] =	vst v63  }
0x3a: {  	s4 =	rddreg [dreg:$0x9]  }
0x3b: {  	[tilespmem:s4], [sflag:$0x1] =	stream.indirect_vreg.gather [hbm4b:s3+s2], $0x80, v3, vm0, $0xb8;
	[tilespmem:$0xC400] =	vst v63  }
0x3c: {  	s6 =	rddreg [dreg:$0xa]  }
0x3d: {  	[tilespmem:s6], [sflag:$0x1] =	stream.indirect_vreg.gather [hbm4b:s5+s2], $0x80, v3, vm1, $0xb8;
	[tilespmem:$0xC400] =	vst v63  }
0x3e: {  	v3 =	vld [tilespmem:s1+$0xFFFFFFE0];
	_ =	sdelay $0x4  }
0x3f: {  	v58 =	vshrl.u32 v3, $0x3  }
0x40: {  	v4 =	vmul.u32 $0x18, v58  }
0x41: {  	v3 =	vand.u32 $0x7, v3  }
0x42: {  	v3 =	vor.u32 v3, v4  }
0x43: {  	v4 =	vperm.xlane v3, v0;
	_ =	sdelay $0x1  }
0x44: {  	v4 =	vadd.s32 v1, v4;
	_ =	sdelay $0x1  }
0x45: {  	v3 =	vperm.xlane v3, v2;
	_ =	sdelay $0x1  }
0x46: {  	s4 =	rddreg [dreg:$0xb];
	v3 =	vadd.s32 v1, v3  }
0x47: {  	[tilespmem:s4], [sflag:$0x1] =	stream.indirect_vreg.gather [hbm4b:s3+s2], $0x80, v4, vm0, $0xb8;
	[tilespmem:$0xC400] =	vst v63  }
0x48: {  	s6 =	rddreg [dreg:$0xc]  }
0x49: {  	[tilespmem:s6], [sflag:$0x1] =	stream.indirect_vreg.gather [hbm4b:s5+s2], $0x80, v4, vm1, $0xb8;
	[tilespmem:$0xC400] =	vst v63  }
0x4a: {  	s4 =	rddreg [dreg:$0xd]  }
0x4b: {  	[tilespmem:s4], [sflag:$0x1] =	stream.indirect_vreg.gather [hbm4b:s3+s2], $0x80, v3, vm0, $0xb8;
	[tilespmem:$0xC400] =	vst v63  }
0x4c: {  	s6 =	rddreg [dreg:$0xe]  }
0x4d: {  	[tilespmem:s6], [sflag:$0x1] =	stream.indirect_vreg.gather [hbm4b:s5+s2], $0x80, v3, vm1, $0xb8;
	[tilespmem:$0xC400] =	vst v63  }
0x4e: {  	v3 =	vld [tilespmem:s1+$0xFFFFFFF0];
	_ =	sdelay $0x4  }
0x4f: {  	v59 =	vshrl.u32 v3, $0x3  }
0x50: {  	v4 =	vmul.u32 $0x18, v59  }
0x51: {  	v3 =	vand.u32 $0x7, v3  }
0x52: {  	v3 =	vor.u32 v3, v4  }
0x53: {  	v4 =	vperm.xlane v3, v0;
	_ =	sdelay $0x1  }
0x54: {  	v4 =	vadd.s32 v1, v4;
	_ =	sdelay $0x1  }
0x55: {  	v3 =	vperm.xlane v3, v2;
	_ =	sdelay $0x1  }
0x56: {  	v3 =	vadd.s32 v1, v3  }
0x57: {  	[tilespmem:s9], [sflag:$0x1] =	stream.indirect_vreg.gather [hbm4b:s3+s2], $0x80, v4, vm0, $0xb8;
	[tilespmem:$0xC400] =	vst v63  }
0x58: {  	_ = 	snop  }
0x59: {  	[tilespmem:s10], [sflag:$0x1] =	stream.indirect_vreg.gather [hbm4b:s5+s2], $0x80, v4, vm1, $0xb8;
	[tilespmem:$0xC400] =	vst v63  }
0x5a: {  	_ = 	snop  }
0x5b: {  	[tilespmem:s11], [sflag:$0x1] =	stream.indirect_vreg.gather [hbm4b:s3+s2], $0x80, v3, vm0, $0xb8;
	[tilespmem:$0xC400] =	vst v63  }
0x5c: {  	_ = 	snop  }
0x5d: {  	[tilespmem:s12], [sflag:$0x1] =	stream.indirect_vreg.gather [hbm4b:s5+s2], $0x80, v3, vm1, $0xb8;
	[tilespmem:$0xC400] =	vst v63  }
0x5e: {  	v3 =	vld [tilespmem:s1+$0x0];
	_ =	sdelay $0x4  }
0x5f: {  	v60 =	vshrl.u32 v3, $0x3  }
0x60: {  	v4 =	vmul.u32 $0x18, v60  }
0x61: {  	v3 =	vand.u32 $0x7, v3  }
0x62: {  	v3 =	vor.u32 v3, v4  }
0x63: {  	v4 =	vperm.xlane v3, v0;
	_ =	sdelay $0x1  }
0x64: {  	v4 =	vadd.s32 v1, v4;
	_ =	sdelay $0x1  }
0x65: {  	v3 =	vperm.xlane v3, v2;
	_ =	sdelay $0x1  }
0x66: {  	v3 =	vadd.s32 v1, v3  }
0x67: {  	[tilespmem:s13], [sflag:$0x1] =	stream.indirect_vreg.gather [hbm4b:s3+s2], $0x80, v4, vm0, $0xb8;
	[tilespmem:$0xC400] =	vst v63  }
0x68: {  	_ = 	snop  }
0x69: {  	[tilespmem:s14], [sflag:$0x1] =	stream.indirect_vreg.gather [hbm4b:s5+s2], $0x80, v4, vm1, $0xb8;
	[tilespmem:$0xC400] =	vst v63  }
0x6a: {  	_ = 	snop  }
0x6b: {  	[tilespmem:s15], [sflag:$0x1] =	stream.indirect_vreg.gather [hbm4b:s3+s2], $0x80, v3, vm0, $0xb8;
	[tilespmem:$0xC400] =	vst v63  }
0x6c: {  	_ = 	snop  }
0x6d: {  	[tilespmem:s16], [sflag:$0x1] =	stream.indirect_vreg.gather [hbm4b:s5+s2], $0x80, v3, vm1, $0xb8;
	[tilespmem:$0xC400] =	vst v63  }
0x6e: {  	v3 =	vld [tilespmem:s1+$0x10];
	_ =	sdelay $0x4  }
0x6f: {  	v61 =	vshrl.u32 v3, $0x3  }
0x70: {  	v4 =	vmul.u32 $0x18, v61  }
0x71: {  	v3 =	vand.u32 $0x7, v3  }
0x72: {  	v3 =	vor.u32 v3, v4  }
0x73: {  	v4 =	vperm.xlane v3, v0;
	_ =	sdelay $0x1  }
0x74: {  	v4 =	vadd.s32 v1, v4;
	_ =	sdelay $0x1  }
0x75: {  	v3 =	vperm.xlane v3, v2;
	_ =	sdelay $0x1  }
0x76: {  	v3 =	vadd.s32 v1, v3  }
0x77: {  	[tilespmem:s17], [sflag:$0x1] =	stream.indirect_vreg.gather [hbm4b:s3+s2], $0x80, v4, vm0, $0xb8;
	[tilespmem:$0xC400] =	vst v63  }
0x78: {  	_ = 	snop  }
0x79: {  	[tilespmem:s18], [sflag:$0x1] =	stream.indirect_vreg.gather [hbm4b:s5+s2], $0x80, v4, vm1, $0xb8;
	[tilespmem:$0xC400] =	vst v63  }
0x7a: {  	_ = 	snop  }
0x7b: {  	[tilespmem:s19], [sflag:$0x1] =	stream.indirect_vreg.gather [hbm4b:s3+s2], $0x80, v3, vm0, $0xb8;
	[tilespmem:$0xC400] =	vst v63  }
0x7c: {  	_ = 	snop  }
0x7d: {  	[tilespmem:s20], [sflag:$0x1] =	stream.indirect_vreg.gather [hbm4b:s5+s2], $0x80, v3, vm1, $0xb8;
	[tilespmem:$0xC400] =	vst v63  }
0x7e: {  	v3 =	vld [tilespmem:s1+$0x20];
	_ =	sdelay $0x4  }
0x7f: {  	v62 =	vshrl.u32 v3, $0x3  }
0x80: {  	v4 =	vmul.u32 $0x18, v62  }
0x81: {  	v3 =	vand.u32 $0x7, v3  }
0x82: {  	v3 =	vor.u32 v3, v4  }
0x83: {  	v4 =	vperm.xlane v3, v0;
	_ =	sdelay $0x1  }
0x84: {  	v4 =	vadd.s32 v1, v4;
	_ =	sdelay $0x1  }
0x85: {  	v3 =	vperm.xlane v3, v2;
	_ =	sdelay $0x1  }
0x86: {  	v3 =	vadd.s32 v1, v3  }
0x87: {  	[tilespmem:s21], [sflag:$0x1] =	stream.indirect_vreg.gather [hbm4b:s3+s2], $0x80, v4, vm0, $0xb8;
	[tilespmem:$0xC400] =	vst v63  }
0x88: {  	_ = 	snop  }
0x89: {  	[tilespmem:s22], [sflag:$0x1] =	stream.indirect_vreg.gather [hbm4b:s5+s2], $0x80, v4, vm1, $0xb8;
	[tilespmem:$0xC400] =	vst v63  }
0x8a: {  	_ = 	snop  }
0x8b: {  	[tilespmem:s23], [sflag:$0x1] =	stream.indirect_vreg.gather [hbm4b:s3+s2], $0x80, v3, vm0, $0xb8;
	[tilespmem:$0xC400] =	vst v63  }
0x8c: {  	_ = 	snop  }
0x8d: {  	[tilespmem:s24], [sflag:$0x1] =	stream.indirect_vreg.gather [hbm4b:s5+s2], $0x80, v3, vm1, $0xb8;
	[tilespmem:$0xC400] =	vst v63  }
0x8e: {  	v3 =	vld [tilespmem:s1+$0x30];
	_ =	sdelay $0x4  }
0x8f: {  	v63 =	vshrl.u32 v3, $0x3  }
0x90: {  	v4 =	vmul.u32 $0x18, v63  }
0x91: {  	v3 =	vand.u32 $0x7, v3  }
0x92: {  	v3 =	vor.u32 v3, v4  }
0x93: {  	v4 =	vperm.xlane v3, v0;
	_ =	sdelay $0x1  }
0x94: {  	v4 =	vadd.s32 v1, v4;
	_ =	sdelay $0x1  }
0x95: {  	v3 =	vperm.xlane v3, v2;
	_ =	sdelay $0x1  }
0x96: {  	v3 =	vadd.s32 v1, v3  }
0x97: {  	[tilespmem:s25], [sflag:$0x1] =	stream.indirect_vreg.gather [hbm4b:s3+s2], $0x80, v4, vm0, $0xb8;
	[tilespmem:$0xC400] =	vst v63  }
0x98: {  	_ = 	snop  }
0x99: {  	[tilespmem:s26], [sflag:$0x1] =	stream.indirect_vreg.gather [hbm4b:s5+s2], $0x80, v4, vm1, $0xb8;
	[tilespmem:$0xC400] =	vst v63  }
0x9a: {  	_ = 	snop  }
0x9b: {  	[tilespmem:s28], [sflag:$0x1] =	stream.indirect_vreg.gather [hbm4b:s3+s2], $0x80, v3, vm0, $0xb8;
	[tilespmem:$0xC400] =	vst v63  }
0x9c: {  	_ = 	snop  }
0x9d: {  	[tilespmem:s29], [sflag:$0x1] =	stream.indirect_vreg.gather [hbm4b:s5+s2], $0x80, v3, vm1, $0xb8;
	[tilespmem:$0xC400] =	vst v63  }
0x9e: {  	_ =	swait.ge [sflag:s30], $0xC000  }
0x9f: {  	p0 =	sne.s32 s0, $0xA800;
	s6 =	rddreg [dreg:$0x3];
	[sflag:s30] =	ssyncset.done $0x0  }
.Ltmp0:
0xa0: {  	[sflag:s30] =	ssyncadd.s32 $0xFFFF4000;
	s4 =	sadd.s32 s0, s6;
	(pc) =	sbr.rel @p0 .LBB2_2-.Ltmp0, $4  }
0xa1: {  	[hbm4b:s4+s2] =	stream.linear.scatter [tilespmem:s8], [sflag:$0x2], $0xC000, $0x38;
	[tilespmem:$0xC400] =	vst v63  }
0xa2: {  	_ =	swait.ge [sflag:s7], $0xC000  }
0xa3: {  	[sflag:s7] =	ssyncset.done $0x0  }
0xa4: {  	s1 =	sadd.s32 $0x80, s1;
	s0 =	sadd.s32 $0x1800, s0;
	[sflag:s7] =	ssyncadd.s32 $0xFFFF4000  }
0xa5: {  	s31 =	sadd.s32 $0x1, s31;
	s0 =	rddreg [dreg:$0x10]  }
0xa6: {  	p0 =	sne.s32 s31, s0  }
.Ltmp1:
0xa7: {  	_ = 	snop;
	(pc) =	sbr.rel @p0 .LBB2_1-.Ltmp1, $1  }
0xa8: {  	_ =	sdelay $0x3  }
0xa9: {  	_ =	sfence.sel $0x180000  }
0xaa: {  	[bflag:$0x0] =	sbarrier.arrive $0xFFFF  }
0xab: {  	_ =	strace $0x90000047  }
0xac: {  	s0 =	stileid.u32;
	[bflag:$0x2] =	sbarrier.arrive $0xFFFF  }
0xad: {  	p0 =	sne.s32 s0, $0x0;
	s0 =	rddreg [dreg:$0x2]  }
0xae: {  	s0 =	sadd.s32 @!p0 $0x100000, s0  }
0xaf: {  	[sflag:s0] =	ssyncadd.tile.s32 @!p0 $0x1;
	_ =	shalt  }
.Lfunc_end2:
_tile_overlayer_lowered:
.L_overlay_start_2:
0xb0: {  	(tag) =	ssettag $0x2  }
0xb1: {  	s0 =	rddreg [dreg:$0x0];
	s2 =	stileid.u32  }
0xb2: {  	s1 =	rddreg [dreg:$0x1];
	p0 =	sne.s32 s2, $0x0  }
0xb3: {  	s3 =	rddreg [dreg:$0x2];
	[bflag:$0x3] =	sbarrier.arrive $0xFFFF;
	s2 =	simm.s32 @!p0 $0x1C02  }
0xb4: {  	[timem:s3], [sflag:s2] =	dma.local @!p0 [hbm:s0], s1  }
0xb5: {  	s0 =	simm.s32 @!p0 $0x2  }
0xb6: {  	_ =	swait.ge @!p0 [sflag:s0], s1  }
0xb7: {  	s1 =	ssub.s32 @!p0 $0x0, s1;
	[sflag:s0] =	ssyncset.done @!p0 $0x0  }
0xb8: {  	[sflag:s0] =	ssyncadd.s32 @!p0 s1  }
0xb9: {  	[bflag:$0x3] =	sbarrier.arrive $0xFFFF  }
0xba: {  	_ =	shalt  }

// kernel: kernel.18.cloned.1.call-start
scs
__scs_entry_jumppad:
0x0: {  	(pc) =	sbr.rel $0x88, $3  }
0x1: {  	(tag) =	ssettag $0x0;
	lr =	simm.s32 $0x1  }
0x2: {  	[smem:$0x3F90] =	sst lr;
	_ =	strace $0xD0000000  }
0x3: {  	_ = 	snop  }
0x4: {  	_ = 	snop  }
0x5: {  	_ = 	snop  }
0x6: {  	_ = 	snop  }
0x7: {  	_ = 	snop  }
__scs_overlays_trampoline_lowered:
0x8: {  	[smem:$0x3F9F] =	sst s0  }
0x9: {  	[smem:$0x3FA0] =	sst s1  }
0xa: {  	[smem:$0x3FA1] =	sst s2  }
0xb: {  	[smem:$0x3FA2] =	sst s3  }
0xc: {  	[smem:$0x3FA3] =	sst s4  }
0xd: {  	[smem:$0x3FA4] =	sst s5  }
0xe: {  	[smem:$0x3FA5] =	sst s6  }
0xf: {  	[smem:$0x3FA6] =	sst s7  }
0x10: {  	[smem:$0x3FA7] =	sst s8  }
0x11: {  	[smem:$0x3FA8] =	sst s9;
	s0 =	simm.s32 @!p0 $0x0  }
0x12: {  	s1 =	sld [smem:$0x3F8E];
	s0 =	simm.s32 @p0 $0x1  }
0x13: {  	[smem:$0x3FA9] =	sst s0;
	s0 =	simm.s32 @!p1 $0x0  }
0x14: {  	s2 =	sld [smem:$0x3F8D];
	s0 =	simm.s32 @p1 $0x1  }
0x15: {  	[smem:$0x3FAA] =	sst s0;
	s0 =	simm.s32 @!p2 $0x0  }
0x16: {  	s3 =	sld [smem:$0x3FDB];
	s0 =	simm.s32 @p2 $0x1  }
0x17: {  	s4 =	simm.s32 $0x1BF5;
	[smem:$0x3FAC] =	sst s0  }
0x18: {  	s0 =	sld [smem:$0x3F8F];
	_ =	swait.ge [sflag:s4], $0x0  }
0x19: {  	s7 =	sld [smem:$0x3F90]  }
0x1a: {  	s8 =	sadd.s32 $0xFFFFE003, lr  }
0x1b: {  	s9 =	sadd.s32 $0xFFFFFEF7, lr;
	s5 =	simm.s32 $0xFFFFFFFF;
	p2 =	slt.u32 s8, $0xFFFFF086  }
0x1c: {  	p1 =	slt.u32 s9, $0xF7A;
	s5 =	simm.s32 @!p2 $0x0  }
0x1d: {  	s5 =	simm.s32 @p1 $0x1;
	p0 =	seq.s32 s7, s2  }
0x1e: {  	s7 =	smul.u32 @!p0 $0xF7A, s2;
	p2 =	seq.s32 @!p0 s5, $0x0  }
0x1f: {  	s9 =	smul.u32 $0xF7A, s1;
	s8 =	simm.s32 @!p0 $0x1BF5;
	p2 =	por !p2, p0  }
0x20: {  	[sflag:s8] =	ssyncset.s32 @!p0 $0xFFFFF086;
	s6 =	sadd.s32 @!p0 s3, s7;
	s7 =	simm.s32 @!p0 $0x108  }
0x21: {  	s3 =	sadd.s32 s3, s9;
	s6 =	sadd.s32 @!p0 $0x88, s6;
	s7 =	simm.s32 @p2 $0x1082  }
0x22: {  	[simem:s7], [sflag:s8] =	dma.local @!p0 [hbm:s6], $0xF7A  }
0x23: {  	s9 =	sor.u32 $0xD0000000, s2;
	s6 =	simm.s32 $0x108;
	_ =	swait.ge @!p0 [sflag:s8], $0x0  }
0x24: {  	s3 =	sadd.s32 $0x88, s3;
	s6 =	simm.s32 @!p1 $0x1082;
	[sflag:s4] =	ssyncset.s32 $0xFFFFF086  }
0x25: {  	[simem:s6], [sflag:s4] =	dma.local [hbm:s3], $0xF7A  }
0x26: {  	[smem:$0x3F90] =	sst s1;
	(tag) =	ssettag s2;
	_ =	strace s9  }
0x27: {  	s1 =	sld [smem:$0x3FA0]  }
0x28: {  	s2 =	sld [smem:$0x3FA1]  }
0x29: {  	s4 =	sld [smem:$0x3FA3]  }
0x2a: {  	p0 =	seq.s32 s5, $0x0;
	s5 =	sld [smem:$0x3FA4]  }
0x2b: {  	s6 =	sld [smem:$0x3FA5]  }
0x2c: {  	s7 =	sld [smem:$0x3FA6]  }
0x2d: {  	s3 =	simm.s32 $0x108;
	s8 =	sld [smem:$0x3FA7]  }
0x2e: {  	s3 =	simm.s32 @!p0 $0x1082;
	s9 =	sld [smem:$0x3FA8]  }
0x2f: {  	lr =	sadd.s32 s0, s3;
	s0 =	sld [smem:$0x3F9F]  }
0x30: {  	s3 =	sld [smem:$0x3FA2]  }
0x31: {  	[smem:$0x3FAB] =	sst s10  }
0x32: {  	s10 =	sld [smem:$0x3FA9];
	_ =	sdelay $0x3  }
0x33: {  	p0 =	seq.s32 s10, $0x1;
	s10 =	sld [smem:$0x3FAB];
	_ =	sdelay $0x3  }
0x34: {  	[smem:$0x3FAB] =	sst s10  }
0x35: {  	s10 =	sld [smem:$0x3FAA];
	_ =	sdelay $0x3  }
0x36: {  	p1 =	seq.s32 s10, $0x1;
	s10 =	sld [smem:$0x3FAB];
	_ =	sdelay $0x3  }
0x37: {  	[smem:$0x3FAB] =	sst s10  }
0x38: {  	s10 =	sld [smem:$0x3FAC]  }
0x39: {  	_ = 	snop;
	(pc) =	sbr.ind lr, $3  }
0x3a: {  	_ = 	snop  }
0x3b: {  	_ = 	snop  }
0x3c: {  	p2 =	seq.s32 s10, $0x1;
	s10 =	sld [smem:$0x3FAB]  }
0x3d: {  	_ =	shalt  }
0x3e: {  	_ =	shalt  }
0x3f: {  	_ =	shalt  }
0x40: {  	_ =	shalt  }
0x41: {  	_ =	shalt  }
0x42: {  	_ =	shalt  }
0x43: {  	_ =	shalt  }
0x44: {  	_ =	shalt  }
0x45: {  	_ =	shalt  }
0x46: {  	_ =	shalt  }
0x47: {  	_ =	shalt  }
0x48: {  	_ =	shalt  }
0x49: {  	_ =	shalt  }
0x4a: {  	_ =	shalt  }
0x4b: {  	_ =	shalt  }
0x4c: {  	_ =	shalt  }
0x4d: {  	_ =	shalt  }
0x4e: {  	_ =	shalt  }
0x4f: {  	_ =	shalt  }
0x50: {  	_ =	shalt  }
0x51: {  	_ =	shalt  }
0x52: {  	_ =	shalt  }
0x53: {  	_ =	shalt  }
0x54: {  	_ =	shalt  }
0x55: {  	_ =	shalt  }
0x56: {  	_ =	shalt  }
0x57: {  	_ =	shalt  }
0x58: {  	_ =	shalt  }
0x59: {  	_ =	shalt  }
0x5a: {  	_ =	shalt  }
0x5b: {  	_ =	shalt  }
0x5c: {  	_ =	shalt  }
0x5d: {  	_ =	shalt  }
0x5e: {  	_ =	shalt  }
0x5f: {  	_ =	shalt  }
0x60: {  	_ =	shalt  }
0x61: {  	_ =	shalt  }
0x62: {  	_ =	shalt  }
0x63: {  	_ =	shalt  }
0x64: {  	_ =	shalt  }
0x65: {  	_ =	shalt  }
0x66: {  	_ =	shalt  }
0x67: {  	_ =	shalt  }
0x68: {  	_ =	shalt  }
0x69: {  	_ =	shalt  }
0x6a: {  	_ =	shalt  }
0x6b: {  	_ =	shalt  }
0x6c: {  	_ =	shalt  }
0x6d: {  	_ =	shalt  }
0x6e: {  	_ =	shalt  }
0x6f: {  	_ =	shalt  }
0x70: {  	_ =	shalt  }
0x71: {  	_ =	shalt  }
0x72: {  	_ =	shalt  }
0x73: {  	_ =	shalt  }
0x74: {  	_ =	shalt  }
0x75: {  	_ =	shalt  }
0x76: {  	_ =	shalt  }
0x77: {  	_ =	shalt  }
0x78: {  	_ =	shalt  }
0x79: {  	_ =	shalt  }
0x7a: {  	_ =	shalt  }
0x7b: {  	_ =	shalt  }
0x7c: {  	_ =	shalt  }
0x7d: {  	_ =	shalt  }
0x7e: {  	_ =	shalt  }
0x7f: {  	_ =	shalt  }
0x80: {  	_ =	shalt  }
0x81: {  	_ =	shalt  }
0x82: {  	_ =	shalt  }
0x83: {  	_ =	shalt  }
0x84: {  	_ =	shalt  }
0x85: {  	_ =	shalt  }
0x86: {  	_ =	shalt  }
0x87: {  	_ =	shalt  }
.Lfunc_end0:
.L_simem_size_0:
called_computation.1_lowered:
.L_overlay_start_0:
0x88: {  	s2 =	sld [smem:$0x3FD9]  }
0x89: {  	s3 =	sld [smem:$0x3FFE];
	_ =	sdelay $0x1  }
0x8a: {  	s1 =	srdreg.scid  }
0x8b: {  	s0 =	sand.u32 $0x1, s1  }
0x8c: {  	s17 =	sshll.u32 s0, $0xA;
	s2 =	sadd.s32 s3, s2  }
0x8d: {  	s2 =	sadd.s32 s2, s17  }
0x8e: {  	[smem:$0x3FB7] =	sst s2  }
0x8f: {  	_ = 	snop  }
0x90: {  	(tm) =	ssettm $0x1  }
0x91: {  	s18 =	sld [smem:$0x3FFB];
	_ =	sdelay $0x3  }
0x92: {  	_ =	strace s18  }
0x93: {  	s2 =	sld [smem:$0x3FFC];
	_ =	sdelay $0x3  }
0x94: {  	_ =	strace s2  }
0x95: {  	s2 =	sld [smem:$0x3FFD];
	_ =	sdelay $0x3  }
0x96: {  	_ =	strace s2  }
0x97: {  	_ =	strace $0x8FFFFFFF  }
0x98: {  	s19 =	sld [smem:$0x3FDB];
	_ =	sdelay $0x1  }
0x99: {  	s20 =	simm.s32 $_scs_section_size  }
0x9a: {  	s4 =	simm.s32 $_size__tile_overlayer_lowered;
	s5 =	simm.s32 $_tile_overlayer_lowered  }
0x9b: {  	s6 =	simm.s32 $0x1BFF;
	s21 =	sshll.u32 s5, $0x1;
	s3 =	sadd.s32 s20, s19  }
0x9c: {  	s22 =	simm.s32 $0x0;
	s4 =	sshll.u32 s4, $0x1;
	s5 =	sadd.s32 s21, s3  }
0x9d: {  	[timem:s22], [sflag:s6] =	dma.local [hbm:s5], s4  }
0x9e: {  	_ =	swait.ge [sflag:s6], s4  }
0x9f: {  	s4 =	ssub.s32 $0x0, s4;
	[sflag:s6] =	ssyncset.done $0x0  }
0xa0: {  	[sflag:s6] =	ssyncadd.s32 s4;
	_ =	sdelay $0x1  }
0xa1: {  	s23 =	simm.s32 $0x1B8B  }
0xa2: {  	_ =	swait.ge [sflag:s23], $0x1  }
0xa3: {  	[sflag:s23] =	ssyncset.done $0x0  }
0xa4: {  	[sflag:s23] =	ssyncadd.s32 $0xFFFFFFFF  }
0xa5: {  	s4 =	sld [smem:$0x0]  }
0xa6: {  	s5 =	sand.u32 $0xFFFFFFFE, s1  }
0xa7: {  	p0 =	sne.s32 s1, s5  }
0xa8: {  	s5 =	sshll.u32 @p0 s5, $0xE  }
0xa9: {  	s5 =	sadd.s32 @p0 $0x11B8D, s5;
	s6 =	sshll.u32 @p0 s4, $0x11  }
0xaa: {  	s5 =	sor.u32 @p0 s6, s5  }
0xab: {  	[sflag:s5] =	ssyncadd.remote.s32 @p0 $0x1;
	_ =	sdelay $0x1  }
0xac: {  	s5 =	simm.s32 @p0 $0x1B8D  }
0xad: {  	_ =	swait.eq @p0 [sflag:s5], $0x1  }
0xae: {  	[sflag:s5] =	ssyncadd.s32 @p0 $0xFFFFFFFF  }
0xaf: {  	s6 =	sshll.u32 @!p0 s1, $0xE  }
0xb0: {  	s6 =	sor.u32 @!p0 $0x4000, s6;
	s5 =	simm.s32 @!p0 $0x1B8D  }
0xb1: {  	s4 =	sshll.u32 @!p0 s4, $0x11;
	s6 =	sadd.s32 @!p0 $0x11B8D, s6;
	_ =	swait.eq @!p0 [sflag:s5], $0x1  }
0xb2: {  	s4 =	sor.u32 @!p0 s4, s6;
	[sflag:s5] =	ssyncadd.s32 @!p0 $0xFFFFFFFF  }
0xb3: {  	s25 =	simm.s32 $0x1B8E;
	s24 =	sld [smem:$0x3FFE];
	[sflag:s4] =	ssyncadd.remote.s32 @!p0 $0x1  }
0xb4: {  	s26 =	simm.s32 $execute0_lowered;
	[smem:$0x3FD2] =	sst s25  }
0xb5: {  	s5 =	sshll.u32 s26, $0x1;
	_ =	strace $0x80000049;
	[dreg:$0x1] =	wrdreg $0xFFFFFFFF  }
0xb6: {  	s28 =	simm.s32 $_size_execute0_lowered;
	s3 =	sadd.s32 s3, s5;
	[dreg:$0x0] =	wrdreg $0x0  }
0xb7: {  	s5 =	sshll.u32 s28, $0x1;
	[dreg:$0x2] =	wrdreg s3  }
0xb8: {  	[dreg:$0x3] =	wrdreg s5  }
0xb9: {  	[dreg:$0x4] =	wrdreg $0xC0  }
0xba: {  	_ =	task [dreg:s22], $0x5FFFF  }
0xbb: {  	[dreg:$0x1] =	wrdreg $0xFFFFFFFF  }
0xbc: {  	[dreg:$0x0] =	wrdreg $0x60  }
0xbd: {  	[dreg:$0x2] =	wrdreg s24  }
0xbe: {  	[dreg:$0x3] =	wrdreg $0xA  }
0xbf: {  	_ =	task.clear_ibuf [dreg:s22], $0x4FFFF;
	_ =	strace $0x90000049  }
0xc0: {  	s29 =	simm.s32 $0xA;
	_ =	strace $0x8000004B  }
0xc1: {  	_ =	swait.ge [sflag:s29], $0x1  }
0xc2: {  	[sflag:s29] =	ssyncadd.s32 $0xFFFFFFFF  }
0xc3: {  	_ =	strace $0x9000004B  }
0xc4: {  	_ =	sfence  }
0xc5: {  	s30 =	sld [smem:$0x0];
	_ =	sdelay $0x2  }
0xc6: {  	s31 =	sshll.u32 s1, $0xD;
	s1 =	sshrl.u32 s1, $0x2  }
0xc7: {  	s4 =	sand.u32 $0x4000, s31;
	s1 =	sadd.s32 s1, s30  }
0xc8: {  	s0 =	sor.u32 s4, s0;
	s1 =	sshll.u32 s1, $0x11  }
0xc9: {  	s0 =	sor.u32 s1, s0  }
0xca: {  	s0 =	sadd.s32 $0x8F2B, s0  }
0xcb: {  	[sflag:s0] =	ssyncadd.remote.s32 $0x1  }
0xcc: {  	_ =	sfence.sel $0xFFFF  }
0xcd: {  	[dreg:$0x0] =	wrdreg $0xFFFFFFFF;
	(pc) =	sbr.abs _section_cstart, $3  }
0xce: {  	[dreg:$0x1] =	wrdreg $0xFFFFFFFF  }
0xcf: {  	_ =	task.clear_ibuf [dreg:s22], $0x2FFFF;
	_ =	strace $0x9FFFFFFF  }
0xd0: {  	(tm) =	ssettm $0x7FFFFFFF  }
0xd1: {  	_ =	shalt  }
tec
execute0_lowered:
.L_overlay_start_1:
0x0: {  	(tag) =	ssettag $0x1  }
0x1: {  	s0 =	srdreg.scid;
	s1 =	stileid.u32  }
0x2: {  	s5 =	rddreg [dreg:$0x0];
	s17 =	simm.s32 $0xC00;
	s4 =	simm.s32 $0x1000  }
0x3: {  	s18 =	simm.s32 $0x1800;
	s19 =	simm.s32 $0x1C00;
	s20 =	simm.s32 $0x2400  }
0x4: {  	s21 =	simm.s32 $0x2800;
	s22 =	simm.s32 $0x3000;
	s0 =	sand.u32 $0x1, s0  }
0x5: {  	s23 =	simm.s32 $0x3400;
	s1 =	sshll.u32 s1, $0xB;
	s2 =	sshll.u32 s0, $0xA  }
0x6: {  	s24 =	simm.s32 $0x3C00;
	s1 =	sor.u32 s2, s1;
	s2 =	simm.s32 $0x0  }
0x7: {  	s25 =	simm.s32 $0x4000;
	s7 =	simm.s32 $0x2;
	[smem:$0x7FF] =	sst s2  }
0x8: {  	s26 =	simm.s32 $0x4800;
	_ =	strace $0x8000004A;
	[dreg:$0x3] =	wrdreg s17  }
0x9: {  	s8 =	simm.s32 $0x400;
	s9 =	simm.s32 $0x4C00;
	[dreg:$0x4] =	wrdreg s4  }
0xa: {  	s10 =	simm.s32 $0x5400;
	s11 =	simm.s32 $0x5800;
	[dreg:$0x5] =	wrdreg s18  }
0xb: {  	s12 =	simm.s32 $0x6000;
	s13 =	simm.s32 $0x6400;
	[dreg:$0x6] =	wrdreg s19  }
0xc: {  	s14 =	simm.s32 $0x6C00;
	s15 =	simm.s32 $0x7000;
	[dreg:$0x7] =	wrdreg s20  }
0xd: {  	s16 =	simm.s32 $0x7800;
	s28 =	simm.s32 $0xB800;
	[dreg:$0x8] =	wrdreg s21  }
0xe: {  	s29 =	simm.s32 $0xC000;
	s30 =	simm.s32 $0x1;
	[dreg:$0x9] =	wrdreg s22  }
0xf: {  	s31 =	simm.s32 $0x0;
	s0 =	ssub.s32 $0x2, s0;
	[dreg:$0xa] =	wrdreg s23  }
0x10: {  	s6 =	sshrl.u32 s0, $0x1;
	s1 =	sshrl.u32 s1, $0x3;
	[dreg:$0xb] =	wrdreg s24  }
0x11: {  	s0 =	ssub.s32 s0, s6;
	s3 =	smul.u32 $0x180, s1;
	[dreg:$0xc] =	wrdreg s25  }
0x12: {  	s1 =	sadd.s32 s1, s5;
	s0 =	smax.u32 s0, $0x1;
	[dreg:$0xd] =	wrdreg s26  }
0x13: {  	s17 =	simm.s32 $0x7C00;
	s18 =	simm.s32 $0x8400;
	s19 =	simm.s32 $0x8800  }
0x14: {  	s20 =	simm.s32 $0x9000;
	s21 =	simm.s32 $0x9400;
	s22 =	simm.s32 $0x9C00  }
0x15: {  	s23 =	simm.s32 $0xA000;
	s24 =	simm.s32 $0xA800;
	s25 =	simm.s32 $0xAC00  }
0x16: {  	v2 =	vlaneseq.u32;
	s1 =	sadd.s32 $0x1E4A00, s1;
	[dreg:$0xf] =	wrdreg s0;
	s3 =	sadd.s32 s3, s5  }
0x17: {  	vm0 =	vmmov $0xffff;
	vm1 =	vmmov $0xff;
	v1 =	vshrl.u32 v2, $0x3;
	s26 =	simm.s32 $0xB400;
	[dreg:$0xe] =	wrdreg s1;
	s3 =	sadd.s32 $0x1E5A00, s3  }
0x18: {  	v0 =	vand.u32 $0x7, v2;
	v2 =	vor.u32 $0x8, v2;
	v1 =	vmul.u32 $0x8, v1;
	[dreg:$0x2] =	wrdreg s3;
	s3 =	sadd.s32 $0x4A00, s5;
	s5 =	sadd.s32 $0x4B00, s5  }
.LBB2_1:
0x19: {  	s0 =	rddreg [dreg:$0xe]  }
0x1a: {  	[tilespmem:s2], [sflag:$0x2] =	stream.linear.gather [hbm4b:s0+s2], $0x400, $0x38;
	[tilespmem:$0xC400] =	vst v63  }
0x1b: {  	_ =	swait.ge [sflag:s7], $0x400  }
0x1c: {  	[sflag:s7] =	ssyncset.done $0x0  }
0x1d: {  	s1 =	simm.s32 $0x40;
	s0 =	simm.s32 $0x0;
	[sflag:s7] =	ssyncadd.s32 $0xFFFFFC00  }
.LBB2_2:
0x1e: {  	v3 =	vld [tilespmem:s1+$0xFFFFFFC0];
	_ =	sdelay $0x4  }
0x1f: {  	v4 =	vshrl.u32 v3, $0x3  }
0x20: {  	v4 =	vmul.u32 $0x18, v4  }
0x21: {  	v3 =	vand.u32 $0x7, v3  }
0x22: {  	v3 =	vor.u32 v3, v4  }
0x23: {  	v4 =	vperm.xlane v3, v0;
	_ =	sdelay $0x1  }
0x24: {  	v4 =	vadd.s32 v1, v4;
	_ =	sdelay $0x1  }
0x25: {  	v3 =	vperm.xlane v3, v2;
	_ =	sdelay $0x1  }
0x26: {  	v3 =	vadd.s32 v1, v3  }
0x27: {  	[tilespmem:s8], [sflag:$0x1] =	stream.indirect_vreg.gather [hbm4b:s3+s2], $0x80, v4, vm0, $0xb8;
	[tilespmem:$0xC400] =	vst v63  }
0x28: {  	s4 =	rddreg [dreg:$0x3]  }
0x29: {  	[tilespmem:s4], [sflag:$0x1] =	stream.indirect_vreg.gather [hbm4b:s5+s2], $0x80, v4, vm1, $0xb8;
	[tilespmem:$0xC400] =	vst v63  }
0x2a: {  	s6 =	rddreg [dreg:$0x4]  }
0x2b: {  	[tilespmem:s6], [sflag:$0x1] =	stream.indirect_vreg.gather [hbm4b:s3+s2], $0x80, v3, vm0, $0xb8;
	[tilespmem:$0xC400] =	vst v63  }
0x2c: {  	s4 =	rddreg [dreg:$0x5]  }
0x2d: {  	[tilespmem:s4], [sflag:$0x1] =	stream.indirect_vreg.gather [hbm4b:s5+s2], $0x80, v3, vm1, $0xb8;
	[tilespmem:$0xC400] =	vst v63  }
0x2e: {  	v3 =	vld [tilespmem:s1+$0xFFFFFFD0];
	_ =	sdelay $0x4  }
0x2f: {  	v57 =	vshrl.u32 v3, $0x3  }
0x30: {  	v4 =	vmul.u32 $0x18, v57  }
0x31: {  	v3 =	vand.u32 $0x7, v3  }
0x32: {  	v3 =	vor.u32 v3, v4  }
0x33: {  	v4 =	vperm.xlane v3, v0;
	_ =	sdelay $0x1  }
0x34: {  	v4 =	vadd.s32 v1, v4;
	_ =	sdelay $0x1  }
0x35: {  	v3 =	vperm.xlane v3, v2;
	_ =	sdelay $0x1  }
0x36: {  	s4 =	rddreg [dreg:$0x6];
	v3 =	vadd.s32 v1, v3  }
0x37: {  	[tilespmem:s4], [sflag:$0x1] =	stream.indirect_vreg.gather [hbm4b:s3+s2], $0x80, v4, vm0, $0xb8;
	[tilespmem:$0xC400] =	vst v63  }
0x38: {  	s6 =	rddreg [dreg:$0x7]  }
0x39: {  	[tilespmem:s6], [sflag:$0x1] =	stream.indirect_vreg.gather [hbm4b:s5+s2], $0x80, v4, vm1, $0xb8;
	[tilespmem:$0xC400] =	vst v63  }
0x3a: {  	s4 =	rddreg [dreg:$0x8]  }
0x3b: {  	[tilespmem:s4], [sflag:$0x1] =	stream.indirect_vreg.gather [hbm4b:s3+s2], $0x80, v3, vm0, $0xb8;
	[tilespmem:$0xC400] =	vst v63  }
0x3c: {  	s6 =	rddreg [dreg:$0x9]  }
0x3d: {  	[tilespmem:s6], [sflag:$0x1] =	stream.indirect_vreg.gather [hbm4b:s5+s2], $0x80, v3, vm1, $0xb8;
	[tilespmem:$0xC400] =	vst v63  }
0x3e: {  	v3 =	vld [tilespmem:s1+$0xFFFFFFE0];
	_ =	sdelay $0x4  }
0x3f: {  	v58 =	vshrl.u32 v3, $0x3  }
0x40: {  	v4 =	vmul.u32 $0x18, v58  }
0x41: {  	v3 =	vand.u32 $0x7, v3  }
0x42: {  	v3 =	vor.u32 v3, v4  }
0x43: {  	v4 =	vperm.xlane v3, v0;
	_ =	sdelay $0x1  }
0x44: {  	v4 =	vadd.s32 v1, v4;
	_ =	sdelay $0x1  }
0x45: {  	v3 =	vperm.xlane v3, v2;
	_ =	sdelay $0x1  }
0x46: {  	s4 =	rddreg [dreg:$0xa];
	v3 =	vadd.s32 v1, v3  }
0x47: {  	[tilespmem:s4], [sflag:$0x1] =	stream.indirect_vreg.gather [hbm4b:s3+s2], $0x80, v4, vm0, $0xb8;
	[tilespmem:$0xC400] =	vst v63  }
0x48: {  	s6 =	rddreg [dreg:$0xb]  }
0x49: {  	[tilespmem:s6], [sflag:$0x1] =	stream.indirect_vreg.gather [hbm4b:s5+s2], $0x80, v4, vm1, $0xb8;
	[tilespmem:$0xC400] =	vst v63  }
0x4a: {  	s4 =	rddreg [dreg:$0xc]  }
0x4b: {  	[tilespmem:s4], [sflag:$0x1] =	stream.indirect_vreg.gather [hbm4b:s3+s2], $0x80, v3, vm0, $0xb8;
	[tilespmem:$0xC400] =	vst v63  }
0x4c: {  	s6 =	rddreg [dreg:$0xd]  }
0x4d: {  	[tilespmem:s6], [sflag:$0x1] =	stream.indirect_vreg.gather [hbm4b:s5+s2], $0x80, v3, vm1, $0xb8;
	[tilespmem:$0xC400] =	vst v63  }
0x4e: {  	v3 =	vld [tilespmem:s1+$0xFFFFFFF0];
	_ =	sdelay $0x4  }
0x4f: {  	v59 =	vshrl.u32 v3, $0x3  }
0x50: {  	v4 =	vmul.u32 $0x18, v59  }
0x51: {  	v3 =	vand.u32 $0x7, v3  }
0x52: {  	v3 =	vor.u32 v3, v4  }
0x53: {  	v4 =	vperm.xlane v3, v0;
	_ =	sdelay $0x1  }
0x54: {  	v4 =	vadd.s32 v1, v4;
	_ =	sdelay $0x1  }
0x55: {  	v3 =	vperm.xlane v3, v2;
	_ =	sdelay $0x1  }
0x56: {  	v3 =	vadd.s32 v1, v3  }
0x57: {  	[tilespmem:s9], [sflag:$0x1] =	stream.indirect_vreg.gather [hbm4b:s3+s2], $0x80, v4, vm0, $0xb8;
	[tilespmem:$0xC400] =	vst v63  }
0x58: {  	_ = 	snop  }
0x59: {  	[tilespmem:s10], [sflag:$0x1] =	stream.indirect_vreg.gather [hbm4b:s5+s2], $0x80, v4, vm1, $0xb8;
	[tilespmem:$0xC400] =	vst v63  }
0x5a: {  	_ = 	snop  }
0x5b: {  	[tilespmem:s11], [sflag:$0x1] =	stream.indirect_vreg.gather [hbm4b:s3+s2], $0x80, v3, vm0, $0xb8;
	[tilespmem:$0xC400] =	vst v63  }
0x5c: {  	_ = 	snop  }
0x5d: {  	[tilespmem:s12], [sflag:$0x1] =	stream.indirect_vreg.gather [hbm4b:s5+s2], $0x80, v3, vm1, $0xb8;
	[tilespmem:$0xC400] =	vst v63  }
0x5e: {  	v3 =	vld [tilespmem:s1+$0x0];
	_ =	sdelay $0x4  }
0x5f: {  	v60 =	vshrl.u32 v3, $0x3  }
0x60: {  	v4 =	vmul.u32 $0x18, v60  }
0x61: {  	v3 =	vand.u32 $0x7, v3  }
0x62: {  	v3 =	vor.u32 v3, v4  }
0x63: {  	v4 =	vperm.xlane v3, v0;
	_ =	sdelay $0x1  }
0x64: {  	v4 =	vadd.s32 v1, v4;
	_ =	sdelay $0x1  }
0x65: {  	v3 =	vperm.xlane v3, v2;
	_ =	sdelay $0x1  }
0x66: {  	v3 =	vadd.s32 v1, v3  }
0x67: {  	[tilespmem:s13], [sflag:$0x1] =	stream.indirect_vreg.gather [hbm4b:s3+s2], $0x80, v4, vm0, $0xb8;
	[tilespmem:$0xC400] =	vst v63  }
0x68: {  	_ = 	snop  }
0x69: {  	[tilespmem:s14], [sflag:$0x1] =	stream.indirect_vreg.gather [hbm4b:s5+s2], $0x80, v4, vm1, $0xb8;
	[tilespmem:$0xC400] =	vst v63  }
0x6a: {  	_ = 	snop  }
0x6b: {  	[tilespmem:s15], [sflag:$0x1] =	stream.indirect_vreg.gather [hbm4b:s3+s2], $0x80, v3, vm0, $0xb8;
	[tilespmem:$0xC400] =	vst v63  }
0x6c: {  	_ = 	snop  }
0x6d: {  	[tilespmem:s16], [sflag:$0x1] =	stream.indirect_vreg.gather [hbm4b:s5+s2], $0x80, v3, vm1, $0xb8;
	[tilespmem:$0xC400] =	vst v63  }
0x6e: {  	v3 =	vld [tilespmem:s1+$0x10];
	_ =	sdelay $0x4  }
0x6f: {  	v61 =	vshrl.u32 v3, $0x3  }
0x70: {  	v4 =	vmul.u32 $0x18, v61  }
0x71: {  	v3 =	vand.u32 $0x7, v3  }
0x72: {  	v3 =	vor.u32 v3, v4  }
0x73: {  	v4 =	vperm.xlane v3, v0;
	_ =	sdelay $0x1  }
0x74: {  	v4 =	vadd.s32 v1, v4;
	_ =	sdelay $0x1  }
0x75: {  	v3 =	vperm.xlane v3, v2;
	_ =	sdelay $0x1  }
0x76: {  	v3 =	vadd.s32 v1, v3  }
0x77: {  	[tilespmem:s17], [sflag:$0x1] =	stream.indirect_vreg.gather [hbm4b:s3+s2], $0x80, v4, vm0, $0xb8;
	[tilespmem:$0xC400] =	vst v63  }
0x78: {  	_ = 	snop  }
0x79: {  	[tilespmem:s18], [sflag:$0x1] =	stream.indirect_vreg.gather [hbm4b:s5+s2], $0x80, v4, vm1, $0xb8;
	[tilespmem:$0xC400] =	vst v63  }
0x7a: {  	_ = 	snop  }
0x7b: {  	[tilespmem:s19], [sflag:$0x1] =	stream.indirect_vreg.gather [hbm4b:s3+s2], $0x80, v3, vm0, $0xb8;
	[tilespmem:$0xC400] =	vst v63  }
0x7c: {  	_ = 	snop  }
0x7d: {  	[tilespmem:s20], [sflag:$0x1] =	stream.indirect_vreg.gather [hbm4b:s5+s2], $0x80, v3, vm1, $0xb8;
	[tilespmem:$0xC400] =	vst v63  }
0x7e: {  	v3 =	vld [tilespmem:s1+$0x20];
	_ =	sdelay $0x4  }
0x7f: {  	v62 =	vshrl.u32 v3, $0x3  }
0x80: {  	v4 =	vmul.u32 $0x18, v62  }
0x81: {  	v3 =	vand.u32 $0x7, v3  }
0x82: {  	v3 =	vor.u32 v3, v4  }
0x83: {  	v4 =	vperm.xlane v3, v0;
	_ =	sdelay $0x1  }
0x84: {  	v4 =	vadd.s32 v1, v4;
	_ =	sdelay $0x1  }
0x85: {  	v3 =	vperm.xlane v3, v2;
	_ =	sdelay $0x1  }
0x86: {  	v3 =	vadd.s32 v1, v3  }
0x87: {  	[tilespmem:s21], [sflag:$0x1] =	stream.indirect_vreg.gather [hbm4b:s3+s2], $0x80, v4, vm0, $0xb8;
	[tilespmem:$0xC400] =	vst v63  }
0x88: {  	_ = 	snop  }
0x89: {  	[tilespmem:s22], [sflag:$0x1] =	stream.indirect_vreg.gather [hbm4b:s5+s2], $0x80, v4, vm1, $0xb8;
	[tilespmem:$0xC400] =	vst v63  }
0x8a: {  	_ = 	snop  }
0x8b: {  	[tilespmem:s23], [sflag:$0x1] =	stream.indirect_vreg.gather [hbm4b:s3+s2], $0x80, v3, vm0, $0xb8;
	[tilespmem:$0xC400] =	vst v63  }
0x8c: {  	_ = 	snop  }
0x8d: {  	[tilespmem:s24], [sflag:$0x1] =	stream.indirect_vreg.gather [hbm4b:s5+s2], $0x80, v3, vm1, $0xb8;
	[tilespmem:$0xC400] =	vst v63  }
0x8e: {  	v3 =	vld [tilespmem:s1+$0x30];
	_ =	sdelay $0x4  }
0x8f: {  	v63 =	vshrl.u32 v3, $0x3  }
0x90: {  	v4 =	vmul.u32 $0x18, v63  }
0x91: {  	v3 =	vand.u32 $0x7, v3  }
0x92: {  	v3 =	vor.u32 v3, v4  }
0x93: {  	v4 =	vperm.xlane v3, v0;
	_ =	sdelay $0x1  }
0x94: {  	v4 =	vadd.s32 v1, v4;
	_ =	sdelay $0x1  }
0x95: {  	v3 =	vperm.xlane v3, v2;
	_ =	sdelay $0x1  }
0x96: {  	v3 =	vadd.s32 v1, v3  }
0x97: {  	[tilespmem:s25], [sflag:$0x1] =	stream.indirect_vreg.gather [hbm4b:s3+s2], $0x80, v4, vm0, $0xb8;
	[tilespmem:$0xC400] =	vst v63  }
0x98: {  	_ = 	snop  }
0x99: {  	[tilespmem:s26], [sflag:$0x1] =	stream.indirect_vreg.gather [hbm4b:s5+s2], $0x80, v4, vm1, $0xb8;
	[tilespmem:$0xC400] =	vst v63  }
0x9a: {  	_ = 	snop  }
0x9b: {  	[tilespmem:s28], [sflag:$0x1] =	stream.indirect_vreg.gather [hbm4b:s3+s2], $0x80, v3, vm0, $0xb8;
	[tilespmem:$0xC400] =	vst v63  }
0x9c: {  	_ = 	snop  }
0x9d: {  	[tilespmem:s29], [sflag:$0x1] =	stream.indirect_vreg.gather [hbm4b:s5+s2], $0x80, v3, vm1, $0xb8;
	[tilespmem:$0xC400] =	vst v63  }
0x9e: {  	_ =	swait.ge [sflag:s30], $0xC000  }
0x9f: {  	p0 =	sne.s32 s0, $0xA800;
	s6 =	rddreg [dreg:$0x2];
	[sflag:s30] =	ssyncset.done $0x0  }
.Ltmp0:
0xa0: {  	[sflag:s30] =	ssyncadd.s32 $0xFFFF4000;
	s4 =	sadd.s32 s0, s6;
	(pc) =	sbr.rel @p0 .LBB2_2-.Ltmp0, $4  }
0xa1: {  	[hbm4b:s4+s2] =	stream.linear.scatter [tilespmem:s8], [sflag:$0x2], $0xC000, $0x38;
	[tilespmem:$0xC400] =	vst v63  }
0xa2: {  	_ =	swait.ge [sflag:s7], $0xC000  }
0xa3: {  	[sflag:s7] =	ssyncset.done $0x0  }
0xa4: {  	s1 =	sadd.s32 $0x80, s1;
	s0 =	sadd.s32 $0x1800, s0;
	[sflag:s7] =	ssyncadd.s32 $0xFFFF4000  }
0xa5: {  	s31 =	sadd.s32 $0x1, s31;
	s0 =	rddreg [dreg:$0xf]  }
0xa6: {  	p0 =	sne.s32 s31, s0  }
.Ltmp1:
0xa7: {  	_ = 	snop;
	(pc) =	sbr.rel @p0 .LBB2_1-.Ltmp1, $1  }
0xa8: {  	_ =	sdelay $0x3  }
0xa9: {  	_ =	sfence.sel $0x180000  }
0xaa: {  	[bflag:$0x0] =	sbarrier.arrive $0xFFFF  }
0xab: {  	_ =	strace $0x9000004A  }
0xac: {  	s0 =	stileid.u32;
	[bflag:$0x2] =	sbarrier.arrive $0xFFFF  }
0xad: {  	p0 =	sne.s32 s0, $0x0;
	s0 =	rddreg [dreg:$0x1]  }
0xae: {  	s0 =	sadd.s32 @!p0 $0x100000, s0  }
0xaf: {  	[sflag:s0] =	ssyncadd.tile.s32 @!p0 $0x1;
	_ =	shalt  }
.Lfunc_end2:
_tile_overlayer_lowered:
.L_overlay_start_2:
0xb0: {  	(tag) =	ssettag $0x2  }
0xb1: {  	s0 =	rddreg [dreg:$0x0];
	s2 =	stileid.u32  }
0xb2: {  	s1 =	rddreg [dreg:$0x1];
	p0 =	sne.s32 s2, $0x0  }
0xb3: {  	s3 =	rddreg [dreg:$0x2];
	[bflag:$0x3] =	sbarrier.arrive $0xFFFF;
	s2 =	simm.s32 @!p0 $0x1C02  }
0xb4: {  	[timem:s3], [sflag:s2] =	dma.local @!p0 [hbm:s0], s1  }
0xb5: {  	s0 =	simm.s32 @!p0 $0x2  }
0xb6: {  	_ =	swait.ge @!p0 [sflag:s0], s1  }
0xb7: {  	s1 =	ssub.s32 @!p0 $0x0, s1;
	[sflag:s0] =	ssyncset.done @!p0 $0x0  }
0xb8: {  	[sflag:s0] =	ssyncadd.s32 @!p0 s1  }
0xb9: {  	[bflag:$0x3] =	sbarrier.arrive $0xFFFF  }
0xba: {  	_ =	shalt  }

// kernel: kernel.21.cloned.1.call-start
scs
__scs_entry_jumppad:
0x0: {  	(pc) =	sbr.rel $0x88, $3  }
0x1: {  	(tag) =	ssettag $0x0;
	lr =	simm.s32 $0x1  }
0x2: {  	[smem:$0x3F90] =	sst lr;
	_ =	strace $0xD0000000  }
0x3: {  	_ = 	snop  }
0x4: {  	_ = 	snop  }
0x5: {  	_ = 	snop  }
0x6: {  	_ = 	snop  }
0x7: {  	_ = 	snop  }
__scs_overlays_trampoline_lowered:
0x8: {  	[smem:$0x3F9F] =	sst s0  }
0x9: {  	[smem:$0x3FA0] =	sst s1  }
0xa: {  	[smem:$0x3FA1] =	sst s2  }
0xb: {  	[smem:$0x3FA2] =	sst s3  }
0xc: {  	[smem:$0x3FA3] =	sst s4  }
0xd: {  	[smem:$0x3FA4] =	sst s5  }
0xe: {  	[smem:$0x3FA5] =	sst s6  }
0xf: {  	[smem:$0x3FA6] =	sst s7  }
0x10: {  	[smem:$0x3FA7] =	sst s8  }
0x11: {  	[smem:$0x3FA8] =	sst s9;
	s0 =	simm.s32 @!p0 $0x0  }
0x12: {  	s1 =	sld [smem:$0x3F8E];
	s0 =	simm.s32 @p0 $0x1  }
0x13: {  	[smem:$0x3FA9] =	sst s0;
	s0 =	simm.s32 @!p1 $0x0  }
0x14: {  	s2 =	sld [smem:$0x3F8D];
	s0 =	simm.s32 @p1 $0x1  }
0x15: {  	[smem:$0x3FAA] =	sst s0;
	s0 =	simm.s32 @!p2 $0x0  }
0x16: {  	s3 =	sld [smem:$0x3FDB];
	s0 =	simm.s32 @p2 $0x1  }
0x17: {  	s4 =	simm.s32 $0x1BF5;
	[smem:$0x3FAC] =	sst s0  }
0x18: {  	s0 =	sld [smem:$0x3F8F];
	_ =	swait.ge [sflag:s4], $0x0  }
0x19: {  	s7 =	sld [smem:$0x3F90]  }
0x1a: {  	s8 =	sadd.s32 $0xFFFFE003, lr  }
0x1b: {  	s9 =	sadd.s32 $0xFFFFFEF7, lr;
	s5 =	simm.s32 $0xFFFFFFFF;
	p2 =	slt.u32 s8, $0xFFFFF086  }
0x1c: {  	p1 =	slt.u32 s9, $0xF7A;
	s5 =	simm.s32 @!p2 $0x0  }
0x1d: {  	s5 =	simm.s32 @p1 $0x1;
	p0 =	seq.s32 s7, s2  }
0x1e: {  	s7 =	smul.u32 @!p0 $0xF7A, s2;
	p2 =	seq.s32 @!p0 s5, $0x0  }
0x1f: {  	s9 =	smul.u32 $0xF7A, s1;
	s8 =	simm.s32 @!p0 $0x1BF5;
	p2 =	por !p2, p0  }
0x20: {  	[sflag:s8] =	ssyncset.s32 @!p0 $0xFFFFF086;
	s6 =	sadd.s32 @!p0 s3, s7;
	s7 =	simm.s32 @!p0 $0x108  }
0x21: {  	s3 =	sadd.s32 s3, s9;
	s6 =	sadd.s32 @!p0 $0x88, s6;
	s7 =	simm.s32 @p2 $0x1082  }
0x22: {  	[simem:s7], [sflag:s8] =	dma.local @!p0 [hbm:s6], $0xF7A  }
0x23: {  	s9 =	sor.u32 $0xD0000000, s2;
	s6 =	simm.s32 $0x108;
	_ =	swait.ge @!p0 [sflag:s8], $0x0  }
0x24: {  	s3 =	sadd.s32 $0x88, s3;
	s6 =	simm.s32 @!p1 $0x1082;
	[sflag:s4] =	ssyncset.s32 $0xFFFFF086  }
0x25: {  	[simem:s6], [sflag:s4] =	dma.local [hbm:s3], $0xF7A  }
0x26: {  	[smem:$0x3F90] =	sst s1;
	(tag) =	ssettag s2;
	_ =	strace s9  }
0x27: {  	s1 =	sld [smem:$0x3FA0]  }
0x28: {  	s2 =	sld [smem:$0x3FA1]  }
0x29: {  	s4 =	sld [smem:$0x3FA3]  }
0x2a: {  	p0 =	seq.s32 s5, $0x0;
	s5 =	sld [smem:$0x3FA4]  }
0x2b: {  	s6 =	sld [smem:$0x3FA5]  }
0x2c: {  	s7 =	sld [smem:$0x3FA6]  }
0x2d: {  	s3 =	simm.s32 $0x108;
	s8 =	sld [smem:$0x3FA7]  }
0x2e: {  	s3 =	simm.s32 @!p0 $0x1082;
	s9 =	sld [smem:$0x3FA8]  }
0x2f: {  	lr =	sadd.s32 s0, s3;
	s0 =	sld [smem:$0x3F9F]  }
0x30: {  	s3 =	sld [smem:$0x3FA2]  }
0x31: {  	[smem:$0x3FAB] =	sst s10  }
0x32: {  	s10 =	sld [smem:$0x3FA9];
	_ =	sdelay $0x3  }
0x33: {  	p0 =	seq.s32 s10, $0x1;
	s10 =	sld [smem:$0x3FAB];
	_ =	sdelay $0x3  }
0x34: {  	[smem:$0x3FAB] =	sst s10  }
0x35: {  	s10 =	sld [smem:$0x3FAA];
	_ =	sdelay $0x3  }
0x36: {  	p1 =	seq.s32 s10, $0x1;
	s10 =	sld [smem:$0x3FAB];
	_ =	sdelay $0x3  }
0x37: {  	[smem:$0x3FAB] =	sst s10  }
0x38: {  	s10 =	sld [smem:$0x3FAC]  }
0x39: {  	_ = 	snop;
	(pc) =	sbr.ind lr, $3  }
0x3a: {  	_ = 	snop  }
0x3b: {  	_ = 	snop  }
0x3c: {  	p2 =	seq.s32 s10, $0x1;
	s10 =	sld [smem:$0x3FAB]  }
0x3d: {  	_ =	shalt  }
0x3e: {  	_ =	shalt  }
0x3f: {  	_ =	shalt  }
0x40: {  	_ =	shalt  }
0x41: {  	_ =	shalt  }
0x42: {  	_ =	shalt  }
0x43: {  	_ =	shalt  }
0x44: {  	_ =	shalt  }
0x45: {  	_ =	shalt  }
0x46: {  	_ =	shalt  }
0x47: {  	_ =	shalt  }
0x48: {  	_ =	shalt  }
0x49: {  	_ =	shalt  }
0x4a: {  	_ =	shalt  }
0x4b: {  	_ =	shalt  }
0x4c: {  	_ =	shalt  }
0x4d: {  	_ =	shalt  }
0x4e: {  	_ =	shalt  }
0x4f: {  	_ =	shalt  }
0x50: {  	_ =	shalt  }
0x51: {  	_ =	shalt  }
0x52: {  	_ =	shalt  }
0x53: {  	_ =	shalt  }
0x54: {  	_ =	shalt  }
0x55: {  	_ =	shalt  }
0x56: {  	_ =	shalt  }
0x57: {  	_ =	shalt  }
0x58: {  	_ =	shalt  }
0x59: {  	_ =	shalt  }
0x5a: {  	_ =	shalt  }
0x5b: {  	_ =	shalt  }
0x5c: {  	_ =	shalt  }
0x5d: {  	_ =	shalt  }
0x5e: {  	_ =	shalt  }
0x5f: {  	_ =	shalt  }
0x60: {  	_ =	shalt  }
0x61: {  	_ =	shalt  }
0x62: {  	_ =	shalt  }
0x63: {  	_ =	shalt  }
0x64: {  	_ =	shalt  }
0x65: {  	_ =	shalt  }
0x66: {  	_ =	shalt  }
0x67: {  	_ =	shalt  }
0x68: {  	_ =	shalt  }
0x69: {  	_ =	shalt  }
0x6a: {  	_ =	shalt  }
0x6b: {  	_ =	shalt  }
0x6c: {  	_ =	shalt  }
0x6d: {  	_ =	shalt  }
0x6e: {  	_ =	shalt  }
0x6f: {  	_ =	shalt  }
0x70: {  	_ =	shalt  }
0x71: {  	_ =	shalt  }
0x72: {  	_ =	shalt  }
0x73: {  	_ =	shalt  }
0x74: {  	_ =	shalt  }
0x75: {  	_ =	shalt  }
0x76: {  	_ =	shalt  }
0x77: {  	_ =	shalt  }
0x78: {  	_ =	shalt  }
0x79: {  	_ =	shalt  }
0x7a: {  	_ =	shalt  }
0x7b: {  	_ =	shalt  }
0x7c: {  	_ =	shalt  }
0x7d: {  	_ =	shalt  }
0x7e: {  	_ =	shalt  }
0x7f: {  	_ =	shalt  }
0x80: {  	_ =	shalt  }
0x81: {  	_ =	shalt  }
0x82: {  	_ =	shalt  }
0x83: {  	_ =	shalt  }
0x84: {  	_ =	shalt  }
0x85: {  	_ =	shalt  }
0x86: {  	_ =	shalt  }
0x87: {  	_ =	shalt  }
.Lfunc_end0:
.L_simem_size_0:
called_computation.2_lowered:
.L_overlay_start_0:
0x88: {  	s2 =	sld [smem:$0x3FD9]  }
0x89: {  	s3 =	sld [smem:$0x3FFE];
	_ =	sdelay $0x1  }
0x8a: {  	s1 =	srdreg.scid  }
0x8b: {  	s0 =	sand.u32 $0x1, s1  }
0x8c: {  	s17 =	sshll.u32 s0, $0xA;
	s2 =	sadd.s32 s3, s2  }
0x8d: {  	s2 =	sadd.s32 s2, s17  }
0x8e: {  	[smem:$0x3FB7] =	sst s2  }
0x8f: {  	_ = 	snop  }
0x90: {  	(tm) =	ssettm $0x1  }
0x91: {  	s18 =	sld [smem:$0x3FFB];
	_ =	sdelay $0x3  }
0x92: {  	_ =	strace s18  }
0x93: {  	s2 =	sld [smem:$0x3FFC];
	_ =	sdelay $0x3  }
0x94: {  	_ =	strace s2  }
0x95: {  	s2 =	sld [smem:$0x3FFD];
	_ =	sdelay $0x3  }
0x96: {  	_ =	strace s2  }
0x97: {  	_ =	strace $0x8FFFFFFF  }
0x98: {  	s19 =	sld [smem:$0x3FDB];
	_ =	sdelay $0x1  }
0x99: {  	s20 =	simm.s32 $_scs_section_size  }
0x9a: {  	s4 =	simm.s32 $_size__tile_overlayer_lowered;
	s5 =	simm.s32 $_tile_overlayer_lowered  }
0x9b: {  	s6 =	simm.s32 $0x1BFF;
	s21 =	sshll.u32 s5, $0x1;
	s3 =	sadd.s32 s20, s19  }
0x9c: {  	s22 =	simm.s32 $0x0;
	s4 =	sshll.u32 s4, $0x1;
	s5 =	sadd.s32 s21, s3  }
0x9d: {  	[timem:s22], [sflag:s6] =	dma.local [hbm:s5], s4  }
0x9e: {  	_ =	swait.ge [sflag:s6], s4  }
0x9f: {  	s4 =	ssub.s32 $0x0, s4;
	[sflag:s6] =	ssyncset.done $0x0  }
0xa0: {  	[sflag:s6] =	ssyncadd.s32 s4;
	_ =	sdelay $0x1  }
0xa1: {  	s23 =	simm.s32 $0x1B8B  }
0xa2: {  	_ =	swait.ge [sflag:s23], $0x1  }
0xa3: {  	[sflag:s23] =	ssyncset.done $0x0  }
0xa4: {  	[sflag:s23] =	ssyncadd.s32 $0xFFFFFFFF  }
0xa5: {  	s4 =	sld [smem:$0x0]  }
0xa6: {  	s5 =	sand.u32 $0xFFFFFFFE, s1  }
0xa7: {  	p0 =	sne.s32 s1, s5  }
0xa8: {  	s5 =	sshll.u32 @p0 s5, $0xE  }
0xa9: {  	s5 =	sadd.s32 @p0 $0x11B8D, s5;
	s6 =	sshll.u32 @p0 s4, $0x11  }
0xaa: {  	s5 =	sor.u32 @p0 s6, s5  }
0xab: {  	[sflag:s5] =	ssyncadd.remote.s32 @p0 $0x1;
	_ =	sdelay $0x1  }
0xac: {  	s5 =	simm.s32 @p0 $0x1B8D  }
0xad: {  	_ =	swait.eq @p0 [sflag:s5], $0x1  }
0xae: {  	[sflag:s5] =	ssyncadd.s32 @p0 $0xFFFFFFFF  }
0xaf: {  	s6 =	sshll.u32 @!p0 s1, $0xE  }
0xb0: {  	s6 =	sor.u32 @!p0 $0x4000, s6;
	s5 =	simm.s32 @!p0 $0x1B8D  }
0xb1: {  	s4 =	sshll.u32 @!p0 s4, $0x11;
	s6 =	sadd.s32 @!p0 $0x11B8D, s6;
	_ =	swait.eq @!p0 [sflag:s5], $0x1  }
0xb2: {  	s4 =	sor.u32 @!p0 s4, s6;
	[sflag:s5] =	ssyncadd.s32 @!p0 $0xFFFFFFFF  }
0xb3: {  	s25 =	simm.s32 $0x1B8E;
	s24 =	sld [smem:$0x3FFE];
	[sflag:s4] =	ssyncadd.remote.s32 @!p0 $0x1  }
0xb4: {  	s26 =	simm.s32 $execute0_lowered;
	[smem:$0x3FD2] =	sst s25  }
0xb5: {  	s5 =	sshll.u32 s26, $0x1;
	_ =	strace $0x8000004C;
	[dreg:$0x1] =	wrdreg $0xFFFFFFFF  }
0xb6: {  	s28 =	simm.s32 $_size_execute0_lowered;
	s3 =	sadd.s32 s3, s5;
	[dreg:$0x0] =	wrdreg $0x0  }
0xb7: {  	s5 =	sshll.u32 s28, $0x1;
	[dreg:$0x2] =	wrdreg s3  }
0xb8: {  	[dreg:$0x3] =	wrdreg s5  }
0xb9: {  	[dreg:$0x4] =	wrdreg $0xC0  }
0xba: {  	_ =	task [dreg:s22], $0x5FFFF  }
0xbb: {  	[dreg:$0x1] =	wrdreg $0xFFFFFFFF  }
0xbc: {  	[dreg:$0x0] =	wrdreg $0x60  }
0xbd: {  	[dreg:$0x2] =	wrdreg s24  }
0xbe: {  	[dreg:$0x3] =	wrdreg $0xB  }
0xbf: {  	_ =	task.clear_ibuf [dreg:s22], $0x4FFFF;
	_ =	strace $0x9000004C  }
0xc0: {  	s29 =	simm.s32 $0xB;
	_ =	strace $0x8000004E  }
0xc1: {  	_ =	swait.ge [sflag:s29], $0x1  }
0xc2: {  	[sflag:s29] =	ssyncadd.s32 $0xFFFFFFFF  }
0xc3: {  	_ =	strace $0x9000004E  }
0xc4: {  	_ =	sfence  }
0xc5: {  	s30 =	sld [smem:$0x0];
	_ =	sdelay $0x2  }
0xc6: {  	s31 =	sshll.u32 s1, $0xD;
	s1 =	sshrl.u32 s1, $0x2  }
0xc7: {  	s4 =	sand.u32 $0x4000, s31;
	s1 =	sadd.s32 s1, s30  }
0xc8: {  	s0 =	sor.u32 s4, s0;
	s1 =	sshll.u32 s1, $0x11  }
0xc9: {  	s0 =	sor.u32 s1, s0  }
0xca: {  	s0 =	sadd.s32 $0x8F2B, s0  }
0xcb: {  	[sflag:s0] =	ssyncadd.remote.s32 $0x1  }
0xcc: {  	_ =	sfence.sel $0xFFFF  }
0xcd: {  	[dreg:$0x0] =	wrdreg $0xFFFFFFFF;
	(pc) =	sbr.abs _section_cstart, $3  }
0xce: {  	[dreg:$0x1] =	wrdreg $0xFFFFFFFF  }
0xcf: {  	_ =	task.clear_ibuf [dreg:s22], $0x2FFFF;
	_ =	strace $0x9FFFFFFF  }
0xd0: {  	(tm) =	ssettm $0x7FFFFFFF  }
0xd1: {  	_ =	shalt  }
tec
execute0_lowered:
.L_overlay_start_1:
0x0: {  	(tag) =	ssettag $0x1  }
0x1: {  	s0 =	srdreg.scid;
	s1 =	stileid.u32  }
0x2: {  	s5 =	rddreg [dreg:$0x0];
	s17 =	simm.s32 $0xC00;
	s4 =	simm.s32 $0x1000  }
0x3: {  	s18 =	simm.s32 $0x1800;
	s19 =	simm.s32 $0x1C00;
	s20 =	simm.s32 $0x2400  }
0x4: {  	s21 =	simm.s32 $0x2800;
	s22 =	simm.s32 $0x3000;
	s0 =	sand.u32 $0x1, s0  }
0x5: {  	s23 =	simm.s32 $0x3400;
	s1 =	sshll.u32 s1, $0xB;
	s2 =	sshll.u32 s0, $0xA  }
0x6: {  	s24 =	simm.s32 $0x3C00;
	s1 =	sor.u32 s2, s1;
	s2 =	simm.s32 $0x0  }
0x7: {  	s25 =	simm.s32 $0x4000;
	s7 =	simm.s32 $0x2;
	[smem:$0x7FF] =	sst s2  }
0x8: {  	s26 =	simm.s32 $0x4800;
	_ =	strace $0x8000004D;
	[dreg:$0x3] =	wrdreg s17  }
0x9: {  	s8 =	simm.s32 $0x400;
	s9 =	simm.s32 $0x4C00;
	[dreg:$0x4] =	wrdreg s4  }
0xa: {  	s10 =	simm.s32 $0x5400;
	s11 =	simm.s32 $0x5800;
	[dreg:$0x5] =	wrdreg s18  }
0xb: {  	s12 =	simm.s32 $0x6000;
	s13 =	simm.s32 $0x6400;
	[dreg:$0x6] =	wrdreg s19  }
0xc: {  	s14 =	simm.s32 $0x6C00;
	s15 =	simm.s32 $0x7000;
	[dreg:$0x7] =	wrdreg s20  }
0xd: {  	s16 =	simm.s32 $0x7800;
	s28 =	simm.s32 $0xB800;
	[dreg:$0x8] =	wrdreg s21  }
0xe: {  	s29 =	simm.s32 $0xC000;
	s30 =	simm.s32 $0x1;
	[dreg:$0x9] =	wrdreg s22  }
0xf: {  	s31 =	simm.s32 $0x0;
	s0 =	ssub.s32 $0x2, s0;
	[dreg:$0xa] =	wrdreg s23  }
0x10: {  	s6 =	sshrl.u32 s0, $0x1;
	s1 =	sshrl.u32 s1, $0x3;
	[dreg:$0xb] =	wrdreg s24  }
0x11: {  	s0 =	ssub.s32 s0, s6;
	s3 =	smul.u32 $0x180, s1;
	[dreg:$0xc] =	wrdreg s25  }
0x12: {  	s1 =	sadd.s32 s1, s5;
	s0 =	smax.u32 s0, $0x1;
	[dreg:$0xd] =	wrdreg s26  }
0x13: {  	s17 =	simm.s32 $0x7C00;
	s18 =	simm.s32 $0x8400;
	s19 =	simm.s32 $0x8800  }
0x14: {  	s20 =	simm.s32 $0x9000;
	s21 =	simm.s32 $0x9400;
	s22 =	simm.s32 $0x9C00  }
0x15: {  	s23 =	simm.s32 $0xA000;
	s24 =	simm.s32 $0xA800;
	s25 =	simm.s32 $0xAC00  }
0x16: {  	v2 =	vlaneseq.u32;
	s1 =	sadd.s32 $0x365A00, s1;
	[dreg:$0xf] =	wrdreg s0;
	s3 =	sadd.s32 s3, s5  }
0x17: {  	vm0 =	vmmov $0xffff;
	vm1 =	vmmov $0xff;
	v1 =	vshrl.u32 v2, $0x3;
	s26 =	simm.s32 $0xB400;
	[dreg:$0xe] =	wrdreg s1;
	s3 =	sadd.s32 $0x366A00, s3  }
0x18: {  	v0 =	vand.u32 $0x7, v2;
	v2 =	vor.u32 $0x8, v2;
	v1 =	vmul.u32 $0x8, v1;
	[dreg:$0x2] =	wrdreg s3;
	s3 =	sadd.s32 $0x4A00, s5;
	s5 =	sadd.s32 $0x4B00, s5  }
.LBB2_1:
0x19: {  	s0 =	rddreg [dreg:$0xe]  }
0x1a: {  	[tilespmem:s2], [sflag:$0x2] =	stream.linear.gather [hbm4b:s0+s2], $0x400, $0x38;
	[tilespmem:$0xC400] =	vst v63  }
0x1b: {  	_ =	swait.ge [sflag:s7], $0x400  }
0x1c: {  	[sflag:s7] =	ssyncset.done $0x0  }
0x1d: {  	s1 =	simm.s32 $0x40;
	s0 =	simm.s32 $0x0;
	[sflag:s7] =	ssyncadd.s32 $0xFFFFFC00  }
.LBB2_2:
0x1e: {  	v3 =	vld [tilespmem:s1+$0xFFFFFFC0];
	_ =	sdelay $0x4  }
0x1f: {  	v4 =	vshrl.u32 v3, $0x3  }
0x20: {  	v4 =	vmul.u32 $0x18, v4  }
0x21: {  	v3 =	vand.u32 $0x7, v3  }
0x22: {  	v3 =	vor.u32 v3, v4  }
0x23: {  	v4 =	vperm.xlane v3, v0;
	_ =	sdelay $0x1  }
0x24: {  	v4 =	vadd.s32 v1, v4;
	_ =	sdelay $0x1  }
0x25: {  	v3 =	vperm.xlane v3, v2;
	_ =	sdelay $0x1  }
0x26: {  	v3 =	vadd.s32 v1, v3  }
0x27: {  	[tilespmem:s8], [sflag:$0x1] =	stream.indirect_vreg.gather [hbm4b:s3+s2], $0x80, v4, vm0, $0xb8;
	[tilespmem:$0xC400] =	vst v63  }
0x28: {  	s4 =	rddreg [dreg:$0x3]  }
0x29: {  	[tilespmem:s4], [sflag:$0x1] =	stream.indirect_vreg.gather [hbm4b:s5+s2], $0x80, v4, vm1, $0xb8;
	[tilespmem:$0xC400] =	vst v63  }
0x2a: {  	s6 =	rddreg [dreg:$0x4]  }
0x2b: {  	[tilespmem:s6], [sflag:$0x1] =	stream.indirect_vreg.gather [hbm4b:s3+s2], $0x80, v3, vm0, $0xb8;
	[tilespmem:$0xC400] =	vst v63  }
0x2c: {  	s4 =	rddreg [dreg:$0x5]  }
0x2d: {  	[tilespmem:s4], [sflag:$0x1] =	stream.indirect_vreg.gather [hbm4b:s5+s2], $0x80, v3, vm1, $0xb8;
	[tilespmem:$0xC400] =	vst v63  }
0x2e: {  	v3 =	vld [tilespmem:s1+$0xFFFFFFD0];
	_ =	sdelay $0x4  }
0x2f: {  	v57 =	vshrl.u32 v3, $0x3  }
0x30: {  	v4 =	vmul.u32 $0x18, v57  }
0x31: {  	v3 =	vand.u32 $0x7, v3  }
0x32: {  	v3 =	vor.u32 v3, v4  }
0x33: {  	v4 =	vperm.xlane v3, v0;
	_ =	sdelay $0x1  }
0x34: {  	v4 =	vadd.s32 v1, v4;
	_ =	sdelay $0x1  }
0x35: {  	v3 =	vperm.xlane v3, v2;
	_ =	sdelay $0x1  }
0x36: {  	s4 =	rddreg [dreg:$0x6];
	v3 =	vadd.s32 v1, v3  }
0x37: {  	[tilespmem:s4], [sflag:$0x1] =	stream.indirect_vreg.gather [hbm4b:s3+s2], $0x80, v4, vm0, $0xb8;
	[tilespmem:$0xC400] =	vst v63  }
0x38: {  	s6 =	rddreg [dreg:$0x7]  }
0x39: {  	[tilespmem:s6], [sflag:$0x1] =	stream.indirect_vreg.gather [hbm4b:s5+s2], $0x80, v4, vm1, $0xb8;
	[tilespmem:$0xC400] =	vst v63  }
0x3a: {  	s4 =	rddreg [dreg:$0x8]  }
0x3b: {  	[tilespmem:s4], [sflag:$0x1] =	stream.indirect_vreg.gather [hbm4b:s3+s2], $0x80, v3, vm0, $0xb8;
	[tilespmem:$0xC400] =	vst v63  }
0x3c: {  	s6 =	rddreg [dreg:$0x9]  }
0x3d: {  	[tilespmem:s6], [sflag:$0x1] =	stream.indirect_vreg.gather [hbm4b:s5+s2], $0x80, v3, vm1, $0xb8;
	[tilespmem:$0xC400] =	vst v63  }
0x3e: {  	v3 =	vld [tilespmem:s1+$0xFFFFFFE0];
	_ =	sdelay $0x4  }
0x3f: {  	v58 =	vshrl.u32 v3, $0x3  }
0x40: {  	v4 =	vmul.u32 $0x18, v58  }
0x41: {  	v3 =	vand.u32 $0x7, v3  }
0x42: {  	v3 =	vor.u32 v3, v4  }
0x43: {  	v4 =	vperm.xlane v3, v0;
	_ =	sdelay $0x1  }
0x44: {  	v4 =	vadd.s32 v1, v4;
	_ =	sdelay $0x1  }
0x45: {  	v3 =	vperm.xlane v3, v2;
	_ =	sdelay $0x1  }
0x46: {  	s4 =	rddreg [dreg:$0xa];
	v3 =	vadd.s32 v1, v3  }
0x47: {  	[tilespmem:s4], [sflag:$0x1] =	stream.indirect_vreg.gather [hbm4b:s3+s2], $0x80, v4, vm0, $0xb8;
	[tilespmem:$0xC400] =	vst v63  }
0x48: {  	s6 =	rddreg [dreg:$0xb]  }
0x49: {  	[tilespmem:s6], [sflag:$0x1] =	stream.indirect_vreg.gather [hbm4b:s5+s2], $0x80, v4, vm1, $0xb8;
	[tilespmem:$0xC400] =	vst v63  }
0x4a: {  	s4 =	rddreg [dreg:$0xc]  }
0x4b: {  	[tilespmem:s4], [sflag:$0x1] =	stream.indirect_vreg.gather [hbm4b:s3+s2], $0x80, v3, vm0, $0xb8;
	[tilespmem:$0xC400] =	vst v63  }
0x4c: {  	s6 =	rddreg [dreg:$0xd]  }
0x4d: {  	[tilespmem:s6], [sflag:$0x1] =	stream.indirect_vreg.gather [hbm4b:s5+s2], $0x80, v3, vm1, $0xb8;
	[tilespmem:$0xC400] =	vst v63  }
0x4e: {  	v3 =	vld [tilespmem:s1+$0xFFFFFFF0];
	_ =	sdelay $0x4  }
0x4f: {  	v59 =	vshrl.u32 v3, $0x3  }
0x50: {  	v4 =	vmul.u32 $0x18, v59  }
0x51: {  	v3 =	vand.u32 $0x7, v3  }
0x52: {  	v3 =	vor.u32 v3, v4  }
0x53: {  	v4 =	vperm.xlane v3, v0;
	_ =	sdelay $0x1  }
0x54: {  	v4 =	vadd.s32 v1, v4;
	_ =	sdelay $0x1  }
0x55: {  	v3 =	vperm.xlane v3, v2;
	_ =	sdelay $0x1  }
0x56: {  	v3 =	vadd.s32 v1, v3  }
0x57: {  	[tilespmem:s9], [sflag:$0x1] =	stream.indirect_vreg.gather [hbm4b:s3+s2], $0x80, v4, vm0, $0xb8;
	[tilespmem:$0xC400] =	vst v63  }
0x58: {  	_ = 	snop  }
0x59: {  	[tilespmem:s10], [sflag:$0x1] =	stream.indirect_vreg.gather [hbm4b:s5+s2], $0x80, v4, vm1, $0xb8;
	[tilespmem:$0xC400] =	vst v63  }
0x5a: {  	_ = 	snop  }
0x5b: {  	[tilespmem:s11], [sflag:$0x1] =	stream.indirect_vreg.gather [hbm4b:s3+s2], $0x80, v3, vm0, $0xb8;
	[tilespmem:$0xC400] =	vst v63  }
0x5c: {  	_ = 	snop  }
0x5d: {  	[tilespmem:s12], [sflag:$0x1] =	stream.indirect_vreg.gather [hbm4b:s5+s2], $0x80, v3, vm1, $0xb8;
	[tilespmem:$0xC400] =	vst v63  }
0x5e: {  	v3 =	vld [tilespmem:s1+$0x0];
	_ =	sdelay $0x4  }
0x5f: {  	v60 =	vshrl.u32 v3, $0x3  }
0x60: {  	v4 =	vmul.u32 $0x18, v60  }
0x61: {  	v3 =	vand.u32 $0x7, v3  }
0x62: {  	v3 =	vor.u32 v3, v4  }
0x63: {  	v4 =	vperm.xlane v3, v0;
	_ =	sdelay $0x1  }
0x64: {  	v4 =	vadd.s32 v1, v4;
	_ =	sdelay $0x1  }
0x65: {  	v3 =	vperm.xlane v3, v2;
	_ =	sdelay $0x1  }
0x66: {  	v3 =	vadd.s32 v1, v3  }
0x67: {  	[tilespmem:s13], [sflag:$0x1] =	stream.indirect_vreg.gather [hbm4b:s3+s2], $0x80, v4, vm0, $0xb8;
	[tilespmem:$0xC400] =	vst v63  }
0x68: {  	_ = 	snop  }
0x69: {  	[tilespmem:s14], [sflag:$0x1] =	stream.indirect_vreg.gather [hbm4b:s5+s2], $0x80, v4, vm1, $0xb8;
	[tilespmem:$0xC400] =	vst v63  }
0x6a: {  	_ = 	snop  }
0x6b: {  	[tilespmem:s15], [sflag:$0x1] =	stream.indirect_vreg.gather [hbm4b:s3+s2], $0x80, v3, vm0, $0xb8;
	[tilespmem:$0xC400] =	vst v63  }
0x6c: {  	_ = 	snop  }
0x6d: {  	[tilespmem:s16], [sflag:$0x1] =	stream.indirect_vreg.gather [hbm4b:s5+s2], $0x80, v3, vm1, $0xb8;
	[tilespmem:$0xC400] =	vst v63  }
0x6e: {  	v3 =	vld [tilespmem:s1+$0x10];
	_ =	sdelay $0x4  }
0x6f: {  	v61 =	vshrl.u32 v3, $0x3  }
0x70: {  	v4 =	vmul.u32 $0x18, v61  }
0x71: {  	v3 =	vand.u32 $0x7, v3  }
0x72: {  	v3 =	vor.u32 v3, v4  }
0x73: {  	v4 =	vperm.xlane v3, v0;
	_ =	sdelay $0x1  }
0x74: {  	v4 =	vadd.s32 v1, v4;
	_ =	sdelay $0x1  }
0x75: {  	v3 =	vperm.xlane v3, v2;
	_ =	sdelay $0x1  }
0x76: {  	v3 =	vadd.s32 v1, v3  }
0x77: {  	[tilespmem:s17], [sflag:$0x1] =	stream.indirect_vreg.gather [hbm4b:s3+s2], $0x80, v4, vm0, $0xb8;
	[tilespmem:$0xC400] =	vst v63  }
0x78: {  	_ = 	snop  }
0x79: {  	[tilespmem:s18], [sflag:$0x1] =	stream.indirect_vreg.gather [hbm4b:s5+s2], $0x80, v4, vm1, $0xb8;
	[tilespmem:$0xC400] =	vst v63  }
0x7a: {  	_ = 	snop  }
0x7b: {  	[tilespmem:s19], [sflag:$0x1] =	stream.indirect_vreg.gather [hbm4b:s3+s2], $0x80, v3, vm0, $0xb8;
	[tilespmem:$0xC400] =	vst v63  }
0x7c: {  	_ = 	snop  }
0x7d: {  	[tilespmem:s20], [sflag:$0x1] =	stream.indirect_vreg.gather [hbm4b:s5+s2], $0x80, v3, vm1, $0xb8;
	[tilespmem:$0xC400] =	vst v63  }
0x7e: {  	v3 =	vld [tilespmem:s1+$0x20];
	_ =	sdelay $0x4  }
0x7f: {  	v62 =	vshrl.u32 v3, $0x3  }
0x80: {  	v4 =	vmul.u32 $0x18, v62  }
0x81: {  	v3 =	vand.u32 $0x7, v3  }
0x82: {  	v3 =	vor.u32 v3, v4  }
0x83: {  	v4 =	vperm.xlane v3, v0;
	_ =	sdelay $0x1  }
0x84: {  	v4 =	vadd.s32 v1, v4;
	_ =	sdelay $0x1  }
0x85: {  	v3 =	vperm.xlane v3, v2;
	_ =	sdelay $0x1  }
0x86: {  	v3 =	vadd.s32 v1, v3  }
0x87: {  	[tilespmem:s21], [sflag:$0x1] =	stream.indirect_vreg.gather [hbm4b:s3+s2], $0x80, v4, vm0, $0xb8;
	[tilespmem:$0xC400] =	vst v63  }
0x88: {  	_ = 	snop  }
0x89: {  	[tilespmem:s22], [sflag:$0x1] =	stream.indirect_vreg.gather [hbm4b:s5+s2], $0x80, v4, vm1, $0xb8;
	[tilespmem:$0xC400] =	vst v63  }
0x8a: {  	_ = 	snop  }
0x8b: {  	[tilespmem:s23], [sflag:$0x1] =	stream.indirect_vreg.gather [hbm4b:s3+s2], $0x80, v3, vm0, $0xb8;
	[tilespmem:$0xC400] =	vst v63  }
0x8c: {  	_ = 	snop  }
0x8d: {  	[tilespmem:s24], [sflag:$0x1] =	stream.indirect_vreg.gather [hbm4b:s5+s2], $0x80, v3, vm1, $0xb8;
	[tilespmem:$0xC400] =	vst v63  }
0x8e: {  	v3 =	vld [tilespmem:s1+$0x30];
	_ =	sdelay $0x4  }
0x8f: {  	v63 =	vshrl.u32 v3, $0x3  }
0x90: {  	v4 =	vmul.u32 $0x18, v63  }
0x91: {  	v3 =	vand.u32 $0x7, v3  }
0x92: {  	v3 =	vor.u32 v3, v4  }
0x93: {  	v4 =	vperm.xlane v3, v0;
	_ =	sdelay $0x1  }
0x94: {  	v4 =	vadd.s32 v1, v4;
	_ =	sdelay $0x1  }
0x95: {  	v3 =	vperm.xlane v3, v2;
	_ =	sdelay $0x1  }
0x96: {  	v3 =	vadd.s32 v1, v3  }
0x97: {  	[tilespmem:s25], [sflag:$0x1] =	stream.indirect_vreg.gather [hbm4b:s3+s2], $0x80, v4, vm0, $0xb8;
	[tilespmem:$0xC400] =	vst v63  }
0x98: {  	_ = 	snop  }
0x99: {  	[tilespmem:s26], [sflag:$0x1] =	stream.indirect_vreg.gather [hbm4b:s5+s2], $0x80, v4, vm1, $0xb8;
	[tilespmem:$0xC400] =	vst v63  }
0x9a: {  	_ = 	snop  }
0x9b: {  	[tilespmem:s28], [sflag:$0x1] =	stream.indirect_vreg.gather [hbm4b:s3+s2], $0x80, v3, vm0, $0xb8;
	[tilespmem:$0xC400] =	vst v63  }
0x9c: {  	_ = 	snop  }
0x9d: {  	[tilespmem:s29], [sflag:$0x1] =	stream.indirect_vreg.gather [hbm4b:s5+s2], $0x80, v3, vm1, $0xb8;
	[tilespmem:$0xC400] =	vst v63  }
0x9e: {  	_ =	swait.ge [sflag:s30], $0xC000  }
0x9f: {  	p0 =	sne.s32 s0, $0xA800;
	s6 =	rddreg [dreg:$0x2];
	[sflag:s30] =	ssyncset.done $0x0  }
.Ltmp0:
0xa0: {  	[sflag:s30] =	ssyncadd.s32 $0xFFFF4000;
	s4 =	sadd.s32 s0, s6;
	(pc) =	sbr.rel @p0 .LBB2_2-.Ltmp0, $4  }
0xa1: {  	[hbm4b:s4+s2] =	stream.linear.scatter [tilespmem:s8], [sflag:$0x2], $0xC000, $0x38;
	[tilespmem:$0xC400] =	vst v63  }
0xa2: {  	_ =	swait.ge [sflag:s7], $0xC000  }
0xa3: {  	[sflag:s7] =	ssyncset.done $0x0  }
0xa4: {  	s1 =	sadd.s32 $0x80, s1;
	s0 =	sadd.s32 $0x1800, s0;
	[sflag:s7] =	ssyncadd.s32 $0xFFFF4000  }
0xa5: {  	s31 =	sadd.s32 $0x1, s31;
	s0 =	rddreg [dreg:$0xf]  }
0xa6: {  	p0 =	sne.s32 s31, s0  }
.Ltmp1:
0xa7: {  	_ = 	snop;
	(pc) =	sbr.rel @p0 .LBB2_1-.Ltmp1, $1  }
0xa8: {  	_ =	sdelay $0x3  }
0xa9: {  	_ =	sfence.sel $0x180000  }
0xaa: {  	[bflag:$0x0] =	sbarrier.arrive $0xFFFF  }
0xab: {  	_ =	strace $0x9000004D  }
0xac: {  	s0 =	stileid.u32;
	[bflag:$0x2] =	sbarrier.arrive $0xFFFF  }
0xad: {  	p0 =	sne.s32 s0, $0x0;
	s0 =	rddreg [dreg:$0x1]  }
0xae: {  	s0 =	sadd.s32 @!p0 $0x100000, s0  }
0xaf: {  	[sflag:s0] =	ssyncadd.tile.s32 @!p0 $0x1;
	_ =	shalt  }
.Lfunc_end2:
_tile_overlayer_lowered:
.L_overlay_start_2:
0xb0: {  	(tag) =	ssettag $0x2  }
0xb1: {  	s0 =	rddreg [dreg:$0x0];
	s2 =	stileid.u32  }
0xb2: {  	s1 =	rddreg [dreg:$0x1];
	p0 =	sne.s32 s2, $0x0  }
0xb3: {  	s3 =	rddreg [dreg:$0x2];
	[bflag:$0x3] =	sbarrier.arrive $0xFFFF;
	s2 =	simm.s32 @!p0 $0x1C02  }
0xb4: {  	[timem:s3], [sflag:s2] =	dma.local @!p0 [hbm:s0], s1  }
0xb5: {  	s0 =	simm.s32 @!p0 $0x2  }
0xb6: {  	_ =	swait.ge @!p0 [sflag:s0], s1  }
0xb7: {  	s1 =	ssub.s32 @!p0 $0x0, s1;
	[sflag:s0] =	ssyncset.done @!p0 $0x0  }
0xb8: {  	[sflag:s0] =	ssyncadd.s32 @!p0 s1  }
0xb9: {  	[bflag:$0x3] =	sbarrier.arrive $0xFFFF  }
0xba: {  	_ =	shalt  }

// kernel: kernel.24.cloned.1.call-start
scs
__scs_entry_jumppad:
0x0: {  	(pc) =	sbr.rel $0x88, $3  }
0x1: {  	(tag) =	ssettag $0x0;
	lr =	simm.s32 $0x1  }
0x2: {  	[smem:$0x3F90] =	sst lr;
	_ =	strace $0xD0000000  }
0x3: {  	_ = 	snop  }
0x4: {  	_ = 	snop  }
0x5: {  	_ = 	snop  }
0x6: {  	_ = 	snop  }
0x7: {  	_ = 	snop  }
__scs_overlays_trampoline_lowered:
0x8: {  	[smem:$0x3F9F] =	sst s0  }
0x9: {  	[smem:$0x3FA0] =	sst s1  }
0xa: {  	[smem:$0x3FA1] =	sst s2  }
0xb: {  	[smem:$0x3FA2] =	sst s3  }
0xc: {  	[smem:$0x3FA3] =	sst s4  }
0xd: {  	[smem:$0x3FA4] =	sst s5  }
0xe: {  	[smem:$0x3FA5] =	sst s6  }
0xf: {  	[smem:$0x3FA6] =	sst s7  }
0x10: {  	[smem:$0x3FA7] =	sst s8  }
0x11: {  	[smem:$0x3FA8] =	sst s9;
	s0 =	simm.s32 @!p0 $0x0  }
0x12: {  	s1 =	sld [smem:$0x3F8E];
	s0 =	simm.s32 @p0 $0x1  }
0x13: {  	[smem:$0x3FA9] =	sst s0;
	s0 =	simm.s32 @!p1 $0x0  }
0x14: {  	s2 =	sld [smem:$0x3F8D];
	s0 =	simm.s32 @p1 $0x1  }
0x15: {  	[smem:$0x3FAA] =	sst s0;
	s0 =	simm.s32 @!p2 $0x0  }
0x16: {  	s3 =	sld [smem:$0x3FDB];
	s0 =	simm.s32 @p2 $0x1  }
0x17: {  	s4 =	simm.s32 $0x1BF5;
	[smem:$0x3FAC] =	sst s0  }
0x18: {  	s0 =	sld [smem:$0x3F8F];
	_ =	swait.ge [sflag:s4], $0x0  }
0x19: {  	s7 =	sld [smem:$0x3F90]  }
0x1a: {  	s8 =	sadd.s32 $0xFFFFE003, lr  }
0x1b: {  	s9 =	sadd.s32 $0xFFFFFEF7, lr;
	s5 =	simm.s32 $0xFFFFFFFF;
	p2 =	slt.u32 s8, $0xFFFFF086  }
0x1c: {  	p1 =	slt.u32 s9, $0xF7A;
	s5 =	simm.s32 @!p2 $0x0  }
0x1d: {  	s5 =	simm.s32 @p1 $0x1;
	p0 =	seq.s32 s7, s2  }
0x1e: {  	s7 =	smul.u32 @!p0 $0xF7A, s2;
	p2 =	seq.s32 @!p0 s5, $0x0  }
0x1f: {  	s9 =	smul.u32 $0xF7A, s1;
	s8 =	simm.s32 @!p0 $0x1BF5;
	p2 =	por !p2, p0  }
0x20: {  	[sflag:s8] =	ssyncset.s32 @!p0 $0xFFFFF086;
	s6 =	sadd.s32 @!p0 s3, s7;
	s7 =	simm.s32 @!p0 $0x108  }
0x21: {  	s3 =	sadd.s32 s3, s9;
	s6 =	sadd.s32 @!p0 $0x88, s6;
	s7 =	simm.s32 @p2 $0x1082  }
0x22: {  	[simem:s7], [sflag:s8] =	dma.local @!p0 [hbm:s6], $0xF7A  }
0x23: {  	s9 =	sor.u32 $0xD0000000, s2;
	s6 =	simm.s32 $0x108;
	_ =	swait.ge @!p0 [sflag:s8], $0x0  }
0x24: {  	s3 =	sadd.s32 $0x88, s3;
	s6 =	simm.s32 @!p1 $0x1082;
	[sflag:s4] =	ssyncset.s32 $0xFFFFF086  }
0x25: {  	[simem:s6], [sflag:s4] =	dma.local [hbm:s3], $0xF7A  }
0x26: {  	[smem:$0x3F90] =	sst s1;
	(tag) =	ssettag s2;
	_ =	strace s9  }
0x27: {  	s1 =	sld [smem:$0x3FA0]  }
0x28: {  	s2 =	sld [smem:$0x3FA1]  }
0x29: {  	s4 =	sld [smem:$0x3FA3]  }
0x2a: {  	p0 =	seq.s32 s5, $0x0;
	s5 =	sld [smem:$0x3FA4]  }
0x2b: {  	s6 =	sld [smem:$0x3FA5]  }
0x2c: {  	s7 =	sld [smem:$0x3FA6]  }
0x2d: {  	s3 =	simm.s32 $0x108;
	s8 =	sld [smem:$0x3FA7]  }
0x2e: {  	s3 =	simm.s32 @!p0 $0x1082;
	s9 =	sld [smem:$0x3FA8]  }
0x2f: {  	lr =	sadd.s32 s0, s3;
	s0 =	sld [smem:$0x3F9F]  }
0x30: {  	s3 =	sld [smem:$0x3FA2]  }
0x31: {  	[smem:$0x3FAB] =	sst s10  }
0x32: {  	s10 =	sld [smem:$0x3FA9];
	_ =	sdelay $0x3  }
0x33: {  	p0 =	seq.s32 s10, $0x1;
	s10 =	sld [smem:$0x3FAB];
	_ =	sdelay $0x3  }
0x34: {  	[smem:$0x3FAB] =	sst s10  }
0x35: {  	s10 =	sld [smem:$0x3FAA];
	_ =	sdelay $0x3  }
0x36: {  	p1 =	seq.s32 s10, $0x1;
	s10 =	sld [smem:$0x3FAB];
	_ =	sdelay $0x3  }
0x37: {  	[smem:$0x3FAB] =	sst s10  }
0x38: {  	s10 =	sld [smem:$0x3FAC]  }
0x39: {  	_ = 	snop;
	(pc) =	sbr.ind lr, $3  }
0x3a: {  	_ = 	snop  }
0x3b: {  	_ = 	snop  }
0x3c: {  	p2 =	seq.s32 s10, $0x1;
	s10 =	sld [smem:$0x3FAB]  }
0x3d: {  	_ =	shalt  }
0x3e: {  	_ =	shalt  }
0x3f: {  	_ =	shalt  }
0x40: {  	_ =	shalt  }
0x41: {  	_ =	shalt  }
0x42: {  	_ =	shalt  }
0x43: {  	_ =	shalt  }
0x44: {  	_ =	shalt  }
0x45: {  	_ =	shalt  }
0x46: {  	_ =	shalt  }
0x47: {  	_ =	shalt  }
0x48: {  	_ =	shalt  }
0x49: {  	_ =	shalt  }
0x4a: {  	_ =	shalt  }
0x4b: {  	_ =	shalt  }
0x4c: {  	_ =	shalt  }
0x4d: {  	_ =	shalt  }
0x4e: {  	_ =	shalt  }
0x4f: {  	_ =	shalt  }
0x50: {  	_ =	shalt  }
0x51: {  	_ =	shalt  }
0x52: {  	_ =	shalt  }
0x53: {  	_ =	shalt  }
0x54: {  	_ =	shalt  }
0x55: {  	_ =	shalt  }
0x56: {  	_ =	shalt  }
0x57: {  	_ =	shalt  }
0x58: {  	_ =	shalt  }
0x59: {  	_ =	shalt  }
0x5a: {  	_ =	shalt  }
0x5b: {  	_ =	shalt  }
0x5c: {  	_ =	shalt  }
0x5d: {  	_ =	shalt  }
0x5e: {  	_ =	shalt  }
0x5f: {  	_ =	shalt  }
0x60: {  	_ =	shalt  }
0x61: {  	_ =	shalt  }
0x62: {  	_ =	shalt  }
0x63: {  	_ =	shalt  }
0x64: {  	_ =	shalt  }
0x65: {  	_ =	shalt  }
0x66: {  	_ =	shalt  }
0x67: {  	_ =	shalt  }
0x68: {  	_ =	shalt  }
0x69: {  	_ =	shalt  }
0x6a: {  	_ =	shalt  }
0x6b: {  	_ =	shalt  }
0x6c: {  	_ =	shalt  }
0x6d: {  	_ =	shalt  }
0x6e: {  	_ =	shalt  }
0x6f: {  	_ =	shalt  }
0x70: {  	_ =	shalt  }
0x71: {  	_ =	shalt  }
0x72: {  	_ =	shalt  }
0x73: {  	_ =	shalt  }
0x74: {  	_ =	shalt  }
0x75: {  	_ =	shalt  }
0x76: {  	_ =	shalt  }
0x77: {  	_ =	shalt  }
0x78: {  	_ =	shalt  }
0x79: {  	_ =	shalt  }
0x7a: {  	_ =	shalt  }
0x7b: {  	_ =	shalt  }
0x7c: {  	_ =	shalt  }
0x7d: {  	_ =	shalt  }
0x7e: {  	_ =	shalt  }
0x7f: {  	_ =	shalt  }
0x80: {  	_ =	shalt  }
0x81: {  	_ =	shalt  }
0x82: {  	_ =	shalt  }
0x83: {  	_ =	shalt  }
0x84: {  	_ =	shalt  }
0x85: {  	_ =	shalt  }
0x86: {  	_ =	shalt  }
0x87: {  	_ =	shalt  }
.Lfunc_end0:
.L_simem_size_0:
called_computation.3_lowered:
.L_overlay_start_0:
0x88: {  	s2 =	sld [smem:$0x3FD9]  }
0x89: {  	s3 =	sld [smem:$0x3FFE];
	_ =	sdelay $0x1  }
0x8a: {  	s1 =	srdreg.scid  }
0x8b: {  	s0 =	sand.u32 $0x1, s1  }
0x8c: {  	s17 =	sshll.u32 s0, $0xA;
	s2 =	sadd.s32 s3, s2  }
0x8d: {  	s2 =	sadd.s32 s2, s17  }
0x8e: {  	[smem:$0x3FB7] =	sst s2  }
0x8f: {  	_ = 	snop  }
0x90: {  	(tm) =	ssettm $0x1  }
0x91: {  	s18 =	sld [smem:$0x3FFB];
	_ =	sdelay $0x3  }
0x92: {  	_ =	strace s18  }
0x93: {  	s2 =	sld [smem:$0x3FFC];
	_ =	sdelay $0x3  }
0x94: {  	_ =	strace s2  }
0x95: {  	s2 =	sld [smem:$0x3FFD];
	_ =	sdelay $0x3  }
0x96: {  	_ =	strace s2  }
0x97: {  	_ =	strace $0x8FFFFFFF  }
0x98: {  	s19 =	sld [smem:$0x3FDB];
	_ =	sdelay $0x1  }
0x99: {  	s20 =	simm.s32 $_scs_section_size  }
0x9a: {  	s4 =	simm.s32 $_size__tile_overlayer_lowered;
	s5 =	simm.s32 $_tile_overlayer_lowered  }
0x9b: {  	s6 =	simm.s32 $0x1BFF;
	s21 =	sshll.u32 s5, $0x1;
	s3 =	sadd.s32 s20, s19  }
0x9c: {  	s22 =	simm.s32 $0x0;
	s4 =	sshll.u32 s4, $0x1;
	s5 =	sadd.s32 s21, s3  }
0x9d: {  	[timem:s22], [sflag:s6] =	dma.local [hbm:s5], s4  }
0x9e: {  	_ =	swait.ge [sflag:s6], s4  }
0x9f: {  	s4 =	ssub.s32 $0x0, s4;
	[sflag:s6] =	ssyncset.done $0x0  }
0xa0: {  	[sflag:s6] =	ssyncadd.s32 s4;
	_ =	sdelay $0x1  }
0xa1: {  	s23 =	simm.s32 $0x1B8B  }
0xa2: {  	_ =	swait.ge [sflag:s23], $0x1  }
0xa3: {  	[sflag:s23] =	ssyncset.done $0x0  }
0xa4: {  	[sflag:s23] =	ssyncadd.s32 $0xFFFFFFFF  }
0xa5: {  	s4 =	sld [smem:$0x0]  }
0xa6: {  	s5 =	sand.u32 $0xFFFFFFFE, s1  }
0xa7: {  	p0 =	sne.s32 s1, s5  }
0xa8: {  	s5 =	sshll.u32 @p0 s5, $0xE  }
0xa9: {  	s5 =	sadd.s32 @p0 $0x11B8D, s5;
	s6 =	sshll.u32 @p0 s4, $0x11  }
0xaa: {  	s5 =	sor.u32 @p0 s6, s5  }
0xab: {  	[sflag:s5] =	ssyncadd.remote.s32 @p0 $0x1;
	_ =	sdelay $0x1  }
0xac: {  	s5 =	simm.s32 @p0 $0x1B8D  }
0xad: {  	_ =	swait.eq @p0 [sflag:s5], $0x1  }
0xae: {  	[sflag:s5] =	ssyncadd.s32 @p0 $0xFFFFFFFF  }
0xaf: {  	s6 =	sshll.u32 @!p0 s1, $0xE  }
0xb0: {  	s6 =	sor.u32 @!p0 $0x4000, s6;
	s5 =	simm.s32 @!p0 $0x1B8D  }
0xb1: {  	s4 =	sshll.u32 @!p0 s4, $0x11;
	s6 =	sadd.s32 @!p0 $0x11B8D, s6;
	_ =	swait.eq @!p0 [sflag:s5], $0x1  }
0xb2: {  	s4 =	sor.u32 @!p0 s4, s6;
	[sflag:s5] =	ssyncadd.s32 @!p0 $0xFFFFFFFF  }
0xb3: {  	s25 =	simm.s32 $0x1B8E;
	s24 =	sld [smem:$0x3FFE];
	[sflag:s4] =	ssyncadd.remote.s32 @!p0 $0x1  }
0xb4: {  	s26 =	simm.s32 $execute0_lowered;
	[smem:$0x3FD2] =	sst s25  }
0xb5: {  	s5 =	sshll.u32 s26, $0x1;
	_ =	strace $0x8000004F;
	[dreg:$0x1] =	wrdreg $0xFFFFFFFF  }
0xb6: {  	s28 =	simm.s32 $_size_execute0_lowered;
	s3 =	sadd.s32 s3, s5;
	[dreg:$0x0] =	wrdreg $0x0  }
0xb7: {  	s5 =	sshll.u32 s28, $0x1;
	[dreg:$0x2] =	wrdreg s3  }
0xb8: {  	[dreg:$0x3] =	wrdreg s5  }
0xb9: {  	[dreg:$0x4] =	wrdreg $0xC0  }
0xba: {  	_ =	task [dreg:s22], $0x5FFFF  }
0xbb: {  	[dreg:$0x1] =	wrdreg $0xFFFFFFFF  }
0xbc: {  	[dreg:$0x0] =	wrdreg $0x60  }
0xbd: {  	[dreg:$0x2] =	wrdreg s24  }
0xbe: {  	[dreg:$0x3] =	wrdreg $0xC  }
0xbf: {  	_ =	task.clear_ibuf [dreg:s22], $0x4FFFF;
	_ =	strace $0x9000004F  }
0xc0: {  	s29 =	simm.s32 $0xC;
	_ =	strace $0x80000051  }
0xc1: {  	_ =	swait.ge [sflag:s29], $0x1  }
0xc2: {  	[sflag:s29] =	ssyncadd.s32 $0xFFFFFFFF  }
0xc3: {  	_ =	strace $0x90000051  }
0xc4: {  	_ =	sfence  }
0xc5: {  	s30 =	sld [smem:$0x0];
	_ =	sdelay $0x2  }
0xc6: {  	s31 =	sshll.u32 s1, $0xD;
	s1 =	sshrl.u32 s1, $0x2  }
0xc7: {  	s4 =	sand.u32 $0x4000, s31;
	s1 =	sadd.s32 s1, s30  }
0xc8: {  	s0 =	sor.u32 s4, s0;
	s1 =	sshll.u32 s1, $0x11  }
0xc9: {  	s0 =	sor.u32 s1, s0  }
0xca: {  	s0 =	sadd.s32 $0x8F2B, s0  }
0xcb: {  	[sflag:s0] =	ssyncadd.remote.s32 $0x1  }
0xcc: {  	_ =	sfence.sel $0xFFFF  }
0xcd: {  	[dreg:$0x0] =	wrdreg $0xFFFFFFFF;
	(pc) =	sbr.abs _section_cstart, $3  }
0xce: {  	[dreg:$0x1] =	wrdreg $0xFFFFFFFF  }
0xcf: {  	_ =	task.clear_ibuf [dreg:s22], $0x2FFFF;
	_ =	strace $0x9FFFFFFF  }
0xd0: {  	(tm) =	ssettm $0x7FFFFFFF  }
0xd1: {  	_ =	shalt  }
tec
execute0_lowered:
.L_overlay_start_1:
0x0: {  	(tag) =	ssettag $0x1  }
0x1: {  	s0 =	srdreg.scid;
	s1 =	stileid.u32  }
0x2: {  	s5 =	rddreg [dreg:$0x0];
	s17 =	simm.s32 $0xC00;
	s4 =	simm.s32 $0x1000  }
0x3: {  	s18 =	simm.s32 $0x1800;
	s19 =	simm.s32 $0x1C00;
	s20 =	simm.s32 $0x2400  }
0x4: {  	s21 =	simm.s32 $0x2800;
	s22 =	simm.s32 $0x3000;
	s0 =	sand.u32 $0x1, s0  }
0x5: {  	s23 =	simm.s32 $0x3400;
	s1 =	sshll.u32 s1, $0xB;
	s2 =	sshll.u32 s0, $0xA  }
0x6: {  	s24 =	simm.s32 $0x3C00;
	s1 =	sor.u32 s2, s1;
	s2 =	simm.s32 $0x0  }
0x7: {  	s25 =	simm.s32 $0x4000;
	s7 =	simm.s32 $0x2;
	[smem:$0x7FF] =	sst s2  }
0x8: {  	s26 =	simm.s32 $0x4800;
	_ =	strace $0x80000050;
	[dreg:$0x3] =	wrdreg s17  }
0x9: {  	s8 =	simm.s32 $0x400;
	s9 =	simm.s32 $0x4C00;
	[dreg:$0x4] =	wrdreg s4  }
0xa: {  	s10 =	simm.s32 $0x5400;
	s11 =	simm.s32 $0x5800;
	[dreg:$0x5] =	wrdreg s18  }
0xb: {  	s12 =	simm.s32 $0x6000;
	s13 =	simm.s32 $0x6400;
	[dreg:$0x6] =	wrdreg s19  }
0xc: {  	s14 =	simm.s32 $0x6C00;
	s15 =	simm.s32 $0x7000;
	[dreg:$0x7] =	wrdreg s20  }
0xd: {  	s16 =	simm.s32 $0x7800;
	s28 =	simm.s32 $0xB800;
	[dreg:$0x8] =	wrdreg s21  }
0xe: {  	s29 =	simm.s32 $0xC000;
	s30 =	simm.s32 $0x1;
	[dreg:$0x9] =	wrdreg s22  }
0xf: {  	s31 =	simm.s32 $0x0;
	s0 =	ssub.s32 $0x2, s0;
	[dreg:$0xa] =	wrdreg s23  }
0x10: {  	s6 =	sshrl.u32 s0, $0x1;
	s1 =	sshrl.u32 s1, $0x3;
	[dreg:$0xb] =	wrdreg s24  }
0x11: {  	s0 =	ssub.s32 s0, s6;
	s3 =	smul.u32 $0x180, s1;
	[dreg:$0xc] =	wrdreg s25  }
0x12: {  	s1 =	sadd.s32 s1, s5;
	s0 =	smax.u32 s0, $0x1;
	[dreg:$0xd] =	wrdreg s26  }
0x13: {  	s17 =	simm.s32 $0x7C00;
	s18 =	simm.s32 $0x8400;
	s19 =	simm.s32 $0x8800  }
0x14: {  	s20 =	simm.s32 $0x9000;
	s21 =	simm.s32 $0x9400;
	s22 =	simm.s32 $0x9C00  }
0x15: {  	s23 =	simm.s32 $0xA000;
	s24 =	simm.s32 $0xA800;
	s25 =	simm.s32 $0xAC00  }
0x16: {  	v2 =	vlaneseq.u32;
	s1 =	sadd.s32 $0x4E6A00, s1;
	[dreg:$0xf] =	wrdreg s0;
	s3 =	sadd.s32 s3, s5  }
0x17: {  	vm0 =	vmmov $0xffff;
	vm1 =	vmmov $0xff;
	v1 =	vshrl.u32 v2, $0x3;
	s26 =	simm.s32 $0xB400;
	[dreg:$0xe] =	wrdreg s1;
	s3 =	sadd.s32 $0x4E7A00, s3  }
0x18: {  	v0 =	vand.u32 $0x7, v2;
	v2 =	vor.u32 $0x8, v2;
	v1 =	vmul.u32 $0x8, v1;
	[dreg:$0x2] =	wrdreg s3;
	s3 =	sadd.s32 $0x4A00, s5;
	s5 =	sadd.s32 $0x4B00, s5  }
.LBB2_1:
0x19: {  	s0 =	rddreg [dreg:$0xe]  }
0x1a: {  	[tilespmem:s2], [sflag:$0x2] =	stream.linear.gather [hbm4b:s0+s2], $0x400, $0x38;
	[tilespmem:$0xC400] =	vst v63  }
0x1b: {  	_ =	swait.ge [sflag:s7], $0x400  }
0x1c: {  	[sflag:s7] =	ssyncset.done $0x0  }
0x1d: {  	s1 =	simm.s32 $0x40;
	s0 =	simm.s32 $0x0;
	[sflag:s7] =	ssyncadd.s32 $0xFFFFFC00  }
.LBB2_2:
0x1e: {  	v3 =	vld [tilespmem:s1+$0xFFFFFFC0];
	_ =	sdelay $0x4  }
0x1f: {  	v4 =	vshrl.u32 v3, $0x3  }
0x20: {  	v4 =	vmul.u32 $0x18, v4  }
0x21: {  	v3 =	vand.u32 $0x7, v3  }
0x22: {  	v3 =	vor.u32 v3, v4  }
0x23: {  	v4 =	vperm.xlane v3, v0;
	_ =	sdelay $0x1  }
0x24: {  	v4 =	vadd.s32 v1, v4;
	_ =	sdelay $0x1  }
0x25: {  	v3 =	vperm.xlane v3, v2;
	_ =	sdelay $0x1  }
0x26: {  	v3 =	vadd.s32 v1, v3  }
0x27: {  	[tilespmem:s8], [sflag:$0x1] =	stream.indirect_vreg.gather [hbm4b:s3+s2], $0x80, v4, vm0, $0xb8;
	[tilespmem:$0xC400] =	vst v63  }
0x28: {  	s4 =	rddreg [dreg:$0x3]  }
0x29: {  	[tilespmem:s4], [sflag:$0x1] =	stream.indirect_vreg.gather [hbm4b:s5+s2], $0x80, v4, vm1, $0xb8;
	[tilespmem:$0xC400] =	vst v63  }
0x2a: {  	s6 =	rddreg [dreg:$0x4]  }
0x2b: {  	[tilespmem:s6], [sflag:$0x1] =	stream.indirect_vreg.gather [hbm4b:s3+s2], $0x80, v3, vm0, $0xb8;
	[tilespmem:$0xC400] =	vst v63  }
0x2c: {  	s4 =	rddreg [dreg:$0x5]  }
0x2d: {  	[tilespmem:s4], [sflag:$0x1] =	stream.indirect_vreg.gather [hbm4b:s5+s2], $0x80, v3, vm1, $0xb8;
	[tilespmem:$0xC400] =	vst v63  }
0x2e: {  	v3 =	vld [tilespmem:s1+$0xFFFFFFD0];
	_ =	sdelay $0x4  }
0x2f: {  	v57 =	vshrl.u32 v3, $0x3  }
0x30: {  	v4 =	vmul.u32 $0x18, v57  }
0x31: {  	v3 =	vand.u32 $0x7, v3  }
0x32: {  	v3 =	vor.u32 v3, v4  }
0x33: {  	v4 =	vperm.xlane v3, v0;
	_ =	sdelay $0x1  }
0x34: {  	v4 =	vadd.s32 v1, v4;
	_ =	sdelay $0x1  }
0x35: {  	v3 =	vperm.xlane v3, v2;
	_ =	sdelay $0x1  }
0x36: {  	s4 =	rddreg [dreg:$0x6];
	v3 =	vadd.s32 v1, v3  }
0x37: {  	[tilespmem:s4], [sflag:$0x1] =	stream.indirect_vreg.gather [hbm4b:s3+s2], $0x80, v4, vm0, $0xb8;
	[tilespmem:$0xC400] =	vst v63  }
0x38: {  	s6 =	rddreg [dreg:$0x7]  }
0x39: {  	[tilespmem:s6], [sflag:$0x1] =	stream.indirect_vreg.gather [hbm4b:s5+s2], $0x80, v4, vm1, $0xb8;
	[tilespmem:$0xC400] =	vst v63  }
0x3a: {  	s4 =	rddreg [dreg:$0x8]  }
0x3b: {  	[tilespmem:s4], [sflag:$0x1] =	stream.indirect_vreg.gather [hbm4b:s3+s2], $0x80, v3, vm0, $0xb8;
	[tilespmem:$0xC400] =	vst v63  }
0x3c: {  	s6 =	rddreg [dreg:$0x9]  }
0x3d: {  	[tilespmem:s6], [sflag:$0x1] =	stream.indirect_vreg.gather [hbm4b:s5+s2], $0x80, v3, vm1, $0xb8;
	[tilespmem:$0xC400] =	vst v63  }
0x3e: {  	v3 =	vld [tilespmem:s1+$0xFFFFFFE0];
	_ =	sdelay $0x4  }
0x3f: {  	v58 =	vshrl.u32 v3, $0x3  }
0x40: {  	v4 =	vmul.u32 $0x18, v58  }
0x41: {  	v3 =	vand.u32 $0x7, v3  }
0x42: {  	v3 =	vor.u32 v3, v4  }
0x43: {  	v4 =	vperm.xlane v3, v0;
	_ =	sdelay $0x1  }
0x44: {  	v4 =	vadd.s32 v1, v4;
	_ =	sdelay $0x1  }
0x45: {  	v3 =	vperm.xlane v3, v2;
	_ =	sdelay $0x1  }
0x46: {  	s4 =	rddreg [dreg:$0xa];
	v3 =	vadd.s32 v1, v3  }
0x47: {  	[tilespmem:s4], [sflag:$0x1] =	stream.indirect_vreg.gather [hbm4b:s3+s2], $0x80, v4, vm0, $0xb8;
	[tilespmem:$0xC400] =	vst v63  }
0x48: {  	s6 =	rddreg [dreg:$0xb]  }
0x49: {  	[tilespmem:s6], [sflag:$0x1] =	stream.indirect_vreg.gather [hbm4b:s5+s2], $0x80, v4, vm1, $0xb8;
	[tilespmem:$0xC400] =	vst v63  }
0x4a: {  	s4 =	rddreg [dreg:$0xc]  }
0x4b: {  	[tilespmem:s4], [sflag:$0x1] =	stream.indirect_vreg.gather [hbm4b:s3+s2], $0x80, v3, vm0, $0xb8;
	[tilespmem:$0xC400] =	vst v63  }
0x4c: {  	s6 =	rddreg [dreg:$0xd]  }
0x4d: {  	[tilespmem:s6], [sflag:$0x1] =	stream.indirect_vreg.gather [hbm4b:s5+s2], $0x80, v3, vm1, $0xb8;
	[tilespmem:$0xC400] =	vst v63  }
0x4e: {  	v3 =	vld [tilespmem:s1+$0xFFFFFFF0];
	_ =	sdelay $0x4  }
0x4f: {  	v59 =	vshrl.u32 v3, $0x3  }
0x50: {  	v4 =	vmul.u32 $0x18, v59  }
0x51: {  	v3 =	vand.u32 $0x7, v3  }
0x52: {  	v3 =	vor.u32 v3, v4  }
0x53: {  	v4 =	vperm.xlane v3, v0;
	_ =	sdelay $0x1  }
0x54: {  	v4 =	vadd.s32 v1, v4;
	_ =	sdelay $0x1  }
0x55: {  	v3 =	vperm.xlane v3, v2;
	_ =	sdelay $0x1  }
0x56: {  	v3 =	vadd.s32 v1, v3  }
0x57: {  	[tilespmem:s9], [sflag:$0x1] =	stream.indirect_vreg.gather [hbm4b:s3+s2], $0x80, v4, vm0, $0xb8;
	[tilespmem:$0xC400] =	vst v63  }
0x58: {  	_ = 	snop  }
0x59: {  	[tilespmem:s10], [sflag:$0x1] =	stream.indirect_vreg.gather [hbm4b:s5+s2], $0x80, v4, vm1, $0xb8;
	[tilespmem:$0xC400] =	vst v63  }
0x5a: {  	_ = 	snop  }
0x5b: {  	[tilespmem:s11], [sflag:$0x1] =	stream.indirect_vreg.gather [hbm4b:s3+s2], $0x80, v3, vm0, $0xb8;
	[tilespmem:$0xC400] =	vst v63  }
0x5c: {  	_ = 	snop  }
0x5d: {  	[tilespmem:s12], [sflag:$0x1] =	stream.indirect_vreg.gather [hbm4b:s5+s2], $0x80, v3, vm1, $0xb8;
	[tilespmem:$0xC400] =	vst v63  }
0x5e: {  	v3 =	vld [tilespmem:s1+$0x0];
	_ =	sdelay $0x4  }
0x5f: {  	v60 =	vshrl.u32 v3, $0x3  }
0x60: {  	v4 =	vmul.u32 $0x18, v60  }
0x61: {  	v3 =	vand.u32 $0x7, v3  }
0x62: {  	v3 =	vor.u32 v3, v4  }
0x63: {  	v4 =	vperm.xlane v3, v0;
	_ =	sdelay $0x1  }
0x64: {  	v4 =	vadd.s32 v1, v4;
	_ =	sdelay $0x1  }
0x65: {  	v3 =	vperm.xlane v3, v2;
	_ =	sdelay $0x1  }
0x66: {  	v3 =	vadd.s32 v1, v3  }
0x67: {  	[tilespmem:s13], [sflag:$0x1] =	stream.indirect_vreg.gather [hbm4b:s3+s2], $0x80, v4, vm0, $0xb8;
	[tilespmem:$0xC400] =	vst v63  }
0x68: {  	_ = 	snop  }
0x69: {  	[tilespmem:s14], [sflag:$0x1] =	stream.indirect_vreg.gather [hbm4b:s5+s2], $0x80, v4, vm1, $0xb8;
	[tilespmem:$0xC400] =	vst v63  }
0x6a: {  	_ = 	snop  }
0x6b: {  	[tilespmem:s15], [sflag:$0x1] =	stream.indirect_vreg.gather [hbm4b:s3+s2], $0x80, v3, vm0, $0xb8;
	[tilespmem:$0xC400] =	vst v63  }
0x6c: {  	_ = 	snop  }
0x6d: {  	[tilespmem:s16], [sflag:$0x1] =	stream.indirect_vreg.gather [hbm4b:s5+s2], $0x80, v3, vm1, $0xb8;
	[tilespmem:$0xC400] =	vst v63  }
0x6e: {  	v3 =	vld [tilespmem:s1+$0x10];
	_ =	sdelay $0x4  }
0x6f: {  	v61 =	vshrl.u32 v3, $0x3  }
0x70: {  	v4 =	vmul.u32 $0x18, v61  }
0x71: {  	v3 =	vand.u32 $0x7, v3  }
0x72: {  	v3 =	vor.u32 v3, v4  }
0x73: {  	v4 =	vperm.xlane v3, v0;
	_ =	sdelay $0x1  }
0x74: {  	v4 =	vadd.s32 v1, v4;
	_ =	sdelay $0x1  }
0x75: {  	v3 =	vperm.xlane v3, v2;
	_ =	sdelay $0x1  }
0x76: {  	v3 =	vadd.s32 v1, v3  }
0x77: {  	[tilespmem:s17], [sflag:$0x1] =	stream.indirect_vreg.gather [hbm4b:s3+s2], $0x80, v4, vm0, $0xb8;
	[tilespmem:$0xC400] =	vst v63  }
0x78: {  	_ = 	snop  }
0x79: {  	[tilespmem:s18], [sflag:$0x1] =	stream.indirect_vreg.gather [hbm4b:s5+s2], $0x80, v4, vm1, $0xb8;
	[tilespmem:$0xC400] =	vst v63  }
0x7a: {  	_ = 	snop  }
0x7b: {  	[tilespmem:s19], [sflag:$0x1] =	stream.indirect_vreg.gather [hbm4b:s3+s2], $0x80, v3, vm0, $0xb8;
	[tilespmem:$0xC400] =	vst v63  }
0x7c: {  	_ = 	snop  }
0x7d: {  	[tilespmem:s20], [sflag:$0x1] =	stream.indirect_vreg.gather [hbm4b:s5+s2], $0x80, v3, vm1, $0xb8;
	[tilespmem:$0xC400] =	vst v63  }
0x7e: {  	v3 =	vld [tilespmem:s1+$0x20];
	_ =	sdelay $0x4  }
0x7f: {  	v62 =	vshrl.u32 v3, $0x3  }
0x80: {  	v4 =	vmul.u32 $0x18, v62  }
0x81: {  	v3 =	vand.u32 $0x7, v3  }
0x82: {  	v3 =	vor.u32 v3, v4  }
0x83: {  	v4 =	vperm.xlane v3, v0;
	_ =	sdelay $0x1  }
0x84: {  	v4 =	vadd.s32 v1, v4;
	_ =	sdelay $0x1  }
0x85: {  	v3 =	vperm.xlane v3, v2;
	_ =	sdelay $0x1  }
0x86: {  	v3 =	vadd.s32 v1, v3  }
0x87: {  	[tilespmem:s21], [sflag:$0x1] =	stream.indirect_vreg.gather [hbm4b:s3+s2], $0x80, v4, vm0, $0xb8;
	[tilespmem:$0xC400] =	vst v63  }
0x88: {  	_ = 	snop  }
0x89: {  	[tilespmem:s22], [sflag:$0x1] =	stream.indirect_vreg.gather [hbm4b:s5+s2], $0x80, v4, vm1, $0xb8;
	[tilespmem:$0xC400] =	vst v63  }
0x8a: {  	_ = 	snop  }
0x8b: {  	[tilespmem:s23], [sflag:$0x1] =	stream.indirect_vreg.gather [hbm4b:s3+s2], $0x80, v3, vm0, $0xb8;
	[tilespmem:$0xC400] =	vst v63  }
0x8c: {  	_ = 	snop  }
0x8d: {  	[tilespmem:s24], [sflag:$0x1] =	stream.indirect_vreg.gather [hbm4b:s5+s2], $0x80, v3, vm1, $0xb8;
	[tilespmem:$0xC400] =	vst v63  }
0x8e: {  	v3 =	vld [tilespmem:s1+$0x30];
	_ =	sdelay $0x4  }
0x8f: {  	v63 =	vshrl.u32 v3, $0x3  }
0x90: {  	v4 =	vmul.u32 $0x18, v63  }
0x91: {  	v3 =	vand.u32 $0x7, v3  }
0x92: {  	v3 =	vor.u32 v3, v4  }
0x93: {  	v4 =	vperm.xlane v3, v0;
	_ =	sdelay $0x1  }
0x94: {  	v4 =	vadd.s32 v1, v4;
	_ =	sdelay $0x1  }
0x95: {  	v3 =	vperm.xlane v3, v2;
	_ =	sdelay $0x1  }
0x96: {  	v3 =	vadd.s32 v1, v3  }
0x97: {  	[tilespmem:s25], [sflag:$0x1] =	stream.indirect_vreg.gather [hbm4b:s3+s2], $0x80, v4, vm0, $0xb8;
	[tilespmem:$0xC400] =	vst v63  }
0x98: {  	_ = 	snop  }
0x99: {  	[tilespmem:s26], [sflag:$0x1] =	stream.indirect_vreg.gather [hbm4b:s5+s2], $0x80, v4, vm1, $0xb8;
	[tilespmem:$0xC400] =	vst v63  }
0x9a: {  	_ = 	snop  }
0x9b: {  	[tilespmem:s28], [sflag:$0x1] =	stream.indirect_vreg.gather [hbm4b:s3+s2], $0x80, v3, vm0, $0xb8;
	[tilespmem:$0xC400] =	vst v63  }
0x9c: {  	_ = 	snop  }
0x9d: {  	[tilespmem:s29], [sflag:$0x1] =	stream.indirect_vreg.gather [hbm4b:s5+s2], $0x80, v3, vm1, $0xb8;
	[tilespmem:$0xC400] =	vst v63  }
0x9e: {  	_ =	swait.ge [sflag:s30], $0xC000  }
0x9f: {  	p0 =	sne.s32 s0, $0xA800;
	s6 =	rddreg [dreg:$0x2];
	[sflag:s30] =	ssyncset.done $0x0  }
.Ltmp0:
0xa0: {  	[sflag:s30] =	ssyncadd.s32 $0xFFFF4000;
	s4 =	sadd.s32 s0, s6;
	(pc) =	sbr.rel @p0 .LBB2_2-.Ltmp0, $4  }
0xa1: {  	[hbm4b:s4+s2] =	stream.linear.scatter [tilespmem:s8], [sflag:$0x2], $0xC000, $0x38;
	[tilespmem:$0xC400] =	vst v63  }
0xa2: {  	_ =	swait.ge [sflag:s7], $0xC000  }
0xa3: {  	[sflag:s7] =	ssyncset.done $0x0  }
0xa4: {  	s1 =	sadd.s32 $0x80, s1;
	s0 =	sadd.s32 $0x1800, s0;
	[sflag:s7] =	ssyncadd.s32 $0xFFFF4000  }
0xa5: {  	s31 =	sadd.s32 $0x1, s31;
	s0 =	rddreg [dreg:$0xf]  }
0xa6: {  	p0 =	sne.s32 s31, s0  }
.Ltmp1:
0xa7: {  	_ = 	snop;
	(pc) =	sbr.rel @p0 .LBB2_1-.Ltmp1, $1  }
0xa8: {  	_ =	sdelay $0x3  }
0xa9: {  	_ =	sfence.sel $0x180000  }
0xaa: {  	[bflag:$0x0] =	sbarrier.arrive $0xFFFF  }
0xab: {  	_ =	strace $0x90000050  }
0xac: {  	s0 =	stileid.u32;
	[bflag:$0x2] =	sbarrier.arrive $0xFFFF  }
0xad: {  	p0 =	sne.s32 s0, $0x0;
	s0 =	rddreg [dreg:$0x1]  }
0xae: {  	s0 =	sadd.s32 @!p0 $0x100000, s0  }
0xaf: {  	[sflag:s0] =	ssyncadd.tile.s32 @!p0 $0x1;
	_ =	shalt  }
.Lfunc_end2:
_tile_overlayer_lowered:
.L_overlay_start_2:
0xb0: {  	(tag) =	ssettag $0x2  }
0xb1: {  	s0 =	rddreg [dreg:$0x0];
	s2 =	stileid.u32  }
0xb2: {  	s1 =	rddreg [dreg:$0x1];
	p0 =	sne.s32 s2, $0x0  }
0xb3: {  	s3 =	rddreg [dreg:$0x2];
	[bflag:$0x3] =	sbarrier.arrive $0xFFFF;
	s2 =	simm.s32 @!p0 $0x1C02  }
0xb4: {  	[timem:s3], [sflag:s2] =	dma.local @!p0 [hbm:s0], s1  }
0xb5: {  	s0 =	simm.s32 @!p0 $0x2  }
0xb6: {  	_ =	swait.ge @!p0 [sflag:s0], s1  }
0xb7: {  	s1 =	ssub.s32 @!p0 $0x0, s1;
	[sflag:s0] =	ssyncset.done @!p0 $0x0  }
0xb8: {  	[sflag:s0] =	ssyncadd.s32 @!p0 s1  }
0xb9: {  	[bflag:$0x3] =	sbarrier.arrive $0xFFFF  }
0xba: {  	_ =	shalt  }

</sc_bundles>
